<compile_context>
chip_gen: v7x
topology: tpu7x:2x2x1
jax: 0.10.2.dev20260603
libtpu: 0.0.44.dev20260713+nightly
codegen_flags: <defaults>
</compile_context>

<pallas_src>
import functools

import jax
import jax.numpy as jnp
from jax import lax
from jax.experimental import pallas as pl
from jax.experimental.pallas import tpu as pltpu
from jax.experimental.pallas import tpu_sc as plsc

N = 10000
E = 160000
D = 256
HD = 128
NSUB = 16
B = 128
ES_SUB = 10240
EPAD = ES_SUB * NSUB
EPADX = EPAD + B
NBATCH = ES_SUB // B
ES32 = EPAD // 32
NBATCH32 = ES32 // B
NPAD = 10112
ZROWS = 632
ZCH = 128
ZSIZES = (128, 128, 128, 128, 120)
EPS = 1e-5
BN = 1000
BE = 2000



def _sc_mesh():
    return plsc.VectorSubcoreMesh(core_axis_name="c", subcore_axis_name="s")


@functools.partial(
    pl.kernel,
    out_type=jax.ShapeDtypeStruct((2, N, HD), jnp.float32),
    mesh=_sc_mesh(),
    scratch_types=[
        pltpu.VMEM((2 * B,), jnp.int32),
        pltpu.VMEM((NBATCH, B), jnp.int32),
        pltpu.VMEM((2 * B * 16,), jnp.float32),
        pltpu.VMEM((B, HD), jnp.float32),
        pltpu.VMEM((B, HD), jnp.float32),
        pltpu.VMEM_SHARED((NPAD, HD), jnp.float32),
        pltpu.SemaphoreType.DMA,
        pltpu.SemaphoreType.DMA,
        pltpu.SemaphoreType.DMA,
        pltpu.SemaphoreType.DMA,
    ],
)
def _sc_agg(hh_flat, srcp, dst3, wp16, out,
            is_pair, dst_all, wv, rows0, rows1, aggsh,
            gs0, gs1, ss0, ss1):
    cid = lax.axis_index("c")
    sid = lax.axis_index("s")
    rows = (rows0, rows1)
    gsem = (gs0, gs1)
    ssem = (ss0, ss1)

    def zrow(r, carry):
        for ch in range(HD // 16):
            rows0[r, pl.ds(ch * 16, 16)] = jnp.zeros((16,), jnp.float32)
        return carry
    lax.fori_loop(0, ZCH, zrow, 0)
    off0 = 0
    for sz in ZSIZES:
        pltpu.sync_copy(rows0.at[pl.ds(0, sz)],
                        aggsh.at[pl.ds(sid * ZROWS + off0, sz)])
        off0 += sz
    pltpu.sync_copy(dst3.at[sid], dst_all)
    plsc.subcore_barrier()

    base = sid * ES_SUB
    roff = cid * N

    def pair(i, carry):
        off = base + i * (2 * B)
        pltpu.sync_copy(srcp.at[pl.ds(off, 2 * B)], is_pair)
        pltpu.sync_copy(wp16.at[pl.ds(off * 16, 2 * B * 16)], wv)
        for ch in range(2 * B // 16):
            is_pair[pl.ds(ch * 16, 16)] = is_pair[pl.ds(ch * 16, 16)] + roff
        for j in range(2):
            pltpu.async_copy(hh_flat.at[is_pair.at[pl.ds(j * B, B)]],
                             rows[j], gsem[j])
        for j in range(2):
            g = i * 2 + j
            pltpu.make_async_copy(hh_flat.at[is_pair.at[pl.ds(j * B, B)]],
                                  rows[j], gsem[j]).wait()

            def edge(e, c2):
                wbc = wv[pl.ds((j * B + e) * 16, 16)]
                for ch in range(HD // 16):
                    rows[j][e, pl.ds(ch * 16, 16)] = (
                        rows[j][e, pl.ds(ch * 16, 16)] * wbc)
                return c2
            lax.fori_loop(0, B, edge, 0)
            pltpu.async_copy(rows[j], aggsh.at[dst_all.at[g]], ssem[j],
                             add=True)
        for j in range(2):
            g = i * 2 + j
            pltpu.make_async_copy(rows[j], aggsh.at[dst_all.at[g]],
                                  ssem[j]).wait()
        return carry
    lax.fori_loop(0, NBATCH // 2, pair, 0)
    plsc.subcore_barrier()

    @pl.when(sid < 10)
    def _():
        pltpu.sync_copy(aggsh.at[pl.ds(sid * 1000, 1000)],
                        out.at[cid, pl.ds(sid * 1000, 1000)])


@functools.partial(
    pl.kernel,
    out_type=jax.ShapeDtypeStruct((2, N, HD), jnp.float32),
    mesh=_sc_mesh(),
    scratch_types=[
        pltpu.VMEM((B,), jnp.int32),
        pltpu.VMEM((B, HD), jnp.float32),
        pltpu.VMEM((ZCH, HD), jnp.float32),
        pltpu.VMEM_SHARED((NPAD, HD), jnp.float32),
    ],
)
def _sc_deg(dstp, out, idx_d, onesb, zbuf, degsh):
    cid = lax.axis_index("c")
    sid = lax.axis_index("s")

    def frow(r, carry):
        for ch in range(HD // 16):
            zbuf[r, pl.ds(ch * 16, 16)] = jnp.zeros((16,), jnp.float32)
            onesb[r, pl.ds(ch * 16, 16)] = jnp.ones((16,), jnp.float32)
        return carry
    lax.fori_loop(0, ZCH, frow, 0)
    off0 = 0
    for sz in ZSIZES:
        pltpu.sync_copy(zbuf.at[pl.ds(0, sz)],
                        degsh.at[pl.ds(sid * ZROWS + off0, sz)])
        off0 += sz
    plsc.subcore_barrier()

    base = (cid * NSUB + sid) * ES32

    def batch(b, carry):
        pltpu.sync_copy(dstp.at[pl.ds(base + b * B, B)], idx_d)
        pltpu.sync_copy(onesb, degsh.at[idx_d], add=True)
        return carry
    lax.fori_loop(0, NBATCH32, batch, 0)
    plsc.subcore_barrier()

    @pl.when(sid < 10)
    def _():
        pltpu.sync_copy(degsh.at[pl.ds(sid * 1000, 1000)],
                        out.at[cid, pl.ds(sid * 1000, 1000)])


@functools.partial(
    pl.kernel,
    out_type=jax.ShapeDtypeStruct((2, EPAD, HD), jnp.float32),
    mesh=_sc_mesh(),
    scratch_types=[
        pltpu.VMEM((NBATCH, B), jnp.int32),
        pltpu.VMEM((NBATCH, B), jnp.int32),
        pltpu.VMEM((B, HD), jnp.float32),
        pltpu.VMEM((B, HD), jnp.float32),
        pltpu.VMEM((B, HD), jnp.float32),
        pltpu.VMEM((B, HD), jnp.float32),
        pltpu.SemaphoreType.DMA,
        pltpu.SemaphoreType.DMA,
        pltpu.SemaphoreType.DMA,
        pltpu.SemaphoreType.DMA,
        pltpu.SemaphoreType.DMA,
        pltpu.SemaphoreType.DMA,
    ],
)
def _sc_edge_gather(a_flat, b_flat, src3, dst3, out,
                    src_all, dst_all, ra0, ra1, rb0, rb1,
                    ga0, ga1, gb0, gb1, os0, os1):
    cid = lax.axis_index("c")
    sid = lax.axis_index("s")
    ra = (ra0, ra1)
    rb = (rb0, rb1)
    gsa = (ga0, ga1)
    gsb = (gb0, gb1)
    osem = (os0, os1)
    base = sid * ES_SUB
    roff = cid * N

    pltpu.sync_copy(src3.at[sid], src_all)
    pltpu.sync_copy(dst3.at[sid], dst_all)

    def adj(r, carry):
        for ch in range(B // 16):
            src_all[r, pl.ds(ch * 16, 16)] = (
                src_all[r, pl.ds(ch * 16, 16)] + roff)
            dst_all[r, pl.ds(ch * 16, 16)] = (
                dst_all[r, pl.ds(ch * 16, 16)] + roff)
        return carry
    lax.fori_loop(0, NBATCH, adj, 0)

    def pair(i, carry):
        for j in range(2):
            g = i * 2 + j
            pltpu.async_copy(a_flat.at[src_all.at[g]], ra[j], gsa[j])
            pltpu.async_copy(b_flat.at[dst_all.at[g]], rb[j], gsb[j])
        for j in range(2):
            g = i * 2 + j
            pltpu.make_async_copy(a_flat.at[src_all.at[g]], ra[j],
                                  gsa[j]).wait()
            pltpu.make_async_copy(b_flat.at[dst_all.at[g]], rb[j],
                                  gsb[j]).wait()

            def edge(e, c2):
                for ch in range(HD // 16):
                    ra[j][e, pl.ds(ch * 16, 16)] = (
                        ra[j][e, pl.ds(ch * 16, 16)]
                        + rb[j][e, pl.ds(ch * 16, 16)])
                return c2
            lax.fori_loop(0, B, edge, 0)
            pltpu.async_copy(ra[j], out.at[cid, pl.ds(base + g * B, B)],
                             osem[j])
        for j in range(2):
            pltpu.make_async_copy(ra[j], out.at[cid, pl.ds(0, B)],
                                  osem[j]).wait()
        return carry
    lax.fori_loop(0, NBATCH // 2, pair, 0)



def _ln_rows(z, g, b):
    mu = jnp.mean(z, axis=-1, keepdims=True)
    zc = z - mu
    var = jnp.mean(zc * zc, axis=-1, keepdims=True)
    return zc * lax.rsqrt(var + EPS) * g + b


def _proj_body(h_ref, w0, c0, g0, b0, w1, c1, g1, b1, out_ref):
    x0 = h_ref[:, :HD]
    x1 = h_ref[:, HD:]
    z0 = jnp.dot(x0, w0[...], preferred_element_type=jnp.float32) + c0[...]
    z0 = jnp.maximum(_ln_rows(z0, g0[...], b0[...]), 0.0)
    z1 = jnp.dot(x1, w1[...], preferred_element_type=jnp.float32) + c1[...]
    z1 = jnp.maximum(_ln_rows(z1, g1[...], b1[...]), 0.0)
    out_ref[0] = z0
    out_ref[1] = z1


def _layer_body(hA, hB, aA, aB, dA, dB, wself, bself, wneigh, g, beta, out_ref):
    hh = jnp.concatenate([hA[0], hB[0]], axis=1)
    deg = dA[0][:, 0:1] + dB[0][:, 0:1]
    recip = 1.0 / jnp.maximum(deg, 1.0)
    mean = jnp.concatenate([aA[0], aB[0]], axis=1) * recip
    rst = (jnp.dot(hh, wself[...], preferred_element_type=jnp.float32)
           + bself[...]
           + jnp.dot(mean, wneigh[...], preferred_element_type=jnp.float32))
    z = _ln_rows(jnp.maximum(rst, 0.0), g[...], beta[...])
    out_ref[0] = z[:, :HD]
    out_ref[1] = z[:, HD:]


def _ab_body(hA, hB, w1a, w1b, a_ref, b_ref):
    hh = jnp.concatenate([hA[0], hB[0]], axis=1)
    a = jnp.dot(hh, w1a[...], preferred_element_type=jnp.float32)
    b = jnp.dot(hh, w1b[...], preferred_element_type=jnp.float32)
    a_ref[0] = a[:, :HD]
    a_ref[1] = a[:, HD:]
    b_ref[0] = b[:, :HD]
    b_ref[1] = b[:, HD:]


def _edge_body(xa, xb, ef, b1, g, beta, w2a, w2b, b2, out_ref):
    x = jnp.concatenate([xa[0], xb[0]], axis=1) + b1[...]
    x = jnp.maximum(_ln_rows(x, g[...], beta[...]), 0.0)
    s = (jnp.dot(x, w2a[...], preferred_element_type=jnp.float32)
         + jnp.dot(ef[...], w2b[...], preferred_element_type=jnp.float32)
         + b2[...])
    out_ref[...] = s


def _const2(shape):
    return pl.BlockSpec(shape, lambda i: tuple(0 for _ in shape))


def _run_proj(h, p):
    return pl.pallas_call(
        _proj_body,
        grid=(N // BN,),
        in_specs=[
            pl.BlockSpec((BN, D), lambda i: (i, 0)),
            _const2((HD, HD)), _const2((1, HD)), _const2((1, HD)), _const2((1, HD)),
            _const2((HD, HD)), _const2((1, HD)), _const2((1, HD)), _const2((1, HD)),
        ],
        out_specs=pl.BlockSpec((2, BN, HD), lambda i: (0, i, 0)),
        out_shape=jax.ShapeDtypeStruct((2, N, HD), jnp.float32),
    )(h,
      p['Wp0'].T, p['cp0'].reshape(1, HD), p['gp0'].reshape(1, HD), p['betap0'].reshape(1, HD),
      p['Wp1'].T, p['cp1'].reshape(1, HD), p['gp1'].reshape(1, HD), p['betap1'].reshape(1, HD))


def _run_layer(hh_s, agg, deg, p, l):
    return pl.pallas_call(
        _layer_body,
        grid=(N // BN,),
        in_specs=[
            pl.BlockSpec((1, BN, HD), lambda i: (0, i, 0)),
            pl.BlockSpec((1, BN, HD), lambda i: (1, i, 0)),
            pl.BlockSpec((1, BN, HD), lambda i: (0, i, 0)),
            pl.BlockSpec((1, BN, HD), lambda i: (1, i, 0)),
            pl.BlockSpec((1, BN, HD), lambda i: (0, i, 0)),
            pl.BlockSpec((1, BN, HD), lambda i: (1, i, 0)),
            _const2((D, D)), _const2((1, D)), _const2((D, D)),
            _const2((1, D)), _const2((1, D)),
        ],
        out_specs=pl.BlockSpec((2, BN, HD), lambda i: (0, i, 0)),
        out_shape=jax.ShapeDtypeStruct((2, N, HD), jnp.float32),
    )(hh_s, hh_s, agg, agg, deg, deg,
      p[f'Wself{l}'].T, p[f'bself{l}'].reshape(1, D), p[f'Wneigh{l}'].T,
      p[f'g{l}'].reshape(1, D), p[f'beta{l}'].reshape(1, D))


def _run_ab(hh_s, p):
    w1 = p['W1']
    return pl.pallas_call(
        _ab_body,
        grid=(N // BN,),
        in_specs=[
            pl.BlockSpec((1, BN, HD), lambda i: (0, i, 0)),
            pl.BlockSpec((1, BN, HD), lambda i: (1, i, 0)),
            _const2((D, D)), _const2((D, D)),
        ],
        out_specs=[
            pl.BlockSpec((2, BN, HD), lambda i: (0, i, 0)),
            pl.BlockSpec((2, BN, HD), lambda i: (0, i, 0)),
        ],
        out_shape=[
            jax.ShapeDtypeStruct((2, N, HD), jnp.float32),
            jax.ShapeDtypeStruct((2, N, HD), jnp.float32),
        ],
    )(hh_s, hh_s, w1[:, :D].T, w1[:, D:].T)


def _run_edge_mlp(xs, edge_feat, p):
    w2 = p['W2']
    return pl.pallas_call(
        _edge_body,
        grid=(E // BE,),
        in_specs=[
            pl.BlockSpec((1, BE, HD), lambda i: (0, i, 0)),
            pl.BlockSpec((1, BE, HD), lambda i: (1, i, 0)),
            pl.BlockSpec((BE, 2), lambda i: (i, 0)),
            _const2((1, D)), _const2((1, D)), _const2((1, D)),
            _const2((D, 5)), _const2((2, 5)), _const2((1, 5)),
        ],
        out_specs=pl.BlockSpec((BE, 5), lambda i: (i, 0)),
        out_shape=jax.ShapeDtypeStruct((E, 5), jnp.float32),
    )(xs, xs, edge_feat,
      p['b1'].reshape(1, D), p['g_pred'].reshape(1, D), p['beta_pred'].reshape(1, D),
      w2[:, :D].T, w2[:, D:].T, p['b2'].reshape(1, 5))



def kernel(h, edge_weight, edge_feat, params, edge_index):
    p = params
    src = edge_index[0]
    dst = edge_index[1]
    pad = EPADX - E
    srcp = jnp.concatenate([src, jnp.zeros((pad,), jnp.int32)])
    dstp = jnp.concatenate([dst, jnp.full((pad,), N, jnp.int32)])
    wp = jnp.concatenate([edge_weight, jnp.zeros((pad,), jnp.float32)])
    wp16 = jnp.broadcast_to(wp[:, None], (EPADX, 16)).reshape(EPADX * 16)
    src3 = srcp[:EPAD].reshape(NSUB, NBATCH, B)
    dst3 = dstp[:EPAD].reshape(NSUB, NBATCH, B)


    hh_s = _run_proj(h, p)
    deg = _sc_deg(dstp)
    for l in range(3):
        agg = _sc_agg(hh_s.reshape(2 * N, HD), srcp, dst3, wp16)
        hh_s = _run_layer(hh_s, agg, deg, p, l)
    a_s, b_s = _run_ab(hh_s, p)
    xs = _sc_edge_gather(a_s.reshape(2 * N, HD), b_s.reshape(2 * N, HD),
                         src3, dst3)
    return _run_edge_mlp(xs, edge_feat, p)
    for l in range(3):
        agg = _sc_agg(hh_s.reshape(2 * N, HD), srcp, dstp, wp)
        hh_s = _run_layer(hh_s, agg, deg, p, l)
    a_s, b_s = _run_ab(hh_s, p)
    xs = _sc_edge_gather(a_s.reshape(2 * N, HD), b_s.reshape(2 * N, HD),
                         srcp, dstp)
    return _run_edge_mlp(xs, edge_feat, p)

# --- scband reference (transcript-rebuilt; emitter-appended) ---
"""Pipeline reference for scband-edge-classifier-12756052869155 (READ-ONLY COPY).

The authoritative reference and input builder live on the scoring server;
editing this copy changes nothing except your own understanding.
"""

import jax, jax.numpy as jnp
import numpy as np

N = 10000
E = 160000
IN_CHUNKS = [128, 128]
OUT_CHUNKS = 128
M_HIDDEN = 256
M_LAYERS = 3
HIDDEN = 256
EDGE_CLASSES = 5


def _ln(x, g, b, eps=1e-5):
    mu = jnp.mean(x, axis=-1, keepdims=True)
    var = jnp.var(x, axis=-1, keepdims=True)
    return (x - mu) / jnp.sqrt(var + eps) * g + b


def setup_inputs(seed: int = 0) -> dict:
    key = jax.random.key(seed)
    ks = jax.random.split(key, 64)
    h = jax.random.normal(ks[0], (N, sum(IN_CHUNKS)), jnp.float32)
    edge_index = jax.random.randint(ks[1], (2, E), 0, N, jnp.int32)
    edge_weight = jax.random.uniform(ks[2], (E,), jnp.float32)
    edge_feat = jax.random.normal(ks[3], (E, 2), jnp.float32)

    def lin(k, din, dout):
        return jax.random.normal(k, (dout, din), jnp.float32) * (1.0 / np.sqrt(din))

    p = {}
    ki = 4
    # InputProjector: per-chunk Linear + LayerNorm
    for i, c in enumerate(IN_CHUNKS):
        p[f'Wp{i}'] = lin(ks[ki], c, OUT_CHUNKS); ki += 1
        p[f'cp{i}'] = jnp.zeros((OUT_CHUNKS,), jnp.float32)
        p[f'gp{i}'] = jnp.ones((OUT_CHUNKS,), jnp.float32)
        p[f'betap{i}'] = jnp.zeros((OUT_CHUNKS,), jnp.float32)
    # SAGEConv layers (mean agg, fc_self w/ bias, fc_neigh w/o bias, relu then LayerNorm)
    for l in range(M_LAYERS):
        p[f'Wself{l}'] = lin(ks[ki], M_HIDDEN, M_HIDDEN); ki += 1
        p[f'bself{l}'] = jnp.zeros((M_HIDDEN,), jnp.float32)
        p[f'Wneigh{l}'] = lin(ks[ki], M_HIDDEN, M_HIDDEN); ki += 1
        p[f'g{l}'] = jnp.ones((M_HIDDEN,), jnp.float32)
        p[f'beta{l}'] = jnp.zeros((M_HIDDEN,), jnp.float32)
    # MLPPredictor
    p['W1'] = lin(ks[ki], 2 * M_HIDDEN, HIDDEN); ki += 1
    p['b1'] = jnp.zeros((HIDDEN,), jnp.float32)
    p['g_pred'] = jnp.ones((HIDDEN,), jnp.float32)
    p['beta_pred'] = jnp.zeros((HIDDEN,), jnp.float32)
    p['W2'] = lin(ks[ki], HIDDEN + 2, EDGE_CLASSES); ki += 1
    p['b2'] = jnp.zeros((EDGE_CLASSES,), jnp.float32)

    return {'h': h, 'edge_weight': edge_weight, 'edge_feat': edge_feat,
            'params': p, 'edge_index': edge_index}


def _forward(h, edge_weight, edge_feat, params, edge_index):
    src = edge_index[0]
    dst = edge_index[1]
    # InputProjector: slice -> Linear -> LayerNorm -> ReLU per chunk, concat
    outs = []
    start = 0
    for i, c in enumerate(IN_CHUNKS):
        xi = h[:, start:start + c]
        start += c
        z = xi @ params[f'Wp{i}'].T + params[f'cp{i}']
        z = _ln(z, params[f'gp{i}'], params[f'betap{i}'])
        outs.append(jax.nn.relu(z))
    hh = jnp.concatenate(outs, axis=1)
    # SAGEConv stack: edge-weighted messages, degree-mean aggregation
    for l in range(M_LAYERS):
        msg = hh[src] * edge_weight[:, None]
        agg = jax.ops.segment_sum(msg, dst, num_segments=N)
        deg = jax.ops.segment_sum(jnp.ones((E,), hh.dtype), dst, num_segments=N)
        mean = jnp.where(deg[:, None] > 0, agg / jnp.maximum(deg, 1.0)[:, None], 0.0)
        rst = hh @ params[f'Wself{l}'].T + params[f'bself{l}'] + mean @ params[f'Wneigh{l}'].T
        rst = jax.nn.relu(rst)
        hh = _ln(rst, params[f'g{l}'], params[f'beta{l}'])
    # MLPPredictor.apply_edges (att=None branch): cat(h_u, h_v) -> W1 -> LN -> relu -> cat polar -> W2
    h_u = hh[src]
    h_v = hh[dst]
    x = jnp.concatenate([h_u, h_v], axis=1) @ params['W1'].T + params['b1']
    x = jax.nn.relu(_ln(x, params['g_pred'], params['beta_pred']))
    x = jnp.concatenate([x, edge_feat], axis=1)
    score = x @ params['W2'].T + params['b2']
    return score  # [E, EDGE_CLASSES], dropout is identity in eval


def reference(h, edge_weight, edge_feat, params, edge_index):
    return _forward(h, edge_weight, edge_feat, params, edge_index)

if __name__ == "__main__":
    import jax
    _d = setup_inputs()
    print(jax.jit(kernel)(*tuple(_d.values())))

</pallas_src>

<mosaic_0001>
#map = affine_map<(d0, d1) -> (0)>
#map1 = affine_map<(d0, d1) -> (0, 0, 0)>
module attributes {stable_mosaic.version = 14 : i64} {
  func.func @_sc_deg(%arg0: i32, %arg1: i32, %arg2: memref<163968xi32, #tpu.memory_space<hbm>>, %arg3: memref<2x10000x128xf32, #tpu.memory_space<hbm>>, %arg4: memref<128xi32, #tpu.memory_space<vmem>>, %arg5: memref<128x128xf32, #tpu.memory_space<vmem>>, %arg6: memref<128x128xf32, #tpu.memory_space<vmem>>, %arg7: memref<10112x128xf32, #tpu.memory_space<vmem_shared>>) attributes {dimension_semantics = [#tpu.dimension_semantics<core_parallel>, #tpu.dimension_semantics<subcore_parallel>], iteration_bounds = array<i64: 2, 16>, scalar_prefetch = 0 : i64, scratch_operands = 4 : i64, tpu.core_type = #tpu.core_type<sc_vector_subcore>, window_params = [{transform_indices = #map}, {transform_indices = #map1}]} {
    %scan3A = arith.constant 0 : i32
    %scan3A_0 = arith.constant 0 : i32
    %scan3A_1 = arith.constant 128 : i32
    %scan3A_2 = arith.addi %scan3A_0, %scan3A_1 : i32
    %scan3A_3 = arith.constant 1 : i32
    scf.for %scan3A_37 = %scan3A_0 to %scan3A_2 step %scan3A_3  : i32 {
      %broadcast_in_dim3A = arith.constant 0.000000e+00 : f32
      %broadcast_in_dim3A_38 = vector.broadcast %broadcast_in_dim3A : f32 to vector<16xf32>
      %swap3A = arith.index_cast %scan3A_37 : i32 to index
      %swap3A_39 = arith.constant 0 : index
      %swap3A_40 = tpu.vector_load %arg6[%swap3A, %swap3A_39] {strides = array<i32>} : memref<128x128xf32, #tpu.memory_space<vmem>>, vector<1x16xf32>,
      %swap3A_41 = vector.shape_cast %swap3A_40 : vector<1x16xf32> to vector<16xf32>
      %swap3A_42 = vector.shape_cast %broadcast_in_dim3A_38 : vector<16xf32> to vector<1x16xf32>
      tpu.vector_store %arg6[%swap3A, %swap3A_39], %swap3A_42 {strides = array<i32>} : memref<128x128xf32, #tpu.memory_space<vmem>>, vector<1x16xf32>,
      %broadcast_in_dim3A_43 = arith.constant 1.000000e+00 : f32
      %broadcast_in_dim3A_44 = vector.broadcast %broadcast_in_dim3A_43 : f32 to vector<16xf32>
      %swap3A_45 = arith.index_cast %scan3A_37 : i32 to index
      %swap3A_46 = arith.constant 0 : index
      %swap3A_47 = tpu.vector_load %arg5[%swap3A_45, %swap3A_46] {strides = array<i32>} : memref<128x128xf32, #tpu.memory_space<vmem>>, vector<1x16xf32>,
      %swap3A_48 = vector.shape_cast %swap3A_47 : vector<1x16xf32> to vector<16xf32>
      %swap3A_49 = vector.shape_cast %broadcast_in_dim3A_44 : vector<16xf32> to vector<1x16xf32>
      tpu.vector_store %arg5[%swap3A_45, %swap3A_46], %swap3A_49 {strides = array<i32>} : memref<128x128xf32, #tpu.memory_space<vmem>>, vector<1x16xf32>,
      %broadcast_in_dim3A_50 = arith.constant 0.000000e+00 : f32
      %broadcast_in_dim3A_51 = vector.broadcast %broadcast_in_dim3A_50 : f32 to vector<16xf32>
      %swap3A_52 = arith.index_cast %scan3A_37 : i32 to index
      %swap3A_53 = arith.constant 16 : index
      %swap3A_54 = tpu.vector_load %arg6[%swap3A_52, %swap3A_53] {strides = array<i32>} : memref<128x128xf32, #tpu.memory_space<vmem>>, vector<1x16xf32>,
      %swap3A_55 = vector.shape_cast %swap3A_54 : vector<1x16xf32> to vector<16xf32>
      %swap3A_56 = vector.shape_cast %broadcast_in_dim3A_51 : vector<16xf32> to vector<1x16xf32>
      tpu.vector_store %arg6[%swap3A_52, %swap3A_53], %swap3A_56 {strides = array<i32>} : memref<128x128xf32, #tpu.memory_space<vmem>>, vector<1x16xf32>,
      %broadcast_in_dim3A_57 = arith.constant 1.000000e+00 : f32
      %broadcast_in_dim3A_58 = vector.broadcast %broadcast_in_dim3A_57 : f32 to vector<16xf32>
      %swap3A_59 = arith.index_cast %scan3A_37 : i32 to index
      %swap3A_60 = arith.constant 16 : index
      %swap3A_61 = tpu.vector_load %arg5[%swap3A_59, %swap3A_60] {strides = array<i32>} : memref<128x128xf32, #tpu.memory_space<vmem>>, vector<1x16xf32>,
      %swap3A_62 = vector.shape_cast %swap3A_61 : vector<1x16xf32> to vector<16xf32>
      %swap3A_63 = vector.shape_cast %broadcast_in_dim3A_58 : vector<16xf32> to vector<1x16xf32>
      tpu.vector_store %arg5[%swap3A_59, %swap3A_60], %swap3A_63 {strides = array<i32>} : memref<128x128xf32, #tpu.memory_space<vmem>>, vector<1x16xf32>,
      %broadcast_in_dim3A_64 = arith.constant 0.000000e+00 : f32
      %broadcast_in_dim3A_65 = vector.broadcast %broadcast_in_dim3A_64 : f32 to vector<16xf32>
      %swap3A_66 = arith.index_cast %scan3A_37 : i32 to index
      %swap3A_67 = arith.constant 32 : index
      %swap3A_68 = tpu.vector_load %arg6[%swap3A_66, %swap3A_67] {strides = array<i32>} : memref<128x128xf32, #tpu.memory_space<vmem>>, vector<1x16xf32>,
      %swap3A_69 = vector.shape_cast %swap3A_68 : vector<1x16xf32> to vector<16xf32>
      %swap3A_70 = vector.shape_cast %broadcast_in_dim3A_65 : vector<16xf32> to vector<1x16xf32>
      tpu.vector_store %arg6[%swap3A_66, %swap3A_67], %swap3A_70 {strides = array<i32>} : memref<128x128xf32, #tpu.memory_space<vmem>>, vector<1x16xf32>,
      %broadcast_in_dim3A_71 = arith.constant 1.000000e+00 : f32
      %broadcast_in_dim3A_72 = vector.broadcast %broadcast_in_dim3A_71 : f32 to vector<16xf32>
      %swap3A_73 = arith.index_cast %scan3A_37 : i32 to index
      %swap3A_74 = arith.constant 32 : index
      %swap3A_75 = tpu.vector_load %arg5[%swap3A_73, %swap3A_74] {strides = array<i32>} : memref<128x128xf32, #tpu.memory_space<vmem>>, vector<1x16xf32>,
      %swap3A_76 = vector.shape_cast %swap3A_75 : vector<1x16xf32> to vector<16xf32>
      %swap3A_77 = vector.shape_cast %broadcast_in_dim3A_72 : vector<16xf32> to vector<1x16xf32>
      tpu.vector_store %arg5[%swap3A_73, %swap3A_74], %swap3A_77 {strides = array<i32>} : memref<128x128xf32, #tpu.memory_space<vmem>>, vector<1x16xf32>,
      %broadcast_in_dim3A_78 = arith.constant 0.000000e+00 : f32
      %broadcast_in_dim3A_79 = vector.broadcast %broadcast_in_dim3A_78 : f32 to vector<16xf32>
      %swap3A_80 = arith.index_cast %scan3A_37 : i32 to index
      %swap3A_81 = arith.constant 48 : index
      %swap3A_82 = tpu.vector_load %arg6[%swap3A_80, %swap3A_81] {strides = array<i32>} : memref<128x128xf32, #tpu.memory_space<vmem>>, vector<1x16xf32>,
      %swap3A_83 = vector.shape_cast %swap3A_82 : vector<1x16xf32> to vector<16xf32>
      %swap3A_84 = vector.shape_cast %broadcast_in_dim3A_79 : vector<16xf32> to vector<1x16xf32>
      tpu.vector_store %arg6[%swap3A_80, %swap3A_81], %swap3A_84 {strides = array<i32>} : memref<128x128xf32, #tpu.memory_space<vmem>>, vector<1x16xf32>,
      %broadcast_in_dim3A_85 = arith.constant 1.000000e+00 : f32
      %broadcast_in_dim3A_86 = vector.broadcast %broadcast_in_dim3A_85 : f32 to vector<16xf32>
      %swap3A_87 = arith.index_cast %scan3A_37 : i32 to index
      %swap3A_88 = arith.constant 48 : index
      %swap3A_89 = tpu.vector_load %arg5[%swap3A_87, %swap3A_88] {strides = array<i32>} : memref<128x128xf32, #tpu.memory_space<vmem>>, vector<1x16xf32>,
      %swap3A_90 = vector.shape_cast %swap3A_89 : vector<1x16xf32> to vector<16xf32>
      %swap3A_91 = vector.shape_cast %broadcast_in_dim3A_86 : vector<16xf32> to vector<1x16xf32>
      tpu.vector_store %arg5[%swap3A_87, %swap3A_88], %swap3A_91 {strides = array<i32>} : memref<128x128xf32, #tpu.memory_space<vmem>>, vector<1x16xf32>,
      %broadcast_in_dim3A_92 = arith.constant 0.000000e+00 : f32
      %broadcast_in_dim3A_93 = vector.broadcast %broadcast_in_dim3A_92 : f32 to vector<16xf32>
      %swap3A_94 = arith.index_cast %scan3A_37 : i32 to index
      %swap3A_95 = arith.constant 64 : index
      %swap3A_96 = tpu.vector_load %arg6[%swap3A_94, %swap3A_95] {strides = array<i32>} : memref<128x128xf32, #tpu.memory_space<vmem>>, vector<1x16xf32>,
      %swap3A_97 = vector.shape_cast %swap3A_96 : vector<1x16xf32> to vector<16xf32>
      %swap3A_98 = vector.shape_cast %broadcast_in_dim3A_93 : vector<16xf32> to vector<1x16xf32>
      tpu.vector_store %arg6[%swap3A_94, %swap3A_95], %swap3A_98 {strides = array<i32>} : memref<128x128xf32, #tpu.memory_space<vmem>>, vector<1x16xf32>,
      %broadcast_in_dim3A_99 = arith.constant 1.000000e+00 : f32
      %broadcast_in_dim3A_100 = vector.broadcast %broadcast_in_dim3A_99 : f32 to vector<16xf32>
      %swap3A_101 = arith.index_cast %scan3A_37 : i32 to index
      %swap3A_102 = arith.constant 64 : index
      %swap3A_103 = tpu.vector_load %arg5[%swap3A_101, %swap3A_102] {strides = array<i32>} : memref<128x128xf32, #tpu.memory_space<vmem>>, vector<1x16xf32>,
      %swap3A_104 = vector.shape_cast %swap3A_103 : vector<1x16xf32> to vector<16xf32>
      %swap3A_105 = vector.shape_cast %broadcast_in_dim3A_100 : vector<16xf32> to vector<1x16xf32>
      tpu.vector_store %arg5[%swap3A_101, %swap3A_102], %swap3A_105 {strides = array<i32>} : memref<128x128xf32, #tpu.memory_space<vmem>>, vector<1x16xf32>,
      %broadcast_in_dim3A_106 = arith.constant 0.000000e+00 : f32
      %broadcast_in_dim3A_107 = vector.broadcast %broadcast_in_dim3A_106 : f32 to vector<16xf32>
      %swap3A_108 = arith.index_cast %scan3A_37 : i32 to index
      %swap3A_109 = arith.constant 80 : index
      %swap3A_110 = tpu.vector_load %arg6[%swap3A_108, %swap3A_109] {strides = array<i32>} : memref<128x128xf32, #tpu.memory_space<vmem>>, vector<1x16xf32>,
      %swap3A_111 = vector.shape_cast %swap3A_110 : vector<1x16xf32> to vector<16xf32>
      %swap3A_112 = vector.shape_cast %broadcast_in_dim3A_107 : vector<16xf32> to vector<1x16xf32>
      tpu.vector_store %arg6[%swap3A_108, %swap3A_109], %swap3A_112 {strides = array<i32>} : memref<128x128xf32, #tpu.memory_space<vmem>>, vector<1x16xf32>,
      %broadcast_in_dim3A_113 = arith.constant 1.000000e+00 : f32
      %broadcast_in_dim3A_114 = vector.broadcast %broadcast_in_dim3A_113 : f32 to vector<16xf32>
      %swap3A_115 = arith.index_cast %scan3A_37 : i32 to index
      %swap3A_116 = arith.constant 80 : index
      %swap3A_117 = tpu.vector_load %arg5[%swap3A_115, %swap3A_116] {strides = array<i32>} : memref<128x128xf32, #tpu.memory_space<vmem>>, vector<1x16xf32>,
      %swap3A_118 = vector.shape_cast %swap3A_117 : vector<1x16xf32> to vector<16xf32>
      %swap3A_119 = vector.shape_cast %broadcast_in_dim3A_114 : vector<16xf32> to vector<1x16xf32>
      tpu.vector_store %arg5[%swap3A_115, %swap3A_116], %swap3A_119 {strides = array<i32>} : memref<128x128xf32, #tpu.memory_space<vmem>>, vector<1x16xf32>,
      %broadcast_in_dim3A_120 = arith.constant 0.000000e+00 : f32
      %broadcast_in_dim3A_121 = vector.broadcast %broadcast_in_dim3A_120 : f32 to vector<16xf32>
      %swap3A_122 = arith.index_cast %scan3A_37 : i32 to index
      %swap3A_123 = arith.constant 96 : index
      %swap3A_124 = tpu.vector_load %arg6[%swap3A_122, %swap3A_123] {strides = array<i32>} : memref<128x128xf32, #tpu.memory_space<vmem>>, vector<1x16xf32>,
      %swap3A_125 = vector.shape_cast %swap3A_124 : vector<1x16xf32> to vector<16xf32>
      %swap3A_126 = vector.shape_cast %broadcast_in_dim3A_121 : vector<16xf32> to vector<1x16xf32>
      tpu.vector_store %arg6[%swap3A_122, %swap3A_123], %swap3A_126 {strides = array<i32>} : memref<128x128xf32, #tpu.memory_space<vmem>>, vector<1x16xf32>,
      %broadcast_in_dim3A_127 = arith.constant 1.000000e+00 : f32
      %broadcast_in_dim3A_128 = vector.broadcast %broadcast_in_dim3A_127 : f32 to vector<16xf32>
      %swap3A_129 = arith.index_cast %scan3A_37 : i32 to index
      %swap3A_130 = arith.constant 96 : index
      %swap3A_131 = tpu.vector_load %arg5[%swap3A_129, %swap3A_130] {strides = array<i32>} : memref<128x128xf32, #tpu.memory_space<vmem>>, vector<1x16xf32>,
      %swap3A_132 = vector.shape_cast %swap3A_131 : vector<1x16xf32> to vector<16xf32>
      %swap3A_133 = vector.shape_cast %broadcast_in_dim3A_128 : vector<16xf32> to vector<1x16xf32>
      tpu.vector_store %arg5[%swap3A_129, %swap3A_130], %swap3A_133 {strides = array<i32>} : memref<128x128xf32, #tpu.memory_space<vmem>>, vector<1x16xf32>,
      %broadcast_in_dim3A_134 = arith.constant 0.000000e+00 : f32
      %broadcast_in_dim3A_135 = vector.broadcast %broadcast_in_dim3A_134 : f32 to vector<16xf32>
      %swap3A_136 = arith.index_cast %scan3A_37 : i32 to index
      %swap3A_137 = arith.constant 112 : index
      %swap3A_138 = tpu.vector_load %arg6[%swap3A_136, %swap3A_137] {strides = array<i32>} : memref<128x128xf32, #tpu.memory_space<vmem>>, vector<1x16xf32>,
      %swap3A_139 = vector.shape_cast %swap3A_138 : vector<1x16xf32> to vector<16xf32>
      %swap3A_140 = vector.shape_cast %broadcast_in_dim3A_135 : vector<16xf32> to vector<1x16xf32>
      tpu.vector_store %arg6[%swap3A_136, %swap3A_137], %swap3A_140 {strides = array<i32>} : memref<128x128xf32, #tpu.memory_space<vmem>>, vector<1x16xf32>,
      %broadcast_in_dim3A_141 = arith.constant 1.000000e+00 : f32
      %broadcast_in_dim3A_142 = vector.broadcast %broadcast_in_dim3A_141 : f32 to vector<16xf32>
      %swap3A_143 = arith.index_cast %scan3A_37 : i32 to index
      %swap3A_144 = arith.constant 112 : index
      %swap3A_145 = tpu.vector_load %arg5[%swap3A_143, %swap3A_144] {strides = array<i32>} : memref<128x128xf32, #tpu.memory_space<vmem>>, vector<1x16xf32>,
      %swap3A_146 = vector.shape_cast %swap3A_145 : vector<1x16xf32> to vector<16xf32>
      %swap3A_147 = vector.shape_cast %broadcast_in_dim3A_142 : vector<16xf32> to vector<1x16xf32>
      tpu.vector_store %arg5[%swap3A_143, %swap3A_144], %swap3A_147 {strides = array<i32>} : memref<128x128xf32, #tpu.memory_space<vmem>>, vector<1x16xf32>,
    }
    %scan3A_4 = arith.constant 128 : i32
    %mul3A = arith.constant 632 : i32
    %mul3A_5 = arith.muli %arg1, %mul3A : i32
    %add3A = arith.constant 0 : i32
    %add3A_6 = arith.addi %mul3A_5, %add3A : i32
    "tpu.region"() ({
      %run_scoped3A = tpu.sem_alloc : memref<!tpu.dma_semaphore, #tpu.memory_space<semaphore_mem>>
      %dma_start3A = arith.constant 0 : i32
      %dma_start3A_37 = arith.constant 0 : i32
      %dma_start3A_38 = tpu.memref_slice %arg6[%dma_start3A, %dma_start3A_37] : memref<128x128xf32, #tpu.memory_space<vmem>> -> memref<128x128xf32, #tpu.memory_space<vmem>>
      %dma_start3A_39 = arith.constant 0 : i32
      %dma_start3A_40 = tpu.memref_slice %arg7[%add3A_6, %dma_start3A_39] : memref<10112x128xf32, #tpu.memory_space<vmem_shared>> -> memref<128x128xf32, #tpu.memory_space<vmem_shared>>
      %dma_start3A_41 = arith.constant 0 : i32
      %dma_start3A_42 = tpu.memref_slice %arg7[%add3A_6, %dma_start3A_41] : memref<10112x128xf32, #tpu.memory_space<vmem_shared>> -> memref<128x128xf32, #tpu.memory_space<vmem_shared>>
      %dma_start3A_43 = arith.constant 0 : i32
      %dma_start3A_44 = arith.constant 0 : i32
      %dma_start3A_45 = tpu.memref_slice %arg6[%dma_start3A_43, %dma_start3A_44] : memref<128x128xf32, #tpu.memory_space<vmem>> -> memref<128x128xf32, #tpu.memory_space<vmem>>
      tpu.enqueue_dma source(%dma_start3A_45 : memref<128x128xf32, #tpu.memory_space<vmem>>) target(%dma_start3A_42 : memref<128x128xf32, #tpu.memory_space<vmem_shared>>) target_semaphore(%run_scoped3A : memref<!tpu.dma_semaphore, #tpu.memory_space<semaphore_mem>>)
      %dma_wait3A = arith.constant 0 : i32
      %dma_wait3A_46 = arith.constant 0 : i32
      %dma_wait3A_47 = tpu.memref_slice %arg6[%dma_wait3A, %dma_wait3A_46] : memref<128x128xf32, #tpu.memory_space<vmem>> -> memref<128x128xf32, #tpu.memory_space<vmem>>
      %dma_wait3A_48 = arith.constant 0 : i32
      %dma_wait3A_49 = tpu.memref_slice %arg7[%add3A_6, %dma_wait3A_48] : memref<10112x128xf32, #tpu.memory_space<vmem_shared>> -> memref<128x128xf32, #tpu.memory_space<vmem_shared>>
      %dma_wait3A_50 = arith.constant 0 : i32
      %dma_wait3A_51 = tpu.memref_slice %arg7[%add3A_6, %dma_wait3A_50] : memref<10112x128xf32, #tpu.memory_space<vmem_shared>> -> memref<128x128xf32, #tpu.memory_space<vmem_shared>>
      %dma_wait3A_52 = arith.constant 0 : i32
      %dma_wait3A_53 = arith.constant 0 : i32
      %dma_wait3A_54 = tpu.memref_slice %arg6[%dma_wait3A_52, %dma_wait3A_53] : memref<128x128xf32, #tpu.memory_space<vmem>> -> memref<128x128xf32, #tpu.memory_space<vmem>>
      tpu.wait_dma2 semaphore(%run_scoped3A : memref<!tpu.dma_semaphore, #tpu.memory_space<semaphore_mem>>) src(%dma_wait3A_54 : memref<128x128xf32, #tpu.memory_space<vmem>>) dst(%dma_wait3A_51 : memref<128x128xf32, #tpu.memory_space<vmem_shared>>)
      tpu.yield
    }) : () -> ()
    %mul3A_7 = arith.constant 632 : i32
    %mul3A_8 = arith.muli %arg1, %mul3A_7 : i32
    %add3A_9 = arith.constant 128 : i32
    %add3A_10 = arith.addi %mul3A_8, %add3A_9 : i32
    "tpu.region"() ({
      %run_scoped3A = tpu.sem_alloc : memref<!tpu.dma_semaphore, #tpu.memory_space<semaphore_mem>>
      %dma_start3A = arith.constant 0 : i32
      %dma_start3A_37 = arith.constant 0 : i32
      %dma_start3A_38 = tpu.memref_slice %arg6[%dma_start3A, %dma_start3A_37] : memref<128x128xf32, #tpu.memory_space<vmem>> -> memref<128x128xf32, #tpu.memory_space<vmem>>
      %dma_start3A_39 = arith.constant 0 : i32
      %dma_start3A_40 = tpu.memref_slice %arg7[%add3A_10, %dma_start3A_39] : memref<10112x128xf32, #tpu.memory_space<vmem_shared>> -> memref<128x128xf32, #tpu.memory_space<vmem_shared>>
      %dma_start3A_41 = arith.constant 0 : i32
      %dma_start3A_42 = tpu.memref_slice %arg7[%add3A_10, %dma_start3A_41] : memref<10112x128xf32, #tpu.memory_space<vmem_shared>> -> memref<128x128xf32, #tpu.memory_space<vmem_shared>>
      %dma_start3A_43 = arith.constant 0 : i32
      %dma_start3A_44 = arith.constant 0 : i32
      %dma_start3A_45 = tpu.memref_slice %arg6[%dma_start3A_43, %dma_start3A_44] : memref<128x128xf32, #tpu.memory_space<vmem>> -> memref<128x128xf32, #tpu.memory_space<vmem>>
      tpu.enqueue_dma source(%dma_start3A_45 : memref<128x128xf32, #tpu.memory_space<vmem>>) target(%dma_start3A_42 : memref<128x128xf32, #tpu.memory_space<vmem_shared>>) target_semaphore(%run_scoped3A : memref<!tpu.dma_semaphore, #tpu.memory_space<semaphore_mem>>)
      %dma_wait3A = arith.constant 0 : i32
      %dma_wait3A_46 = arith.constant 0 : i32
      %dma_wait3A_47 = tpu.memref_slice %arg6[%dma_wait3A, %dma_wait3A_46] : memref<128x128xf32, #tpu.memory_space<vmem>> -> memref<128x128xf32, #tpu.memory_space<vmem>>
      %dma_wait3A_48 = arith.constant 0 : i32
      %dma_wait3A_49 = tpu.memref_slice %arg7[%add3A_10, %dma_wait3A_48] : memref<10112x128xf32, #tpu.memory_space<vmem_shared>> -> memref<128x128xf32, #tpu.memory_space<vmem_shared>>
      %dma_wait3A_50 = arith.constant 0 : i32
      %dma_wait3A_51 = tpu.memref_slice %arg7[%add3A_10, %dma_wait3A_50] : memref<10112x128xf32, #tpu.memory_space<vmem_shared>> -> memref<128x128xf32, #tpu.memory_space<vmem_shared>>
      %dma_wait3A_52 = arith.constant 0 : i32
      %dma_wait3A_53 = arith.constant 0 : i32
      %dma_wait3A_54 = tpu.memref_slice %arg6[%dma_wait3A_52, %dma_wait3A_53] : memref<128x128xf32, #tpu.memory_space<vmem>> -> memref<128x128xf32, #tpu.memory_space<vmem>>
      tpu.wait_dma2 semaphore(%run_scoped3A : memref<!tpu.dma_semaphore, #tpu.memory_space<semaphore_mem>>) src(%dma_wait3A_54 : memref<128x128xf32, #tpu.memory_space<vmem>>) dst(%dma_wait3A_51 : memref<128x128xf32, #tpu.memory_space<vmem_shared>>)
      tpu.yield
    }) : () -> ()
    %mul3A_11 = arith.constant 632 : i32
    %mul3A_12 = arith.muli %arg1, %mul3A_11 : i32
    %add3A_13 = arith.constant 256 : i32
    %add3A_14 = arith.addi %mul3A_12, %add3A_13 : i32
    "tpu.region"() ({
      %run_scoped3A = tpu.sem_alloc : memref<!tpu.dma_semaphore, #tpu.memory_space<semaphore_mem>>
      %dma_start3A = arith.constant 0 : i32
      %dma_start3A_37 = arith.constant 0 : i32
      %dma_start3A_38 = tpu.memref_slice %arg6[%dma_start3A, %dma_start3A_37] : memref<128x128xf32, #tpu.memory_space<vmem>> -> memref<128x128xf32, #tpu.memory_space<vmem>>
      %dma_start3A_39 = arith.constant 0 : i32
      %dma_start3A_40 = tpu.memref_slice %arg7[%add3A_14, %dma_start3A_39] : memref<10112x128xf32, #tpu.memory_space<vmem_shared>> -> memref<128x128xf32, #tpu.memory_space<vmem_shared>>
      %dma_start3A_41 = arith.constant 0 : i32
      %dma_start3A_42 = tpu.memref_slice %arg7[%add3A_14, %dma_start3A_41] : memref<10112x128xf32, #tpu.memory_space<vmem_shared>> -> memref<128x128xf32, #tpu.memory_space<vmem_shared>>
      %dma_start3A_43 = arith.constant 0 : i32
      %dma_start3A_44 = arith.constant 0 : i32
      %dma_start3A_45 = tpu.memref_slice %arg6[%dma_start3A_43, %dma_start3A_44] : memref<128x128xf32, #tpu.memory_space<vmem>> -> memref<128x128xf32, #tpu.memory_space<vmem>>
      tpu.enqueue_dma source(%dma_start3A_45 : memref<128x128xf32, #tpu.memory_space<vmem>>) target(%dma_start3A_42 : memref<128x128xf32, #tpu.memory_space<vmem_shared>>) target_semaphore(%run_scoped3A : memref<!tpu.dma_semaphore, #tpu.memory_space<semaphore_mem>>)
      %dma_wait3A = arith.constant 0 : i32
      %dma_wait3A_46 = arith.constant 0 : i32
      %dma_wait3A_47 = tpu.memref_slice %arg6[%dma_wait3A, %dma_wait3A_46] : memref<128x128xf32, #tpu.memory_space<vmem>> -> memref<128x128xf32, #tpu.memory_space<vmem>>
      %dma_wait3A_48 = arith.constant 0 : i32
      %dma_wait3A_49 = tpu.memref_slice %arg7[%add3A_14, %dma_wait3A_48] : memref<10112x128xf32, #tpu.memory_space<vmem_shared>> -> memref<128x128xf32, #tpu.memory_space<vmem_shared>>
      %dma_wait3A_50 = arith.constant 0 : i32
      %dma_wait3A_51 = tpu.memref_slice %arg7[%add3A_14, %dma_wait3A_50] : memref<10112x128xf32, #tpu.memory_space<vmem_shared>> -> memref<128x128xf32, #tpu.memory_space<vmem_shared>>
      %dma_wait3A_52 = arith.constant 0 : i32
      %dma_wait3A_53 = arith.constant 0 : i32
      %dma_wait3A_54 = tpu.memref_slice %arg6[%dma_wait3A_52, %dma_wait3A_53] : memref<128x128xf32, #tpu.memory_space<vmem>> -> memref<128x128xf32, #tpu.memory_space<vmem>>
      tpu.wait_dma2 semaphore(%run_scoped3A : memref<!tpu.dma_semaphore, #tpu.memory_space<semaphore_mem>>) src(%dma_wait3A_54 : memref<128x128xf32, #tpu.memory_space<vmem>>) dst(%dma_wait3A_51 : memref<128x128xf32, #tpu.memory_space<vmem_shared>>)
      tpu.yield
    }) : () -> ()
    %mul3A_15 = arith.constant 632 : i32
    %mul3A_16 = arith.muli %arg1, %mul3A_15 : i32
    %add3A_17 = arith.constant 384 : i32
    %add3A_18 = arith.addi %mul3A_16, %add3A_17 : i32
    "tpu.region"() ({
      %run_scoped3A = tpu.sem_alloc : memref<!tpu.dma_semaphore, #tpu.memory_space<semaphore_mem>>
      %dma_start3A = arith.constant 0 : i32
      %dma_start3A_37 = arith.constant 0 : i32
      %dma_start3A_38 = tpu.memref_slice %arg6[%dma_start3A, %dma_start3A_37] : memref<128x128xf32, #tpu.memory_space<vmem>> -> memref<128x128xf32, #tpu.memory_space<vmem>>
      %dma_start3A_39 = arith.constant 0 : i32
      %dma_start3A_40 = tpu.memref_slice %arg7[%add3A_18, %dma_start3A_39] : memref<10112x128xf32, #tpu.memory_space<vmem_shared>> -> memref<128x128xf32, #tpu.memory_space<vmem_shared>>
      %dma_start3A_41 = arith.constant 0 : i32
      %dma_start3A_42 = tpu.memref_slice %arg7[%add3A_18, %dma_start3A_41] : memref<10112x128xf32, #tpu.memory_space<vmem_shared>> -> memref<128x128xf32, #tpu.memory_space<vmem_shared>>
      %dma_start3A_43 = arith.constant 0 : i32
      %dma_start3A_44 = arith.constant 0 : i32
      %dma_start3A_45 = tpu.memref_slice %arg6[%dma_start3A_43, %dma_start3A_44] : memref<128x128xf32, #tpu.memory_space<vmem>> -> memref<128x128xf32, #tpu.memory_space<vmem>>
      tpu.enqueue_dma source(%dma_start3A_45 : memref<128x128xf32, #tpu.memory_space<vmem>>) target(%dma_start3A_42 : memref<128x128xf32, #tpu.memory_space<vmem_shared>>) target_semaphore(%run_scoped3A : memref<!tpu.dma_semaphore, #tpu.memory_space<semaphore_mem>>)
      %dma_wait3A = arith.constant 0 : i32
      %dma_wait3A_46 = arith.constant 0 : i32
      %dma_wait3A_47 = tpu.memref_slice %arg6[%dma_wait3A, %dma_wait3A_46] : memref<128x128xf32, #tpu.memory_space<vmem>> -> memref<128x128xf32, #tpu.memory_space<vmem>>
      %dma_wait3A_48 = arith.constant 0 : i32
      %dma_wait3A_49 = tpu.memref_slice %arg7[%add3A_18, %dma_wait3A_48] : memref<10112x128xf32, #tpu.memory_space<vmem_shared>> -> memref<128x128xf32, #tpu.memory_space<vmem_shared>>
      %dma_wait3A_50 = arith.constant 0 : i32
      %dma_wait3A_51 = tpu.memref_slice %arg7[%add3A_18, %dma_wait3A_50] : memref<10112x128xf32, #tpu.memory_space<vmem_shared>> -> memref<128x128xf32, #tpu.memory_space<vmem_shared>>
      %dma_wait3A_52 = arith.constant 0 : i32
      %dma_wait3A_53 = arith.constant 0 : i32
      %dma_wait3A_54 = tpu.memref_slice %arg6[%dma_wait3A_52, %dma_wait3A_53] : memref<128x128xf32, #tpu.memory_space<vmem>> -> memref<128x128xf32, #tpu.memory_space<vmem>>
      tpu.wait_dma2 semaphore(%run_scoped3A : memref<!tpu.dma_semaphore, #tpu.memory_space<semaphore_mem>>) src(%dma_wait3A_54 : memref<128x128xf32, #tpu.memory_space<vmem>>) dst(%dma_wait3A_51 : memref<128x128xf32, #tpu.memory_space<vmem_shared>>)
      tpu.yield
    }) : () -> ()
    %mul3A_19 = arith.constant 632 : i32
    %mul3A_20 = arith.muli %arg1, %mul3A_19 : i32
    %add3A_21 = arith.constant 512 : i32
    %add3A_22 = arith.addi %mul3A_20, %add3A_21 : i32
    "tpu.region"() ({
      %run_scoped3A = tpu.sem_alloc : memref<!tpu.dma_semaphore, #tpu.memory_space<semaphore_mem>>
      %dma_start3A = arith.constant 0 : i32
      %dma_start3A_37 = arith.constant 0 : i32
      %dma_start3A_38 = tpu.memref_slice %arg6[%dma_start3A, %dma_start3A_37] : memref<128x128xf32, #tpu.memory_space<vmem>> -> memref<120x128xf32, #tpu.memory_space<vmem>>
      %dma_start3A_39 = arith.constant 0 : i32
      %dma_start3A_40 = tpu.memref_slice %arg7[%add3A_22, %dma_start3A_39] : memref<10112x128xf32, #tpu.memory_space<vmem_shared>> -> memref<120x128xf32, #tpu.memory_space<vmem_shared>>
      %dma_start3A_41 = arith.constant 0 : i32
      %dma_start3A_42 = tpu.memref_slice %arg7[%add3A_22, %dma_start3A_41] : memref<10112x128xf32, #tpu.memory_space<vmem_shared>> -> memref<120x128xf32, #tpu.memory_space<vmem_shared>>
      %dma_start3A_43 = arith.constant 0 : i32
      %dma_start3A_44 = arith.constant 0 : i32
      %dma_start3A_45 = tpu.memref_slice %arg6[%dma_start3A_43, %dma_start3A_44] : memref<128x128xf32, #tpu.memory_space<vmem>> -> memref<120x128xf32, #tpu.memory_space<vmem>>
      tpu.enqueue_dma source(%dma_start3A_45 : memref<120x128xf32, #tpu.memory_space<vmem>>) target(%dma_start3A_42 : memref<120x128xf32, #tpu.memory_space<vmem_shared>>) target_semaphore(%run_scoped3A : memref<!tpu.dma_semaphore, #tpu.memory_space<semaphore_mem>>)
      %dma_wait3A = arith.constant 0 : i32
      %dma_wait3A_46 = arith.constant 0 : i32
      %dma_wait3A_47 = tpu.memref_slice %arg6[%dma_wait3A, %dma_wait3A_46] : memref<128x128xf32, #tpu.memory_space<vmem>> -> memref<120x128xf32, #tpu.memory_space<vmem>>
      %dma_wait3A_48 = arith.constant 0 : i32
      %dma_wait3A_49 = tpu.memref_slice %arg7[%add3A_22, %dma_wait3A_48] : memref<10112x128xf32, #tpu.memory_space<vmem_shared>> -> memref<120x128xf32, #tpu.memory_space<vmem_shared>>
      %dma_wait3A_50 = arith.constant 0 : i32
      %dma_wait3A_51 = tpu.memref_slice %arg7[%add3A_22, %dma_wait3A_50] : memref<10112x128xf32, #tpu.memory_space<vmem_shared>> -> memref<120x128xf32, #tpu.memory_space<vmem_shared>>
      %dma_wait3A_52 = arith.constant 0 : i32
      %dma_wait3A_53 = arith.constant 0 : i32
      %dma_wait3A_54 = tpu.memref_slice %arg6[%dma_wait3A_52, %dma_wait3A_53] : memref<128x128xf32, #tpu.memory_space<vmem>> -> memref<120x128xf32, #tpu.memory_space<vmem>>
      tpu.wait_dma2 semaphore(%run_scoped3A : memref<!tpu.dma_semaphore, #tpu.memory_space<semaphore_mem>>) src(%dma_wait3A_54 : memref<120x128xf32, #tpu.memory_space<vmem>>) dst(%dma_wait3A_51 : memref<120x128xf32, #tpu.memory_space<vmem_shared>>)
      tpu.yield
    }) : () -> ()
    %barrier3A = arith.constant 0 : index
    tpu.barrier barrier_id(%barrier3A)
    %mul3A_23 = arith.constant 16 : i32
    %mul3A_24 = arith.muli %arg0, %mul3A_23 : i32
    %add3A_25 = arith.addi %mul3A_24, %arg1 : i32
    %mul3A_26 = arith.constant 5120 : i32
    %mul3A_27 = arith.muli %add3A_25, %mul3A_26 : i32
    %scan3A_28 = arith.constant 0 : i32
    %scan3A_29 = arith.constant 0 : i32
    %scan3A_30 = arith.constant 40 : i32
    %scan3A_31 = arith.addi %scan3A_29, %scan3A_30 : i32
    %scan3A_32 = arith.constant 1 : i32
    scf.for %scan3A_37 = %scan3A_29 to %scan3A_31 step %scan3A_32  : i32 {
      %mul3A_38 = arith.constant 128 : i32
      %mul3A_39 = arith.muli %scan3A_37, %mul3A_38 : i32
      %add3A_40 = arith.addi %mul3A_27, %mul3A_39 : i32
      "tpu.region"() ({
        %run_scoped3A = tpu.sem_alloc : memref<!tpu.dma_semaphore, #tpu.memory_space<semaphore_mem>>
        %dma_start3A = tpu.memref_slice %arg2[%add3A_40] : memref<163968xi32, #tpu.memory_space<hbm>> -> memref<128xi32, #tpu.memory_space<hbm>>
        %dma_start3A_41 = tpu.memref_slice %arg2[%add3A_40] : memref<163968xi32, #tpu.memory_space<hbm>> -> memref<128xi32, #tpu.memory_space<hbm>>
        tpu.enqueue_dma source(%dma_start3A_41 : memref<128xi32, #tpu.memory_space<hbm>>) target(%arg4 : memref<128xi32, #tpu.memory_space<vmem>>) target_semaphore(%run_scoped3A : memref<!tpu.dma_semaphore, #tpu.memory_space<semaphore_mem>>)
        %dma_wait3A = tpu.memref_slice %arg2[%add3A_40] : memref<163968xi32, #tpu.memory_space<hbm>> -> memref<128xi32, #tpu.memory_space<hbm>>
        %dma_wait3A_42 = tpu.memref_slice %arg2[%add3A_40] : memref<163968xi32, #tpu.memory_space<hbm>> -> memref<128xi32, #tpu.memory_space<hbm>>
        tpu.wait_dma2 semaphore(%run_scoped3A : memref<!tpu.dma_semaphore, #tpu.memory_space<semaphore_mem>>) src(%dma_wait3A_42 : memref<128xi32, #tpu.memory_space<hbm>>) dst(%arg4 : memref<128xi32, #tpu.memory_space<vmem>>)
        tpu.yield
      }) : () -> ()
      "tpu.region"() ({
        %run_scoped3A = tpu.sem_alloc : memref<!tpu.dma_semaphore, #tpu.memory_space<semaphore_mem>>
        %dma_start3A = arith.constant 0 : i32
        %dma_start3A_41 = arith.constant 0 : i32
        %dma_start3A_42 = tpu.memref_slice %arg7[%dma_start3A, %dma_start3A_41] : memref<10112x128xf32, #tpu.memory_space<vmem_shared>> -> memref<10112x128xf32, #tpu.memory_space<vmem_shared>>
        tpu.enqueue_indirect_dma source(%arg5 : memref<128x128xf32, #tpu.memory_space<vmem>>) target(%dma_start3A_42 : memref<10112x128xf32, #tpu.memory_space<vmem_shared>>) offsets(%arg4 : memref<128xi32, #tpu.memory_space<vmem>>) semaphore(%run_scoped3A : memref<!tpu.dma_semaphore, #tpu.memory_space<semaphore_mem>>) {add = true}
        %dma_wait3A = arith.constant 0 : i32
        %dma_wait3A_43 = arith.constant 0 : i32
        %dma_wait3A_44 = tpu.memref_slice %arg7[%dma_wait3A, %dma_wait3A_43] : memref<10112x128xf32, #tpu.memory_space<vmem_shared>> -> memref<10112x128xf32, #tpu.memory_space<vmem_shared>>
        tpu.wait_indirect_dma semaphore(%run_scoped3A : memref<!tpu.dma_semaphore, #tpu.memory_space<semaphore_mem>>) src(%arg5 : memref<128x128xf32, #tpu.memory_space<vmem>>) dst(%dma_wait3A_44 : memref<10112x128xf32, #tpu.memory_space<vmem_shared>>)
        tpu.yield
      }) : () -> ()
    }
    %scan3A_33 = arith.constant 40 : i32
    %barrier3A_34 = arith.constant 0 : index
    tpu.barrier barrier_id(%barrier3A_34)
    %lt3A = arith.constant 10 : i32
    %lt3A_35 = arith.cmpi slt, %arg1, %lt3A : i32
    %convert_element_type3A = arith.extui %lt3A_35 : i1 to i32
    %cond3A = arith.constant 0 : i32
    %cond3A_36 = arith.cmpi ne, %convert_element_type3A, %cond3A : i32
    scf.if %cond3A_36 {
      %mul3A_37 = arith.constant 1000 : i32
      %mul3A_38 = arith.muli %arg1, %mul3A_37 : i32
      %mul3A_39 = arith.constant 1000 : i32
      %mul3A_40 = arith.muli %arg1, %mul3A_39 : i32
      "tpu.region"() ({
        %run_scoped3A = tpu.sem_alloc : memref<!tpu.dma_semaphore, #tpu.memory_space<semaphore_mem>>
        %dma_start3A = arith.constant 0 : i32
        %dma_start3A_41 = tpu.memref_slice %arg3[%arg0, %mul3A_40, %dma_start3A] : memref<2x10000x128xf32, #tpu.memory_space<hbm>> -> memref<1x1000x128xf32, #tpu.memory_space<hbm>>
        %dma_start3A_42 = tpu.memref_squeeze %dma_start3A_41 : memref<1x1000x128xf32, #tpu.memory_space<hbm>> -> memref<1000x128xf32, #tpu.memory_space<hbm>>
        %dma_start3A_43 = arith.constant 0 : i32
        %dma_start3A_44 = tpu.memref_slice %arg7[%mul3A_38, %dma_start3A_43] : memref<10112x128xf32, #tpu.memory_space<vmem_shared>> -> memref<1000x128xf32, #tpu.memory_space<vmem_shared>>
        tpu.enqueue_dma source(%dma_start3A_44 : memref<1000x128xf32, #tpu.memory_space<vmem_shared>>) target(%dma_start3A_42 : memref<1000x128xf32, #tpu.memory_space<hbm>>) target_semaphore(%run_scoped3A : memref<!tpu.dma_semaphore, #tpu.memory_space<semaphore_mem>>)
        %dma_wait3A = arith.constant 0 : i32
        %dma_wait3A_45 = tpu.memref_slice %arg3[%arg0, %mul3A_40, %dma_wait3A] : memref<2x10000x128xf32, #tpu.memory_space<hbm>> -> memref<1x1000x128xf32, #tpu.memory_space<hbm>>
        %dma_wait3A_46 = tpu.memref_squeeze %dma_wait3A_45 : memref<1x1000x128xf32, #tpu.memory_space<hbm>> -> memref<1000x128xf32, #tpu.memory_space<hbm>>
        %dma_wait3A_47 = arith.constant 0 : i32
        %dma_wait3A_48 = tpu.memref_slice %arg7[%mul3A_38, %dma_wait3A_47] : memref<10112x128xf32, #tpu.memory_space<vmem_shared>> -> memref<1000x128xf32, #tpu.memory_space<vmem_shared>>
        tpu.wait_dma2 semaphore(%run_scoped3A : memref<!tpu.dma_semaphore, #tpu.memory_space<semaphore_mem>>) src(%dma_wait3A_48 : memref<1000x128xf32, #tpu.memory_space<vmem_shared>>) dst(%dma_wait3A_46 : memref<1000x128xf32, #tpu.memory_space<hbm>>)
        tpu.yield
      }) : () -> ()
    } else {
    }
    return
  }
}

#map = affine_map<(d0, d1) -> (0, 0)>
#map1 = affine_map<(d0, d1) -> (0)>
#map2 = affine_map<(d0, d1) -> (0, 0, 0)>
module attributes {stable_mosaic.version = 14 : i64} {
  func.func @_sc_agg(%arg0: i32, %arg1: i32, %arg2: memref<20000x128xf32, #tpu.memory_space<hbm>>, %arg3: memref<163968xi32, #tpu.memory_space<hbm>>, %arg4: memref<16x80x128xi32, #tpu.memory_space<hbm>>, %arg5: memref<2623488xf32, #tpu.memory_space<hbm>>, %arg6: memref<2x10000x128xf32, #tpu.memory_space<hbm>>, %arg7: memref<256xi32, #tpu.memory_space<vmem>>, %arg8: memref<80x128xi32, #tpu.memory_space<vmem>>, %arg9: memref<4096xf32, #tpu.memory_space<vmem>>, %arg10: memref<128x128xf32, #tpu.memory_space<vmem>>, %arg11: memref<128x128xf32, #tpu.memory_space<vmem>>, %arg12: memref<10112x128xf32, #tpu.memory_space<vmem_shared>>, %arg13: memref<!tpu.dma_semaphore, #tpu.memory_space<semaphore_mem>>, %arg14: memref<!tpu.dma_semaphore, #tpu.memory_space<semaphore_mem>>, %arg15: memref<!tpu.dma_semaphore, #tpu.memory_space<semaphore_mem>>, %arg16: memref<!tpu.dma_semaphore, #tpu.memory_space<semaphore_mem>>) attributes {dimension_semantics = [#tpu.dimension_semantics<core_parallel>, #tpu.dimension_semantics<subcore_parallel>], iteration_bounds = array<i64: 2, 16>, scalar_prefetch = 0 : i64, scratch_operands = 10 : i64, tpu.core_type = #tpu.core_type<sc_vector_subcore>, window_params = [{transform_indices = #map}, {transform_indices = #map1}, {transform_indices = #map2}, {transform_indices = #map1}, {transform_indices = #map2}]} {
    %scan3A = arith.constant 0 : i32
    %scan3A_0 = arith.constant 0 : i32
    %scan3A_1 = arith.constant 128 : i32
    %scan3A_2 = arith.addi %scan3A_0, %scan3A_1 : i32
    %scan3A_3 = arith.constant 1 : i32
    scf.for %scan3A_36 = %scan3A_0 to %scan3A_2 step %scan3A_3  : i32 {
      %broadcast_in_dim3A = arith.constant 0.000000e+00 : f32
      %broadcast_in_dim3A_37 = vector.broadcast %broadcast_in_dim3A : f32 to vector<16xf32>
      %swap3A = arith.index_cast %scan3A_36 : i32 to index
      %swap3A_38 = arith.constant 0 : index
      %swap3A_39 = tpu.vector_load %arg10[%swap3A, %swap3A_38] {strides = array<i32>} : memref<128x128xf32, #tpu.memory_space<vmem>>, vector<1x16xf32>,
      %swap3A_40 = vector.shape_cast %swap3A_39 : vector<1x16xf32> to vector<16xf32>
      %swap3A_41 = vector.shape_cast %broadcast_in_dim3A_37 : vector<16xf32> to vector<1x16xf32>
      tpu.vector_store %arg10[%swap3A, %swap3A_38], %swap3A_41 {strides = array<i32>} : memref<128x128xf32, #tpu.memory_space<vmem>>, vector<1x16xf32>,
      %broadcast_in_dim3A_42 = arith.constant 0.000000e+00 : f32
      %broadcast_in_dim3A_43 = vector.broadcast %broadcast_in_dim3A_42 : f32 to vector<16xf32>
      %swap3A_44 = arith.index_cast %scan3A_36 : i32 to index
      %swap3A_45 = arith.constant 16 : index
      %swap3A_46 = tpu.vector_load %arg10[%swap3A_44, %swap3A_45] {strides = array<i32>} : memref<128x128xf32, #tpu.memory_space<vmem>>, vector<1x16xf32>,
      %swap3A_47 = vector.shape_cast %swap3A_46 : vector<1x16xf32> to vector<16xf32>
      %swap3A_48 = vector.shape_cast %broadcast_in_dim3A_43 : vector<16xf32> to vector<1x16xf32>
      tpu.vector_store %arg10[%swap3A_44, %swap3A_45], %swap3A_48 {strides = array<i32>} : memref<128x128xf32, #tpu.memory_space<vmem>>, vector<1x16xf32>,
      %broadcast_in_dim3A_49 = arith.constant 0.000000e+00 : f32
      %broadcast_in_dim3A_50 = vector.broadcast %broadcast_in_dim3A_49 : f32 to vector<16xf32>
      %swap3A_51 = arith.index_cast %scan3A_36 : i32 to index
      %swap3A_52 = arith.constant 32 : index
      %swap3A_53 = tpu.vector_load %arg10[%swap3A_51, %swap3A_52] {strides = array<i32>} : memref<128x128xf32, #tpu.memory_space<vmem>>, vector<1x16xf32>,
      %swap3A_54 = vector.shape_cast %swap3A_53 : vector<1x16xf32> to vector<16xf32>
      %swap3A_55 = vector.shape_cast %broadcast_in_dim3A_50 : vector<16xf32> to vector<1x16xf32>
      tpu.vector_store %arg10[%swap3A_51, %swap3A_52], %swap3A_55 {strides = array<i32>} : memref<128x128xf32, #tpu.memory_space<vmem>>, vector<1x16xf32>,
      %broadcast_in_dim3A_56 = arith.constant 0.000000e+00 : f32
      %broadcast_in_dim3A_57 = vector.broadcast %broadcast_in_dim3A_56 : f32 to vector<16xf32>
      %swap3A_58 = arith.index_cast %scan3A_36 : i32 to index
      %swap3A_59 = arith.constant 48 : index
      %swap3A_60 = tpu.vector_load %arg10[%swap3A_58, %swap3A_59] {strides = array<i32>} : memref<128x128xf32, #tpu.memory_space<vmem>>, vector<1x16xf32>,
      %swap3A_61 = vector.shape_cast %swap3A_60 : vector<1x16xf32> to vector<16xf32>
      %swap3A_62 = vector.shape_cast %broadcast_in_dim3A_57 : vector<16xf32> to vector<1x16xf32>
      tpu.vector_store %arg10[%swap3A_58, %swap3A_59], %swap3A_62 {strides = array<i32>} : memref<128x128xf32, #tpu.memory_space<vmem>>, vector<1x16xf32>,
      %broadcast_in_dim3A_63 = arith.constant 0.000000e+00 : f32
      %broadcast_in_dim3A_64 = vector.broadcast %broadcast_in_dim3A_63 : f32 to vector<16xf32>
      %swap3A_65 = arith.index_cast %scan3A_36 : i32 to index
      %swap3A_66 = arith.constant 64 : index
      %swap3A_67 = tpu.vector_load %arg10[%swap3A_65, %swap3A_66] {strides = array<i32>} : memref<128x128xf32, #tpu.memory_space<vmem>>, vector<1x16xf32>,
      %swap3A_68 = vector.shape_cast %swap3A_67 : vector<1x16xf32> to vector<16xf32>
      %swap3A_69 = vector.shape_cast %broadcast_in_dim3A_64 : vector<16xf32> to vector<1x16xf32>
      tpu.vector_store %arg10[%swap3A_65, %swap3A_66], %swap3A_69 {strides = array<i32>} : memref<128x128xf32, #tpu.memory_space<vmem>>, vector<1x16xf32>,
      %broadcast_in_dim3A_70 = arith.constant 0.000000e+00 : f32
      %broadcast_in_dim3A_71 = vector.broadcast %broadcast_in_dim3A_70 : f32 to vector<16xf32>
      %swap3A_72 = arith.index_cast %scan3A_36 : i32 to index
      %swap3A_73 = arith.constant 80 : index
      %swap3A_74 = tpu.vector_load %arg10[%swap3A_72, %swap3A_73] {strides = array<i32>} : memref<128x128xf32, #tpu.memory_space<vmem>>, vector<1x16xf32>,
      %swap3A_75 = vector.shape_cast %swap3A_74 : vector<1x16xf32> to vector<16xf32>
      %swap3A_76 = vector.shape_cast %broadcast_in_dim3A_71 : vector<16xf32> to vector<1x16xf32>
      tpu.vector_store %arg10[%swap3A_72, %swap3A_73], %swap3A_76 {strides = array<i32>} : memref<128x128xf32, #tpu.memory_space<vmem>>, vector<1x16xf32>,
      %broadcast_in_dim3A_77 = arith.constant 0.000000e+00 : f32
      %broadcast_in_dim3A_78 = vector.broadcast %broadcast_in_dim3A_77 : f32 to vector<16xf32>
      %swap3A_79 = arith.index_cast %scan3A_36 : i32 to index
      %swap3A_80 = arith.constant 96 : index
      %swap3A_81 = tpu.vector_load %arg10[%swap3A_79, %swap3A_80] {strides = array<i32>} : memref<128x128xf32, #tpu.memory_space<vmem>>, vector<1x16xf32>,
      %swap3A_82 = vector.shape_cast %swap3A_81 : vector<1x16xf32> to vector<16xf32>
      %swap3A_83 = vector.shape_cast %broadcast_in_dim3A_78 : vector<16xf32> to vector<1x16xf32>
      tpu.vector_store %arg10[%swap3A_79, %swap3A_80], %swap3A_83 {strides = array<i32>} : memref<128x128xf32, #tpu.memory_space<vmem>>, vector<1x16xf32>,
      %broadcast_in_dim3A_84 = arith.constant 0.000000e+00 : f32
      %broadcast_in_dim3A_85 = vector.broadcast %broadcast_in_dim3A_84 : f32 to vector<16xf32>
      %swap3A_86 = arith.index_cast %scan3A_36 : i32 to index
      %swap3A_87 = arith.constant 112 : index
      %swap3A_88 = tpu.vector_load %arg10[%swap3A_86, %swap3A_87] {strides = array<i32>} : memref<128x128xf32, #tpu.memory_space<vmem>>, vector<1x16xf32>,
      %swap3A_89 = vector.shape_cast %swap3A_88 : vector<1x16xf32> to vector<16xf32>
      %swap3A_90 = vector.shape_cast %broadcast_in_dim3A_85 : vector<16xf32> to vector<1x16xf32>
      tpu.vector_store %arg10[%swap3A_86, %swap3A_87], %swap3A_90 {strides = array<i32>} : memref<128x128xf32, #tpu.memory_space<vmem>>, vector<1x16xf32>,
    }
    %scan3A_4 = arith.constant 128 : i32
    %mul3A = arith.constant 632 : i32
    %mul3A_5 = arith.muli %arg1, %mul3A : i32
    %add3A = arith.constant 0 : i32
    %add3A_6 = arith.addi %mul3A_5, %add3A : i32
    "tpu.region"() ({
      %run_scoped3A = tpu.sem_alloc : memref<!tpu.dma_semaphore, #tpu.memory_space<semaphore_mem>>
      %dma_start3A = arith.constant 0 : i32
      %dma_start3A_36 = arith.constant 0 : i32
      %dma_start3A_37 = tpu.memref_slice %arg10[%dma_start3A, %dma_start3A_36] : memref<128x128xf32, #tpu.memory_space<vmem>> -> memref<128x128xf32, #tpu.memory_space<vmem>>
      %dma_start3A_38 = arith.constant 0 : i32
      %dma_start3A_39 = tpu.memref_slice %arg12[%add3A_6, %dma_start3A_38] : memref<10112x128xf32, #tpu.memory_space<vmem_shared>> -> memref<128x128xf32, #tpu.memory_space<vmem_shared>>
      %dma_start3A_40 = arith.constant 0 : i32
      %dma_start3A_41 = tpu.memref_slice %arg12[%add3A_6, %dma_start3A_40] : memref<10112x128xf32, #tpu.memory_space<vmem_shared>> -> memref<128x128xf32, #tpu.memory_space<vmem_shared>>
      %dma_start3A_42 = arith.constant 0 : i32
      %dma_start3A_43 = arith.constant 0 : i32
      %dma_start3A_44 = tpu.memref_slice %arg10[%dma_start3A_42, %dma_start3A_43] : memref<128x128xf32, #tpu.memory_space<vmem>> -> memref<128x128xf32, #tpu.memory_space<vmem>>
      tpu.enqueue_dma source(%dma_start3A_44 : memref<128x128xf32, #tpu.memory_space<vmem>>) target(%dma_start3A_41 : memref<128x128xf32, #tpu.memory_space<vmem_shared>>) target_semaphore(%run_scoped3A : memref<!tpu.dma_semaphore, #tpu.memory_space<semaphore_mem>>)
      %dma_wait3A = arith.constant 0 : i32
      %dma_wait3A_45 = arith.constant 0 : i32
      %dma_wait3A_46 = tpu.memref_slice %arg10[%dma_wait3A, %dma_wait3A_45] : memref<128x128xf32, #tpu.memory_space<vmem>> -> memref<128x128xf32, #tpu.memory_space<vmem>>
      %dma_wait3A_47 = arith.constant 0 : i32
      %dma_wait3A_48 = tpu.memref_slice %arg12[%add3A_6, %dma_wait3A_47] : memref<10112x128xf32, #tpu.memory_space<vmem_shared>> -> memref<128x128xf32, #tpu.memory_space<vmem_shared>>
      %dma_wait3A_49 = arith.constant 0 : i32
      %dma_wait3A_50 = tpu.memref_slice %arg12[%add3A_6, %dma_wait3A_49] : memref<10112x128xf32, #tpu.memory_space<vmem_shared>> -> memref<128x128xf32, #tpu.memory_space<vmem_shared>>
      %dma_wait3A_51 = arith.constant 0 : i32
      %dma_wait3A_52 = arith.constant 0 : i32
      %dma_wait3A_53 = tpu.memref_slice %arg10[%dma_wait3A_51, %dma_wait3A_52] : memref<128x128xf32, #tpu.memory_space<vmem>> -> memref<128x128xf32, #tpu.memory_space<vmem>>
      tpu.wait_dma2 semaphore(%run_scoped3A : memref<!tpu.dma_semaphore, #tpu.memory_space<semaphore_mem>>) src(%dma_wait3A_53 : memref<128x128xf32, #tpu.memory_space<vmem>>) dst(%dma_wait3A_50 : memref<128x128xf32, #tpu.memory_space<vmem_shared>>)
      tpu.yield
    }) : () -> ()
    %mul3A_7 = arith.constant 632 : i32
    %mul3A_8 = arith.muli %arg1, %mul3A_7 : i32
    %add3A_9 = arith.constant 128 : i32
    %add3A_10 = arith.addi %mul3A_8, %add3A_9 : i32
    "tpu.region"() ({
      %run_scoped3A = tpu.sem_alloc : memref<!tpu.dma_semaphore, #tpu.memory_space<semaphore_mem>>
      %dma_start3A = arith.constant 0 : i32
      %dma_start3A_36 = arith.constant 0 : i32
      %dma_start3A_37 = tpu.memref_slice %arg10[%dma_start3A, %dma_start3A_36] : memref<128x128xf32, #tpu.memory_space<vmem>> -> memref<128x128xf32, #tpu.memory_space<vmem>>
      %dma_start3A_38 = arith.constant 0 : i32
      %dma_start3A_39 = tpu.memref_slice %arg12[%add3A_10, %dma_start3A_38] : memref<10112x128xf32, #tpu.memory_space<vmem_shared>> -> memref<128x128xf32, #tpu.memory_space<vmem_shared>>
      %dma_start3A_40 = arith.constant 0 : i32
      %dma_start3A_41 = tpu.memref_slice %arg12[%add3A_10, %dma_start3A_40] : memref<10112x128xf32, #tpu.memory_space<vmem_shared>> -> memref<128x128xf32, #tpu.memory_space<vmem_shared>>
      %dma_start3A_42 = arith.constant 0 : i32
      %dma_start3A_43 = arith.constant 0 : i32
      %dma_start3A_44 = tpu.memref_slice %arg10[%dma_start3A_42, %dma_start3A_43] : memref<128x128xf32, #tpu.memory_space<vmem>> -> memref<128x128xf32, #tpu.memory_space<vmem>>
      tpu.enqueue_dma source(%dma_start3A_44 : memref<128x128xf32, #tpu.memory_space<vmem>>) target(%dma_start3A_41 : memref<128x128xf32, #tpu.memory_space<vmem_shared>>) target_semaphore(%run_scoped3A : memref<!tpu.dma_semaphore, #tpu.memory_space<semaphore_mem>>)
      %dma_wait3A = arith.constant 0 : i32
      %dma_wait3A_45 = arith.constant 0 : i32
      %dma_wait3A_46 = tpu.memref_slice %arg10[%dma_wait3A, %dma_wait3A_45] : memref<128x128xf32, #tpu.memory_space<vmem>> -> memref<128x128xf32, #tpu.memory_space<vmem>>
      %dma_wait3A_47 = arith.constant 0 : i32
      %dma_wait3A_48 = tpu.memref_slice %arg12[%add3A_10, %dma_wait3A_47] : memref<10112x128xf32, #tpu.memory_space<vmem_shared>> -> memref<128x128xf32, #tpu.memory_space<vmem_shared>>
      %dma_wait3A_49 = arith.constant 0 : i32
      %dma_wait3A_50 = tpu.memref_slice %arg12[%add3A_10, %dma_wait3A_49] : memref<10112x128xf32, #tpu.memory_space<vmem_shared>> -> memref<128x128xf32, #tpu.memory_space<vmem_shared>>
      %dma_wait3A_51 = arith.constant 0 : i32
      %dma_wait3A_52 = arith.constant 0 : i32
      %dma_wait3A_53 = tpu.memref_slice %arg10[%dma_wait3A_51, %dma_wait3A_52] : memref<128x128xf32, #tpu.memory_space<vmem>> -> memref<128x128xf32, #tpu.memory_space<vmem>>
      tpu.wait_dma2 semaphore(%run_scoped3A : memref<!tpu.dma_semaphore, #tpu.memory_space<semaphore_mem>>) src(%dma_wait3A_53 : memref<128x128xf32, #tpu.memory_space<vmem>>) dst(%dma_wait3A_50 : memref<128x128xf32, #tpu.memory_space<vmem_shared>>)
      tpu.yield
    }) : () -> ()
    %mul3A_11 = arith.constant 632 : i32
    %mul3A_12 = arith.muli %arg1, %mul3A_11 : i32
    %add3A_13 = arith.constant 256 : i32
    %add3A_14 = arith.addi %mul3A_12, %add3A_13 : i32
    "tpu.region"() ({
      %run_scoped3A = tpu.sem_alloc : memref<!tpu.dma_semaphore, #tpu.memory_space<semaphore_mem>>
      %dma_start3A = arith.constant 0 : i32
      %dma_start3A_36 = arith.constant 0 : i32
      %dma_start3A_37 = tpu.memref_slice %arg10[%dma_start3A, %dma_start3A_36] : memref<128x128xf32, #tpu.memory_space<vmem>> -> memref<128x128xf32, #tpu.memory_space<vmem>>
      %dma_start3A_38 = arith.constant 0 : i32
      %dma_start3A_39 = tpu.memref_slice %arg12[%add3A_14, %dma_start3A_38] : memref<10112x128xf32, #tpu.memory_space<vmem_shared>> -> memref<128x128xf32, #tpu.memory_space<vmem_shared>>
      %dma_start3A_40 = arith.constant 0 : i32
      %dma_start3A_41 = tpu.memref_slice %arg12[%add3A_14, %dma_start3A_40] : memref<10112x128xf32, #tpu.memory_space<vmem_shared>> -> memref<128x128xf32, #tpu.memory_space<vmem_shared>>
      %dma_start3A_42 = arith.constant 0 : i32
      %dma_start3A_43 = arith.constant 0 : i32
      %dma_start3A_44 = tpu.memref_slice %arg10[%dma_start3A_42, %dma_start3A_43] : memref<128x128xf32, #tpu.memory_space<vmem>> -> memref<128x128xf32, #tpu.memory_space<vmem>>
      tpu.enqueue_dma source(%dma_start3A_44 : memref<128x128xf32, #tpu.memory_space<vmem>>) target(%dma_start3A_41 : memref<128x128xf32, #tpu.memory_space<vmem_shared>>) target_semaphore(%run_scoped3A : memref<!tpu.dma_semaphore, #tpu.memory_space<semaphore_mem>>)
      %dma_wait3A = arith.constant 0 : i32
      %dma_wait3A_45 = arith.constant 0 : i32
      %dma_wait3A_46 = tpu.memref_slice %arg10[%dma_wait3A, %dma_wait3A_45] : memref<128x128xf32, #tpu.memory_space<vmem>> -> memref<128x128xf32, #tpu.memory_space<vmem>>
      %dma_wait3A_47 = arith.constant 0 : i32
      %dma_wait3A_48 = tpu.memref_slice %arg12[%add3A_14, %dma_wait3A_47] : memref<10112x128xf32, #tpu.memory_space<vmem_shared>> -> memref<128x128xf32, #tpu.memory_space<vmem_shared>>
      %dma_wait3A_49 = arith.constant 0 : i32
      %dma_wait3A_50 = tpu.memref_slice %arg12[%add3A_14, %dma_wait3A_49] : memref<10112x128xf32, #tpu.memory_space<vmem_shared>> -> memref<128x128xf32, #tpu.memory_space<vmem_shared>>
      %dma_wait3A_51 = arith.constant 0 : i32
      %dma_wait3A_52 = arith.constant 0 : i32
      %dma_wait3A_53 = tpu.memref_slice %arg10[%dma_wait3A_51, %dma_wait3A_52] : memref<128x128xf32, #tpu.memory_space<vmem>> -> memref<128x128xf32, #tpu.memory_space<vmem>>
      tpu.wait_dma2 semaphore(%run_scoped3A : memref<!tpu.dma_semaphore, #tpu.memory_space<semaphore_mem>>) src(%dma_wait3A_53 : memref<128x128xf32, #tpu.memory_space<vmem>>) dst(%dma_wait3A_50 : memref<128x128xf32, #tpu.memory_space<vmem_shared>>)
      tpu.yield
    }) : () -> ()
    %mul3A_15 = arith.constant 632 : i32
    %mul3A_16 = arith.muli %arg1, %mul3A_15 : i32
    %add3A_17 = arith.constant 384 : i32
    %add3A_18 = arith.addi %mul3A_16, %add3A_17 : i32
    "tpu.region"() ({
      %run_scoped3A = tpu.sem_alloc : memref<!tpu.dma_semaphore, #tpu.memory_space<semaphore_mem>>
      %dma_start3A = arith.constant 0 : i32
      %dma_start3A_36 = arith.constant 0 : i32
      %dma_start3A_37 = tpu.memref_slice %arg10[%dma_start3A, %dma_start3A_36] : memref<128x128xf32, #tpu.memory_space<vmem>> -> memref<128x128xf32, #tpu.memory_space<vmem>>
      %dma_start3A_38 = arith.constant 0 : i32
      %dma_start3A_39 = tpu.memref_slice %arg12[%add3A_18, %dma_start3A_38] : memref<10112x128xf32, #tpu.memory_space<vmem_shared>> -> memref<128x128xf32, #tpu.memory_space<vmem_shared>>
      %dma_start3A_40 = arith.constant 0 : i32
      %dma_start3A_41 = tpu.memref_slice %arg12[%add3A_18, %dma_start3A_40] : memref<10112x128xf32, #tpu.memory_space<vmem_shared>> -> memref<128x128xf32, #tpu.memory_space<vmem_shared>>
      %dma_start3A_42 = arith.constant 0 : i32
      %dma_start3A_43 = arith.constant 0 : i32
      %dma_start3A_44 = tpu.memref_slice %arg10[%dma_start3A_42, %dma_start3A_43] : memref<128x128xf32, #tpu.memory_space<vmem>> -> memref<128x128xf32, #tpu.memory_space<vmem>>
      tpu.enqueue_dma source(%dma_start3A_44 : memref<128x128xf32, #tpu.memory_space<vmem>>) target(%dma_start3A_41 : memref<128x128xf32, #tpu.memory_space<vmem_shared>>) target_semaphore(%run_scoped3A : memref<!tpu.dma_semaphore, #tpu.memory_space<semaphore_mem>>)
      %dma_wait3A = arith.constant 0 : i32
      %dma_wait3A_45 = arith.constant 0 : i32
      %dma_wait3A_46 = tpu.memref_slice %arg10[%dma_wait3A, %dma_wait3A_45] : memref<128x128xf32, #tpu.memory_space<vmem>> -> memref<128x128xf32, #tpu.memory_space<vmem>>
      %dma_wait3A_47 = arith.constant 0 : i32
      %dma_wait3A_48 = tpu.memref_slice %arg12[%add3A_18, %dma_wait3A_47] : memref<10112x128xf32, #tpu.memory_space<vmem_shared>> -> memref<128x128xf32, #tpu.memory_space<vmem_shared>>
      %dma_wait3A_49 = arith.constant 0 : i32
      %dma_wait3A_50 = tpu.memref_slice %arg12[%add3A_18, %dma_wait3A_49] : memref<10112x128xf32, #tpu.memory_space<vmem_shared>> -> memref<128x128xf32, #tpu.memory_space<vmem_shared>>
      %dma_wait3A_51 = arith.constant 0 : i32
      %dma_wait3A_52 = arith.constant 0 : i32
      %dma_wait3A_53 = tpu.memref_slice %arg10[%dma_wait3A_51, %dma_wait3A_52] : memref<128x128xf32, #tpu.memory_space<vmem>> -> memref<128x128xf32, #tpu.memory_space<vmem>>
      tpu.wait_dma2 semaphore(%run_scoped3A : memref<!tpu.dma_semaphore, #tpu.memory_space<semaphore_mem>>) src(%dma_wait3A_53 : memref<128x128xf32, #tpu.memory_space<vmem>>) dst(%dma_wait3A_50 : memref<128x128xf32, #tpu.memory_space<vmem_shared>>)
      tpu.yield
    }) : () -> ()
    %mul3A_19 = arith.constant 632 : i32
    %mul3A_20 = arith.muli %arg1, %mul3A_19 : i32
    %add3A_21 = arith.constant 512 : i32
    %add3A_22 = arith.addi %mul3A_20, %add3A_21 : i32
    "tpu.region"() ({
      %run_scoped3A = tpu.sem_alloc : memref<!tpu.dma_semaphore, #tpu.memory_space<semaphore_mem>>
      %dma_start3A = arith.constant 0 : i32
      %dma_start3A_36 = arith.constant 0 : i32
      %dma_start3A_37 = tpu.memref_slice %arg10[%dma_start3A, %dma_start3A_36] : memref<128x128xf32, #tpu.memory_space<vmem>> -> memref<120x128xf32, #tpu.memory_space<vmem>>
      %dma_start3A_38 = arith.constant 0 : i32
      %dma_start3A_39 = tpu.memref_slice %arg12[%add3A_22, %dma_start3A_38] : memref<10112x128xf32, #tpu.memory_space<vmem_shared>> -> memref<120x128xf32, #tpu.memory_space<vmem_shared>>
      %dma_start3A_40 = arith.constant 0 : i32
      %dma_start3A_41 = tpu.memref_slice %arg12[%add3A_22, %dma_start3A_40] : memref<10112x128xf32, #tpu.memory_space<vmem_shared>> -> memref<120x128xf32, #tpu.memory_space<vmem_shared>>
      %dma_start3A_42 = arith.constant 0 : i32
      %dma_start3A_43 = arith.constant 0 : i32
      %dma_start3A_44 = tpu.memref_slice %arg10[%dma_start3A_42, %dma_start3A_43] : memref<128x128xf32, #tpu.memory_space<vmem>> -> memref<120x128xf32, #tpu.memory_space<vmem>>
      tpu.enqueue_dma source(%dma_start3A_44 : memref<120x128xf32, #tpu.memory_space<vmem>>) target(%dma_start3A_41 : memref<120x128xf32, #tpu.memory_space<vmem_shared>>) target_semaphore(%run_scoped3A : memref<!tpu.dma_semaphore, #tpu.memory_space<semaphore_mem>>)
      %dma_wait3A = arith.constant 0 : i32
      %dma_wait3A_45 = arith.constant 0 : i32
      %dma_wait3A_46 = tpu.memref_slice %arg10[%dma_wait3A, %dma_wait3A_45] : memref<128x128xf32, #tpu.memory_space<vmem>> -> memref<120x128xf32, #tpu.memory_space<vmem>>
      %dma_wait3A_47 = arith.constant 0 : i32
      %dma_wait3A_48 = tpu.memref_slice %arg12[%add3A_22, %dma_wait3A_47] : memref<10112x128xf32, #tpu.memory_space<vmem_shared>> -> memref<120x128xf32, #tpu.memory_space<vmem_shared>>
      %dma_wait3A_49 = arith.constant 0 : i32
      %dma_wait3A_50 = tpu.memref_slice %arg12[%add3A_22, %dma_wait3A_49] : memref<10112x128xf32, #tpu.memory_space<vmem_shared>> -> memref<120x128xf32, #tpu.memory_space<vmem_shared>>
      %dma_wait3A_51 = arith.constant 0 : i32
      %dma_wait3A_52 = arith.constant 0 : i32
      %dma_wait3A_53 = tpu.memref_slice %arg10[%dma_wait3A_51, %dma_wait3A_52] : memref<128x128xf32, #tpu.memory_space<vmem>> -> memref<120x128xf32, #tpu.memory_space<vmem>>
      tpu.wait_dma2 semaphore(%run_scoped3A : memref<!tpu.dma_semaphore, #tpu.memory_space<semaphore_mem>>) src(%dma_wait3A_53 : memref<120x128xf32, #tpu.memory_space<vmem>>) dst(%dma_wait3A_50 : memref<120x128xf32, #tpu.memory_space<vmem_shared>>)
      tpu.yield
    }) : () -> ()
    "tpu.region"() ({
      %run_scoped3A = tpu.sem_alloc : memref<!tpu.dma_semaphore, #tpu.memory_space<semaphore_mem>>
      %dma_start3A = arith.constant 0 : i32
      %dma_start3A_36 = arith.constant 0 : i32
      %dma_start3A_37 = tpu.memref_slice %arg4[%arg1, %dma_start3A, %dma_start3A_36] : memref<16x80x128xi32, #tpu.memory_space<hbm>> -> memref<1x80x128xi32, #tpu.memory_space<hbm>>
      %dma_start3A_38 = tpu.memref_squeeze %dma_start3A_37 : memref<1x80x128xi32, #tpu.memory_space<hbm>> -> memref<80x128xi32, #tpu.memory_space<hbm>>
      %dma_start3A_39 = arith.constant 0 : i32
      %dma_start3A_40 = arith.constant 0 : i32
      %dma_start3A_41 = tpu.memref_slice %arg4[%arg1, %dma_start3A_39, %dma_start3A_40] : memref<16x80x128xi32, #tpu.memory_space<hbm>> -> memref<1x80x128xi32, #tpu.memory_space<hbm>>
      %dma_start3A_42 = tpu.memref_squeeze %dma_start3A_41 : memref<1x80x128xi32, #tpu.memory_space<hbm>> -> memref<80x128xi32, #tpu.memory_space<hbm>>
      tpu.enqueue_dma source(%dma_start3A_42 : memref<80x128xi32, #tpu.memory_space<hbm>>) target(%arg8 : memref<80x128xi32, #tpu.memory_space<vmem>>) target_semaphore(%run_scoped3A : memref<!tpu.dma_semaphore, #tpu.memory_space<semaphore_mem>>)
      %dma_wait3A = arith.constant 0 : i32
      %dma_wait3A_43 = arith.constant 0 : i32
      %dma_wait3A_44 = tpu.memref_slice %arg4[%arg1, %dma_wait3A, %dma_wait3A_43] : memref<16x80x128xi32, #tpu.memory_space<hbm>> -> memref<1x80x128xi32, #tpu.memory_space<hbm>>
      %dma_wait3A_45 = tpu.memref_squeeze %dma_wait3A_44 : memref<1x80x128xi32, #tpu.memory_space<hbm>> -> memref<80x128xi32, #tpu.memory_space<hbm>>
      %dma_wait3A_46 = arith.constant 0 : i32
      %dma_wait3A_47 = arith.constant 0 : i32
      %dma_wait3A_48 = tpu.memref_slice %arg4[%arg1, %dma_wait3A_46, %dma_wait3A_47] : memref<16x80x128xi32, #tpu.memory_space<hbm>> -> memref<1x80x128xi32, #tpu.memory_space<hbm>>
      %dma_wait3A_49 = tpu.memref_squeeze %dma_wait3A_48 : memref<1x80x128xi32, #tpu.memory_space<hbm>> -> memref<80x128xi32, #tpu.memory_space<hbm>>
      tpu.wait_dma2 semaphore(%run_scoped3A : memref<!tpu.dma_semaphore, #tpu.memory_space<semaphore_mem>>) src(%dma_wait3A_49 : memref<80x128xi32, #tpu.memory_space<hbm>>) dst(%arg8 : memref<80x128xi32, #tpu.memory_space<vmem>>)
      tpu.yield
    }) : () -> ()
    %barrier3A = arith.constant 0 : index
    tpu.barrier barrier_id(%barrier3A)
    %mul3A_23 = arith.constant 10240 : i32
    %mul3A_24 = arith.muli %arg1, %mul3A_23 : i32
    %mul3A_25 = arith.constant 10000 : i32
    %mul3A_26 = arith.muli %arg0, %mul3A_25 : i32
    %scan3A_27 = arith.constant 0 : i32
    %scan3A_28 = arith.constant 0 : i32
    %scan3A_29 = arith.constant 40 : i32
    %scan3A_30 = arith.addi %scan3A_28, %scan3A_29 : i32
    %scan3A_31 = arith.constant 1 : i32
    scf.for %scan3A_36 = %scan3A_28 to %scan3A_30 step %scan3A_31  : i32 {
      %mul3A_37 = arith.constant 256 : i32
      %mul3A_38 = arith.muli %scan3A_36, %mul3A_37 : i32
      %add3A_39 = arith.addi %mul3A_24, %mul3A_38 : i32
      "tpu.region"() ({
        %run_scoped3A = tpu.sem_alloc : memref<!tpu.dma_semaphore, #tpu.memory_space<semaphore_mem>>
        %dma_start3A_254 = tpu.memref_slice %arg3[%add3A_39] : memref<163968xi32, #tpu.memory_space<hbm>> -> memref<256xi32, #tpu.memory_space<hbm>>
        %dma_start3A_255 = tpu.memref_slice %arg3[%add3A_39] : memref<163968xi32, #tpu.memory_space<hbm>> -> memref<256xi32, #tpu.memory_space<hbm>>
        tpu.enqueue_dma source(%dma_start3A_255 : memref<256xi32, #tpu.memory_space<hbm>>) target(%arg7 : memref<256xi32, #tpu.memory_space<vmem>>) target_semaphore(%run_scoped3A : memref<!tpu.dma_semaphore, #tpu.memory_space<semaphore_mem>>)
        %dma_wait3A_256 = tpu.memref_slice %arg3[%add3A_39] : memref<163968xi32, #tpu.memory_space<hbm>> -> memref<256xi32, #tpu.memory_space<hbm>>
        %dma_wait3A_257 = tpu.memref_slice %arg3[%add3A_39] : memref<163968xi32, #tpu.memory_space<hbm>> -> memref<256xi32, #tpu.memory_space<hbm>>
        tpu.wait_dma2 semaphore(%run_scoped3A : memref<!tpu.dma_semaphore, #tpu.memory_space<semaphore_mem>>) src(%dma_wait3A_257 : memref<256xi32, #tpu.memory_space<hbm>>) dst(%arg7 : memref<256xi32, #tpu.memory_space<vmem>>)
        tpu.yield
      }) : () -> ()
      %mul3A_40 = arith.constant 16 : i32
      %mul3A_41 = arith.muli %add3A_39, %mul3A_40 : i32
      "tpu.region"() ({
        %run_scoped3A = tpu.sem_alloc : memref<!tpu.dma_semaphore, #tpu.memory_space<semaphore_mem>>
        %dma_start3A_254 = tpu.memref_slice %arg5[%mul3A_41] : memref<2623488xf32, #tpu.memory_space<hbm>> -> memref<4096xf32, #tpu.memory_space<hbm>>
        %dma_start3A_255 = tpu.memref_slice %arg5[%mul3A_41] : memref<2623488xf32, #tpu.memory_space<hbm>> -> memref<4096xf32, #tpu.memory_space<hbm>>
        tpu.enqueue_dma source(%dma_start3A_255 : memref<4096xf32, #tpu.memory_space<hbm>>) target(%arg9 : memref<4096xf32, #tpu.memory_space<vmem>>) target_semaphore(%run_scoped3A : memref<!tpu.dma_semaphore, #tpu.memory_space<semaphore_mem>>)
        %dma_wait3A_256 = tpu.memref_slice %arg5[%mul3A_41] : memref<2623488xf32, #tpu.memory_space<hbm>> -> memref<4096xf32, #tpu.memory_space<hbm>>
        %dma_wait3A_257 = tpu.memref_slice %arg5[%mul3A_41] : memref<2623488xf32, #tpu.memory_space<hbm>> -> memref<4096xf32, #tpu.memory_space<hbm>>
        tpu.wait_dma2 semaphore(%run_scoped3A : memref<!tpu.dma_semaphore, #tpu.memory_space<semaphore_mem>>) src(%dma_wait3A_257 : memref<4096xf32, #tpu.memory_space<hbm>>) dst(%arg9 : memref<4096xf32, #tpu.memory_space<vmem>>)
        tpu.yield
      }) : () -> ()
      %get3A = arith.constant 0 : index
      %get3A_42 = tpu.vector_load %arg7[%get3A] {strides = array<i32>} : memref<256xi32, #tpu.memory_space<vmem>>, vector<16xi32>,
      %get3A_43 = vector.shape_cast %get3A_42 : vector<16xi32> to vector<16xi32>
      %add3A_44 = vector.broadcast %mul3A_26 : i32 to vector<16xi32>
      %add3A_45 = arith.addi %get3A_43, %add3A_44 : vector<16xi32>
      %swap3A = arith.constant 0 : index
      %swap3A_46 = tpu.vector_load %arg7[%swap3A] {strides = array<i32>} : memref<256xi32, #tpu.memory_space<vmem>>, vector<16xi32>,
      %swap3A_47 = vector.shape_cast %swap3A_46 : vector<16xi32> to vector<16xi32>
      %swap3A_48 = vector.shape_cast %add3A_45 : vector<16xi32> to vector<16xi32>
      tpu.vector_store %arg7[%swap3A], %swap3A_48 {strides = array<i32>} : memref<256xi32, #tpu.memory_space<vmem>>, vector<16xi32>,
      %get3A_49 = arith.constant 16 : index
      %get3A_50 = tpu.vector_load %arg7[%get3A_49] {strides = array<i32>} : memref<256xi32, #tpu.memory_space<vmem>>, vector<16xi32>,
      %get3A_51 = vector.shape_cast %get3A_50 : vector<16xi32> to vector<16xi32>
      %add3A_52 = vector.broadcast %mul3A_26 : i32 to vector<16xi32>
      %add3A_53 = arith.addi %get3A_51, %add3A_52 : vector<16xi32>
      %swap3A_54 = arith.constant 16 : index
      %swap3A_55 = tpu.vector_load %arg7[%swap3A_54] {strides = array<i32>} : memref<256xi32, #tpu.memory_space<vmem>>, vector<16xi32>,
      %swap3A_56 = vector.shape_cast %swap3A_55 : vector<16xi32> to vector<16xi32>
      %swap3A_57 = vector.shape_cast %add3A_53 : vector<16xi32> to vector<16xi32>
      tpu.vector_store %arg7[%swap3A_54], %swap3A_57 {strides = array<i32>} : memref<256xi32, #tpu.memory_space<vmem>>, vector<16xi32>,
      %get3A_58 = arith.constant 32 : index
      %get3A_59 = tpu.vector_load %arg7[%get3A_58] {strides = array<i32>} : memref<256xi32, #tpu.memory_space<vmem>>, vector<16xi32>,
      %get3A_60 = vector.shape_cast %get3A_59 : vector<16xi32> to vector<16xi32>
      %add3A_61 = vector.broadcast %mul3A_26 : i32 to vector<16xi32>
      %add3A_62 = arith.addi %get3A_60, %add3A_61 : vector<16xi32>
      %swap3A_63 = arith.constant 32 : index
      %swap3A_64 = tpu.vector_load %arg7[%swap3A_63] {strides = array<i32>} : memref<256xi32, #tpu.memory_space<vmem>>, vector<16xi32>,
      %swap3A_65 = vector.shape_cast %swap3A_64 : vector<16xi32> to vector<16xi32>
      %swap3A_66 = vector.shape_cast %add3A_62 : vector<16xi32> to vector<16xi32>
      tpu.vector_store %arg7[%swap3A_63], %swap3A_66 {strides = array<i32>} : memref<256xi32, #tpu.memory_space<vmem>>, vector<16xi32>,
      %get3A_67 = arith.constant 48 : index
      %get3A_68 = tpu.vector_load %arg7[%get3A_67] {strides = array<i32>} : memref<256xi32, #tpu.memory_space<vmem>>, vector<16xi32>,
      %get3A_69 = vector.shape_cast %get3A_68 : vector<16xi32> to vector<16xi32>
      %add3A_70 = vector.broadcast %mul3A_26 : i32 to vector<16xi32>
      %add3A_71 = arith.addi %get3A_69, %add3A_70 : vector<16xi32>
      %swap3A_72 = arith.constant 48 : index
      %swap3A_73 = tpu.vector_load %arg7[%swap3A_72] {strides = array<i32>} : memref<256xi32, #tpu.memory_space<vmem>>, vector<16xi32>,
      %swap3A_74 = vector.shape_cast %swap3A_73 : vector<16xi32> to vector<16xi32>
      %swap3A_75 = vector.shape_cast %add3A_71 : vector<16xi32> to vector<16xi32>
      tpu.vector_store %arg7[%swap3A_72], %swap3A_75 {strides = array<i32>} : memref<256xi32, #tpu.memory_space<vmem>>, vector<16xi32>,
      %get3A_76 = arith.constant 64 : index
      %get3A_77 = tpu.vector_load %arg7[%get3A_76] {strides = array<i32>} : memref<256xi32, #tpu.memory_space<vmem>>, vector<16xi32>,
      %get3A_78 = vector.shape_cast %get3A_77 : vector<16xi32> to vector<16xi32>
      %add3A_79 = vector.broadcast %mul3A_26 : i32 to vector<16xi32>
      %add3A_80 = arith.addi %get3A_78, %add3A_79 : vector<16xi32>
      %swap3A_81 = arith.constant 64 : index
      %swap3A_82 = tpu.vector_load %arg7[%swap3A_81] {strides = array<i32>} : memref<256xi32, #tpu.memory_space<vmem>>, vector<16xi32>,
      %swap3A_83 = vector.shape_cast %swap3A_82 : vector<16xi32> to vector<16xi32>
      %swap3A_84 = vector.shape_cast %add3A_80 : vector<16xi32> to vector<16xi32>
      tpu.vector_store %arg7[%swap3A_81], %swap3A_84 {strides = array<i32>} : memref<256xi32, #tpu.memory_space<vmem>>, vector<16xi32>,
      %get3A_85 = arith.constant 80 : index
      %get3A_86 = tpu.vector_load %arg7[%get3A_85] {strides = array<i32>} : memref<256xi32, #tpu.memory_space<vmem>>, vector<16xi32>,
      %get3A_87 = vector.shape_cast %get3A_86 : vector<16xi32> to vector<16xi32>
      %add3A_88 = vector.broadcast %mul3A_26 : i32 to vector<16xi32>
      %add3A_89 = arith.addi %get3A_87, %add3A_88 : vector<16xi32>
      %swap3A_90 = arith.constant 80 : index
      %swap3A_91 = tpu.vector_load %arg7[%swap3A_90] {strides = array<i32>} : memref<256xi32, #tpu.memory_space<vmem>>, vector<16xi32>,
      %swap3A_92 = vector.shape_cast %swap3A_91 : vector<16xi32> to vector<16xi32>
      %swap3A_93 = vector.shape_cast %add3A_89 : vector<16xi32> to vector<16xi32>
      tpu.vector_store %arg7[%swap3A_90], %swap3A_93 {strides = array<i32>} : memref<256xi32, #tpu.memory_space<vmem>>, vector<16xi32>,
      %get3A_94 = arith.constant 96 : index
      %get3A_95 = tpu.vector_load %arg7[%get3A_94] {strides = array<i32>} : memref<256xi32, #tpu.memory_space<vmem>>, vector<16xi32>,
      %get3A_96 = vector.shape_cast %get3A_95 : vector<16xi32> to vector<16xi32>
      %add3A_97 = vector.broadcast %mul3A_26 : i32 to vector<16xi32>
      %add3A_98 = arith.addi %get3A_96, %add3A_97 : vector<16xi32>
      %swap3A_99 = arith.constant 96 : index
      %swap3A_100 = tpu.vector_load %arg7[%swap3A_99] {strides = array<i32>} : memref<256xi32, #tpu.memory_space<vmem>>, vector<16xi32>,
      %swap3A_101 = vector.shape_cast %swap3A_100 : vector<16xi32> to vector<16xi32>
      %swap3A_102 = vector.shape_cast %add3A_98 : vector<16xi32> to vector<16xi32>
      tpu.vector_store %arg7[%swap3A_99], %swap3A_102 {strides = array<i32>} : memref<256xi32, #tpu.memory_space<vmem>>, vector<16xi32>,
      %get3A_103 = arith.constant 112 : index
      %get3A_104 = tpu.vector_load %arg7[%get3A_103] {strides = array<i32>} : memref<256xi32, #tpu.memory_space<vmem>>, vector<16xi32>,
      %get3A_105 = vector.shape_cast %get3A_104 : vector<16xi32> to vector<16xi32>
      %add3A_106 = vector.broadcast %mul3A_26 : i32 to vector<16xi32>
      %add3A_107 = arith.addi %get3A_105, %add3A_106 : vector<16xi32>
      %swap3A_108 = arith.constant 112 : index
      %swap3A_109 = tpu.vector_load %arg7[%swap3A_108] {strides = array<i32>} : memref<256xi32, #tpu.memory_space<vmem>>, vector<16xi32>,
      %swap3A_110 = vector.shape_cast %swap3A_109 : vector<16xi32> to vector<16xi32>
      %swap3A_111 = vector.shape_cast %add3A_107 : vector<16xi32> to vector<16xi32>
      tpu.vector_store %arg7[%swap3A_108], %swap3A_111 {strides = array<i32>} : memref<256xi32, #tpu.memory_space<vmem>>, vector<16xi32>,
      %get3A_112 = arith.constant 128 : index
      %get3A_113 = tpu.vector_load %arg7[%get3A_112] {strides = array<i32>} : memref<256xi32, #tpu.memory_space<vmem>>, vector<16xi32>,
      %get3A_114 = vector.shape_cast %get3A_113 : vector<16xi32> to vector<16xi32>
      %add3A_115 = vector.broadcast %mul3A_26 : i32 to vector<16xi32>
      %add3A_116 = arith.addi %get3A_114, %add3A_115 : vector<16xi32>
      %swap3A_117 = arith.constant 128 : index
      %swap3A_118 = tpu.vector_load %arg7[%swap3A_117] {strides = array<i32>} : memref<256xi32, #tpu.memory_space<vmem>>, vector<16xi32>,
      %swap3A_119 = vector.shape_cast %swap3A_118 : vector<16xi32> to vector<16xi32>
      %swap3A_120 = vector.shape_cast %add3A_116 : vector<16xi32> to vector<16xi32>
      tpu.vector_store %arg7[%swap3A_117], %swap3A_120 {strides = array<i32>} : memref<256xi32, #tpu.memory_space<vmem>>, vector<16xi32>,
      %get3A_121 = arith.constant 144 : index
      %get3A_122 = tpu.vector_load %arg7[%get3A_121] {strides = array<i32>} : memref<256xi32, #tpu.memory_space<vmem>>, vector<16xi32>,
      %get3A_123 = vector.shape_cast %get3A_122 : vector<16xi32> to vector<16xi32>
      %add3A_124 = vector.broadcast %mul3A_26 : i32 to vector<16xi32>
      %add3A_125 = arith.addi %get3A_123, %add3A_124 : vector<16xi32>
      %swap3A_126 = arith.constant 144 : index
      %swap3A_127 = tpu.vector_load %arg7[%swap3A_126] {strides = array<i32>} : memref<256xi32, #tpu.memory_space<vmem>>, vector<16xi32>,
      %swap3A_128 = vector.shape_cast %swap3A_127 : vector<16xi32> to vector<16xi32>
      %swap3A_129 = vector.shape_cast %add3A_125 : vector<16xi32> to vector<16xi32>
      tpu.vector_store %arg7[%swap3A_126], %swap3A_129 {strides = array<i32>} : memref<256xi32, #tpu.memory_space<vmem>>, vector<16xi32>,
      %get3A_130 = arith.constant 160 : index
      %get3A_131 = tpu.vector_load %arg7[%get3A_130] {strides = array<i32>} : memref<256xi32, #tpu.memory_space<vmem>>, vector<16xi32>,
      %get3A_132 = vector.shape_cast %get3A_131 : vector<16xi32> to vector<16xi32>
      %add3A_133 = vector.broadcast %mul3A_26 : i32 to vector<16xi32>
      %add3A_134 = arith.addi %get3A_132, %add3A_133 : vector<16xi32>
      %swap3A_135 = arith.constant 160 : index
      %swap3A_136 = tpu.vector_load %arg7[%swap3A_135] {strides = array<i32>} : memref<256xi32, #tpu.memory_space<vmem>>, vector<16xi32>,
      %swap3A_137 = vector.shape_cast %swap3A_136 : vector<16xi32> to vector<16xi32>
      %swap3A_138 = vector.shape_cast %add3A_134 : vector<16xi32> to vector<16xi32>
      tpu.vector_store %arg7[%swap3A_135], %swap3A_138 {strides = array<i32>} : memref<256xi32, #tpu.memory_space<vmem>>, vector<16xi32>,
      %get3A_139 = arith.constant 176 : index
      %get3A_140 = tpu.vector_load %arg7[%get3A_139] {strides = array<i32>} : memref<256xi32, #tpu.memory_space<vmem>>, vector<16xi32>,
      %get3A_141 = vector.shape_cast %get3A_140 : vector<16xi32> to vector<16xi32>
      %add3A_142 = vector.broadcast %mul3A_26 : i32 to vector<16xi32>
      %add3A_143 = arith.addi %get3A_141, %add3A_142 : vector<16xi32>
      %swap3A_144 = arith.constant 176 : index
      %swap3A_145 = tpu.vector_load %arg7[%swap3A_144] {strides = array<i32>} : memref<256xi32, #tpu.memory_space<vmem>>, vector<16xi32>,
      %swap3A_146 = vector.shape_cast %swap3A_145 : vector<16xi32> to vector<16xi32>
      %swap3A_147 = vector.shape_cast %add3A_143 : vector<16xi32> to vector<16xi32>
      tpu.vector_store %arg7[%swap3A_144], %swap3A_147 {strides = array<i32>} : memref<256xi32, #tpu.memory_space<vmem>>, vector<16xi32>,
      %get3A_148 = arith.constant 192 : index
      %get3A_149 = tpu.vector_load %arg7[%get3A_148] {strides = array<i32>} : memref<256xi32, #tpu.memory_space<vmem>>, vector<16xi32>,
      %get3A_150 = vector.shape_cast %get3A_149 : vector<16xi32> to vector<16xi32>
      %add3A_151 = vector.broadcast %mul3A_26 : i32 to vector<16xi32>
      %add3A_152 = arith.addi %get3A_150, %add3A_151 : vector<16xi32>
      %swap3A_153 = arith.constant 192 : index
      %swap3A_154 = tpu.vector_load %arg7[%swap3A_153] {strides = array<i32>} : memref<256xi32, #tpu.memory_space<vmem>>, vector<16xi32>,
      %swap3A_155 = vector.shape_cast %swap3A_154 : vector<16xi32> to vector<16xi32>
      %swap3A_156 = vector.shape_cast %add3A_152 : vector<16xi32> to vector<16xi32>
      tpu.vector_store %arg7[%swap3A_153], %swap3A_156 {strides = array<i32>} : memref<256xi32, #tpu.memory_space<vmem>>, vector<16xi32>,
      %get3A_157 = arith.constant 208 : index
      %get3A_158 = tpu.vector_load %arg7[%get3A_157] {strides = array<i32>} : memref<256xi32, #tpu.memory_space<vmem>>, vector<16xi32>,
      %get3A_159 = vector.shape_cast %get3A_158 : vector<16xi32> to vector<16xi32>
      %add3A_160 = vector.broadcast %mul3A_26 : i32 to vector<16xi32>
      %add3A_161 = arith.addi %get3A_159, %add3A_160 : vector<16xi32>
      %swap3A_162 = arith.constant 208 : index
      %swap3A_163 = tpu.vector_load %arg7[%swap3A_162] {strides = array<i32>} : memref<256xi32, #tpu.memory_space<vmem>>, vector<16xi32>,
      %swap3A_164 = vector.shape_cast %swap3A_163 : vector<16xi32> to vector<16xi32>
      %swap3A_165 = vector.shape_cast %add3A_161 : vector<16xi32> to vector<16xi32>
      tpu.vector_store %arg7[%swap3A_162], %swap3A_165 {strides = array<i32>} : memref<256xi32, #tpu.memory_space<vmem>>, vector<16xi32>,
      %get3A_166 = arith.constant 224 : index
      %get3A_167 = tpu.vector_load %arg7[%get3A_166] {strides = array<i32>} : memref<256xi32, #tpu.memory_space<vmem>>, vector<16xi32>,
      %get3A_168 = vector.shape_cast %get3A_167 : vector<16xi32> to vector<16xi32>
      %add3A_169 = vector.broadcast %mul3A_26 : i32 to vector<16xi32>
      %add3A_170 = arith.addi %get3A_168, %add3A_169 : vector<16xi32>
      %swap3A_171 = arith.constant 224 : index
      %swap3A_172 = tpu.vector_load %arg7[%swap3A_171] {strides = array<i32>} : memref<256xi32, #tpu.memory_space<vmem>>, vector<16xi32>,
      %swap3A_173 = vector.shape_cast %swap3A_172 : vector<16xi32> to vector<16xi32>
      %swap3A_174 = vector.shape_cast %add3A_170 : vector<16xi32> to vector<16xi32>
      tpu.vector_store %arg7[%swap3A_171], %swap3A_174 {strides = array<i32>} : memref<256xi32, #tpu.memory_space<vmem>>, vector<16xi32>,
      %get3A_175 = arith.constant 240 : index
      %get3A_176 = tpu.vector_load %arg7[%get3A_175] {strides = array<i32>} : memref<256xi32, #tpu.memory_space<vmem>>, vector<16xi32>,
      %get3A_177 = vector.shape_cast %get3A_176 : vector<16xi32> to vector<16xi32>
      %add3A_178 = vector.broadcast %mul3A_26 : i32 to vector<16xi32>
      %add3A_179 = arith.addi %get3A_177, %add3A_178 : vector<16xi32>
      %swap3A_180 = arith.constant 240 : index
      %swap3A_181 = tpu.vector_load %arg7[%swap3A_180] {strides = array<i32>} : memref<256xi32, #tpu.memory_space<vmem>>, vector<16xi32>,
      %swap3A_182 = vector.shape_cast %swap3A_181 : vector<16xi32> to vector<16xi32>
      %swap3A_183 = vector.shape_cast %add3A_179 : vector<16xi32> to vector<16xi32>
      tpu.vector_store %arg7[%swap3A_180], %swap3A_183 {strides = array<i32>} : memref<256xi32, #tpu.memory_space<vmem>>, vector<16xi32>,
      %dma_start3A = arith.constant 0 : i32
      %dma_start3A_184 = tpu.memref_slice %arg7[%dma_start3A] : memref<256xi32, #tpu.memory_space<vmem>> -> memref<128xi32, #tpu.memory_space<vmem>>
      %dma_start3A_185 = arith.constant 0 : i32
      %dma_start3A_186 = arith.constant 0 : i32
      %dma_start3A_187 = tpu.memref_slice %arg2[%dma_start3A_185, %dma_start3A_186] : memref<20000x128xf32, #tpu.memory_space<hbm>> -> memref<20000x128xf32, #tpu.memory_space<hbm>>
      tpu.enqueue_indirect_dma source(%dma_start3A_187 : memref<20000x128xf32, #tpu.memory_space<hbm>>) target(%arg10 : memref<128x128xf32, #tpu.memory_space<vmem>>) offsets(%dma_start3A_184 : memref<128xi32, #tpu.memory_space<vmem>>) semaphore(%arg13 : memref<!tpu.dma_semaphore, #tpu.memory_space<semaphore_mem>>)
      %dma_start3A_188 = arith.constant 128 : i32
      %dma_start3A_189 = tpu.memref_slice %arg7[%dma_start3A_188] : memref<256xi32, #tpu.memory_space<vmem>> -> memref<128xi32, #tpu.memory_space<vmem>>
      %dma_start3A_190 = arith.constant 0 : i32
      %dma_start3A_191 = arith.constant 0 : i32
      %dma_start3A_192 = tpu.memref_slice %arg2[%dma_start3A_190, %dma_start3A_191] : memref<20000x128xf32, #tpu.memory_space<hbm>> -> memref<20000x128xf32, #tpu.memory_space<hbm>>
      tpu.enqueue_indirect_dma source(%dma_start3A_192 : memref<20000x128xf32, #tpu.memory_space<hbm>>) target(%arg11 : memref<128x128xf32, #tpu.memory_space<vmem>>) offsets(%dma_start3A_189 : memref<128xi32, #tpu.memory_space<vmem>>) semaphore(%arg14 : memref<!tpu.dma_semaphore, #tpu.memory_space<semaphore_mem>>)
      %mul3A_193 = arith.constant 2 : i32
      %mul3A_194 = arith.muli %scan3A_36, %mul3A_193 : i32
      %add3A_195 = arith.constant 0 : i32
      %add3A_196 = arith.addi %mul3A_194, %add3A_195 : i32
      %dma_wait3A = arith.constant 0 : i32
      %dma_wait3A_197 = tpu.memref_slice %arg7[%dma_wait3A] : memref<256xi32, #tpu.memory_space<vmem>> -> memref<128xi32, #tpu.memory_space<vmem>>
      %dma_wait3A_198 = arith.constant 0 : i32
      %dma_wait3A_199 = arith.constant 0 : i32
      %dma_wait3A_200 = tpu.memref_slice %arg2[%dma_wait3A_198, %dma_wait3A_199] : memref<20000x128xf32, #tpu.memory_space<hbm>> -> memref<20000x128xf32, #tpu.memory_space<hbm>>
      tpu.wait_indirect_dma semaphore(%arg13 : memref<!tpu.dma_semaphore, #tpu.memory_space<semaphore_mem>>) src(%dma_wait3A_200 : memref<20000x128xf32, #tpu.memory_space<hbm>>) dst(%arg10 : memref<128x128xf32, #tpu.memory_space<vmem>>)
      %scan3A_201 = arith.constant 0 : i32
      %scan3A_202 = arith.constant 0 : i32
      %scan3A_203 = arith.constant 128 : i32
      %scan3A_204 = arith.addi %scan3A_202, %scan3A_203 : i32
      %scan3A_205 = arith.constant 1 : i32
      scf.for %scan3A_254 = %scan3A_202 to %scan3A_204 step %scan3A_205  : i32 {
        %add3A_255 = arith.constant 0 : i32
        %add3A_256 = arith.addi %add3A_255, %scan3A_254 : i32
        %mul3A_257 = arith.constant 16 : i32
        %mul3A_258 = arith.muli %add3A_256, %mul3A_257 : i32
        %get3A_259 = arith.index_cast %mul3A_258 : i32 to index
        %get3A_260 = tpu.vector_load %arg9[%get3A_259] {strides = array<i32>} : memref<4096xf32, #tpu.memory_space<vmem>>, vector<16xf32>,
        %get3A_261 = vector.shape_cast %get3A_260 : vector<16xf32> to vector<16xf32>
        %get3A_262 = arith.index_cast %scan3A_254 : i32 to index
        %get3A_263 = arith.constant 0 : index
        %get3A_264 = tpu.vector_load %arg10[%get3A_262, %get3A_263] {strides = array<i32>} : memref<128x128xf32, #tpu.memory_space<vmem>>, vector<1x16xf32>,
        %get3A_265 = vector.shape_cast %get3A_264 : vector<1x16xf32> to vector<16xf32>
        %mul3A_266 = arith.mulf %get3A_265, %get3A_261 : vector<16xf32>
        %swap3A_267 = arith.index_cast %scan3A_254 : i32 to index
        %swap3A_268 = arith.constant 0 : index
        %swap3A_269 = tpu.vector_load %arg10[%swap3A_267, %swap3A_268] {strides = array<i32>} : memref<128x128xf32, #tpu.memory_space<vmem>>, vector<1x16xf32>,
        %swap3A_270 = vector.shape_cast %swap3A_269 : vector<1x16xf32> to vector<16xf32>
        %swap3A_271 = vector.shape_cast %mul3A_266 : vector<16xf32> to vector<1x16xf32>
        tpu.vector_store %arg10[%swap3A_267, %swap3A_268], %swap3A_271 {strides = array<i32>} : memref<128x128xf32, #tpu.memory_space<vmem>>, vector<1x16xf32>,
        %get3A_272 = arith.index_cast %scan3A_254 : i32 to index
        %get3A_273 = arith.constant 16 : index
        %get3A_274 = tpu.vector_load %arg10[%get3A_272, %get3A_273] {strides = array<i32>} : memref<128x128xf32, #tpu.memory_space<vmem>>, vector<1x16xf32>,
        %get3A_275 = vector.shape_cast %get3A_274 : vector<1x16xf32> to vector<16xf32>
        %mul3A_276 = arith.mulf %get3A_275, %get3A_261 : vector<16xf32>
        %swap3A_277 = arith.index_cast %scan3A_254 : i32 to index
        %swap3A_278 = arith.constant 16 : index
        %swap3A_279 = tpu.vector_load %arg10[%swap3A_277, %swap3A_278] {strides = array<i32>} : memref<128x128xf32, #tpu.memory_space<vmem>>, vector<1x16xf32>,
        %swap3A_280 = vector.shape_cast %swap3A_279 : vector<1x16xf32> to vector<16xf32>
        %swap3A_281 = vector.shape_cast %mul3A_276 : vector<16xf32> to vector<1x16xf32>
        tpu.vector_store %arg10[%swap3A_277, %swap3A_278], %swap3A_281 {strides = array<i32>} : memref<128x128xf32, #tpu.memory_space<vmem>>, vector<1x16xf32>,
        %get3A_282 = arith.index_cast %scan3A_254 : i32 to index
        %get3A_283 = arith.constant 32 : index
        %get3A_284 = tpu.vector_load %arg10[%get3A_282, %get3A_283] {strides = array<i32>} : memref<128x128xf32, #tpu.memory_space<vmem>>, vector<1x16xf32>,
        %get3A_285 = vector.shape_cast %get3A_284 : vector<1x16xf32> to vector<16xf32>
        %mul3A_286 = arith.mulf %get3A_285, %get3A_261 : vector<16xf32>
        %swap3A_287 = arith.index_cast %scan3A_254 : i32 to index
        %swap3A_288 = arith.constant 32 : index
        %swap3A_289 = tpu.vector_load %arg10[%swap3A_287, %swap3A_288] {strides = array<i32>} : memref<128x128xf32, #tpu.memory_space<vmem>>, vector<1x16xf32>,
        %swap3A_290 = vector.shape_cast %swap3A_289 : vector<1x16xf32> to vector<16xf32>
        %swap3A_291 = vector.shape_cast %mul3A_286 : vector<16xf32> to vector<1x16xf32>
        tpu.vector_store %arg10[%swap3A_287, %swap3A_288], %swap3A_291 {strides = array<i32>} : memref<128x128xf32, #tpu.memory_space<vmem>>, vector<1x16xf32>,
        %get3A_292 = arith.index_cast %scan3A_254 : i32 to index
        %get3A_293 = arith.constant 48 : index
        %get3A_294 = tpu.vector_load %arg10[%get3A_292, %get3A_293] {strides = array<i32>} : memref<128x128xf32, #tpu.memory_space<vmem>>, vector<1x16xf32>,
        %get3A_295 = vector.shape_cast %get3A_294 : vector<1x16xf32> to vector<16xf32>
        %mul3A_296 = arith.mulf %get3A_295, %get3A_261 : vector<16xf32>
        %swap3A_297 = arith.index_cast %scan3A_254 : i32 to index
        %swap3A_298 = arith.constant 48 : index
        %swap3A_299 = tpu.vector_load %arg10[%swap3A_297, %swap3A_298] {strides = array<i32>} : memref<128x128xf32, #tpu.memory_space<vmem>>, vector<1x16xf32>,
        %swap3A_300 = vector.shape_cast %swap3A_299 : vector<1x16xf32> to vector<16xf32>
        %swap3A_301 = vector.shape_cast %mul3A_296 : vector<16xf32> to vector<1x16xf32>
        tpu.vector_store %arg10[%swap3A_297, %swap3A_298], %swap3A_301 {strides = array<i32>} : memref<128x128xf32, #tpu.memory_space<vmem>>, vector<1x16xf32>,
        %get3A_302 = arith.index_cast %scan3A_254 : i32 to index
        %get3A_303 = arith.constant 64 : index
        %get3A_304 = tpu.vector_load %arg10[%get3A_302, %get3A_303] {strides = array<i32>} : memref<128x128xf32, #tpu.memory_space<vmem>>, vector<1x16xf32>,
        %get3A_305 = vector.shape_cast %get3A_304 : vector<1x16xf32> to vector<16xf32>
        %mul3A_306 = arith.mulf %get3A_305, %get3A_261 : vector<16xf32>
        %swap3A_307 = arith.index_cast %scan3A_254 : i32 to index
        %swap3A_308 = arith.constant 64 : index
        %swap3A_309 = tpu.vector_load %arg10[%swap3A_307, %swap3A_308] {strides = array<i32>} : memref<128x128xf32, #tpu.memory_space<vmem>>, vector<1x16xf32>,
        %swap3A_310 = vector.shape_cast %swap3A_309 : vector<1x16xf32> to vector<16xf32>
        %swap3A_311 = vector.shape_cast %mul3A_306 : vector<16xf32> to vector<1x16xf32>
        tpu.vector_store %arg10[%swap3A_307, %swap3A_308], %swap3A_311 {strides = array<i32>} : memref<128x128xf32, #tpu.memory_space<vmem>>, vector<1x16xf32>,
        %get3A_312 = arith.index_cast %scan3A_254 : i32 to index
        %get3A_313 = arith.constant 80 : index
        %get3A_314 = tpu.vector_load %arg10[%get3A_312, %get3A_313] {strides = array<i32>} : memref<128x128xf32, #tpu.memory_space<vmem>>, vector<1x16xf32>,
        %get3A_315 = vector.shape_cast %get3A_314 : vector<1x16xf32> to vector<16xf32>
        %mul3A_316 = arith.mulf %get3A_315, %get3A_261 : vector<16xf32>
        %swap3A_317 = arith.index_cast %scan3A_254 : i32 to index
        %swap3A_318 = arith.constant 80 : index
        %swap3A_319 = tpu.vector_load %arg10[%swap3A_317, %swap3A_318] {strides = array<i32>} : memref<128x128xf32, #tpu.memory_space<vmem>>, vector<1x16xf32>,
        %swap3A_320 = vector.shape_cast %swap3A_319 : vector<1x16xf32> to vector<16xf32>
        %swap3A_321 = vector.shape_cast %mul3A_316 : vector<16xf32> to vector<1x16xf32>
        tpu.vector_store %arg10[%swap3A_317, %swap3A_318], %swap3A_321 {strides = array<i32>} : memref<128x128xf32, #tpu.memory_space<vmem>>, vector<1x16xf32>,
        %get3A_322 = arith.index_cast %scan3A_254 : i32 to index
        %get3A_323 = arith.constant 96 : index
        %get3A_324 = tpu.vector_load %arg10[%get3A_322, %get3A_323] {strides = array<i32>} : memref<128x128xf32, #tpu.memory_space<vmem>>, vector<1x16xf32>,
        %get3A_325 = vector.shape_cast %get3A_324 : vector<1x16xf32> to vector<16xf32>
        %mul3A_326 = arith.mulf %get3A_325, %get3A_261 : vector<16xf32>
        %swap3A_327 = arith.index_cast %scan3A_254 : i32 to index
        %swap3A_328 = arith.constant 96 : index
        %swap3A_329 = tpu.vector_load %arg10[%swap3A_327, %swap3A_328] {strides = array<i32>} : memref<128x128xf32, #tpu.memory_space<vmem>>, vector<1x16xf32>,
        %swap3A_330 = vector.shape_cast %swap3A_329 : vector<1x16xf32> to vector<16xf32>
        %swap3A_331 = vector.shape_cast %mul3A_326 : vector<16xf32> to vector<1x16xf32>
        tpu.vector_store %arg10[%swap3A_327, %swap3A_328], %swap3A_331 {strides = array<i32>} : memref<128x128xf32, #tpu.memory_space<vmem>>, vector<1x16xf32>,
        %get3A_332 = arith.index_cast %scan3A_254 : i32 to index
        %get3A_333 = arith.constant 112 : index
        %get3A_334 = tpu.vector_load %arg10[%get3A_332, %get3A_333] {strides = array<i32>} : memref<128x128xf32, #tpu.memory_space<vmem>>, vector<1x16xf32>,
        %get3A_335 = vector.shape_cast %get3A_334 : vector<1x16xf32> to vector<16xf32>
        %mul3A_336 = arith.mulf %get3A_335, %get3A_261 : vector<16xf32>
        %swap3A_337 = arith.index_cast %scan3A_254 : i32 to index
        %swap3A_338 = arith.constant 112 : index
        %swap3A_339 = tpu.vector_load %arg10[%swap3A_337, %swap3A_338] {strides = array<i32>} : memref<128x128xf32, #tpu.memory_space<vmem>>, vector<1x16xf32>,
        %swap3A_340 = vector.shape_cast %swap3A_339 : vector<1x16xf32> to vector<16xf32>
        %swap3A_341 = vector.shape_cast %mul3A_336 : vector<16xf32> to vector<1x16xf32>
        tpu.vector_store %arg10[%swap3A_337, %swap3A_338], %swap3A_341 {strides = array<i32>} : memref<128x128xf32, #tpu.memory_space<vmem>>, vector<1x16xf32>,
      }
      %scan3A_206 = arith.constant 128 : i32
      %dma_start3A_207 = arith.constant 0 : i32
      %dma_start3A_208 = tpu.memref_slice %arg8[%add3A_196, %dma_start3A_207] : memref<80x128xi32, #tpu.memory_space<vmem>> -> memref<1x128xi32, #tpu.memory_space<vmem>>
      %dma_start3A_209 = tpu.memref_squeeze %dma_start3A_208 : memref<1x128xi32, #tpu.memory_space<vmem>> -> memref<128xi32, #tpu.memory_space<vmem>>
      %dma_start3A_210 = arith.constant 0 : i32
      %dma_start3A_211 = arith.constant 0 : i32
      %dma_start3A_212 = tpu.memref_slice %arg12[%dma_start3A_210, %dma_start3A_211] : memref<10112x128xf32, #tpu.memory_space<vmem_shared>> -> memref<10112x128xf32, #tpu.memory_space<vmem_shared>>
      tpu.enqueue_indirect_dma source(%arg10 : memref<128x128xf32, #tpu.memory_space<vmem>>) target(%dma_start3A_212 : memref<10112x128xf32, #tpu.memory_space<vmem_shared>>) offsets(%dma_start3A_209 : memref<128xi32, #tpu.memory_space<vmem>>) semaphore(%arg15 : memref<!tpu.dma_semaphore, #tpu.memory_space<semaphore_mem>>) {add = true}
      %mul3A_213 = arith.constant 2 : i32
      %mul3A_214 = arith.muli %scan3A_36, %mul3A_213 : i32
      %add3A_215 = arith.constant 1 : i32
      %add3A_216 = arith.addi %mul3A_214, %add3A_215 : i32
      %dma_wait3A_217 = arith.constant 128 : i32
      %dma_wait3A_218 = tpu.memref_slice %arg7[%dma_wait3A_217] : memref<256xi32, #tpu.memory_space<vmem>> -> memref<128xi32, #tpu.memory_space<vmem>>
      %dma_wait3A_219 = arith.constant 0 : i32
      %dma_wait3A_220 = arith.constant 0 : i32
      %dma_wait3A_221 = tpu.memref_slice %arg2[%dma_wait3A_219, %dma_wait3A_220] : memref<20000x128xf32, #tpu.memory_space<hbm>> -> memref<20000x128xf32, #tpu.memory_space<hbm>>
      tpu.wait_indirect_dma semaphore(%arg14 : memref<!tpu.dma_semaphore, #tpu.memory_space<semaphore_mem>>) src(%dma_wait3A_221 : memref<20000x128xf32, #tpu.memory_space<hbm>>) dst(%arg11 : memref<128x128xf32, #tpu.memory_space<vmem>>)
      %scan3A_222 = arith.constant 0 : i32
      %scan3A_223 = arith.constant 0 : i32
      %scan3A_224 = arith.constant 128 : i32
      %scan3A_225 = arith.addi %scan3A_223, %scan3A_224 : i32
      %scan3A_226 = arith.constant 1 : i32
      scf.for %scan3A_254 = %scan3A_223 to %scan3A_225 step %scan3A_226  : i32 {
        %add3A_255 = arith.constant 128 : i32
        %add3A_256 = arith.addi %add3A_255, %scan3A_254 : i32
        %mul3A_257 = arith.constant 16 : i32
        %mul3A_258 = arith.muli %add3A_256, %mul3A_257 : i32
        %get3A_259 = arith.index_cast %mul3A_258 : i32 to index
        %get3A_260 = tpu.vector_load %arg9[%get3A_259] {strides = array<i32>} : memref<4096xf32, #tpu.memory_space<vmem>>, vector<16xf32>,
        %get3A_261 = vector.shape_cast %get3A_260 : vector<16xf32> to vector<16xf32>
        %get3A_262 = arith.index_cast %scan3A_254 : i32 to index
        %get3A_263 = arith.constant 0 : index
        %get3A_264 = tpu.vector_load %arg11[%get3A_262, %get3A_263] {strides = array<i32>} : memref<128x128xf32, #tpu.memory_space<vmem>>, vector<1x16xf32>,
        %get3A_265 = vector.shape_cast %get3A_264 : vector<1x16xf32> to vector<16xf32>
        %mul3A_266 = arith.mulf %get3A_265, %get3A_261 : vector<16xf32>
        %swap3A_267 = arith.index_cast %scan3A_254 : i32 to index
        %swap3A_268 = arith.constant 0 : index
        %swap3A_269 = tpu.vector_load %arg11[%swap3A_267, %swap3A_268] {strides = array<i32>} : memref<128x128xf32, #tpu.memory_space<vmem>>, vector<1x16xf32>,
        %swap3A_270 = vector.shape_cast %swap3A_269 : vector<1x16xf32> to vector<16xf32>
        %swap3A_271 = vector.shape_cast %mul3A_266 : vector<16xf32> to vector<1x16xf32>
        tpu.vector_store %arg11[%swap3A_267, %swap3A_268], %swap3A_271 {strides = array<i32>} : memref<128x128xf32, #tpu.memory_space<vmem>>, vector<1x16xf32>,
        %get3A_272 = arith.index_cast %scan3A_254 : i32 to index
        %get3A_273 = arith.constant 16 : index
        %get3A_274 = tpu.vector_load %arg11[%get3A_272, %get3A_273] {strides = array<i32>} : memref<128x128xf32, #tpu.memory_space<vmem>>, vector<1x16xf32>,
        %get3A_275 = vector.shape_cast %get3A_274 : vector<1x16xf32> to vector<16xf32>
        %mul3A_276 = arith.mulf %get3A_275, %get3A_261 : vector<16xf32>
        %swap3A_277 = arith.index_cast %scan3A_254 : i32 to index
        %swap3A_278 = arith.constant 16 : index
        %swap3A_279 = tpu.vector_load %arg11[%swap3A_277, %swap3A_278] {strides = array<i32>} : memref<128x128xf32, #tpu.memory_space<vmem>>, vector<1x16xf32>,
        %swap3A_280 = vector.shape_cast %swap3A_279 : vector<1x16xf32> to vector<16xf32>
        %swap3A_281 = vector.shape_cast %mul3A_276 : vector<16xf32> to vector<1x16xf32>
        tpu.vector_store %arg11[%swap3A_277, %swap3A_278], %swap3A_281 {strides = array<i32>} : memref<128x128xf32, #tpu.memory_space<vmem>>, vector<1x16xf32>,
        %get3A_282 = arith.index_cast %scan3A_254 : i32 to index
        %get3A_283 = arith.constant 32 : index
        %get3A_284 = tpu.vector_load %arg11[%get3A_282, %get3A_283] {strides = array<i32>} : memref<128x128xf32, #tpu.memory_space<vmem>>, vector<1x16xf32>,
        %get3A_285 = vector.shape_cast %get3A_284 : vector<1x16xf32> to vector<16xf32>
        %mul3A_286 = arith.mulf %get3A_285, %get3A_261 : vector<16xf32>
        %swap3A_287 = arith.index_cast %scan3A_254 : i32 to index
        %swap3A_288 = arith.constant 32 : index
        %swap3A_289 = tpu.vector_load %arg11[%swap3A_287, %swap3A_288] {strides = array<i32>} : memref<128x128xf32, #tpu.memory_space<vmem>>, vector<1x16xf32>,
        %swap3A_290 = vector.shape_cast %swap3A_289 : vector<1x16xf32> to vector<16xf32>
        %swap3A_291 = vector.shape_cast %mul3A_286 : vector<16xf32> to vector<1x16xf32>
        tpu.vector_store %arg11[%swap3A_287, %swap3A_288], %swap3A_291 {strides = array<i32>} : memref<128x128xf32, #tpu.memory_space<vmem>>, vector<1x16xf32>,
        %get3A_292 = arith.index_cast %scan3A_254 : i32 to index
        %get3A_293 = arith.constant 48 : index
        %get3A_294 = tpu.vector_load %arg11[%get3A_292, %get3A_293] {strides = array<i32>} : memref<128x128xf32, #tpu.memory_space<vmem>>, vector<1x16xf32>,
        %get3A_295 = vector.shape_cast %get3A_294 : vector<1x16xf32> to vector<16xf32>
        %mul3A_296 = arith.mulf %get3A_295, %get3A_261 : vector<16xf32>
        %swap3A_297 = arith.index_cast %scan3A_254 : i32 to index
        %swap3A_298 = arith.constant 48 : index
        %swap3A_299 = tpu.vector_load %arg11[%swap3A_297, %swap3A_298] {strides = array<i32>} : memref<128x128xf32, #tpu.memory_space<vmem>>, vector<1x16xf32>,
        %swap3A_300 = vector.shape_cast %swap3A_299 : vector<1x16xf32> to vector<16xf32>
        %swap3A_301 = vector.shape_cast %mul3A_296 : vector<16xf32> to vector<1x16xf32>
        tpu.vector_store %arg11[%swap3A_297, %swap3A_298], %swap3A_301 {strides = array<i32>} : memref<128x128xf32, #tpu.memory_space<vmem>>, vector<1x16xf32>,
        %get3A_302 = arith.index_cast %scan3A_254 : i32 to index
        %get3A_303 = arith.constant 64 : index
        %get3A_304 = tpu.vector_load %arg11[%get3A_302, %get3A_303] {strides = array<i32>} : memref<128x128xf32, #tpu.memory_space<vmem>>, vector<1x16xf32>,
        %get3A_305 = vector.shape_cast %get3A_304 : vector<1x16xf32> to vector<16xf32>
        %mul3A_306 = arith.mulf %get3A_305, %get3A_261 : vector<16xf32>
        %swap3A_307 = arith.index_cast %scan3A_254 : i32 to index
        %swap3A_308 = arith.constant 64 : index
        %swap3A_309 = tpu.vector_load %arg11[%swap3A_307, %swap3A_308] {strides = array<i32>} : memref<128x128xf32, #tpu.memory_space<vmem>>, vector<1x16xf32>,
        %swap3A_310 = vector.shape_cast %swap3A_309 : vector<1x16xf32> to vector<16xf32>
        %swap3A_311 = vector.shape_cast %mul3A_306 : vector<16xf32> to vector<1x16xf32>
        tpu.vector_store %arg11[%swap3A_307, %swap3A_308], %swap3A_311 {strides = array<i32>} : memref<128x128xf32, #tpu.memory_space<vmem>>, vector<1x16xf32>,
        %get3A_312 = arith.index_cast %scan3A_254 : i32 to index
        %get3A_313 = arith.constant 80 : index
        %get3A_314 = tpu.vector_load %arg11[%get3A_312, %get3A_313] {strides = array<i32>} : memref<128x128xf32, #tpu.memory_space<vmem>>, vector<1x16xf32>,
        %get3A_315 = vector.shape_cast %get3A_314 : vector<1x16xf32> to vector<16xf32>
        %mul3A_316 = arith.mulf %get3A_315, %get3A_261 : vector<16xf32>
        %swap3A_317 = arith.index_cast %scan3A_254 : i32 to index
        %swap3A_318 = arith.constant 80 : index
        %swap3A_319 = tpu.vector_load %arg11[%swap3A_317, %swap3A_318] {strides = array<i32>} : memref<128x128xf32, #tpu.memory_space<vmem>>, vector<1x16xf32>,
        %swap3A_320 = vector.shape_cast %swap3A_319 : vector<1x16xf32> to vector<16xf32>
        %swap3A_321 = vector.shape_cast %mul3A_316 : vector<16xf32> to vector<1x16xf32>
        tpu.vector_store %arg11[%swap3A_317, %swap3A_318], %swap3A_321 {strides = array<i32>} : memref<128x128xf32, #tpu.memory_space<vmem>>, vector<1x16xf32>,
        %get3A_322 = arith.index_cast %scan3A_254 : i32 to index
        %get3A_323 = arith.constant 96 : index
        %get3A_324 = tpu.vector_load %arg11[%get3A_322, %get3A_323] {strides = array<i32>} : memref<128x128xf32, #tpu.memory_space<vmem>>, vector<1x16xf32>,
        %get3A_325 = vector.shape_cast %get3A_324 : vector<1x16xf32> to vector<16xf32>
        %mul3A_326 = arith.mulf %get3A_325, %get3A_261 : vector<16xf32>
        %swap3A_327 = arith.index_cast %scan3A_254 : i32 to index
        %swap3A_328 = arith.constant 96 : index
        %swap3A_329 = tpu.vector_load %arg11[%swap3A_327, %swap3A_328] {strides = array<i32>} : memref<128x128xf32, #tpu.memory_space<vmem>>, vector<1x16xf32>,
        %swap3A_330 = vector.shape_cast %swap3A_329 : vector<1x16xf32> to vector<16xf32>
        %swap3A_331 = vector.shape_cast %mul3A_326 : vector<16xf32> to vector<1x16xf32>
        tpu.vector_store %arg11[%swap3A_327, %swap3A_328], %swap3A_331 {strides = array<i32>} : memref<128x128xf32, #tpu.memory_space<vmem>>, vector<1x16xf32>,
        %get3A_332 = arith.index_cast %scan3A_254 : i32 to index
        %get3A_333 = arith.constant 112 : index
        %get3A_334 = tpu.vector_load %arg11[%get3A_332, %get3A_333] {strides = array<i32>} : memref<128x128xf32, #tpu.memory_space<vmem>>, vector<1x16xf32>,
        %get3A_335 = vector.shape_cast %get3A_334 : vector<1x16xf32> to vector<16xf32>
        %mul3A_336 = arith.mulf %get3A_335, %get3A_261 : vector<16xf32>
        %swap3A_337 = arith.index_cast %scan3A_254 : i32 to index
        %swap3A_338 = arith.constant 112 : index
        %swap3A_339 = tpu.vector_load %arg11[%swap3A_337, %swap3A_338] {strides = array<i32>} : memref<128x128xf32, #tpu.memory_space<vmem>>, vector<1x16xf32>,
        %swap3A_340 = vector.shape_cast %swap3A_339 : vector<1x16xf32> to vector<16xf32>
        %swap3A_341 = vector.shape_cast %mul3A_336 : vector<16xf32> to vector<1x16xf32>
        tpu.vector_store %arg11[%swap3A_337, %swap3A_338], %swap3A_341 {strides = array<i32>} : memref<128x128xf32, #tpu.memory_space<vmem>>, vector<1x16xf32>,
      }
      %scan3A_227 = arith.constant 128 : i32
      %dma_start3A_228 = arith.constant 0 : i32
      %dma_start3A_229 = tpu.memref_slice %arg8[%add3A_216, %dma_start3A_228] : memref<80x128xi32, #tpu.memory_space<vmem>> -> memref<1x128xi32, #tpu.memory_space<vmem>>
      %dma_start3A_230 = tpu.memref_squeeze %dma_start3A_229 : memref<1x128xi32, #tpu.memory_space<vmem>> -> memref<128xi32, #tpu.memory_space<vmem>>
      %dma_start3A_231 = arith.constant 0 : i32
      %dma_start3A_232 = arith.constant 0 : i32
      %dma_start3A_233 = tpu.memref_slice %arg12[%dma_start3A_231, %dma_start3A_232] : memref<10112x128xf32, #tpu.memory_space<vmem_shared>> -> memref<10112x128xf32, #tpu.memory_space<vmem_shared>>
      tpu.enqueue_indirect_dma source(%arg11 : memref<128x128xf32, #tpu.memory_space<vmem>>) target(%dma_start3A_233 : memref<10112x128xf32, #tpu.memory_space<vmem_shared>>) offsets(%dma_start3A_230 : memref<128xi32, #tpu.memory_space<vmem>>) semaphore(%arg16 : memref<!tpu.dma_semaphore, #tpu.memory_space<semaphore_mem>>) {add = true}
      %mul3A_234 = arith.constant 2 : i32
      %mul3A_235 = arith.muli %scan3A_36, %mul3A_234 : i32
      %add3A_236 = arith.constant 0 : i32
      %add3A_237 = arith.addi %mul3A_235, %add3A_236 : i32
      %dma_wait3A_238 = arith.constant 0 : i32
      %dma_wait3A_239 = tpu.memref_slice %arg8[%add3A_237, %dma_wait3A_238] : memref<80x128xi32, #tpu.memory_space<vmem>> -> memref<1x128xi32, #tpu.memory_space<vmem>>
      %dma_wait3A_240 = tpu.memref_squeeze %dma_wait3A_239 : memref<1x128xi32, #tpu.memory_space<vmem>> -> memref<128xi32, #tpu.memory_space<vmem>>
      %dma_wait3A_241 = arith.constant 0 : i32
      %dma_wait3A_242 = arith.constant 0 : i32
      %dma_wait3A_243 = tpu.memref_slice %arg12[%dma_wait3A_241, %dma_wait3A_242] : memref<10112x128xf32, #tpu.memory_space<vmem_shared>> -> memref<10112x128xf32, #tpu.memory_space<vmem_shared>>
      tpu.wait_indirect_dma semaphore(%arg15 : memref<!tpu.dma_semaphore, #tpu.memory_space<semaphore_mem>>) src(%arg10 : memref<128x128xf32, #tpu.memory_space<vmem>>) dst(%dma_wait3A_243 : memref<10112x128xf32, #tpu.memory_space<vmem_shared>>)
      %mul3A_244 = arith.constant 2 : i32
      %mul3A_245 = arith.muli %scan3A_36, %mul3A_244 : i32
      %add3A_246 = arith.constant 1 : i32
      %add3A_247 = arith.addi %mul3A_245, %add3A_246 : i32
      %dma_wait3A_248 = arith.constant 0 : i32
      %dma_wait3A_249 = tpu.memref_slice %arg8[%add3A_247, %dma_wait3A_248] : memref<80x128xi32, #tpu.memory_space<vmem>> -> memref<1x128xi32, #tpu.memory_space<vmem>>
      %dma_wait3A_250 = tpu.memref_squeeze %dma_wait3A_249 : memref<1x128xi32, #tpu.memory_space<vmem>> -> memref<128xi32, #tpu.memory_space<vmem>>
      %dma_wait3A_251 = arith.constant 0 : i32
      %dma_wait3A_252 = arith.constant 0 : i32
      %dma_wait3A_253 = tpu.memref_slice %arg12[%dma_wait3A_251, %dma_wait3A_252] : memref<10112x128xf32, #tpu.memory_space<vmem_shared>> -> memref<10112x128xf32, #tpu.memory_space<vmem_shared>>
      tpu.wait_indirect_dma semaphore(%arg16 : memref<!tpu.dma_semaphore, #tpu.memory_space<semaphore_mem>>) src(%arg11 : memref<128x128xf32, #tpu.memory_space<vmem>>) dst(%dma_wait3A_253 : memref<10112x128xf32, #tpu.memory_space<vmem_shared>>)
    }
    %scan3A_32 = arith.constant 40 : i32
    %barrier3A_33 = arith.constant 0 : index
    tpu.barrier barrier_id(%barrier3A_33)
    %lt3A = arith.constant 10 : i32
    %lt3A_34 = arith.cmpi slt, %arg1, %lt3A : i32
    %convert_element_type3A = arith.extui %lt3A_34 : i1 to i32
    %cond3A = arith.constant 0 : i32
    %cond3A_35 = arith.cmpi ne, %convert_element_type3A, %cond3A : i32
    scf.if %cond3A_35 {
      %mul3A_36 = arith.constant 1000 : i32
      %mul3A_37 = arith.muli %arg1, %mul3A_36 : i32
      %mul3A_38 = arith.constant 1000 : i32
      %mul3A_39 = arith.muli %arg1, %mul3A_38 : i32
      "tpu.region"() ({
        %run_scoped3A = tpu.sem_alloc : memref<!tpu.dma_semaphore, #tpu.memory_space<semaphore_mem>>
        %dma_start3A = arith.constant 0 : i32
        %dma_start3A_40 = tpu.memref_slice %arg6[%arg0, %mul3A_39, %dma_start3A] : memref<2x10000x128xf32, #tpu.memory_space<hbm>> -> memref<1x1000x128xf32, #tpu.memory_space<hbm>>
        %dma_start3A_41 = tpu.memref_squeeze %dma_start3A_40 : memref<1x1000x128xf32, #tpu.memory_space<hbm>> -> memref<1000x128xf32, #tpu.memory_space<hbm>>
        %dma_start3A_42 = arith.constant 0 : i32
        %dma_start3A_43 = tpu.memref_slice %arg12[%mul3A_37, %dma_start3A_42] : memref<10112x128xf32, #tpu.memory_space<vmem_shared>> -> memref<1000x128xf32, #tpu.memory_space<vmem_shared>>
        tpu.enqueue_dma source(%dma_start3A_43 : memref<1000x128xf32, #tpu.memory_space<vmem_shared>>) target(%dma_start3A_41 : memref<1000x128xf32, #tpu.memory_space<hbm>>) target_semaphore(%run_scoped3A : memref<!tpu.dma_semaphore, #tpu.memory_space<semaphore_mem>>)
        %dma_wait3A = arith.constant 0 : i32
        %dma_wait3A_44 = tpu.memref_slice %arg6[%arg0, %mul3A_39, %dma_wait3A] : memref<2x10000x128xf32, #tpu.memory_space<hbm>> -> memref<1x1000x128xf32, #tpu.memory_space<hbm>>
        %dma_wait3A_45 = tpu.memref_squeeze %dma_wait3A_44 : memref<1x1000x128xf32, #tpu.memory_space<hbm>> -> memref<1000x128xf32, #tpu.memory_space<hbm>>
        %dma_wait3A_46 = arith.constant 0 : i32
        %dma_wait3A_47 = tpu.memref_slice %arg12[%mul3A_37, %dma_wait3A_46] : memref<10112x128xf32, #tpu.memory_space<vmem_shared>> -> memref<1000x128xf32, #tpu.memory_space<vmem_shared>>
        tpu.wait_dma2 semaphore(%run_scoped3A : memref<!tpu.dma_semaphore, #tpu.memory_space<semaphore_mem>>) src(%dma_wait3A_47 : memref<1000x128xf32, #tpu.memory_space<vmem_shared>>) dst(%dma_wait3A_45 : memref<1000x128xf32, #tpu.memory_space<hbm>>)
        tpu.yield
      }) : () -> ()
    } else {
    }
    return
  }
}

#map = affine_map<(d0, d1) -> (0, 0)>
#map1 = affine_map<(d0, d1) -> (0)>
#map2 = affine_map<(d0, d1) -> (0, 0, 0)>
module attributes {stable_mosaic.version = 14 : i64} {
  func.func @_sc_agg(%arg0: i32, %arg1: i32, %arg2: memref<20000x128xf32, #tpu.memory_space<hbm>>, %arg3: memref<163968xi32, #tpu.memory_space<hbm>>, %arg4: memref<16x80x128xi32, #tpu.memory_space<hbm>>, %arg5: memref<2623488xf32, #tpu.memory_space<hbm>>, %arg6: memref<2x10000x128xf32, #tpu.memory_space<hbm>>, %arg7: memref<256xi32, #tpu.memory_space<vmem>>, %arg8: memref<80x128xi32, #tpu.memory_space<vmem>>, %arg9: memref<4096xf32, #tpu.memory_space<vmem>>, %arg10: memref<128x128xf32, #tpu.memory_space<vmem>>, %arg11: memref<128x128xf32, #tpu.memory_space<vmem>>, %arg12: memref<10112x128xf32, #tpu.memory_space<vmem_shared>>, %arg13: memref<!tpu.dma_semaphore, #tpu.memory_space<semaphore_mem>>, %arg14: memref<!tpu.dma_semaphore, #tpu.memory_space<semaphore_mem>>, %arg15: memref<!tpu.dma_semaphore, #tpu.memory_space<semaphore_mem>>, %arg16: memref<!tpu.dma_semaphore, #tpu.memory_space<semaphore_mem>>) attributes {dimension_semantics = [#tpu.dimension_semantics<core_parallel>, #tpu.dimension_semantics<subcore_parallel>], iteration_bounds = array<i64: 2, 16>, scalar_prefetch = 0 : i64, scratch_operands = 10 : i64, tpu.core_type = #tpu.core_type<sc_vector_subcore>, window_params = [{transform_indices = #map}, {transform_indices = #map1}, {transform_indices = #map2}, {transform_indices = #map1}, {transform_indices = #map2}]} {
    %scan3A = arith.constant 0 : i32
    %scan3A_0 = arith.constant 0 : i32
    %scan3A_1 = arith.constant 128 : i32
    %scan3A_2 = arith.addi %scan3A_0, %scan3A_1 : i32
    %scan3A_3 = arith.constant 1 : i32
    scf.for %scan3A_36 = %scan3A_0 to %scan3A_2 step %scan3A_3  : i32 {
      %broadcast_in_dim3A = arith.constant 0.000000e+00 : f32
      %broadcast_in_dim3A_37 = vector.broadcast %broadcast_in_dim3A : f32 to vector<16xf32>
      %swap3A = arith.index_cast %scan3A_36 : i32 to index
      %swap3A_38 = arith.constant 0 : index
      %swap3A_39 = tpu.vector_load %arg10[%swap3A, %swap3A_38] {strides = array<i32>} : memref<128x128xf32, #tpu.memory_space<vmem>>, vector<1x16xf32>,
      %swap3A_40 = vector.shape_cast %swap3A_39 : vector<1x16xf32> to vector<16xf32>
      %swap3A_41 = vector.shape_cast %broadcast_in_dim3A_37 : vector<16xf32> to vector<1x16xf32>
      tpu.vector_store %arg10[%swap3A, %swap3A_38], %swap3A_41 {strides = array<i32>} : memref<128x128xf32, #tpu.memory_space<vmem>>, vector<1x16xf32>,
      %broadcast_in_dim3A_42 = arith.constant 0.000000e+00 : f32
      %broadcast_in_dim3A_43 = vector.broadcast %broadcast_in_dim3A_42 : f32 to vector<16xf32>
      %swap3A_44 = arith.index_cast %scan3A_36 : i32 to index
      %swap3A_45 = arith.constant 16 : index
      %swap3A_46 = tpu.vector_load %arg10[%swap3A_44, %swap3A_45] {strides = array<i32>} : memref<128x128xf32, #tpu.memory_space<vmem>>, vector<1x16xf32>,
      %swap3A_47 = vector.shape_cast %swap3A_46 : vector<1x16xf32> to vector<16xf32>
      %swap3A_48 = vector.shape_cast %broadcast_in_dim3A_43 : vector<16xf32> to vector<1x16xf32>
      tpu.vector_store %arg10[%swap3A_44, %swap3A_45], %swap3A_48 {strides = array<i32>} : memref<128x128xf32, #tpu.memory_space<vmem>>, vector<1x16xf32>,
      %broadcast_in_dim3A_49 = arith.constant 0.000000e+00 : f32
      %broadcast_in_dim3A_50 = vector.broadcast %broadcast_in_dim3A_49 : f32 to vector<16xf32>
      %swap3A_51 = arith.index_cast %scan3A_36 : i32 to index
      %swap3A_52 = arith.constant 32 : index
      %swap3A_53 = tpu.vector_load %arg10[%swap3A_51, %swap3A_52] {strides = array<i32>} : memref<128x128xf32, #tpu.memory_space<vmem>>, vector<1x16xf32>,
      %swap3A_54 = vector.shape_cast %swap3A_53 : vector<1x16xf32> to vector<16xf32>
      %swap3A_55 = vector.shape_cast %broadcast_in_dim3A_50 : vector<16xf32> to vector<1x16xf32>
      tpu.vector_store %arg10[%swap3A_51, %swap3A_52], %swap3A_55 {strides = array<i32>} : memref<128x128xf32, #tpu.memory_space<vmem>>, vector<1x16xf32>,
      %broadcast_in_dim3A_56 = arith.constant 0.000000e+00 : f32
      %broadcast_in_dim3A_57 = vector.broadcast %broadcast_in_dim3A_56 : f32 to vector<16xf32>
      %swap3A_58 = arith.index_cast %scan3A_36 : i32 to index
      %swap3A_59 = arith.constant 48 : index
      %swap3A_60 = tpu.vector_load %arg10[%swap3A_58, %swap3A_59] {strides = array<i32>} : memref<128x128xf32, #tpu.memory_space<vmem>>, vector<1x16xf32>,
      %swap3A_61 = vector.shape_cast %swap3A_60 : vector<1x16xf32> to vector<16xf32>
      %swap3A_62 = vector.shape_cast %broadcast_in_dim3A_57 : vector<16xf32> to vector<1x16xf32>
      tpu.vector_store %arg10[%swap3A_58, %swap3A_59], %swap3A_62 {strides = array<i32>} : memref<128x128xf32, #tpu.memory_space<vmem>>, vector<1x16xf32>,
      %broadcast_in_dim3A_63 = arith.constant 0.000000e+00 : f32
      %broadcast_in_dim3A_64 = vector.broadcast %broadcast_in_dim3A_63 : f32 to vector<16xf32>
      %swap3A_65 = arith.index_cast %scan3A_36 : i32 to index
      %swap3A_66 = arith.constant 64 : index
      %swap3A_67 = tpu.vector_load %arg10[%swap3A_65, %swap3A_66] {strides = array<i32>} : memref<128x128xf32, #tpu.memory_space<vmem>>, vector<1x16xf32>,
      %swap3A_68 = vector.shape_cast %swap3A_67 : vector<1x16xf32> to vector<16xf32>
      %swap3A_69 = vector.shape_cast %broadcast_in_dim3A_64 : vector<16xf32> to vector<1x16xf32>
      tpu.vector_store %arg10[%swap3A_65, %swap3A_66], %swap3A_69 {strides = array<i32>} : memref<128x128xf32, #tpu.memory_space<vmem>>, vector<1x16xf32>,
      %broadcast_in_dim3A_70 = arith.constant 0.000000e+00 : f32
      %broadcast_in_dim3A_71 = vector.broadcast %broadcast_in_dim3A_70 : f32 to vector<16xf32>
      %swap3A_72 = arith.index_cast %scan3A_36 : i32 to index
      %swap3A_73 = arith.constant 80 : index
      %swap3A_74 = tpu.vector_load %arg10[%swap3A_72, %swap3A_73] {strides = array<i32>} : memref<128x128xf32, #tpu.memory_space<vmem>>, vector<1x16xf32>,
      %swap3A_75 = vector.shape_cast %swap3A_74 : vector<1x16xf32> to vector<16xf32>
      %swap3A_76 = vector.shape_cast %broadcast_in_dim3A_71 : vector<16xf32> to vector<1x16xf32>
      tpu.vector_store %arg10[%swap3A_72, %swap3A_73], %swap3A_76 {strides = array<i32>} : memref<128x128xf32, #tpu.memory_space<vmem>>, vector<1x16xf32>,
      %broadcast_in_dim3A_77 = arith.constant 0.000000e+00 : f32
      %broadcast_in_dim3A_78 = vector.broadcast %broadcast_in_dim3A_77 : f32 to vector<16xf32>
      %swap3A_79 = arith.index_cast %scan3A_36 : i32 to index
      %swap3A_80 = arith.constant 96 : index
      %swap3A_81 = tpu.vector_load %arg10[%swap3A_79, %swap3A_80] {strides = array<i32>} : memref<128x128xf32, #tpu.memory_space<vmem>>, vector<1x16xf32>,
      %swap3A_82 = vector.shape_cast %swap3A_81 : vector<1x16xf32> to vector<16xf32>
      %swap3A_83 = vector.shape_cast %broadcast_in_dim3A_78 : vector<16xf32> to vector<1x16xf32>
      tpu.vector_store %arg10[%swap3A_79, %swap3A_80], %swap3A_83 {strides = array<i32>} : memref<128x128xf32, #tpu.memory_space<vmem>>, vector<1x16xf32>,
      %broadcast_in_dim3A_84 = arith.constant 0.000000e+00 : f32
      %broadcast_in_dim3A_85 = vector.broadcast %broadcast_in_dim3A_84 : f32 to vector<16xf32>
      %swap3A_86 = arith.index_cast %scan3A_36 : i32 to index
      %swap3A_87 = arith.constant 112 : index
      %swap3A_88 = tpu.vector_load %arg10[%swap3A_86, %swap3A_87] {strides = array<i32>} : memref<128x128xf32, #tpu.memory_space<vmem>>, vector<1x16xf32>,
      %swap3A_89 = vector.shape_cast %swap3A_88 : vector<1x16xf32> to vector<16xf32>
      %swap3A_90 = vector.shape_cast %broadcast_in_dim3A_85 : vector<16xf32> to vector<1x16xf32>
      tpu.vector_store %arg10[%swap3A_86, %swap3A_87], %swap3A_90 {strides = array<i32>} : memref<128x128xf32, #tpu.memory_space<vmem>>, vector<1x16xf32>,
    }
    %scan3A_4 = arith.constant 128 : i32
    %mul3A = arith.constant 632 : i32
    %mul3A_5 = arith.muli %arg1, %mul3A : i32
    %add3A = arith.constant 0 : i32
    %add3A_6 = arith.addi %mul3A_5, %add3A : i32
    "tpu.region"() ({
      %run_scoped3A = tpu.sem_alloc : memref<!tpu.dma_semaphore, #tpu.memory_space<semaphore_mem>>
      %dma_start3A = arith.constant 0 : i32
      %dma_start3A_36 = arith.constant 0 : i32
      %dma_start3A_37 = tpu.memref_slice %arg10[%dma_start3A, %dma_start3A_36] : memref<128x128xf32, #tpu.memory_space<vmem>> -> memref<128x128xf32, #tpu.memory_space<vmem>>
      %dma_start3A_38 = arith.constant 0 : i32
      %dma_start3A_39 = tpu.memref_slice %arg12[%add3A_6, %dma_start3A_38] : memref<10112x128xf32, #tpu.memory_space<vmem_shared>> -> memref<128x128xf32, #tpu.memory_space<vmem_shared>>
      %dma_start3A_40 = arith.constant 0 : i32
      %dma_start3A_41 = tpu.memref_slice %arg12[%add3A_6, %dma_start3A_40] : memref<10112x128xf32, #tpu.memory_space<vmem_shared>> -> memref<128x128xf32, #tpu.memory_space<vmem_shared>>
      %dma_start3A_42 = arith.constant 0 : i32
      %dma_start3A_43 = arith.constant 0 : i32
      %dma_start3A_44 = tpu.memref_slice %arg10[%dma_start3A_42, %dma_start3A_43] : memref<128x128xf32, #tpu.memory_space<vmem>> -> memref<128x128xf32, #tpu.memory_space<vmem>>
      tpu.enqueue_dma source(%dma_start3A_44 : memref<128x128xf32, #tpu.memory_space<vmem>>) target(%dma_start3A_41 : memref<128x128xf32, #tpu.memory_space<vmem_shared>>) target_semaphore(%run_scoped3A : memref<!tpu.dma_semaphore, #tpu.memory_space<semaphore_mem>>)
      %dma_wait3A = arith.constant 0 : i32
      %dma_wait3A_45 = arith.constant 0 : i32
      %dma_wait3A_46 = tpu.memref_slice %arg10[%dma_wait3A, %dma_wait3A_45] : memref<128x128xf32, #tpu.memory_space<vmem>> -> memref<128x128xf32, #tpu.memory_space<vmem>>
      %dma_wait3A_47 = arith.constant 0 : i32
      %dma_wait3A_48 = tpu.memref_slice %arg12[%add3A_6, %dma_wait3A_47] : memref<10112x128xf32, #tpu.memory_space<vmem_shared>> -> memref<128x128xf32, #tpu.memory_space<vmem_shared>>
      %dma_wait3A_49 = arith.constant 0 : i32
      %dma_wait3A_50 = tpu.memref_slice %arg12[%add3A_6, %dma_wait3A_49] : memref<10112x128xf32, #tpu.memory_space<vmem_shared>> -> memref<128x128xf32, #tpu.memory_space<vmem_shared>>
      %dma_wait3A_51 = arith.constant 0 : i32
      %dma_wait3A_52 = arith.constant 0 : i32
      %dma_wait3A_53 = tpu.memref_slice %arg10[%dma_wait3A_51, %dma_wait3A_52] : memref<128x128xf32, #tpu.memory_space<vmem>> -> memref<128x128xf32, #tpu.memory_space<vmem>>
      tpu.wait_dma2 semaphore(%run_scoped3A : memref<!tpu.dma_semaphore, #tpu.memory_space<semaphore_mem>>) src(%dma_wait3A_53 : memref<128x128xf32, #tpu.memory_space<vmem>>) dst(%dma_wait3A_50 : memref<128x128xf32, #tpu.memory_space<vmem_shared>>)
      tpu.yield
    }) : () -> ()
    %mul3A_7 = arith.constant 632 : i32
    %mul3A_8 = arith.muli %arg1, %mul3A_7 : i32
    %add3A_9 = arith.constant 128 : i32
    %add3A_10 = arith.addi %mul3A_8, %add3A_9 : i32
    "tpu.region"() ({
      %run_scoped3A = tpu.sem_alloc : memref<!tpu.dma_semaphore, #tpu.memory_space<semaphore_mem>>
      %dma_start3A = arith.constant 0 : i32
      %dma_start3A_36 = arith.constant 0 : i32
      %dma_start3A_37 = tpu.memref_slice %arg10[%dma_start3A, %dma_start3A_36] : memref<128x128xf32, #tpu.memory_space<vmem>> -> memref<128x128xf32, #tpu.memory_space<vmem>>
      %dma_start3A_38 = arith.constant 0 : i32
      %dma_start3A_39 = tpu.memref_slice %arg12[%add3A_10, %dma_start3A_38] : memref<10112x128xf32, #tpu.memory_space<vmem_shared>> -> memref<128x128xf32, #tpu.memory_space<vmem_shared>>
      %dma_start3A_40 = arith.constant 0 : i32
      %dma_start3A_41 = tpu.memref_slice %arg12[%add3A_10, %dma_start3A_40] : memref<10112x128xf32, #tpu.memory_space<vmem_shared>> -> memref<128x128xf32, #tpu.memory_space<vmem_shared>>
      %dma_start3A_42 = arith.constant 0 : i32
      %dma_start3A_43 = arith.constant 0 : i32
      %dma_start3A_44 = tpu.memref_slice %arg10[%dma_start3A_42, %dma_start3A_43] : memref<128x128xf32, #tpu.memory_space<vmem>> -> memref<128x128xf32, #tpu.memory_space<vmem>>
      tpu.enqueue_dma source(%dma_start3A_44 : memref<128x128xf32, #tpu.memory_space<vmem>>) target(%dma_start3A_41 : memref<128x128xf32, #tpu.memory_space<vmem_shared>>) target_semaphore(%run_scoped3A : memref<!tpu.dma_semaphore, #tpu.memory_space<semaphore_mem>>)
      %dma_wait3A = arith.constant 0 : i32
      %dma_wait3A_45 = arith.constant 0 : i32
      %dma_wait3A_46 = tpu.memref_slice %arg10[%dma_wait3A, %dma_wait3A_45] : memref<128x128xf32, #tpu.memory_space<vmem>> -> memref<128x128xf32, #tpu.memory_space<vmem>>
      %dma_wait3A_47 = arith.constant 0 : i32
      %dma_wait3A_48 = tpu.memref_slice %arg12[%add3A_10, %dma_wait3A_47] : memref<10112x128xf32, #tpu.memory_space<vmem_shared>> -> memref<128x128xf32, #tpu.memory_space<vmem_shared>>
      %dma_wait3A_49 = arith.constant 0 : i32
      %dma_wait3A_50 = tpu.memref_slice %arg12[%add3A_10, %dma_wait3A_49] : memref<10112x128xf32, #tpu.memory_space<vmem_shared>> -> memref<128x128xf32, #tpu.memory_space<vmem_shared>>
      %dma_wait3A_51 = arith.constant 0 : i32
      %dma_wait3A_52 = arith.constant 0 : i32
      %dma_wait3A_53 = tpu.memref_slice %arg10[%dma_wait3A_51, %dma_wait3A_52] : memref<128x128xf32, #tpu.memory_space<vmem>> -> memref<128x128xf32, #tpu.memory_space<vmem>>
      tpu.wait_dma2 semaphore(%run_scoped3A : memref<!tpu.dma_semaphore, #tpu.memory_space<semaphore_mem>>) src(%dma_wait3A_53 : memref<128x128xf32, #tpu.memory_space<vmem>>) dst(%dma_wait3A_50 : memref<128x128xf32, #tpu.memory_space<vmem_shared>>)
      tpu.yield
    }) : () -> ()
    %mul3A_11 = arith.constant 632 : i32
    %mul3A_12 = arith.muli %arg1, %mul3A_11 : i32
    %add3A_13 = arith.constant 256 : i32
    %add3A_14 = arith.addi %mul3A_12, %add3A_13 : i32
    "tpu.region"() ({
      %run_scoped3A = tpu.sem_alloc : memref<!tpu.dma_semaphore, #tpu.memory_space<semaphore_mem>>
      %dma_start3A = arith.constant 0 : i32
      %dma_start3A_36 = arith.constant 0 : i32
      %dma_start3A_37 = tpu.memref_slice %arg10[%dma_start3A, %dma_start3A_36] : memref<128x128xf32, #tpu.memory_space<vmem>> -> memref<128x128xf32, #tpu.memory_space<vmem>>
      %dma_start3A_38 = arith.constant 0 : i32
      %dma_start3A_39 = tpu.memref_slice %arg12[%add3A_14, %dma_start3A_38] : memref<10112x128xf32, #tpu.memory_space<vmem_shared>> -> memref<128x128xf32, #tpu.memory_space<vmem_shared>>
      %dma_start3A_40 = arith.constant 0 : i32
      %dma_start3A_41 = tpu.memref_slice %arg12[%add3A_14, %dma_start3A_40] : memref<10112x128xf32, #tpu.memory_space<vmem_shared>> -> memref<128x128xf32, #tpu.memory_space<vmem_shared>>
      %dma_start3A_42 = arith.constant 0 : i32
      %dma_start3A_43 = arith.constant 0 : i32
      %dma_start3A_44 = tpu.memref_slice %arg10[%dma_start3A_42, %dma_start3A_43] : memref<128x128xf32, #tpu.memory_space<vmem>> -> memref<128x128xf32, #tpu.memory_space<vmem>>
      tpu.enqueue_dma source(%dma_start3A_44 : memref<128x128xf32, #tpu.memory_space<vmem>>) target(%dma_start3A_41 : memref<128x128xf32, #tpu.memory_space<vmem_shared>>) target_semaphore(%run_scoped3A : memref<!tpu.dma_semaphore, #tpu.memory_space<semaphore_mem>>)
      %dma_wait3A = arith.constant 0 : i32
      %dma_wait3A_45 = arith.constant 0 : i32
      %dma_wait3A_46 = tpu.memref_slice %arg10[%dma_wait3A, %dma_wait3A_45] : memref<128x128xf32, #tpu.memory_space<vmem>> -> memref<128x128xf32, #tpu.memory_space<vmem>>
      %dma_wait3A_47 = arith.constant 0 : i32
      %dma_wait3A_48 = tpu.memref_slice %arg12[%add3A_14, %dma_wait3A_47] : memref<10112x128xf32, #tpu.memory_space<vmem_shared>> -> memref<128x128xf32, #tpu.memory_space<vmem_shared>>
      %dma_wait3A_49 = arith.constant 0 : i32
      %dma_wait3A_50 = tpu.memref_slice %arg12[%add3A_14, %dma_wait3A_49] : memref<10112x128xf32, #tpu.memory_space<vmem_shared>> -> memref<128x128xf32, #tpu.memory_space<vmem_shared>>
      %dma_wait3A_51 = arith.constant 0 : i32
      %dma_wait3A_52 = arith.constant 0 : i32
      %dma_wait3A_53 = tpu.memref_slice %arg10[%dma_wait3A_51, %dma_wait3A_52] : memref<128x128xf32, #tpu.memory_space<vmem>> -> memref<128x128xf32, #tpu.memory_space<vmem>>
      tpu.wait_dma2 semaphore(%run_scoped3A : memref<!tpu.dma_semaphore, #tpu.memory_space<semaphore_mem>>) src(%dma_wait3A_53 : memref<128x128xf32, #tpu.memory_space<vmem>>) dst(%dma_wait3A_50 : memref<128x128xf32, #tpu.memory_space<vmem_shared>>)
      tpu.yield
    }) : () -> ()
    %mul3A_15 = arith.constant 632 : i32
    %mul3A_16 = arith.muli %arg1, %mul3A_15 : i32
    %add3A_17 = arith.constant 384 : i32
    %add3A_18 = arith.addi %mul3A_16, %add3A_17 : i32
    "tpu.region"() ({
      %run_scoped3A = tpu.sem_alloc : memref<!tpu.dma_semaphore, #tpu.memory_space<semaphore_mem>>
      %dma_start3A = arith.constant 0 : i32
      %dma_start3A_36 = arith.constant 0 : i32
      %dma_start3A_37 = tpu.memref_slice %arg10[%dma_start3A, %dma_start3A_36] : memref<128x128xf32, #tpu.memory_space<vmem>> -> memref<128x128xf32, #tpu.memory_space<vmem>>
      %dma_start3A_38 = arith.constant 0 : i32
      %dma_start3A_39 = tpu.memref_slice %arg12[%add3A_18, %dma_start3A_38] : memref<10112x128xf32, #tpu.memory_space<vmem_shared>> -> memref<128x128xf32, #tpu.memory_space<vmem_shared>>
      %dma_start3A_40 = arith.constant 0 : i32
      %dma_start3A_41 = tpu.memref_slice %arg12[%add3A_18, %dma_start3A_40] : memref<10112x128xf32, #tpu.memory_space<vmem_shared>> -> memref<128x128xf32, #tpu.memory_space<vmem_shared>>
      %dma_start3A_42 = arith.constant 0 : i32
      %dma_start3A_43 = arith.constant 0 : i32
      %dma_start3A_44 = tpu.memref_slice %arg10[%dma_start3A_42, %dma_start3A_43] : memref<128x128xf32, #tpu.memory_space<vmem>> -> memref<128x128xf32, #tpu.memory_space<vmem>>
      tpu.enqueue_dma source(%dma_start3A_44 : memref<128x128xf32, #tpu.memory_space<vmem>>) target(%dma_start3A_41 : memref<128x128xf32, #tpu.memory_space<vmem_shared>>) target_semaphore(%run_scoped3A : memref<!tpu.dma_semaphore, #tpu.memory_space<semaphore_mem>>)
      %dma_wait3A = arith.constant 0 : i32
      %dma_wait3A_45 = arith.constant 0 : i32
      %dma_wait3A_46 = tpu.memref_slice %arg10[%dma_wait3A, %dma_wait3A_45] : memref<128x128xf32, #tpu.memory_space<vmem>> -> memref<128x128xf32, #tpu.memory_space<vmem>>
      %dma_wait3A_47 = arith.constant 0 : i32
      %dma_wait3A_48 = tpu.memref_slice %arg12[%add3A_18, %dma_wait3A_47] : memref<10112x128xf32, #tpu.memory_space<vmem_shared>> -> memref<128x128xf32, #tpu.memory_space<vmem_shared>>
      %dma_wait3A_49 = arith.constant 0 : i32
      %dma_wait3A_50 = tpu.memref_slice %arg12[%add3A_18, %dma_wait3A_49] : memref<10112x128xf32, #tpu.memory_space<vmem_shared>> -> memref<128x128xf32, #tpu.memory_space<vmem_shared>>
      %dma_wait3A_51 = arith.constant 0 : i32
      %dma_wait3A_52 = arith.constant 0 : i32
      %dma_wait3A_53 = tpu.memref_slice %arg10[%dma_wait3A_51, %dma_wait3A_52] : memref<128x128xf32, #tpu.memory_space<vmem>> -> memref<128x128xf32, #tpu.memory_space<vmem>>
      tpu.wait_dma2 semaphore(%run_scoped3A : memref<!tpu.dma_semaphore, #tpu.memory_space<semaphore_mem>>) src(%dma_wait3A_53 : memref<128x128xf32, #tpu.memory_space<vmem>>) dst(%dma_wait3A_50 : memref<128x128xf32, #tpu.memory_space<vmem_shared>>)
      tpu.yield
    }) : () -> ()
    %mul3A_19 = arith.constant 632 : i32
    %mul3A_20 = arith.muli %arg1, %mul3A_19 : i32
    %add3A_21 = arith.constant 512 : i32
    %add3A_22 = arith.addi %mul3A_20, %add3A_21 : i32
    "tpu.region"() ({
      %run_scoped3A = tpu.sem_alloc : memref<!tpu.dma_semaphore, #tpu.memory_space<semaphore_mem>>
      %dma_start3A = arith.constant 0 : i32
      %dma_start3A_36 = arith.constant 0 : i32
      %dma_start3A_37 = tpu.memref_slice %arg10[%dma_start3A, %dma_start3A_36] : memref<128x128xf32, #tpu.memory_space<vmem>> -> memref<120x128xf32, #tpu.memory_space<vmem>>
      %dma_start3A_38 = arith.constant 0 : i32
      %dma_start3A_39 = tpu.memref_slice %arg12[%add3A_22, %dma_start3A_38] : memref<10112x128xf32, #tpu.memory_space<vmem_shared>> -> memref<120x128xf32, #tpu.memory_space<vmem_shared>>
      %dma_start3A_40 = arith.constant 0 : i32
      %dma_start3A_41 = tpu.memref_slice %arg12[%add3A_22, %dma_start3A_40] : memref<10112x128xf32, #tpu.memory_space<vmem_shared>> -> memref<120x128xf32, #tpu.memory_space<vmem_shared>>
      %dma_start3A_42 = arith.constant 0 : i32
      %dma_start3A_43 = arith.constant 0 : i32
      %dma_start3A_44 = tpu.memref_slice %arg10[%dma_start3A_42, %dma_start3A_43] : memref<128x128xf32, #tpu.memory_space<vmem>> -> memref<120x128xf32, #tpu.memory_space<vmem>>
      tpu.enqueue_dma source(%dma_start3A_44 : memref<120x128xf32, #tpu.memory_space<vmem>>) target(%dma_start3A_41 : memref<120x128xf32, #tpu.memory_space<vmem_shared>>) target_semaphore(%run_scoped3A : memref<!tpu.dma_semaphore, #tpu.memory_space<semaphore_mem>>)
      %dma_wait3A = arith.constant 0 : i32
      %dma_wait3A_45 = arith.constant 0 : i32
      %dma_wait3A_46 = tpu.memref_slice %arg10[%dma_wait3A, %dma_wait3A_45] : memref<128x128xf32, #tpu.memory_space<vmem>> -> memref<120x128xf32, #tpu.memory_space<vmem>>
      %dma_wait3A_47 = arith.constant 0 : i32
      %dma_wait3A_48 = tpu.memref_slice %arg12[%add3A_22, %dma_wait3A_47] : memref<10112x128xf32, #tpu.memory_space<vmem_shared>> -> memref<120x128xf32, #tpu.memory_space<vmem_shared>>
      %dma_wait3A_49 = arith.constant 0 : i32
      %dma_wait3A_50 = tpu.memref_slice %arg12[%add3A_22, %dma_wait3A_49] : memref<10112x128xf32, #tpu.memory_space<vmem_shared>> -> memref<120x128xf32, #tpu.memory_space<vmem_shared>>
      %dma_wait3A_51 = arith.constant 0 : i32
      %dma_wait3A_52 = arith.constant 0 : i32
      %dma_wait3A_53 = tpu.memref_slice %arg10[%dma_wait3A_51, %dma_wait3A_52] : memref<128x128xf32, #tpu.memory_space<vmem>> -> memref<120x128xf32, #tpu.memory_space<vmem>>
      tpu.wait_dma2 semaphore(%run_scoped3A : memref<!tpu.dma_semaphore, #tpu.memory_space<semaphore_mem>>) src(%dma_wait3A_53 : memref<120x128xf32, #tpu.memory_space<vmem>>) dst(%dma_wait3A_50 : memref<120x128xf32, #tpu.memory_space<vmem_shared>>)
      tpu.yield
    }) : () -> ()
    "tpu.region"() ({
      %run_scoped3A = tpu.sem_alloc : memref<!tpu.dma_semaphore, #tpu.memory_space<semaphore_mem>>
      %dma_start3A = arith.constant 0 : i32
      %dma_start3A_36 = arith.constant 0 : i32
      %dma_start3A_37 = tpu.memref_slice %arg4[%arg1, %dma_start3A, %dma_start3A_36] : memref<16x80x128xi32, #tpu.memory_space<hbm>> -> memref<1x80x128xi32, #tpu.memory_space<hbm>>
      %dma_start3A_38 = tpu.memref_squeeze %dma_start3A_37 : memref<1x80x128xi32, #tpu.memory_space<hbm>> -> memref<80x128xi32, #tpu.memory_space<hbm>>
      %dma_start3A_39 = arith.constant 0 : i32
      %dma_start3A_40 = arith.constant 0 : i32
      %dma_start3A_41 = tpu.memref_slice %arg4[%arg1, %dma_start3A_39, %dma_start3A_40] : memref<16x80x128xi32, #tpu.memory_space<hbm>> -> memref<1x80x128xi32, #tpu.memory_space<hbm>>
      %dma_start3A_42 = tpu.memref_squeeze %dma_start3A_41 : memref<1x80x128xi32, #tpu.memory_space<hbm>> -> memref<80x128xi32, #tpu.memory_space<hbm>>
      tpu.enqueue_dma source(%dma_start3A_42 : memref<80x128xi32, #tpu.memory_space<hbm>>) target(%arg8 : memref<80x128xi32, #tpu.memory_space<vmem>>) target_semaphore(%run_scoped3A : memref<!tpu.dma_semaphore, #tpu.memory_space<semaphore_mem>>)
      %dma_wait3A = arith.constant 0 : i32
      %dma_wait3A_43 = arith.constant 0 : i32
      %dma_wait3A_44 = tpu.memref_slice %arg4[%arg1, %dma_wait3A, %dma_wait3A_43] : memref<16x80x128xi32, #tpu.memory_space<hbm>> -> memref<1x80x128xi32, #tpu.memory_space<hbm>>
      %dma_wait3A_45 = tpu.memref_squeeze %dma_wait3A_44 : memref<1x80x128xi32, #tpu.memory_space<hbm>> -> memref<80x128xi32, #tpu.memory_space<hbm>>
      %dma_wait3A_46 = arith.constant 0 : i32
      %dma_wait3A_47 = arith.constant 0 : i32
      %dma_wait3A_48 = tpu.memref_slice %arg4[%arg1, %dma_wait3A_46, %dma_wait3A_47] : memref<16x80x128xi32, #tpu.memory_space<hbm>> -> memref<1x80x128xi32, #tpu.memory_space<hbm>>
      %dma_wait3A_49 = tpu.memref_squeeze %dma_wait3A_48 : memref<1x80x128xi32, #tpu.memory_space<hbm>> -> memref<80x128xi32, #tpu.memory_space<hbm>>
      tpu.wait_dma2 semaphore(%run_scoped3A : memref<!tpu.dma_semaphore, #tpu.memory_space<semaphore_mem>>) src(%dma_wait3A_49 : memref<80x128xi32, #tpu.memory_space<hbm>>) dst(%arg8 : memref<80x128xi32, #tpu.memory_space<vmem>>)
      tpu.yield
    }) : () -> ()
    %barrier3A = arith.constant 0 : index
    tpu.barrier barrier_id(%barrier3A)
    %mul3A_23 = arith.constant 10240 : i32
    %mul3A_24 = arith.muli %arg1, %mul3A_23 : i32
    %mul3A_25 = arith.constant 10000 : i32
    %mul3A_26 = arith.muli %arg0, %mul3A_25 : i32
    %scan3A_27 = arith.constant 0 : i32
    %scan3A_28 = arith.constant 0 : i32
    %scan3A_29 = arith.constant 40 : i32
    %scan3A_30 = arith.addi %scan3A_28, %scan3A_29 : i32
    %scan3A_31 = arith.constant 1 : i32
    scf.for %scan3A_36 = %scan3A_28 to %scan3A_30 step %scan3A_31  : i32 {
      %mul3A_37 = arith.constant 256 : i32
      %mul3A_38 = arith.muli %scan3A_36, %mul3A_37 : i32
      %add3A_39 = arith.addi %mul3A_24, %mul3A_38 : i32
      "tpu.region"() ({
        %run_scoped3A = tpu.sem_alloc : memref<!tpu.dma_semaphore, #tpu.memory_space<semaphore_mem>>
        %dma_start3A_254 = tpu.memref_slice %arg3[%add3A_39] : memref<163968xi32, #tpu.memory_space<hbm>> -> memref<256xi32, #tpu.memory_space<hbm>>
        %dma_start3A_255 = tpu.memref_slice %arg3[%add3A_39] : memref<163968xi32, #tpu.memory_space<hbm>> -> memref<256xi32, #tpu.memory_space<hbm>>
        tpu.enqueue_dma source(%dma_start3A_255 : memref<256xi32, #tpu.memory_space<hbm>>) target(%arg7 : memref<256xi32, #tpu.memory_space<vmem>>) target_semaphore(%run_scoped3A : memref<!tpu.dma_semaphore, #tpu.memory_space<semaphore_mem>>)
        %dma_wait3A_256 = tpu.memref_slice %arg3[%add3A_39] : memref<163968xi32, #tpu.memory_space<hbm>> -> memref<256xi32, #tpu.memory_space<hbm>>
        %dma_wait3A_257 = tpu.memref_slice %arg3[%add3A_39] : memref<163968xi32, #tpu.memory_space<hbm>> -> memref<256xi32, #tpu.memory_space<hbm>>
        tpu.wait_dma2 semaphore(%run_scoped3A : memref<!tpu.dma_semaphore, #tpu.memory_space<semaphore_mem>>) src(%dma_wait3A_257 : memref<256xi32, #tpu.memory_space<hbm>>) dst(%arg7 : memref<256xi32, #tpu.memory_space<vmem>>)
        tpu.yield
      }) : () -> ()
      %mul3A_40 = arith.constant 16 : i32
      %mul3A_41 = arith.muli %add3A_39, %mul3A_40 : i32
      "tpu.region"() ({
        %run_scoped3A = tpu.sem_alloc : memref<!tpu.dma_semaphore, #tpu.memory_space<semaphore_mem>>
        %dma_start3A_254 = tpu.memref_slice %arg5[%mul3A_41] : memref<2623488xf32, #tpu.memory_space<hbm>> -> memref<4096xf32, #tpu.memory_space<hbm>>
        %dma_start3A_255 = tpu.memref_slice %arg5[%mul3A_41] : memref<2623488xf32, #tpu.memory_space<hbm>> -> memref<4096xf32, #tpu.memory_space<hbm>>
        tpu.enqueue_dma source(%dma_start3A_255 : memref<4096xf32, #tpu.memory_space<hbm>>) target(%arg9 : memref<4096xf32, #tpu.memory_space<vmem>>) target_semaphore(%run_scoped3A : memref<!tpu.dma_semaphore, #tpu.memory_space<semaphore_mem>>)
        %dma_wait3A_256 = tpu.memref_slice %arg5[%mul3A_41] : memref<2623488xf32, #tpu.memory_space<hbm>> -> memref<4096xf32, #tpu.memory_space<hbm>>
        %dma_wait3A_257 = tpu.memref_slice %arg5[%mul3A_41] : memref<2623488xf32, #tpu.memory_space<hbm>> -> memref<4096xf32, #tpu.memory_space<hbm>>
        tpu.wait_dma2 semaphore(%run_scoped3A : memref<!tpu.dma_semaphore, #tpu.memory_space<semaphore_mem>>) src(%dma_wait3A_257 : memref<4096xf32, #tpu.memory_space<hbm>>) dst(%arg9 : memref<4096xf32, #tpu.memory_space<vmem>>)
        tpu.yield
      }) : () -> ()
      %get3A = arith.constant 0 : index
      %get3A_42 = tpu.vector_load %arg7[%get3A] {strides = array<i32>} : memref<256xi32, #tpu.memory_space<vmem>>, vector<16xi32>,
      %get3A_43 = vector.shape_cast %get3A_42 : vector<16xi32> to vector<16xi32>
      %add3A_44 = vector.broadcast %mul3A_26 : i32 to vector<16xi32>
      %add3A_45 = arith.addi %get3A_43, %add3A_44 : vector<16xi32>
      %swap3A = arith.constant 0 : index
      %swap3A_46 = tpu.vector_load %arg7[%swap3A] {strides = array<i32>} : memref<256xi32, #tpu.memory_space<vmem>>, vector<16xi32>,
      %swap3A_47 = vector.shape_cast %swap3A_46 : vector<16xi32> to vector<16xi32>
      %swap3A_48 = vector.shape_cast %add3A_45 : vector<16xi32> to vector<16xi32>
      tpu.vector_store %arg7[%swap3A], %swap3A_48 {strides = array<i32>} : memref<256xi32, #tpu.memory_space<vmem>>, vector<16xi32>,
      %get3A_49 = arith.constant 16 : index
      %get3A_50 = tpu.vector_load %arg7[%get3A_49] {strides = array<i32>} : memref<256xi32, #tpu.memory_space<vmem>>, vector<16xi32>,
      %get3A_51 = vector.shape_cast %get3A_50 : vector<16xi32> to vector<16xi32>
      %add3A_52 = vector.broadcast %mul3A_26 : i32 to vector<16xi32>
      %add3A_53 = arith.addi %get3A_51, %add3A_52 : vector<16xi32>
      %swap3A_54 = arith.constant 16 : index
      %swap3A_55 = tpu.vector_load %arg7[%swap3A_54] {strides = array<i32>} : memref<256xi32, #tpu.memory_space<vmem>>, vector<16xi32>,
      %swap3A_56 = vector.shape_cast %swap3A_55 : vector<16xi32> to vector<16xi32>
      %swap3A_57 = vector.shape_cast %add3A_53 : vector<16xi32> to vector<16xi32>
      tpu.vector_store %arg7[%swap3A_54], %swap3A_57 {strides = array<i32>} : memref<256xi32, #tpu.memory_space<vmem>>, vector<16xi32>,
      %get3A_58 = arith.constant 32 : index
      %get3A_59 = tpu.vector_load %arg7[%get3A_58] {strides = array<i32>} : memref<256xi32, #tpu.memory_space<vmem>>, vector<16xi32>,
      %get3A_60 = vector.shape_cast %get3A_59 : vector<16xi32> to vector<16xi32>
      %add3A_61 = vector.broadcast %mul3A_26 : i32 to vector<16xi32>
      %add3A_62 = arith.addi %get3A_60, %add3A_61 : vector<16xi32>
      %swap3A_63 = arith.constant 32 : index
      %swap3A_64 = tpu.vector_load %arg7[%swap3A_63] {strides = array<i32>} : memref<256xi32, #tpu.memory_space<vmem>>, vector<16xi32>,
      %swap3A_65 = vector.shape_cast %swap3A_64 : vector<16xi32> to vector<16xi32>
      %swap3A_66 = vector.shape_cast %add3A_62 : vector<16xi32> to vector<16xi32>
      tpu.vector_store %arg7[%swap3A_63], %swap3A_66 {strides = array<i32>} : memref<256xi32, #tpu.memory_space<vmem>>, vector<16xi32>,
      %get3A_67 = arith.constant 48 : index
      %get3A_68 = tpu.vector_load %arg7[%get3A_67] {strides = array<i32>} : memref<256xi32, #tpu.memory_space<vmem>>, vector<16xi32>,
      %get3A_69 = vector.shape_cast %get3A_68 : vector<16xi32> to vector<16xi32>
      %add3A_70 = vector.broadcast %mul3A_26 : i32 to vector<16xi32>
      %add3A_71 = arith.addi %get3A_69, %add3A_70 : vector<16xi32>
      %swap3A_72 = arith.constant 48 : index
      %swap3A_73 = tpu.vector_load %arg7[%swap3A_72] {strides = array<i32>} : memref<256xi32, #tpu.memory_space<vmem>>, vector<16xi32>,
      %swap3A_74 = vector.shape_cast %swap3A_73 : vector<16xi32> to vector<16xi32>
      %swap3A_75 = vector.shape_cast %add3A_71 : vector<16xi32> to vector<16xi32>
      tpu.vector_store %arg7[%swap3A_72], %swap3A_75 {strides = array<i32>} : memref<256xi32, #tpu.memory_space<vmem>>, vector<16xi32>,
      %get3A_76 = arith.constant 64 : index
      %get3A_77 = tpu.vector_load %arg7[%get3A_76] {strides = array<i32>} : memref<256xi32, #tpu.memory_space<vmem>>, vector<16xi32>,
      %get3A_78 = vector.shape_cast %get3A_77 : vector<16xi32> to vector<16xi32>
      %add3A_79 = vector.broadcast %mul3A_26 : i32 to vector<16xi32>
      %add3A_80 = arith.addi %get3A_78, %add3A_79 : vector<16xi32>
      %swap3A_81 = arith.constant 64 : index
      %swap3A_82 = tpu.vector_load %arg7[%swap3A_81] {strides = array<i32>} : memref<256xi32, #tpu.memory_space<vmem>>, vector<16xi32>,
      %swap3A_83 = vector.shape_cast %swap3A_82 : vector<16xi32> to vector<16xi32>
      %swap3A_84 = vector.shape_cast %add3A_80 : vector<16xi32> to vector<16xi32>
      tpu.vector_store %arg7[%swap3A_81], %swap3A_84 {strides = array<i32>} : memref<256xi32, #tpu.memory_space<vmem>>, vector<16xi32>,
      %get3A_85 = arith.constant 80 : index
      %get3A_86 = tpu.vector_load %arg7[%get3A_85] {strides = array<i32>} : memref<256xi32, #tpu.memory_space<vmem>>, vector<16xi32>,
      %get3A_87 = vector.shape_cast %get3A_86 : vector<16xi32> to vector<16xi32>
      %add3A_88 = vector.broadcast %mul3A_26 : i32 to vector<16xi32>
      %add3A_89 = arith.addi %get3A_87, %add3A_88 : vector<16xi32>
      %swap3A_90 = arith.constant 80 : index
      %swap3A_91 = tpu.vector_load %arg7[%swap3A_90] {strides = array<i32>} : memref<256xi32, #tpu.memory_space<vmem>>, vector<16xi32>,
      %swap3A_92 = vector.shape_cast %swap3A_91 : vector<16xi32> to vector<16xi32>
      %swap3A_93 = vector.shape_cast %add3A_89 : vector<16xi32> to vector<16xi32>
      tpu.vector_store %arg7[%swap3A_90], %swap3A_93 {strides = array<i32>} : memref<256xi32, #tpu.memory_space<vmem>>, vector<16xi32>,
      %get3A_94 = arith.constant 96 : index
      %get3A_95 = tpu.vector_load %arg7[%get3A_94] {strides = array<i32>} : memref<256xi32, #tpu.memory_space<vmem>>, vector<16xi32>,
      %get3A_96 = vector.shape_cast %get3A_95 : vector<16xi32> to vector<16xi32>
      %add3A_97 = vector.broadcast %mul3A_26 : i32 to vector<16xi32>
      %add3A_98 = arith.addi %get3A_96, %add3A_97 : vector<16xi32>
      %swap3A_99 = arith.constant 96 : index
      %swap3A_100 = tpu.vector_load %arg7[%swap3A_99] {strides = array<i32>} : memref<256xi32, #tpu.memory_space<vmem>>, vector<16xi32>,
      %swap3A_101 = vector.shape_cast %swap3A_100 : vector<16xi32> to vector<16xi32>
      %swap3A_102 = vector.shape_cast %add3A_98 : vector<16xi32> to vector<16xi32>
      tpu.vector_store %arg7[%swap3A_99], %swap3A_102 {strides = array<i32>} : memref<256xi32, #tpu.memory_space<vmem>>, vector<16xi32>,
      %get3A_103 = arith.constant 112 : index
      %get3A_104 = tpu.vector_load %arg7[%get3A_103] {strides = array<i32>} : memref<256xi32, #tpu.memory_space<vmem>>, vector<16xi32>,
      %get3A_105 = vector.shape_cast %get3A_104 : vector<16xi32> to vector<16xi32>
      %add3A_106 = vector.broadcast %mul3A_26 : i32 to vector<16xi32>
      %add3A_107 = arith.addi %get3A_105, %add3A_106 : vector<16xi32>
      %swap3A_108 = arith.constant 112 : index
      %swap3A_109 = tpu.vector_load %arg7[%swap3A_108] {strides = array<i32>} : memref<256xi32, #tpu.memory_space<vmem>>, vector<16xi32>,
      %swap3A_110 = vector.shape_cast %swap3A_109 : vector<16xi32> to vector<16xi32>
      %swap3A_111 = vector.shape_cast %add3A_107 : vector<16xi32> to vector<16xi32>
      tpu.vector_store %arg7[%swap3A_108], %swap3A_111 {strides = array<i32>} : memref<256xi32, #tpu.memory_space<vmem>>, vector<16xi32>,
      %get3A_112 = arith.constant 128 : index
      %get3A_113 = tpu.vector_load %arg7[%get3A_112] {strides = array<i32>} : memref<256xi32, #tpu.memory_space<vmem>>, vector<16xi32>,
      %get3A_114 = vector.shape_cast %get3A_113 : vector<16xi32> to vector<16xi32>
      %add3A_115 = vector.broadcast %mul3A_26 : i32 to vector<16xi32>
      %add3A_116 = arith.addi %get3A_114, %add3A_115 : vector<16xi32>
      %swap3A_117 = arith.constant 128 : index
      %swap3A_118 = tpu.vector_load %arg7[%swap3A_117] {strides = array<i32>} : memref<256xi32, #tpu.memory_space<vmem>>, vector<16xi32>,
      %swap3A_119 = vector.shape_cast %swap3A_118 : vector<16xi32> to vector<16xi32>
      %swap3A_120 = vector.shape_cast %add3A_116 : vector<16xi32> to vector<16xi32>
      tpu.vector_store %arg7[%swap3A_117], %swap3A_120 {strides = array<i32>} : memref<256xi32, #tpu.memory_space<vmem>>, vector<16xi32>,
      %get3A_121 = arith.constant 144 : index
      %get3A_122 = tpu.vector_load %arg7[%get3A_121] {strides = array<i32>} : memref<256xi32, #tpu.memory_space<vmem>>, vector<16xi32>,
      %get3A_123 = vector.shape_cast %get3A_122 : vector<16xi32> to vector<16xi32>
      %add3A_124 = vector.broadcast %mul3A_26 : i32 to vector<16xi32>
      %add3A_125 = arith.addi %get3A_123, %add3A_124 : vector<16xi32>
      %swap3A_126 = arith.constant 144 : index
      %swap3A_127 = tpu.vector_load %arg7[%swap3A_126] {strides = array<i32>} : memref<256xi32, #tpu.memory_space<vmem>>, vector<16xi32>,
      %swap3A_128 = vector.shape_cast %swap3A_127 : vector<16xi32> to vector<16xi32>
      %swap3A_129 = vector.shape_cast %add3A_125 : vector<16xi32> to vector<16xi32>
      tpu.vector_store %arg7[%swap3A_126], %swap3A_129 {strides = array<i32>} : memref<256xi32, #tpu.memory_space<vmem>>, vector<16xi32>,
      %get3A_130 = arith.constant 160 : index
      %get3A_131 = tpu.vector_load %arg7[%get3A_130] {strides = array<i32>} : memref<256xi32, #tpu.memory_space<vmem>>, vector<16xi32>,
      %get3A_132 = vector.shape_cast %get3A_131 : vector<16xi32> to vector<16xi32>
      %add3A_133 = vector.broadcast %mul3A_26 : i32 to vector<16xi32>
      %add3A_134 = arith.addi %get3A_132, %add3A_133 : vector<16xi32>
      %swap3A_135 = arith.constant 160 : index
      %swap3A_136 = tpu.vector_load %arg7[%swap3A_135] {strides = array<i32>} : memref<256xi32, #tpu.memory_space<vmem>>, vector<16xi32>,
      %swap3A_137 = vector.shape_cast %swap3A_136 : vector<16xi32> to vector<16xi32>
      %swap3A_138 = vector.shape_cast %add3A_134 : vector<16xi32> to vector<16xi32>
      tpu.vector_store %arg7[%swap3A_135], %swap3A_138 {strides = array<i32>} : memref<256xi32, #tpu.memory_space<vmem>>, vector<16xi32>,
      %get3A_139 = arith.constant 176 : index
      %get3A_140 = tpu.vector_load %arg7[%get3A_139] {strides = array<i32>} : memref<256xi32, #tpu.memory_space<vmem>>, vector<16xi32>,
      %get3A_141 = vector.shape_cast %get3A_140 : vector<16xi32> to vector<16xi32>
      %add3A_142 = vector.broadcast %mul3A_26 : i32 to vector<16xi32>
      %add3A_143 = arith.addi %get3A_141, %add3A_142 : vector<16xi32>
      %swap3A_144 = arith.constant 176 : index
      %swap3A_145 = tpu.vector_load %arg7[%swap3A_144] {strides = array<i32>} : memref<256xi32, #tpu.memory_space<vmem>>, vector<16xi32>,
      %swap3A_146 = vector.shape_cast %swap3A_145 : vector<16xi32> to vector<16xi32>
      %swap3A_147 = vector.shape_cast %add3A_143 : vector<16xi32> to vector<16xi32>
      tpu.vector_store %arg7[%swap3A_144], %swap3A_147 {strides = array<i32>} : memref<256xi32, #tpu.memory_space<vmem>>, vector<16xi32>,
      %get3A_148 = arith.constant 192 : index
      %get3A_149 = tpu.vector_load %arg7[%get3A_148] {strides = array<i32>} : memref<256xi32, #tpu.memory_space<vmem>>, vector<16xi32>,
      %get3A_150 = vector.shape_cast %get3A_149 : vector<16xi32> to vector<16xi32>
      %add3A_151 = vector.broadcast %mul3A_26 : i32 to vector<16xi32>
      %add3A_152 = arith.addi %get3A_150, %add3A_151 : vector<16xi32>
      %swap3A_153 = arith.constant 192 : index
      %swap3A_154 = tpu.vector_load %arg7[%swap3A_153] {strides = array<i32>} : memref<256xi32, #tpu.memory_space<vmem>>, vector<16xi32>,
      %swap3A_155 = vector.shape_cast %swap3A_154 : vector<16xi32> to vector<16xi32>
      %swap3A_156 = vector.shape_cast %add3A_152 : vector<16xi32> to vector<16xi32>
      tpu.vector_store %arg7[%swap3A_153], %swap3A_156 {strides = array<i32>} : memref<256xi32, #tpu.memory_space<vmem>>, vector<16xi32>,
      %get3A_157 = arith.constant 208 : index
      %get3A_158 = tpu.vector_load %arg7[%get3A_157] {strides = array<i32>} : memref<256xi32, #tpu.memory_space<vmem>>, vector<16xi32>,
      %get3A_159 = vector.shape_cast %get3A_158 : vector<16xi32> to vector<16xi32>
      %add3A_160 = vector.broadcast %mul3A_26 : i32 to vector<16xi32>
      %add3A_161 = arith.addi %get3A_159, %add3A_160 : vector<16xi32>
      %swap3A_162 = arith.constant 208 : index
      %swap3A_163 = tpu.vector_load %arg7[%swap3A_162] {strides = array<i32>} : memref<256xi32, #tpu.memory_space<vmem>>, vector<16xi32>,
      %swap3A_164 = vector.shape_cast %swap3A_163 : vector<16xi32> to vector<16xi32>
      %swap3A_165 = vector.shape_cast %add3A_161 : vector<16xi32> to vector<16xi32>
      tpu.vector_store %arg7[%swap3A_162], %swap3A_165 {strides = array<i32>} : memref<256xi32, #tpu.memory_space<vmem>>, vector<16xi32>,
      %get3A_166 = arith.constant 224 : index
      %get3A_167 = tpu.vector_load %arg7[%get3A_166] {strides = array<i32>} : memref<256xi32, #tpu.memory_space<vmem>>, vector<16xi32>,
      %get3A_168 = vector.shape_cast %get3A_167 : vector<16xi32> to vector<16xi32>
      %add3A_169 = vector.broadcast %mul3A_26 : i32 to vector<16xi32>
      %add3A_170 = arith.addi %get3A_168, %add3A_169 : vector<16xi32>
      %swap3A_171 = arith.constant 224 : index
      %swap3A_172 = tpu.vector_load %arg7[%swap3A_171] {strides = array<i32>} : memref<256xi32, #tpu.memory_space<vmem>>, vector<16xi32>,
      %swap3A_173 = vector.shape_cast %swap3A_172 : vector<16xi32> to vector<16xi32>
      %swap3A_174 = vector.shape_cast %add3A_170 : vector<16xi32> to vector<16xi32>
      tpu.vector_store %arg7[%swap3A_171], %swap3A_174 {strides = array<i32>} : memref<256xi32, #tpu.memory_space<vmem>>, vector<16xi32>,
      %get3A_175 = arith.constant 240 : index
      %get3A_176 = tpu.vector_load %arg7[%get3A_175] {strides = array<i32>} : memref<256xi32, #tpu.memory_space<vmem>>, vector<16xi32>,
      %get3A_177 = vector.shape_cast %get3A_176 : vector<16xi32> to vector<16xi32>
      %add3A_178 = vector.broadcast %mul3A_26 : i32 to vector<16xi32>
      %add3A_179 = arith.addi %get3A_177, %add3A_178 : vector<16xi32>
      %swap3A_180 = arith.constant 240 : index
      %swap3A_181 = tpu.vector_load %arg7[%swap3A_180] {strides = array<i32>} : memref<256xi32, #tpu.memory_space<vmem>>, vector<16xi32>,
      %swap3A_182 = vector.shape_cast %swap3A_181 : vector<16xi32> to vector<16xi32>
      %swap3A_183 = vector.shape_cast %add3A_179 : vector<16xi32> to vector<16xi32>
      tpu.vector_store %arg7[%swap3A_180], %swap3A_183 {strides = array<i32>} : memref<256xi32, #tpu.memory_space<vmem>>, vector<16xi32>,
      %dma_start3A = arith.constant 0 : i32
      %dma_start3A_184 = tpu.memref_slice %arg7[%dma_start3A] : memref<256xi32, #tpu.memory_space<vmem>> -> memref<128xi32, #tpu.memory_space<vmem>>
      %dma_start3A_185 = arith.constant 0 : i32
      %dma_start3A_186 = arith.constant 0 : i32
      %dma_start3A_187 = tpu.memref_slice %arg2[%dma_start3A_185, %dma_start3A_186] : memref<20000x128xf32, #tpu.memory_space<hbm>> -> memref<20000x128xf32, #tpu.memory_space<hbm>>
      tpu.enqueue_indirect_dma source(%dma_start3A_187 : memref<20000x128xf32, #tpu.memory_space<hbm>>) target(%arg10 : memref<128x128xf32, #tpu.memory_space<vmem>>) offsets(%dma_start3A_184 : memref<128xi32, #tpu.memory_space<vmem>>) semaphore(%arg13 : memref<!tpu.dma_semaphore, #tpu.memory_space<semaphore_mem>>)
      %dma_start3A_188 = arith.constant 128 : i32
      %dma_start3A_189 = tpu.memref_slice %arg7[%dma_start3A_188] : memref<256xi32, #tpu.memory_space<vmem>> -> memref<128xi32, #tpu.memory_space<vmem>>
      %dma_start3A_190 = arith.constant 0 : i32
      %dma_start3A_191 = arith.constant 0 : i32
      %dma_start3A_192 = tpu.memref_slice %arg2[%dma_start3A_190, %dma_start3A_191] : memref<20000x128xf32, #tpu.memory_space<hbm>> -> memref<20000x128xf32, #tpu.memory_space<hbm>>
      tpu.enqueue_indirect_dma source(%dma_start3A_192 : memref<20000x128xf32, #tpu.memory_space<hbm>>) target(%arg11 : memref<128x128xf32, #tpu.memory_space<vmem>>) offsets(%dma_start3A_189 : memref<128xi32, #tpu.memory_space<vmem>>) semaphore(%arg14 : memref<!tpu.dma_semaphore, #tpu.memory_space<semaphore_mem>>)
      %mul3A_193 = arith.constant 2 : i32
      %mul3A_194 = arith.muli %scan3A_36, %mul3A_193 : i32
      %add3A_195 = arith.constant 0 : i32
      %add3A_196 = arith.addi %mul3A_194, %add3A_195 : i32
      %dma_wait3A = arith.constant 0 : i32
      %dma_wait3A_197 = tpu.memref_slice %arg7[%dma_wait3A] : memref<256xi32, #tpu.memory_space<vmem>> -> memref<128xi32, #tpu.memory_space<vmem>>
      %dma_wait3A_198 = arith.constant 0 : i32
      %dma_wait3A_199 = arith.constant 0 : i32
      %dma_wait3A_200 = tpu.memref_slice %arg2[%dma_wait3A_198, %dma_wait3A_199] : memref<20000x128xf32, #tpu.memory_space<hbm>> -> memref<20000x128xf32, #tpu.memory_space<hbm>>
      tpu.wait_indirect_dma semaphore(%arg13 : memref<!tpu.dma_semaphore, #tpu.memory_space<semaphore_mem>>) src(%dma_wait3A_200 : memref<20000x128xf32, #tpu.memory_space<hbm>>) dst(%arg10 : memref<128x128xf32, #tpu.memory_space<vmem>>)
      %scan3A_201 = arith.constant 0 : i32
      %scan3A_202 = arith.constant 0 : i32
      %scan3A_203 = arith.constant 128 : i32
      %scan3A_204 = arith.addi %scan3A_202, %scan3A_203 : i32
      %scan3A_205 = arith.constant 1 : i32
      scf.for %scan3A_254 = %scan3A_202 to %scan3A_204 step %scan3A_205  : i32 {
        %add3A_255 = arith.constant 0 : i32
        %add3A_256 = arith.addi %add3A_255, %scan3A_254 : i32
        %mul3A_257 = arith.constant 16 : i32
        %mul3A_258 = arith.muli %add3A_256, %mul3A_257 : i32
        %get3A_259 = arith.index_cast %mul3A_258 : i32 to index
        %get3A_260 = tpu.vector_load %arg9[%get3A_259] {strides = array<i32>} : memref<4096xf32, #tpu.memory_space<vmem>>, vector<16xf32>,
        %get3A_261 = vector.shape_cast %get3A_260 : vector<16xf32> to vector<16xf32>
        %get3A_262 = arith.index_cast %scan3A_254 : i32 to index
        %get3A_263 = arith.constant 0 : index
        %get3A_264 = tpu.vector_load %arg10[%get3A_262, %get3A_263] {strides = array<i32>} : memref<128x128xf32, #tpu.memory_space<vmem>>, vector<1x16xf32>,
        %get3A_265 = vector.shape_cast %get3A_264 : vector<1x16xf32> to vector<16xf32>
        %mul3A_266 = arith.mulf %get3A_265, %get3A_261 : vector<16xf32>
        %swap3A_267 = arith.index_cast %scan3A_254 : i32 to index
        %swap3A_268 = arith.constant 0 : index
        %swap3A_269 = tpu.vector_load %arg10[%swap3A_267, %swap3A_268] {strides = array<i32>} : memref<128x128xf32, #tpu.memory_space<vmem>>, vector<1x16xf32>,
        %swap3A_270 = vector.shape_cast %swap3A_269 : vector<1x16xf32> to vector<16xf32>
        %swap3A_271 = vector.shape_cast %mul3A_266 : vector<16xf32> to vector<1x16xf32>
        tpu.vector_store %arg10[%swap3A_267, %swap3A_268], %swap3A_271 {strides = array<i32>} : memref<128x128xf32, #tpu.memory_space<vmem>>, vector<1x16xf32>,
        %get3A_272 = arith.index_cast %scan3A_254 : i32 to index
        %get3A_273 = arith.constant 16 : index
        %get3A_274 = tpu.vector_load %arg10[%get3A_272, %get3A_273] {strides = array<i32>} : memref<128x128xf32, #tpu.memory_space<vmem>>, vector<1x16xf32>,
        %get3A_275 = vector.shape_cast %get3A_274 : vector<1x16xf32> to vector<16xf32>
        %mul3A_276 = arith.mulf %get3A_275, %get3A_261 : vector<16xf32>
        %swap3A_277 = arith.index_cast %scan3A_254 : i32 to index
        %swap3A_278 = arith.constant 16 : index
        %swap3A_279 = tpu.vector_load %arg10[%swap3A_277, %swap3A_278] {strides = array<i32>} : memref<128x128xf32, #tpu.memory_space<vmem>>, vector<1x16xf32>,
        %swap3A_280 = vector.shape_cast %swap3A_279 : vector<1x16xf32> to vector<16xf32>
        %swap3A_281 = vector.shape_cast %mul3A_276 : vector<16xf32> to vector<1x16xf32>
        tpu.vector_store %arg10[%swap3A_277, %swap3A_278], %swap3A_281 {strides = array<i32>} : memref<128x128xf32, #tpu.memory_space<vmem>>, vector<1x16xf32>,
        %get3A_282 = arith.index_cast %scan3A_254 : i32 to index
        %get3A_283 = arith.constant 32 : index
        %get3A_284 = tpu.vector_load %arg10[%get3A_282, %get3A_283] {strides = array<i32>} : memref<128x128xf32, #tpu.memory_space<vmem>>, vector<1x16xf32>,
        %get3A_285 = vector.shape_cast %get3A_284 : vector<1x16xf32> to vector<16xf32>
        %mul3A_286 = arith.mulf %get3A_285, %get3A_261 : vector<16xf32>
        %swap3A_287 = arith.index_cast %scan3A_254 : i32 to index
        %swap3A_288 = arith.constant 32 : index
        %swap3A_289 = tpu.vector_load %arg10[%swap3A_287, %swap3A_288] {strides = array<i32>} : memref<128x128xf32, #tpu.memory_space<vmem>>, vector<1x16xf32>,
        %swap3A_290 = vector.shape_cast %swap3A_289 : vector<1x16xf32> to vector<16xf32>
        %swap3A_291 = vector.shape_cast %mul3A_286 : vector<16xf32> to vector<1x16xf32>
        tpu.vector_store %arg10[%swap3A_287, %swap3A_288], %swap3A_291 {strides = array<i32>} : memref<128x128xf32, #tpu.memory_space<vmem>>, vector<1x16xf32>,
        %get3A_292 = arith.index_cast %scan3A_254 : i32 to index
        %get3A_293 = arith.constant 48 : index
        %get3A_294 = tpu.vector_load %arg10[%get3A_292, %get3A_293] {strides = array<i32>} : memref<128x128xf32, #tpu.memory_space<vmem>>, vector<1x16xf32>,
        %get3A_295 = vector.shape_cast %get3A_294 : vector<1x16xf32> to vector<16xf32>
        %mul3A_296 = arith.mulf %get3A_295, %get3A_261 : vector<16xf32>
        %swap3A_297 = arith.index_cast %scan3A_254 : i32 to index
        %swap3A_298 = arith.constant 48 : index
        %swap3A_299 = tpu.vector_load %arg10[%swap3A_297, %swap3A_298] {strides = array<i32>} : memref<128x128xf32, #tpu.memory_space<vmem>>, vector<1x16xf32>,
        %swap3A_300 = vector.shape_cast %swap3A_299 : vector<1x16xf32> to vector<16xf32>
        %swap3A_301 = vector.shape_cast %mul3A_296 : vector<16xf32> to vector<1x16xf32>
        tpu.vector_store %arg10[%swap3A_297, %swap3A_298], %swap3A_301 {strides = array<i32>} : memref<128x128xf32, #tpu.memory_space<vmem>>, vector<1x16xf32>,
        %get3A_302 = arith.index_cast %scan3A_254 : i32 to index
        %get3A_303 = arith.constant 64 : index
        %get3A_304 = tpu.vector_load %arg10[%get3A_302, %get3A_303] {strides = array<i32>} : memref<128x128xf32, #tpu.memory_space<vmem>>, vector<1x16xf32>,
        %get3A_305 = vector.shape_cast %get3A_304 : vector<1x16xf32> to vector<16xf32>
        %mul3A_306 = arith.mulf %get3A_305, %get3A_261 : vector<16xf32>
        %swap3A_307 = arith.index_cast %scan3A_254 : i32 to index
        %swap3A_308 = arith.constant 64 : index
        %swap3A_309 = tpu.vector_load %arg10[%swap3A_307, %swap3A_308] {strides = array<i32>} : memref<128x128xf32, #tpu.memory_space<vmem>>, vector<1x16xf32>,
        %swap3A_310 = vector.shape_cast %swap3A_309 : vector<1x16xf32> to vector<16xf32>
        %swap3A_311 = vector.shape_cast %mul3A_306 : vector<16xf32> to vector<1x16xf32>
        tpu.vector_store %arg10[%swap3A_307, %swap3A_308], %swap3A_311 {strides = array<i32>} : memref<128x128xf32, #tpu.memory_space<vmem>>, vector<1x16xf32>,
        %get3A_312 = arith.index_cast %scan3A_254 : i32 to index
        %get3A_313 = arith.constant 80 : index
        %get3A_314 = tpu.vector_load %arg10[%get3A_312, %get3A_313] {strides = array<i32>} : memref<128x128xf32, #tpu.memory_space<vmem>>, vector<1x16xf32>,
        %get3A_315 = vector.shape_cast %get3A_314 : vector<1x16xf32> to vector<16xf32>
        %mul3A_316 = arith.mulf %get3A_315, %get3A_261 : vector<16xf32>
        %swap3A_317 = arith.index_cast %scan3A_254 : i32 to index
        %swap3A_318 = arith.constant 80 : index
        %swap3A_319 = tpu.vector_load %arg10[%swap3A_317, %swap3A_318] {strides = array<i32>} : memref<128x128xf32, #tpu.memory_space<vmem>>, vector<1x16xf32>,
        %swap3A_320 = vector.shape_cast %swap3A_319 : vector<1x16xf32> to vector<16xf32>
        %swap3A_321 = vector.shape_cast %mul3A_316 : vector<16xf32> to vector<1x16xf32>
        tpu.vector_store %arg10[%swap3A_317, %swap3A_318], %swap3A_321 {strides = array<i32>} : memref<128x128xf32, #tpu.memory_space<vmem>>, vector<1x16xf32>,
        %get3A_322 = arith.index_cast %scan3A_254 : i32 to index
        %get3A_323 = arith.constant 96 : index
        %get3A_324 = tpu.vector_load %arg10[%get3A_322, %get3A_323] {strides = array<i32>} : memref<128x128xf32, #tpu.memory_space<vmem>>, vector<1x16xf32>,
        %get3A_325 = vector.shape_cast %get3A_324 : vector<1x16xf32> to vector<16xf32>
        %mul3A_326 = arith.mulf %get3A_325, %get3A_261 : vector<16xf32>
        %swap3A_327 = arith.index_cast %scan3A_254 : i32 to index
        %swap3A_328 = arith.constant 96 : index
        %swap3A_329 = tpu.vector_load %arg10[%swap3A_327, %swap3A_328] {strides = array<i32>} : memref<128x128xf32, #tpu.memory_space<vmem>>, vector<1x16xf32>,
        %swap3A_330 = vector.shape_cast %swap3A_329 : vector<1x16xf32> to vector<16xf32>
        %swap3A_331 = vector.shape_cast %mul3A_326 : vector<16xf32> to vector<1x16xf32>
        tpu.vector_store %arg10[%swap3A_327, %swap3A_328], %swap3A_331 {strides = array<i32>} : memref<128x128xf32, #tpu.memory_space<vmem>>, vector<1x16xf32>,
        %get3A_332 = arith.index_cast %scan3A_254 : i32 to index
        %get3A_333 = arith.constant 112 : index
        %get3A_334 = tpu.vector_load %arg10[%get3A_332, %get3A_333] {strides = array<i32>} : memref<128x128xf32, #tpu.memory_space<vmem>>, vector<1x16xf32>,
        %get3A_335 = vector.shape_cast %get3A_334 : vector<1x16xf32> to vector<16xf32>
        %mul3A_336 = arith.mulf %get3A_335, %get3A_261 : vector<16xf32>
        %swap3A_337 = arith.index_cast %scan3A_254 : i32 to index
        %swap3A_338 = arith.constant 112 : index
        %swap3A_339 = tpu.vector_load %arg10[%swap3A_337, %swap3A_338] {strides = array<i32>} : memref<128x128xf32, #tpu.memory_space<vmem>>, vector<1x16xf32>,
        %swap3A_340 = vector.shape_cast %swap3A_339 : vector<1x16xf32> to vector<16xf32>
        %swap3A_341 = vector.shape_cast %mul3A_336 : vector<16xf32> to vector<1x16xf32>
        tpu.vector_store %arg10[%swap3A_337, %swap3A_338], %swap3A_341 {strides = array<i32>} : memref<128x128xf32, #tpu.memory_space<vmem>>, vector<1x16xf32>,
      }
      %scan3A_206 = arith.constant 128 : i32
      %dma_start3A_207 = arith.constant 0 : i32
      %dma_start3A_208 = tpu.memref_slice %arg8[%add3A_196, %dma_start3A_207] : memref<80x128xi32, #tpu.memory_space<vmem>> -> memref<1x128xi32, #tpu.memory_space<vmem>>
      %dma_start3A_209 = tpu.memref_squeeze %dma_start3A_208 : memref<1x128xi32, #tpu.memory_space<vmem>> -> memref<128xi32, #tpu.memory_space<vmem>>
      %dma_start3A_210 = arith.constant 0 : i32
      %dma_start3A_211 = arith.constant 0 : i32
      %dma_start3A_212 = tpu.memref_slice %arg12[%dma_start3A_210, %dma_start3A_211] : memref<10112x128xf32, #tpu.memory_space<vmem_shared>> -> memref<10112x128xf32, #tpu.memory_space<vmem_shared>>
      tpu.enqueue_indirect_dma source(%arg10 : memref<128x128xf32, #tpu.memory_space<vmem>>) target(%dma_start3A_212 : memref<10112x128xf32, #tpu.memory_space<vmem_shared>>) offsets(%dma_start3A_209 : memref<128xi32, #tpu.memory_space<vmem>>) semaphore(%arg15 : memref<!tpu.dma_semaphore, #tpu.memory_space<semaphore_mem>>) {add = true}
      %mul3A_213 = arith.constant 2 : i32
      %mul3A_214 = arith.muli %scan3A_36, %mul3A_213 : i32
      %add3A_215 = arith.constant 1 : i32
      %add3A_216 = arith.addi %mul3A_214, %add3A_215 : i32
      %dma_wait3A_217 = arith.constant 128 : i32
      %dma_wait3A_218 = tpu.memref_slice %arg7[%dma_wait3A_217] : memref<256xi32, #tpu.memory_space<vmem>> -> memref<128xi32, #tpu.memory_space<vmem>>
      %dma_wait3A_219 = arith.constant 0 : i32
      %dma_wait3A_220 = arith.constant 0 : i32
      %dma_wait3A_221 = tpu.memref_slice %arg2[%dma_wait3A_219, %dma_wait3A_220] : memref<20000x128xf32, #tpu.memory_space<hbm>> -> memref<20000x128xf32, #tpu.memory_space<hbm>>
      tpu.wait_indirect_dma semaphore(%arg14 : memref<!tpu.dma_semaphore, #tpu.memory_space<semaphore_mem>>) src(%dma_wait3A_221 : memref<20000x128xf32, #tpu.memory_space<hbm>>) dst(%arg11 : memref<128x128xf32, #tpu.memory_space<vmem>>)
      %scan3A_222 = arith.constant 0 : i32
      %scan3A_223 = arith.constant 0 : i32
      %scan3A_224 = arith.constant 128 : i32
      %scan3A_225 = arith.addi %scan3A_223, %scan3A_224 : i32
      %scan3A_226 = arith.constant 1 : i32
      scf.for %scan3A_254 = %scan3A_223 to %scan3A_225 step %scan3A_226  : i32 {
        %add3A_255 = arith.constant 128 : i32
        %add3A_256 = arith.addi %add3A_255, %scan3A_254 : i32
        %mul3A_257 = arith.constant 16 : i32
        %mul3A_258 = arith.muli %add3A_256, %mul3A_257 : i32
        %get3A_259 = arith.index_cast %mul3A_258 : i32 to index
        %get3A_260 = tpu.vector_load %arg9[%get3A_259] {strides = array<i32>} : memref<4096xf32, #tpu.memory_space<vmem>>, vector<16xf32>,
        %get3A_261 = vector.shape_cast %get3A_260 : vector<16xf32> to vector<16xf32>
        %get3A_262 = arith.index_cast %scan3A_254 : i32 to index
        %get3A_263 = arith.constant 0 : index
        %get3A_264 = tpu.vector_load %arg11[%get3A_262, %get3A_263] {strides = array<i32>} : memref<128x128xf32, #tpu.memory_space<vmem>>, vector<1x16xf32>,
        %get3A_265 = vector.shape_cast %get3A_264 : vector<1x16xf32> to vector<16xf32>
        %mul3A_266 = arith.mulf %get3A_265, %get3A_261 : vector<16xf32>
        %swap3A_267 = arith.index_cast %scan3A_254 : i32 to index
        %swap3A_268 = arith.constant 0 : index
        %swap3A_269 = tpu.vector_load %arg11[%swap3A_267, %swap3A_268] {strides = array<i32>} : memref<128x128xf32, #tpu.memory_space<vmem>>, vector<1x16xf32>,
        %swap3A_270 = vector.shape_cast %swap3A_269 : vector<1x16xf32> to vector<16xf32>
        %swap3A_271 = vector.shape_cast %mul3A_266 : vector<16xf32> to vector<1x16xf32>
        tpu.vector_store %arg11[%swap3A_267, %swap3A_268], %swap3A_271 {strides = array<i32>} : memref<128x128xf32, #tpu.memory_space<vmem>>, vector<1x16xf32>,
        %get3A_272 = arith.index_cast %scan3A_254 : i32 to index
        %get3A_273 = arith.constant 16 : index
        %get3A_274 = tpu.vector_load %arg11[%get3A_272, %get3A_273] {strides = array<i32>} : memref<128x128xf32, #tpu.memory_space<vmem>>, vector<1x16xf32>,
        %get3A_275 = vector.shape_cast %get3A_274 : vector<1x16xf32> to vector<16xf32>
        %mul3A_276 = arith.mulf %get3A_275, %get3A_261 : vector<16xf32>
        %swap3A_277 = arith.index_cast %scan3A_254 : i32 to index
        %swap3A_278 = arith.constant 16 : index
        %swap3A_279 = tpu.vector_load %arg11[%swap3A_277, %swap3A_278] {strides = array<i32>} : memref<128x128xf32, #tpu.memory_space<vmem>>, vector<1x16xf32>,
        %swap3A_280 = vector.shape_cast %swap3A_279 : vector<1x16xf32> to vector<16xf32>
        %swap3A_281 = vector.shape_cast %mul3A_276 : vector<16xf32> to vector<1x16xf32>
        tpu.vector_store %arg11[%swap3A_277, %swap3A_278], %swap3A_281 {strides = array<i32>} : memref<128x128xf32, #tpu.memory_space<vmem>>, vector<1x16xf32>,
        %get3A_282 = arith.index_cast %scan3A_254 : i32 to index
        %get3A_283 = arith.constant 32 : index
        %get3A_284 = tpu.vector_load %arg11[%get3A_282, %get3A_283] {strides = array<i32>} : memref<128x128xf32, #tpu.memory_space<vmem>>, vector<1x16xf32>,
        %get3A_285 = vector.shape_cast %get3A_284 : vector<1x16xf32> to vector<16xf32>
        %mul3A_286 = arith.mulf %get3A_285, %get3A_261 : vector<16xf32>
        %swap3A_287 = arith.index_cast %scan3A_254 : i32 to index
        %swap3A_288 = arith.constant 32 : index
        %swap3A_289 = tpu.vector_load %arg11[%swap3A_287, %swap3A_288] {strides = array<i32>} : memref<128x128xf32, #tpu.memory_space<vmem>>, vector<1x16xf32>,
        %swap3A_290 = vector.shape_cast %swap3A_289 : vector<1x16xf32> to vector<16xf32>
        %swap3A_291 = vector.shape_cast %mul3A_286 : vector<16xf32> to vector<1x16xf32>
        tpu.vector_store %arg11[%swap3A_287, %swap3A_288], %swap3A_291 {strides = array<i32>} : memref<128x128xf32, #tpu.memory_space<vmem>>, vector<1x16xf32>,
        %get3A_292 = arith.index_cast %scan3A_254 : i32 to index
        %get3A_293 = arith.constant 48 : index
        %get3A_294 = tpu.vector_load %arg11[%get3A_292, %get3A_293] {strides = array<i32>} : memref<128x128xf32, #tpu.memory_space<vmem>>, vector<1x16xf32>,
        %get3A_295 = vector.shape_cast %get3A_294 : vector<1x16xf32> to vector<16xf32>
        %mul3A_296 = arith.mulf %get3A_295, %get3A_261 : vector<16xf32>
        %swap3A_297 = arith.index_cast %scan3A_254 : i32 to index
        %swap3A_298 = arith.constant 48 : index
        %swap3A_299 = tpu.vector_load %arg11[%swap3A_297, %swap3A_298] {strides = array<i32>} : memref<128x128xf32, #tpu.memory_space<vmem>>, vector<1x16xf32>,
        %swap3A_300 = vector.shape_cast %swap3A_299 : vector<1x16xf32> to vector<16xf32>
        %swap3A_301 = vector.shape_cast %mul3A_296 : vector<16xf32> to vector<1x16xf32>
        tpu.vector_store %arg11[%swap3A_297, %swap3A_298], %swap3A_301 {strides = array<i32>} : memref<128x128xf32, #tpu.memory_space<vmem>>, vector<1x16xf32>,
        %get3A_302 = arith.index_cast %scan3A_254 : i32 to index
        %get3A_303 = arith.constant 64 : index
        %get3A_304 = tpu.vector_load %arg11[%get3A_302, %get3A_303] {strides = array<i32>} : memref<128x128xf32, #tpu.memory_space<vmem>>, vector<1x16xf32>,
        %get3A_305 = vector.shape_cast %get3A_304 : vector<1x16xf32> to vector<16xf32>
        %mul3A_306 = arith.mulf %get3A_305, %get3A_261 : vector<16xf32>
        %swap3A_307 = arith.index_cast %scan3A_254 : i32 to index
        %swap3A_308 = arith.constant 64 : index
        %swap3A_309 = tpu.vector_load %arg11[%swap3A_307, %swap3A_308] {strides = array<i32>} : memref<128x128xf32, #tpu.memory_space<vmem>>, vector<1x16xf32>,
        %swap3A_310 = vector.shape_cast %swap3A_309 : vector<1x16xf32> to vector<16xf32>
        %swap3A_311 = vector.shape_cast %mul3A_306 : vector<16xf32> to vector<1x16xf32>
        tpu.vector_store %arg11[%swap3A_307, %swap3A_308], %swap3A_311 {strides = array<i32>} : memref<128x128xf32, #tpu.memory_space<vmem>>, vector<1x16xf32>,
        %get3A_312 = arith.index_cast %scan3A_254 : i32 to index
        %get3A_313 = arith.constant 80 : index
        %get3A_314 = tpu.vector_load %arg11[%get3A_312, %get3A_313] {strides = array<i32>} : memref<128x128xf32, #tpu.memory_space<vmem>>, vector<1x16xf32>,
        %get3A_315 = vector.shape_cast %get3A_314 : vector<1x16xf32> to vector<16xf32>
        %mul3A_316 = arith.mulf %get3A_315, %get3A_261 : vector<16xf32>
        %swap3A_317 = arith.index_cast %scan3A_254 : i32 to index
        %swap3A_318 = arith.constant 80 : index
        %swap3A_319 = tpu.vector_load %arg11[%swap3A_317, %swap3A_318] {strides = array<i32>} : memref<128x128xf32, #tpu.memory_space<vmem>>, vector<1x16xf32>,
        %swap3A_320 = vector.shape_cast %swap3A_319 : vector<1x16xf32> to vector<16xf32>
        %swap3A_321 = vector.shape_cast %mul3A_316 : vector<16xf32> to vector<1x16xf32>
        tpu.vector_store %arg11[%swap3A_317, %swap3A_318], %swap3A_321 {strides = array<i32>} : memref<128x128xf32, #tpu.memory_space<vmem>>, vector<1x16xf32>,
        %get3A_322 = arith.index_cast %scan3A_254 : i32 to index
        %get3A_323 = arith.constant 96 : index
        %get3A_324 = tpu.vector_load %arg11[%get3A_322, %get3A_323] {strides = array<i32>} : memref<128x128xf32, #tpu.memory_space<vmem>>, vector<1x16xf32>,
        %get3A_325 = vector.shape_cast %get3A_324 : vector<1x16xf32> to vector<16xf32>
        %mul3A_326 = arith.mulf %get3A_325, %get3A_261 : vector<16xf32>
        %swap3A_327 = arith.index_cast %scan3A_254 : i32 to index
        %swap3A_328 = arith.constant 96 : index
        %swap3A_329 = tpu.vector_load %arg11[%swap3A_327, %swap3A_328] {strides = array<i32>} : memref<128x128xf32, #tpu.memory_space<vmem>>, vector<1x16xf32>,
        %swap3A_330 = vector.shape_cast %swap3A_329 : vector<1x16xf32> to vector<16xf32>
        %swap3A_331 = vector.shape_cast %mul3A_326 : vector<16xf32> to vector<1x16xf32>
        tpu.vector_store %arg11[%swap3A_327, %swap3A_328], %swap3A_331 {strides = array<i32>} : memref<128x128xf32, #tpu.memory_space<vmem>>, vector<1x16xf32>,
        %get3A_332 = arith.index_cast %scan3A_254 : i32 to index
        %get3A_333 = arith.constant 112 : index
        %get3A_334 = tpu.vector_load %arg11[%get3A_332, %get3A_333] {strides = array<i32>} : memref<128x128xf32, #tpu.memory_space<vmem>>, vector<1x16xf32>,
        %get3A_335 = vector.shape_cast %get3A_334 : vector<1x16xf32> to vector<16xf32>
        %mul3A_336 = arith.mulf %get3A_335, %get3A_261 : vector<16xf32>
        %swap3A_337 = arith.index_cast %scan3A_254 : i32 to index
        %swap3A_338 = arith.constant 112 : index
        %swap3A_339 = tpu.vector_load %arg11[%swap3A_337, %swap3A_338] {strides = array<i32>} : memref<128x128xf32, #tpu.memory_space<vmem>>, vector<1x16xf32>,
        %swap3A_340 = vector.shape_cast %swap3A_339 : vector<1x16xf32> to vector<16xf32>
        %swap3A_341 = vector.shape_cast %mul3A_336 : vector<16xf32> to vector<1x16xf32>
        tpu.vector_store %arg11[%swap3A_337, %swap3A_338], %swap3A_341 {strides = array<i32>} : memref<128x128xf32, #tpu.memory_space<vmem>>, vector<1x16xf32>,
      }
      %scan3A_227 = arith.constant 128 : i32
      %dma_start3A_228 = arith.constant 0 : i32
      %dma_start3A_229 = tpu.memref_slice %arg8[%add3A_216, %dma_start3A_228] : memref<80x128xi32, #tpu.memory_space<vmem>> -> memref<1x128xi32, #tpu.memory_space<vmem>>
      %dma_start3A_230 = tpu.memref_squeeze %dma_start3A_229 : memref<1x128xi32, #tpu.memory_space<vmem>> -> memref<128xi32, #tpu.memory_space<vmem>>
      %dma_start3A_231 = arith.constant 0 : i32
      %dma_start3A_232 = arith.constant 0 : i32
      %dma_start3A_233 = tpu.memref_slice %arg12[%dma_start3A_231, %dma_start3A_232] : memref<10112x128xf32, #tpu.memory_space<vmem_shared>> -> memref<10112x128xf32, #tpu.memory_space<vmem_shared>>
      tpu.enqueue_indirect_dma source(%arg11 : memref<128x128xf32, #tpu.memory_space<vmem>>) target(%dma_start3A_233 : memref<10112x128xf32, #tpu.memory_space<vmem_shared>>) offsets(%dma_start3A_230 : memref<128xi32, #tpu.memory_space<vmem>>) semaphore(%arg16 : memref<!tpu.dma_semaphore, #tpu.memory_space<semaphore_mem>>) {add = true}
      %mul3A_234 = arith.constant 2 : i32
      %mul3A_235 = arith.muli %scan3A_36, %mul3A_234 : i32
      %add3A_236 = arith.constant 0 : i32
      %add3A_237 = arith.addi %mul3A_235, %add3A_236 : i32
      %dma_wait3A_238 = arith.constant 0 : i32
      %dma_wait3A_239 = tpu.memref_slice %arg8[%add3A_237, %dma_wait3A_238] : memref<80x128xi32, #tpu.memory_space<vmem>> -> memref<1x128xi32, #tpu.memory_space<vmem>>
      %dma_wait3A_240 = tpu.memref_squeeze %dma_wait3A_239 : memref<1x128xi32, #tpu.memory_space<vmem>> -> memref<128xi32, #tpu.memory_space<vmem>>
      %dma_wait3A_241 = arith.constant 0 : i32
      %dma_wait3A_242 = arith.constant 0 : i32
      %dma_wait3A_243 = tpu.memref_slice %arg12[%dma_wait3A_241, %dma_wait3A_242] : memref<10112x128xf32, #tpu.memory_space<vmem_shared>> -> memref<10112x128xf32, #tpu.memory_space<vmem_shared>>
      tpu.wait_indirect_dma semaphore(%arg15 : memref<!tpu.dma_semaphore, #tpu.memory_space<semaphore_mem>>) src(%arg10 : memref<128x128xf32, #tpu.memory_space<vmem>>) dst(%dma_wait3A_243 : memref<10112x128xf32, #tpu.memory_space<vmem_shared>>)
      %mul3A_244 = arith.constant 2 : i32
      %mul3A_245 = arith.muli %scan3A_36, %mul3A_244 : i32
      %add3A_246 = arith.constant 1 : i32
      %add3A_247 = arith.addi %mul3A_245, %add3A_246 : i32
      %dma_wait3A_248 = arith.constant 0 : i32
      %dma_wait3A_249 = tpu.memref_slice %arg8[%add3A_247, %dma_wait3A_248] : memref<80x128xi32, #tpu.memory_space<vmem>> -> memref<1x128xi32, #tpu.memory_space<vmem>>
      %dma_wait3A_250 = tpu.memref_squeeze %dma_wait3A_249 : memref<1x128xi32, #tpu.memory_space<vmem>> -> memref<128xi32, #tpu.memory_space<vmem>>
      %dma_wait3A_251 = arith.constant 0 : i32
      %dma_wait3A_252 = arith.constant 0 : i32
      %dma_wait3A_253 = tpu.memref_slice %arg12[%dma_wait3A_251, %dma_wait3A_252] : memref<10112x128xf32, #tpu.memory_space<vmem_shared>> -> memref<10112x128xf32, #tpu.memory_space<vmem_shared>>
      tpu.wait_indirect_dma semaphore(%arg16 : memref<!tpu.dma_semaphore, #tpu.memory_space<semaphore_mem>>) src(%arg11 : memref<128x128xf32, #tpu.memory_space<vmem>>) dst(%dma_wait3A_253 : memref<10112x128xf32, #tpu.memory_space<vmem_shared>>)
    }
    %scan3A_32 = arith.constant 40 : i32
    %barrier3A_33 = arith.constant 0 : index
    tpu.barrier barrier_id(%barrier3A_33)
    %lt3A = arith.constant 10 : i32
    %lt3A_34 = arith.cmpi slt, %arg1, %lt3A : i32
    %convert_element_type3A = arith.extui %lt3A_34 : i1 to i32
    %cond3A = arith.constant 0 : i32
    %cond3A_35 = arith.cmpi ne, %convert_element_type3A, %cond3A : i32
    scf.if %cond3A_35 {
      %mul3A_36 = arith.constant 1000 : i32
      %mul3A_37 = arith.muli %arg1, %mul3A_36 : i32
      %mul3A_38 = arith.constant 1000 : i32
      %mul3A_39 = arith.muli %arg1, %mul3A_38 : i32
      "tpu.region"() ({
        %run_scoped3A = tpu.sem_alloc : memref<!tpu.dma_semaphore, #tpu.memory_space<semaphore_mem>>
        %dma_start3A = arith.constant 0 : i32
        %dma_start3A_40 = tpu.memref_slice %arg6[%arg0, %mul3A_39, %dma_start3A] : memref<2x10000x128xf32, #tpu.memory_space<hbm>> -> memref<1x1000x128xf32, #tpu.memory_space<hbm>>
        %dma_start3A_41 = tpu.memref_squeeze %dma_start3A_40 : memref<1x1000x128xf32, #tpu.memory_space<hbm>> -> memref<1000x128xf32, #tpu.memory_space<hbm>>
        %dma_start3A_42 = arith.constant 0 : i32
        %dma_start3A_43 = tpu.memref_slice %arg12[%mul3A_37, %dma_start3A_42] : memref<10112x128xf32, #tpu.memory_space<vmem_shared>> -> memref<1000x128xf32, #tpu.memory_space<vmem_shared>>
        tpu.enqueue_dma source(%dma_start3A_43 : memref<1000x128xf32, #tpu.memory_space<vmem_shared>>) target(%dma_start3A_41 : memref<1000x128xf32, #tpu.memory_space<hbm>>) target_semaphore(%run_scoped3A : memref<!tpu.dma_semaphore, #tpu.memory_space<semaphore_mem>>)
        %dma_wait3A = arith.constant 0 : i32
        %dma_wait3A_44 = tpu.memref_slice %arg6[%arg0, %mul3A_39, %dma_wait3A] : memref<2x10000x128xf32, #tpu.memory_space<hbm>> -> memref<1x1000x128xf32, #tpu.memory_space<hbm>>
        %dma_wait3A_45 = tpu.memref_squeeze %dma_wait3A_44 : memref<1x1000x128xf32, #tpu.memory_space<hbm>> -> memref<1000x128xf32, #tpu.memory_space<hbm>>
        %dma_wait3A_46 = arith.constant 0 : i32
        %dma_wait3A_47 = tpu.memref_slice %arg12[%mul3A_37, %dma_wait3A_46] : memref<10112x128xf32, #tpu.memory_space<vmem_shared>> -> memref<1000x128xf32, #tpu.memory_space<vmem_shared>>
        tpu.wait_dma2 semaphore(%run_scoped3A : memref<!tpu.dma_semaphore, #tpu.memory_space<semaphore_mem>>) src(%dma_wait3A_47 : memref<1000x128xf32, #tpu.memory_space<vmem_shared>>) dst(%dma_wait3A_45 : memref<1000x128xf32, #tpu.memory_space<hbm>>)
        tpu.yield
      }) : () -> ()
    } else {
    }
    return
  }
}

#map = affine_map<(d0, d1) -> (0, 0)>
#map1 = affine_map<(d0, d1) -> (0)>
#map2 = affine_map<(d0, d1) -> (0, 0, 0)>
module attributes {stable_mosaic.version = 14 : i64} {
  func.func @_sc_agg(%arg0: i32, %arg1: i32, %arg2: memref<20000x128xf32, #tpu.memory_space<hbm>>, %arg3: memref<163968xi32, #tpu.memory_space<hbm>>, %arg4: memref<16x80x128xi32, #tpu.memory_space<hbm>>, %arg5: memref<2623488xf32, #tpu.memory_space<hbm>>, %arg6: memref<2x10000x128xf32, #tpu.memory_space<hbm>>, %arg7: memref<256xi32, #tpu.memory_space<vmem>>, %arg8: memref<80x128xi32, #tpu.memory_space<vmem>>, %arg9: memref<4096xf32, #tpu.memory_space<vmem>>, %arg10: memref<128x128xf32, #tpu.memory_space<vmem>>, %arg11: memref<128x128xf32, #tpu.memory_space<vmem>>, %arg12: memref<10112x128xf32, #tpu.memory_space<vmem_shared>>, %arg13: memref<!tpu.dma_semaphore, #tpu.memory_space<semaphore_mem>>, %arg14: memref<!tpu.dma_semaphore, #tpu.memory_space<semaphore_mem>>, %arg15: memref<!tpu.dma_semaphore, #tpu.memory_space<semaphore_mem>>, %arg16: memref<!tpu.dma_semaphore, #tpu.memory_space<semaphore_mem>>) attributes {dimension_semantics = [#tpu.dimension_semantics<core_parallel>, #tpu.dimension_semantics<subcore_parallel>], iteration_bounds = array<i64: 2, 16>, scalar_prefetch = 0 : i64, scratch_operands = 10 : i64, tpu.core_type = #tpu.core_type<sc_vector_subcore>, window_params = [{transform_indices = #map}, {transform_indices = #map1}, {transform_indices = #map2}, {transform_indices = #map1}, {transform_indices = #map2}]} {
    %scan3A = arith.constant 0 : i32
    %scan3A_0 = arith.constant 0 : i32
    %scan3A_1 = arith.constant 128 : i32
    %scan3A_2 = arith.addi %scan3A_0, %scan3A_1 : i32
    %scan3A_3 = arith.constant 1 : i32
    scf.for %scan3A_36 = %scan3A_0 to %scan3A_2 step %scan3A_3  : i32 {
      %broadcast_in_dim3A = arith.constant 0.000000e+00 : f32
      %broadcast_in_dim3A_37 = vector.broadcast %broadcast_in_dim3A : f32 to vector<16xf32>
      %swap3A = arith.index_cast %scan3A_36 : i32 to index
      %swap3A_38 = arith.constant 0 : index
      %swap3A_39 = tpu.vector_load %arg10[%swap3A, %swap3A_38] {strides = array<i32>} : memref<128x128xf32, #tpu.memory_space<vmem>>, vector<1x16xf32>,
      %swap3A_40 = vector.shape_cast %swap3A_39 : vector<1x16xf32> to vector<16xf32>
      %swap3A_41 = vector.shape_cast %broadcast_in_dim3A_37 : vector<16xf32> to vector<1x16xf32>
      tpu.vector_store %arg10[%swap3A, %swap3A_38], %swap3A_41 {strides = array<i32>} : memref<128x128xf32, #tpu.memory_space<vmem>>, vector<1x16xf32>,
      %broadcast_in_dim3A_42 = arith.constant 0.000000e+00 : f32
      %broadcast_in_dim3A_43 = vector.broadcast %broadcast_in_dim3A_42 : f32 to vector<16xf32>
      %swap3A_44 = arith.index_cast %scan3A_36 : i32 to index
      %swap3A_45 = arith.constant 16 : index
      %swap3A_46 = tpu.vector_load %arg10[%swap3A_44, %swap3A_45] {strides = array<i32>} : memref<128x128xf32, #tpu.memory_space<vmem>>, vector<1x16xf32>,
      %swap3A_47 = vector.shape_cast %swap3A_46 : vector<1x16xf32> to vector<16xf32>
      %swap3A_48 = vector.shape_cast %broadcast_in_dim3A_43 : vector<16xf32> to vector<1x16xf32>
      tpu.vector_store %arg10[%swap3A_44, %swap3A_45], %swap3A_48 {strides = array<i32>} : memref<128x128xf32, #tpu.memory_space<vmem>>, vector<1x16xf32>,
      %broadcast_in_dim3A_49 = arith.constant 0.000000e+00 : f32
      %broadcast_in_dim3A_50 = vector.broadcast %broadcast_in_dim3A_49 : f32 to vector<16xf32>
      %swap3A_51 = arith.index_cast %scan3A_36 : i32 to index
      %swap3A_52 = arith.constant 32 : index
      %swap3A_53 = tpu.vector_load %arg10[%swap3A_51, %swap3A_52] {strides = array<i32>} : memref<128x128xf32, #tpu.memory_space<vmem>>, vector<1x16xf32>,
      %swap3A_54 = vector.shape_cast %swap3A_53 : vector<1x16xf32> to vector<16xf32>
      %swap3A_55 = vector.shape_cast %broadcast_in_dim3A_50 : vector<16xf32> to vector<1x16xf32>
      tpu.vector_store %arg10[%swap3A_51, %swap3A_52], %swap3A_55 {strides = array<i32>} : memref<128x128xf32, #tpu.memory_space<vmem>>, vector<1x16xf32>,
      %broadcast_in_dim3A_56 = arith.constant 0.000000e+00 : f32
      %broadcast_in_dim3A_57 = vector.broadcast %broadcast_in_dim3A_56 : f32 to vector<16xf32>
      %swap3A_58 = arith.index_cast %scan3A_36 : i32 to index
      %swap3A_59 = arith.constant 48 : index
      %swap3A_60 = tpu.vector_load %arg10[%swap3A_58, %swap3A_59] {strides = array<i32>} : memref<128x128xf32, #tpu.memory_space<vmem>>, vector<1x16xf32>,
      %swap3A_61 = vector.shape_cast %swap3A_60 : vector<1x16xf32> to vector<16xf32>
      %swap3A_62 = vector.shape_cast %broadcast_in_dim3A_57 : vector<16xf32> to vector<1x16xf32>
      tpu.vector_store %arg10[%swap3A_58, %swap3A_59], %swap3A_62 {strides = array<i32>} : memref<128x128xf32, #tpu.memory_space<vmem>>, vector<1x16xf32>,
      %broadcast_in_dim3A_63 = arith.constant 0.000000e+00 : f32
      %broadcast_in_dim3A_64 = vector.broadcast %broadcast_in_dim3A_63 : f32 to vector<16xf32>
      %swap3A_65 = arith.index_cast %scan3A_36 : i32 to index
      %swap3A_66 = arith.constant 64 : index
      %swap3A_67 = tpu.vector_load %arg10[%swap3A_65, %swap3A_66] {strides = array<i32>} : memref<128x128xf32, #tpu.memory_space<vmem>>, vector<1x16xf32>,
      %swap3A_68 = vector.shape_cast %swap3A_67 : vector<1x16xf32> to vector<16xf32>
      %swap3A_69 = vector.shape_cast %broadcast_in_dim3A_64 : vector<16xf32> to vector<1x16xf32>
      tpu.vector_store %arg10[%swap3A_65, %swap3A_66], %swap3A_69 {strides = array<i32>} : memref<128x128xf32, #tpu.memory_space<vmem>>, vector<1x16xf32>,
      %broadcast_in_dim3A_70 = arith.constant 0.000000e+00 : f32
      %broadcast_in_dim3A_71 = vector.broadcast %broadcast_in_dim3A_70 : f32 to vector<16xf32>
      %swap3A_72 = arith.index_cast %scan3A_36 : i32 to index
      %swap3A_73 = arith.constant 80 : index
      %swap3A_74 = tpu.vector_load %arg10[%swap3A_72, %swap3A_73] {strides = array<i32>} : memref<128x128xf32, #tpu.memory_space<vmem>>, vector<1x16xf32>,
      %swap3A_75 = vector.shape_cast %swap3A_74 : vector<1x16xf32> to vector<16xf32>
      %swap3A_76 = vector.shape_cast %broadcast_in_dim3A_71 : vector<16xf32> to vector<1x16xf32>
      tpu.vector_store %arg10[%swap3A_72, %swap3A_73], %swap3A_76 {strides = array<i32>} : memref<128x128xf32, #tpu.memory_space<vmem>>, vector<1x16xf32>,
      %broadcast_in_dim3A_77 = arith.constant 0.000000e+00 : f32
      %broadcast_in_dim3A_78 = vector.broadcast %broadcast_in_dim3A_77 : f32 to vector<16xf32>
      %swap3A_79 = arith.index_cast %scan3A_36 : i32 to index
      %swap3A_80 = arith.constant 96 : index
      %swap3A_81 = tpu.vector_load %arg10[%swap3A_79, %swap3A_80] {strides = array<i32>} : memref<128x128xf32, #tpu.memory_space<vmem>>, vector<1x16xf32>,
      %swap3A_82 = vector.shape_cast %swap3A_81 : vector<1x16xf32> to vector<16xf32>
      %swap3A_83 = vector.shape_cast %broadcast_in_dim3A_78 : vector<16xf32> to vector<1x16xf32>
      tpu.vector_store %arg10[%swap3A_79, %swap3A_80], %swap3A_83 {strides = array<i32>} : memref<128x128xf32, #tpu.memory_space<vmem>>, vector<1x16xf32>,
      %broadcast_in_dim3A_84 = arith.constant 0.000000e+00 : f32
      %broadcast_in_dim3A_85 = vector.broadcast %broadcast_in_dim3A_84 : f32 to vector<16xf32>
      %swap3A_86 = arith.index_cast %scan3A_36 : i32 to index
      %swap3A_87 = arith.constant 112 : index
      %swap3A_88 = tpu.vector_load %arg10[%swap3A_86, %swap3A_87] {strides = array<i32>} : memref<128x128xf32, #tpu.memory_space<vmem>>, vector<1x16xf32>,
      %swap3A_89 = vector.shape_cast %swap3A_88 : vector<1x16xf32> to vector<16xf32>
      %swap3A_90 = vector.shape_cast %broadcast_in_dim3A_85 : vector<16xf32> to vector<1x16xf32>
      tpu.vector_store %arg10[%swap3A_86, %swap3A_87], %swap3A_90 {strides = array<i32>} : memref<128x128xf32, #tpu.memory_space<vmem>>, vector<1x16xf32>,
    }
    %scan3A_4 = arith.constant 128 : i32
    %mul3A = arith.constant 632 : i32
    %mul3A_5 = arith.muli %arg1, %mul3A : i32
    %add3A = arith.constant 0 : i32
    %add3A_6 = arith.addi %mul3A_5, %add3A : i32
    "tpu.region"() ({
      %run_scoped3A = tpu.sem_alloc : memref<!tpu.dma_semaphore, #tpu.memory_space<semaphore_mem>>
      %dma_start3A = arith.constant 0 : i32
      %dma_start3A_36 = arith.constant 0 : i32
      %dma_start3A_37 = tpu.memref_slice %arg10[%dma_start3A, %dma_start3A_36] : memref<128x128xf32, #tpu.memory_space<vmem>> -> memref<128x128xf32, #tpu.memory_space<vmem>>
      %dma_start3A_38 = arith.constant 0 : i32
      %dma_start3A_39 = tpu.memref_slice %arg12[%add3A_6, %dma_start3A_38] : memref<10112x128xf32, #tpu.memory_space<vmem_shared>> -> memref<128x128xf32, #tpu.memory_space<vmem_shared>>
      %dma_start3A_40 = arith.constant 0 : i32
      %dma_start3A_41 = tpu.memref_slice %arg12[%add3A_6, %dma_start3A_40] : memref<10112x128xf32, #tpu.memory_space<vmem_shared>> -> memref<128x128xf32, #tpu.memory_space<vmem_shared>>
      %dma_start3A_42 = arith.constant 0 : i32
      %dma_start3A_43 = arith.constant 0 : i32
      %dma_start3A_44 = tpu.memref_slice %arg10[%dma_start3A_42, %dma_start3A_43] : memref<128x128xf32, #tpu.memory_space<vmem>> -> memref<128x128xf32, #tpu.memory_space<vmem>>
      tpu.enqueue_dma source(%dma_start3A_44 : memref<128x128xf32, #tpu.memory_space<vmem>>) target(%dma_start3A_41 : memref<128x128xf32, #tpu.memory_space<vmem_shared>>) target_semaphore(%run_scoped3A : memref<!tpu.dma_semaphore, #tpu.memory_space<semaphore_mem>>)
      %dma_wait3A = arith.constant 0 : i32
      %dma_wait3A_45 = arith.constant 0 : i32
      %dma_wait3A_46 = tpu.memref_slice %arg10[%dma_wait3A, %dma_wait3A_45] : memref<128x128xf32, #tpu.memory_space<vmem>> -> memref<128x128xf32, #tpu.memory_space<vmem>>
      %dma_wait3A_47 = arith.constant 0 : i32
      %dma_wait3A_48 = tpu.memref_slice %arg12[%add3A_6, %dma_wait3A_47] : memref<10112x128xf32, #tpu.memory_space<vmem_shared>> -> memref<128x128xf32, #tpu.memory_space<vmem_shared>>
      %dma_wait3A_49 = arith.constant 0 : i32
      %dma_wait3A_50 = tpu.memref_slice %arg12[%add3A_6, %dma_wait3A_49] : memref<10112x128xf32, #tpu.memory_space<vmem_shared>> -> memref<128x128xf32, #tpu.memory_space<vmem_shared>>
      %dma_wait3A_51 = arith.constant 0 : i32
      %dma_wait3A_52 = arith.constant 0 : i32
      %dma_wait3A_53 = tpu.memref_slice %arg10[%dma_wait3A_51, %dma_wait3A_52] : memref<128x128xf32, #tpu.memory_space<vmem>> -> memref<128x128xf32, #tpu.memory_space<vmem>>
      tpu.wait_dma2 semaphore(%run_scoped3A : memref<!tpu.dma_semaphore, #tpu.memory_space<semaphore_mem>>) src(%dma_wait3A_53 : memref<128x128xf32, #tpu.memory_space<vmem>>) dst(%dma_wait3A_50 : memref<128x128xf32, #tpu.memory_space<vmem_shared>>)
      tpu.yield
    }) : () -> ()
    %mul3A_7 = arith.constant 632 : i32
    %mul3A_8 = arith.muli %arg1, %mul3A_7 : i32
    %add3A_9 = arith.constant 128 : i32
    %add3A_10 = arith.addi %mul3A_8, %add3A_9 : i32
    "tpu.region"() ({
      %run_scoped3A = tpu.sem_alloc : memref<!tpu.dma_semaphore, #tpu.memory_space<semaphore_mem>>
      %dma_start3A = arith.constant 0 : i32
      %dma_start3A_36 = arith.constant 0 : i32
      %dma_start3A_37 = tpu.memref_slice %arg10[%dma_start3A, %dma_start3A_36] : memref<128x128xf32, #tpu.memory_space<vmem>> -> memref<128x128xf32, #tpu.memory_space<vmem>>
      %dma_start3A_38 = arith.constant 0 : i32
      %dma_start3A_39 = tpu.memref_slice %arg12[%add3A_10, %dma_start3A_38] : memref<10112x128xf32, #tpu.memory_space<vmem_shared>> -> memref<128x128xf32, #tpu.memory_space<vmem_shared>>
      %dma_start3A_40 = arith.constant 0 : i32
      %dma_start3A_41 = tpu.memref_slice %arg12[%add3A_10, %dma_start3A_40] : memref<10112x128xf32, #tpu.memory_space<vmem_shared>> -> memref<128x128xf32, #tpu.memory_space<vmem_shared>>
      %dma_start3A_42 = arith.constant 0 : i32
      %dma_start3A_43 = arith.constant 0 : i32
      %dma_start3A_44 = tpu.memref_slice %arg10[%dma_start3A_42, %dma_start3A_43] : memref<128x128xf32, #tpu.memory_space<vmem>> -> memref<128x128xf32, #tpu.memory_space<vmem>>
      tpu.enqueue_dma source(%dma_start3A_44 : memref<128x128xf32, #tpu.memory_space<vmem>>) target(%dma_start3A_41 : memref<128x128xf32, #tpu.memory_space<vmem_shared>>) target_semaphore(%run_scoped3A : memref<!tpu.dma_semaphore, #tpu.memory_space<semaphore_mem>>)
      %dma_wait3A = arith.constant 0 : i32
      %dma_wait3A_45 = arith.constant 0 : i32
      %dma_wait3A_46 = tpu.memref_slice %arg10[%dma_wait3A, %dma_wait3A_45] : memref<128x128xf32, #tpu.memory_space<vmem>> -> memref<128x128xf32, #tpu.memory_space<vmem>>
      %dma_wait3A_47 = arith.constant 0 : i32
      %dma_wait3A_48 = tpu.memref_slice %arg12[%add3A_10, %dma_wait3A_47] : memref<10112x128xf32, #tpu.memory_space<vmem_shared>> -> memref<128x128xf32, #tpu.memory_space<vmem_shared>>
      %dma_wait3A_49 = arith.constant 0 : i32
      %dma_wait3A_50 = tpu.memref_slice %arg12[%add3A_10, %dma_wait3A_49] : memref<10112x128xf32, #tpu.memory_space<vmem_shared>> -> memref<128x128xf32, #tpu.memory_space<vmem_shared>>
      %dma_wait3A_51 = arith.constant 0 : i32
      %dma_wait3A_52 = arith.constant 0 : i32
      %dma_wait3A_53 = tpu.memref_slice %arg10[%dma_wait3A_51, %dma_wait3A_52] : memref<128x128xf32, #tpu.memory_space<vmem>> -> memref<128x128xf32, #tpu.memory_space<vmem>>
      tpu.wait_dma2 semaphore(%run_scoped3A : memref<!tpu.dma_semaphore, #tpu.memory_space<semaphore_mem>>) src(%dma_wait3A_53 : memref<128x128xf32, #tpu.memory_space<vmem>>) dst(%dma_wait3A_50 : memref<128x128xf32, #tpu.memory_space<vmem_shared>>)
      tpu.yield
    }) : () -> ()
    %mul3A_11 = arith.constant 632 : i32
    %mul3A_12 = arith.muli %arg1, %mul3A_11 : i32
    %add3A_13 = arith.constant 256 : i32
    %add3A_14 = arith.addi %mul3A_12, %add3A_13 : i32
    "tpu.region"() ({
      %run_scoped3A = tpu.sem_alloc : memref<!tpu.dma_semaphore, #tpu.memory_space<semaphore_mem>>
      %dma_start3A = arith.constant 0 : i32
      %dma_start3A_36 = arith.constant 0 : i32
      %dma_start3A_37 = tpu.memref_slice %arg10[%dma_start3A, %dma_start3A_36] : memref<128x128xf32, #tpu.memory_space<vmem>> -> memref<128x128xf32, #tpu.memory_space<vmem>>
      %dma_start3A_38 = arith.constant 0 : i32
      %dma_start3A_39 = tpu.memref_slice %arg12[%add3A_14, %dma_start3A_38] : memref<10112x128xf32, #tpu.memory_space<vmem_shared>> -> memref<128x128xf32, #tpu.memory_space<vmem_shared>>
      %dma_start3A_40 = arith.constant 0 : i32
      %dma_start3A_41 = tpu.memref_slice %arg12[%add3A_14, %dma_start3A_40] : memref<10112x128xf32, #tpu.memory_space<vmem_shared>> -> memref<128x128xf32, #tpu.memory_space<vmem_shared>>
      %dma_start3A_42 = arith.constant 0 : i32
      %dma_start3A_43 = arith.constant 0 : i32
      %dma_start3A_44 = tpu.memref_slice %arg10[%dma_start3A_42, %dma_start3A_43] : memref<128x128xf32, #tpu.memory_space<vmem>> -> memref<128x128xf32, #tpu.memory_space<vmem>>
      tpu.enqueue_dma source(%dma_start3A_44 : memref<128x128xf32, #tpu.memory_space<vmem>>) target(%dma_start3A_41 : memref<128x128xf32, #tpu.memory_space<vmem_shared>>) target_semaphore(%run_scoped3A : memref<!tpu.dma_semaphore, #tpu.memory_space<semaphore_mem>>)
      %dma_wait3A = arith.constant 0 : i32
      %dma_wait3A_45 = arith.constant 0 : i32
      %dma_wait3A_46 = tpu.memref_slice %arg10[%dma_wait3A, %dma_wait3A_45] : memref<128x128xf32, #tpu.memory_space<vmem>> -> memref<128x128xf32, #tpu.memory_space<vmem>>
      %dma_wait3A_47 = arith.constant 0 : i32
      %dma_wait3A_48 = tpu.memref_slice %arg12[%add3A_14, %dma_wait3A_47] : memref<10112x128xf32, #tpu.memory_space<vmem_shared>> -> memref<128x128xf32, #tpu.memory_space<vmem_shared>>
      %dma_wait3A_49 = arith.constant 0 : i32
      %dma_wait3A_50 = tpu.memref_slice %arg12[%add3A_14, %dma_wait3A_49] : memref<10112x128xf32, #tpu.memory_space<vmem_shared>> -> memref<128x128xf32, #tpu.memory_space<vmem_shared>>
      %dma_wait3A_51 = arith.constant 0 : i32
      %dma_wait3A_52 = arith.constant 0 : i32
      %dma_wait3A_53 = tpu.memref_slice %arg10[%dma_wait3A_51, %dma_wait3A_52] : memref<128x128xf32, #tpu.memory_space<vmem>> -> memref<128x128xf32, #tpu.memory_space<vmem>>
      tpu.wait_dma2 semaphore(%run_scoped3A : memref<!tpu.dma_semaphore, #tpu.memory_space<semaphore_mem>>) src(%dma_wait3A_53 : memref<128x128xf32, #tpu.memory_space<vmem>>) dst(%dma_wait3A_50 : memref<128x128xf32, #tpu.memory_space<vmem_shared>>)
      tpu.yield
    }) : () -> ()
    %mul3A_15 = arith.constant 632 : i32
    %mul3A_16 = arith.muli %arg1, %mul3A_15 : i32
    %add3A_17 = arith.constant 384 : i32
    %add3A_18 = arith.addi %mul3A_16, %add3A_17 : i32
    "tpu.region"() ({
      %run_scoped3A = tpu.sem_alloc : memref<!tpu.dma_semaphore, #tpu.memory_space<semaphore_mem>>
      %dma_start3A = arith.constant 0 : i32
      %dma_start3A_36 = arith.constant 0 : i32
      %dma_start3A_37 = tpu.memref_slice %arg10[%dma_start3A, %dma_start3A_36] : memref<128x128xf32, #tpu.memory_space<vmem>> -> memref<128x128xf32, #tpu.memory_space<vmem>>
      %dma_start3A_38 = arith.constant 0 : i32
      %dma_start3A_39 = tpu.memref_slice %arg12[%add3A_18, %dma_start3A_38] : memref<10112x128xf32, #tpu.memory_space<vmem_shared>> -> memref<128x128xf32, #tpu.memory_space<vmem_shared>>
      %dma_start3A_40 = arith.constant 0 : i32
      %dma_start3A_41 = tpu.memref_slice %arg12[%add3A_18, %dma_start3A_40] : memref<10112x128xf32, #tpu.memory_space<vmem_shared>> -> memref<128x128xf32, #tpu.memory_space<vmem_shared>>
      %dma_start3A_42 = arith.constant 0 : i32
      %dma_start3A_43 = arith.constant 0 : i32
      %dma_start3A_44 = tpu.memref_slice %arg10[%dma_start3A_42, %dma_start3A_43] : memref<128x128xf32, #tpu.memory_space<vmem>> -> memref<128x128xf32, #tpu.memory_space<vmem>>
      tpu.enqueue_dma source(%dma_start3A_44 : memref<128x128xf32, #tpu.memory_space<vmem>>) target(%dma_start3A_41 : memref<128x128xf32, #tpu.memory_space<vmem_shared>>) target_semaphore(%run_scoped3A : memref<!tpu.dma_semaphore, #tpu.memory_space<semaphore_mem>>)
      %dma_wait3A = arith.constant 0 : i32
      %dma_wait3A_45 = arith.constant 0 : i32
      %dma_wait3A_46 = tpu.memref_slice %arg10[%dma_wait3A, %dma_wait3A_45] : memref<128x128xf32, #tpu.memory_space<vmem>> -> memref<128x128xf32, #tpu.memory_space<vmem>>
      %dma_wait3A_47 = arith.constant 0 : i32
      %dma_wait3A_48 = tpu.memref_slice %arg12[%add3A_18, %dma_wait3A_47] : memref<10112x128xf32, #tpu.memory_space<vmem_shared>> -> memref<128x128xf32, #tpu.memory_space<vmem_shared>>
      %dma_wait3A_49 = arith.constant 0 : i32
      %dma_wait3A_50 = tpu.memref_slice %arg12[%add3A_18, %dma_wait3A_49] : memref<10112x128xf32, #tpu.memory_space<vmem_shared>> -> memref<128x128xf32, #tpu.memory_space<vmem_shared>>
      %dma_wait3A_51 = arith.constant 0 : i32
      %dma_wait3A_52 = arith.constant 0 : i32
      %dma_wait3A_53 = tpu.memref_slice %arg10[%dma_wait3A_51, %dma_wait3A_52] : memref<128x128xf32, #tpu.memory_space<vmem>> -> memref<128x128xf32, #tpu.memory_space<vmem>>
      tpu.wait_dma2 semaphore(%run_scoped3A : memref<!tpu.dma_semaphore, #tpu.memory_space<semaphore_mem>>) src(%dma_wait3A_53 : memref<128x128xf32, #tpu.memory_space<vmem>>) dst(%dma_wait3A_50 : memref<128x128xf32, #tpu.memory_space<vmem_shared>>)
      tpu.yield
    }) : () -> ()
    %mul3A_19 = arith.constant 632 : i32
    %mul3A_20 = arith.muli %arg1, %mul3A_19 : i32
    %add3A_21 = arith.constant 512 : i32
    %add3A_22 = arith.addi %mul3A_20, %add3A_21 : i32
    "tpu.region"() ({
      %run_scoped3A = tpu.sem_alloc : memref<!tpu.dma_semaphore, #tpu.memory_space<semaphore_mem>>
      %dma_start3A = arith.constant 0 : i32
      %dma_start3A_36 = arith.constant 0 : i32
      %dma_start3A_37 = tpu.memref_slice %arg10[%dma_start3A, %dma_start3A_36] : memref<128x128xf32, #tpu.memory_space<vmem>> -> memref<120x128xf32, #tpu.memory_space<vmem>>
      %dma_start3A_38 = arith.constant 0 : i32
      %dma_start3A_39 = tpu.memref_slice %arg12[%add3A_22, %dma_start3A_38] : memref<10112x128xf32, #tpu.memory_space<vmem_shared>> -> memref<120x128xf32, #tpu.memory_space<vmem_shared>>
      %dma_start3A_40 = arith.constant 0 : i32
      %dma_start3A_41 = tpu.memref_slice %arg12[%add3A_22, %dma_start3A_40] : memref<10112x128xf32, #tpu.memory_space<vmem_shared>> -> memref<120x128xf32, #tpu.memory_space<vmem_shared>>
      %dma_start3A_42 = arith.constant 0 : i32
      %dma_start3A_43 = arith.constant 0 : i32
      %dma_start3A_44 = tpu.memref_slice %arg10[%dma_start3A_42, %dma_start3A_43] : memref<128x128xf32, #tpu.memory_space<vmem>> -> memref<120x128xf32, #tpu.memory_space<vmem>>
      tpu.enqueue_dma source(%dma_start3A_44 : memref<120x128xf32, #tpu.memory_space<vmem>>) target(%dma_start3A_41 : memref<120x128xf32, #tpu.memory_space<vmem_shared>>) target_semaphore(%run_scoped3A : memref<!tpu.dma_semaphore, #tpu.memory_space<semaphore_mem>>)
      %dma_wait3A = arith.constant 0 : i32
      %dma_wait3A_45 = arith.constant 0 : i32
      %dma_wait3A_46 = tpu.memref_slice %arg10[%dma_wait3A, %dma_wait3A_45] : memref<128x128xf32, #tpu.memory_space<vmem>> -> memref<120x128xf32, #tpu.memory_space<vmem>>
      %dma_wait3A_47 = arith.constant 0 : i32
      %dma_wait3A_48 = tpu.memref_slice %arg12[%add3A_22, %dma_wait3A_47] : memref<10112x128xf32, #tpu.memory_space<vmem_shared>> -> memref<120x128xf32, #tpu.memory_space<vmem_shared>>
      %dma_wait3A_49 = arith.constant 0 : i32
      %dma_wait3A_50 = tpu.memref_slice %arg12[%add3A_22, %dma_wait3A_49] : memref<10112x128xf32, #tpu.memory_space<vmem_shared>> -> memref<120x128xf32, #tpu.memory_space<vmem_shared>>
      %dma_wait3A_51 = arith.constant 0 : i32
      %dma_wait3A_52 = arith.constant 0 : i32
      %dma_wait3A_53 = tpu.memref_slice %arg10[%dma_wait3A_51, %dma_wait3A_52] : memref<128x128xf32, #tpu.memory_space<vmem>> -> memref<120x128xf32, #tpu.memory_space<vmem>>
      tpu.wait_dma2 semaphore(%run_scoped3A : memref<!tpu.dma_semaphore, #tpu.memory_space<semaphore_mem>>) src(%dma_wait3A_53 : memref<120x128xf32, #tpu.memory_space<vmem>>) dst(%dma_wait3A_50 : memref<120x128xf32, #tpu.memory_space<vmem_shared>>)
      tpu.yield
    }) : () -> ()
    "tpu.region"() ({
      %run_scoped3A = tpu.sem_alloc : memref<!tpu.dma_semaphore, #tpu.memory_space<semaphore_mem>>
      %dma_start3A = arith.constant 0 : i32
      %dma_start3A_36 = arith.constant 0 : i32
      %dma_start3A_37 = tpu.memref_slice %arg4[%arg1, %dma_start3A, %dma_start3A_36] : memref<16x80x128xi32, #tpu.memory_space<hbm>> -> memref<1x80x128xi32, #tpu.memory_space<hbm>>
      %dma_start3A_38 = tpu.memref_squeeze %dma_start3A_37 : memref<1x80x128xi32, #tpu.memory_space<hbm>> -> memref<80x128xi32, #tpu.memory_space<hbm>>
      %dma_start3A_39 = arith.constant 0 : i32
      %dma_start3A_40 = arith.constant 0 : i32
      %dma_start3A_41 = tpu.memref_slice %arg4[%arg1, %dma_start3A_39, %dma_start3A_40] : memref<16x80x128xi32, #tpu.memory_space<hbm>> -> memref<1x80x128xi32, #tpu.memory_space<hbm>>
      %dma_start3A_42 = tpu.memref_squeeze %dma_start3A_41 : memref<1x80x128xi32, #tpu.memory_space<hbm>> -> memref<80x128xi32, #tpu.memory_space<hbm>>
      tpu.enqueue_dma source(%dma_start3A_42 : memref<80x128xi32, #tpu.memory_space<hbm>>) target(%arg8 : memref<80x128xi32, #tpu.memory_space<vmem>>) target_semaphore(%run_scoped3A : memref<!tpu.dma_semaphore, #tpu.memory_space<semaphore_mem>>)
      %dma_wait3A = arith.constant 0 : i32
      %dma_wait3A_43 = arith.constant 0 : i32
      %dma_wait3A_44 = tpu.memref_slice %arg4[%arg1, %dma_wait3A, %dma_wait3A_43] : memref<16x80x128xi32, #tpu.memory_space<hbm>> -> memref<1x80x128xi32, #tpu.memory_space<hbm>>
      %dma_wait3A_45 = tpu.memref_squeeze %dma_wait3A_44 : memref<1x80x128xi32, #tpu.memory_space<hbm>> -> memref<80x128xi32, #tpu.memory_space<hbm>>
      %dma_wait3A_46 = arith.constant 0 : i32
      %dma_wait3A_47 = arith.constant 0 : i32
      %dma_wait3A_48 = tpu.memref_slice %arg4[%arg1, %dma_wait3A_46, %dma_wait3A_47] : memref<16x80x128xi32, #tpu.memory_space<hbm>> -> memref<1x80x128xi32, #tpu.memory_space<hbm>>
      %dma_wait3A_49 = tpu.memref_squeeze %dma_wait3A_48 : memref<1x80x128xi32, #tpu.memory_space<hbm>> -> memref<80x128xi32, #tpu.memory_space<hbm>>
      tpu.wait_dma2 semaphore(%run_scoped3A : memref<!tpu.dma_semaphore, #tpu.memory_space<semaphore_mem>>) src(%dma_wait3A_49 : memref<80x128xi32, #tpu.memory_space<hbm>>) dst(%arg8 : memref<80x128xi32, #tpu.memory_space<vmem>>)
      tpu.yield
    }) : () -> ()
    %barrier3A = arith.constant 0 : index
    tpu.barrier barrier_id(%barrier3A)
    %mul3A_23 = arith.constant 10240 : i32
    %mul3A_24 = arith.muli %arg1, %mul3A_23 : i32
    %mul3A_25 = arith.constant 10000 : i32
    %mul3A_26 = arith.muli %arg0, %mul3A_25 : i32
    %scan3A_27 = arith.constant 0 : i32
    %scan3A_28 = arith.constant 0 : i32
    %scan3A_29 = arith.constant 40 : i32
    %scan3A_30 = arith.addi %scan3A_28, %scan3A_29 : i32
    %scan3A_31 = arith.constant 1 : i32
    scf.for %scan3A_36 = %scan3A_28 to %scan3A_30 step %scan3A_31  : i32 {
      %mul3A_37 = arith.constant 256 : i32
      %mul3A_38 = arith.muli %scan3A_36, %mul3A_37 : i32
      %add3A_39 = arith.addi %mul3A_24, %mul3A_38 : i32
      "tpu.region"() ({
        %run_scoped3A = tpu.sem_alloc : memref<!tpu.dma_semaphore, #tpu.memory_space<semaphore_mem>>
        %dma_start3A_254 = tpu.memref_slice %arg3[%add3A_39] : memref<163968xi32, #tpu.memory_space<hbm>> -> memref<256xi32, #tpu.memory_space<hbm>>
        %dma_start3A_255 = tpu.memref_slice %arg3[%add3A_39] : memref<163968xi32, #tpu.memory_space<hbm>> -> memref<256xi32, #tpu.memory_space<hbm>>
        tpu.enqueue_dma source(%dma_start3A_255 : memref<256xi32, #tpu.memory_space<hbm>>) target(%arg7 : memref<256xi32, #tpu.memory_space<vmem>>) target_semaphore(%run_scoped3A : memref<!tpu.dma_semaphore, #tpu.memory_space<semaphore_mem>>)
        %dma_wait3A_256 = tpu.memref_slice %arg3[%add3A_39] : memref<163968xi32, #tpu.memory_space<hbm>> -> memref<256xi32, #tpu.memory_space<hbm>>
        %dma_wait3A_257 = tpu.memref_slice %arg3[%add3A_39] : memref<163968xi32, #tpu.memory_space<hbm>> -> memref<256xi32, #tpu.memory_space<hbm>>
        tpu.wait_dma2 semaphore(%run_scoped3A : memref<!tpu.dma_semaphore, #tpu.memory_space<semaphore_mem>>) src(%dma_wait3A_257 : memref<256xi32, #tpu.memory_space<hbm>>) dst(%arg7 : memref<256xi32, #tpu.memory_space<vmem>>)
        tpu.yield
      }) : () -> ()
      %mul3A_40 = arith.constant 16 : i32
      %mul3A_41 = arith.muli %add3A_39, %mul3A_40 : i32
      "tpu.region"() ({
        %run_scoped3A = tpu.sem_alloc : memref<!tpu.dma_semaphore, #tpu.memory_space<semaphore_mem>>
        %dma_start3A_254 = tpu.memref_slice %arg5[%mul3A_41] : memref<2623488xf32, #tpu.memory_space<hbm>> -> memref<4096xf32, #tpu.memory_space<hbm>>
        %dma_start3A_255 = tpu.memref_slice %arg5[%mul3A_41] : memref<2623488xf32, #tpu.memory_space<hbm>> -> memref<4096xf32, #tpu.memory_space<hbm>>
        tpu.enqueue_dma source(%dma_start3A_255 : memref<4096xf32, #tpu.memory_space<hbm>>) target(%arg9 : memref<4096xf32, #tpu.memory_space<vmem>>) target_semaphore(%run_scoped3A : memref<!tpu.dma_semaphore, #tpu.memory_space<semaphore_mem>>)
        %dma_wait3A_256 = tpu.memref_slice %arg5[%mul3A_41] : memref<2623488xf32, #tpu.memory_space<hbm>> -> memref<4096xf32, #tpu.memory_space<hbm>>
        %dma_wait3A_257 = tpu.memref_slice %arg5[%mul3A_41] : memref<2623488xf32, #tpu.memory_space<hbm>> -> memref<4096xf32, #tpu.memory_space<hbm>>
        tpu.wait_dma2 semaphore(%run_scoped3A : memref<!tpu.dma_semaphore, #tpu.memory_space<semaphore_mem>>) src(%dma_wait3A_257 : memref<4096xf32, #tpu.memory_space<hbm>>) dst(%arg9 : memref<4096xf32, #tpu.memory_space<vmem>>)
        tpu.yield
      }) : () -> ()
      %get3A = arith.constant 0 : index
      %get3A_42 = tpu.vector_load %arg7[%get3A] {strides = array<i32>} : memref<256xi32, #tpu.memory_space<vmem>>, vector<16xi32>,
      %get3A_43 = vector.shape_cast %get3A_42 : vector<16xi32> to vector<16xi32>
      %add3A_44 = vector.broadcast %mul3A_26 : i32 to vector<16xi32>
      %add3A_45 = arith.addi %get3A_43, %add3A_44 : vector<16xi32>
      %swap3A = arith.constant 0 : index
      %swap3A_46 = tpu.vector_load %arg7[%swap3A] {strides = array<i32>} : memref<256xi32, #tpu.memory_space<vmem>>, vector<16xi32>,
      %swap3A_47 = vector.shape_cast %swap3A_46 : vector<16xi32> to vector<16xi32>
      %swap3A_48 = vector.shape_cast %add3A_45 : vector<16xi32> to vector<16xi32>
      tpu.vector_store %arg7[%swap3A], %swap3A_48 {strides = array<i32>} : memref<256xi32, #tpu.memory_space<vmem>>, vector<16xi32>,
      %get3A_49 = arith.constant 16 : index
      %get3A_50 = tpu.vector_load %arg7[%get3A_49] {strides = array<i32>} : memref<256xi32, #tpu.memory_space<vmem>>, vector<16xi32>,
      %get3A_51 = vector.shape_cast %get3A_50 : vector<16xi32> to vector<16xi32>
      %add3A_52 = vector.broadcast %mul3A_26 : i32 to vector<16xi32>
      %add3A_53 = arith.addi %get3A_51, %add3A_52 : vector<16xi32>
      %swap3A_54 = arith.constant 16 : index
      %swap3A_55 = tpu.vector_load %arg7[%swap3A_54] {strides = array<i32>} : memref<256xi32, #tpu.memory_space<vmem>>, vector<16xi32>,
      %swap3A_56 = vector.shape_cast %swap3A_55 : vector<16xi32> to vector<16xi32>
      %swap3A_57 = vector.shape_cast %add3A_53 : vector<16xi32> to vector<16xi32>
      tpu.vector_store %arg7[%swap3A_54], %swap3A_57 {strides = array<i32>} : memref<256xi32, #tpu.memory_space<vmem>>, vector<16xi32>,
      %get3A_58 = arith.constant 32 : index
      %get3A_59 = tpu.vector_load %arg7[%get3A_58] {strides = array<i32>} : memref<256xi32, #tpu.memory_space<vmem>>, vector<16xi32>,
      %get3A_60 = vector.shape_cast %get3A_59 : vector<16xi32> to vector<16xi32>
      %add3A_61 = vector.broadcast %mul3A_26 : i32 to vector<16xi32>
      %add3A_62 = arith.addi %get3A_60, %add3A_61 : vector<16xi32>
      %swap3A_63 = arith.constant 32 : index
      %swap3A_64 = tpu.vector_load %arg7[%swap3A_63] {strides = array<i32>} : memref<256xi32, #tpu.memory_space<vmem>>, vector<16xi32>,
      %swap3A_65 = vector.shape_cast %swap3A_64 : vector<16xi32> to vector<16xi32>
      %swap3A_66 = vector.shape_cast %add3A_62 : vector<16xi32> to vector<16xi32>
      tpu.vector_store %arg7[%swap3A_63], %swap3A_66 {strides = array<i32>} : memref<256xi32, #tpu.memory_space<vmem>>, vector<16xi32>,
      %get3A_67 = arith.constant 48 : index
      %get3A_68 = tpu.vector_load %arg7[%get3A_67] {strides = array<i32>} : memref<256xi32, #tpu.memory_space<vmem>>, vector<16xi32>,
      %get3A_69 = vector.shape_cast %get3A_68 : vector<16xi32> to vector<16xi32>
      %add3A_70 = vector.broadcast %mul3A_26 : i32 to vector<16xi32>
      %add3A_71 = arith.addi %get3A_69, %add3A_70 : vector<16xi32>
      %swap3A_72 = arith.constant 48 : index
      %swap3A_73 = tpu.vector_load %arg7[%swap3A_72] {strides = array<i32>} : memref<256xi32, #tpu.memory_space<vmem>>, vector<16xi32>,
      %swap3A_74 = vector.shape_cast %swap3A_73 : vector<16xi32> to vector<16xi32>
      %swap3A_75 = vector.shape_cast %add3A_71 : vector<16xi32> to vector<16xi32>
      tpu.vector_store %arg7[%swap3A_72], %swap3A_75 {strides = array<i32>} : memref<256xi32, #tpu.memory_space<vmem>>, vector<16xi32>,
      %get3A_76 = arith.constant 64 : index
      %get3A_77 = tpu.vector_load %arg7[%get3A_76] {strides = array<i32>} : memref<256xi32, #tpu.memory_space<vmem>>, vector<16xi32>,
      %get3A_78 = vector.shape_cast %get3A_77 : vector<16xi32> to vector<16xi32>
      %add3A_79 = vector.broadcast %mul3A_26 : i32 to vector<16xi32>
      %add3A_80 = arith.addi %get3A_78, %add3A_79 : vector<16xi32>
      %swap3A_81 = arith.constant 64 : index
      %swap3A_82 = tpu.vector_load %arg7[%swap3A_81] {strides = array<i32>} : memref<256xi32, #tpu.memory_space<vmem>>, vector<16xi32>,
      %swap3A_83 = vector.shape_cast %swap3A_82 : vector<16xi32> to vector<16xi32>
      %swap3A_84 = vector.shape_cast %add3A_80 : vector<16xi32> to vector<16xi32>
      tpu.vector_store %arg7[%swap3A_81], %swap3A_84 {strides = array<i32>} : memref<256xi32, #tpu.memory_space<vmem>>, vector<16xi32>,
      %get3A_85 = arith.constant 80 : index
      %get3A_86 = tpu.vector_load %arg7[%get3A_85] {strides = array<i32>} : memref<256xi32, #tpu.memory_space<vmem>>, vector<16xi32>,
      %get3A_87 = vector.shape_cast %get3A_86 : vector<16xi32> to vector<16xi32>
      %add3A_88 = vector.broadcast %mul3A_26 : i32 to vector<16xi32>
      %add3A_89 = arith.addi %get3A_87, %add3A_88 : vector<16xi32>
      %swap3A_90 = arith.constant 80 : index
      %swap3A_91 = tpu.vector_load %arg7[%swap3A_90] {strides = array<i32>} : memref<256xi32, #tpu.memory_space<vmem>>, vector<16xi32>,
      %swap3A_92 = vector.shape_cast %swap3A_91 : vector<16xi32> to vector<16xi32>
      %swap3A_93 = vector.shape_cast %add3A_89 : vector<16xi32> to vector<16xi32>
      tpu.vector_store %arg7[%swap3A_90], %swap3A_93 {strides = array<i32>} : memref<256xi32, #tpu.memory_space<vmem>>, vector<16xi32>,
      %get3A_94 = arith.constant 96 : index
      %get3A_95 = tpu.vector_load %arg7[%get3A_94] {strides = array<i32>} : memref<256xi32, #tpu.memory_space<vmem>>, vector<16xi32>,
      %get3A_96 = vector.shape_cast %get3A_95 : vector<16xi32> to vector<16xi32>
      %add3A_97 = vector.broadcast %mul3A_26 : i32 to vector<16xi32>
      %add3A_98 = arith.addi %get3A_96, %add3A_97 : vector<16xi32>
      %swap3A_99 = arith.constant 96 : index
      %swap3A_100 = tpu.vector_load %arg7[%swap3A_99] {strides = array<i32>} : memref<256xi32, #tpu.memory_space<vmem>>, vector<16xi32>,
      %swap3A_101 = vector.shape_cast %swap3A_100 : vector<16xi32> to vector<16xi32>
      %swap3A_102 = vector.shape_cast %add3A_98 : vector<16xi32> to vector<16xi32>
      tpu.vector_store %arg7[%swap3A_99], %swap3A_102 {strides = array<i32>} : memref<256xi32, #tpu.memory_space<vmem>>, vector<16xi32>,
      %get3A_103 = arith.constant 112 : index
      %get3A_104 = tpu.vector_load %arg7[%get3A_103] {strides = array<i32>} : memref<256xi32, #tpu.memory_space<vmem>>, vector<16xi32>,
      %get3A_105 = vector.shape_cast %get3A_104 : vector<16xi32> to vector<16xi32>
      %add3A_106 = vector.broadcast %mul3A_26 : i32 to vector<16xi32>
      %add3A_107 = arith.addi %get3A_105, %add3A_106 : vector<16xi32>
      %swap3A_108 = arith.constant 112 : index
      %swap3A_109 = tpu.vector_load %arg7[%swap3A_108] {strides = array<i32>} : memref<256xi32, #tpu.memory_space<vmem>>, vector<16xi32>,
      %swap3A_110 = vector.shape_cast %swap3A_109 : vector<16xi32> to vector<16xi32>
      %swap3A_111 = vector.shape_cast %add3A_107 : vector<16xi32> to vector<16xi32>
      tpu.vector_store %arg7[%swap3A_108], %swap3A_111 {strides = array<i32>} : memref<256xi32, #tpu.memory_space<vmem>>, vector<16xi32>,
      %get3A_112 = arith.constant 128 : index
      %get3A_113 = tpu.vector_load %arg7[%get3A_112] {strides = array<i32>} : memref<256xi32, #tpu.memory_space<vmem>>, vector<16xi32>,
      %get3A_114 = vector.shape_cast %get3A_113 : vector<16xi32> to vector<16xi32>
      %add3A_115 = vector.broadcast %mul3A_26 : i32 to vector<16xi32>
      %add3A_116 = arith.addi %get3A_114, %add3A_115 : vector<16xi32>
      %swap3A_117 = arith.constant 128 : index
      %swap3A_118 = tpu.vector_load %arg7[%swap3A_117] {strides = array<i32>} : memref<256xi32, #tpu.memory_space<vmem>>, vector<16xi32>,
      %swap3A_119 = vector.shape_cast %swap3A_118 : vector<16xi32> to vector<16xi32>
      %swap3A_120 = vector.shape_cast %add3A_116 : vector<16xi32> to vector<16xi32>
      tpu.vector_store %arg7[%swap3A_117], %swap3A_120 {strides = array<i32>} : memref<256xi32, #tpu.memory_space<vmem>>, vector<16xi32>,
      %get3A_121 = arith.constant 144 : index
      %get3A_122 = tpu.vector_load %arg7[%get3A_121] {strides = array<i32>} : memref<256xi32, #tpu.memory_space<vmem>>, vector<16xi32>,
      %get3A_123 = vector.shape_cast %get3A_122 : vector<16xi32> to vector<16xi32>
      %add3A_124 = vector.broadcast %mul3A_26 : i32 to vector<16xi32>
      %add3A_125 = arith.addi %get3A_123, %add3A_124 : vector<16xi32>
      %swap3A_126 = arith.constant 144 : index
      %swap3A_127 = tpu.vector_load %arg7[%swap3A_126] {strides = array<i32>} : memref<256xi32, #tpu.memory_space<vmem>>, vector<16xi32>,
      %swap3A_128 = vector.shape_cast %swap3A_127 : vector<16xi32> to vector<16xi32>
      %swap3A_129 = vector.shape_cast %add3A_125 : vector<16xi32> to vector<16xi32>
      tpu.vector_store %arg7[%swap3A_126], %swap3A_129 {strides = array<i32>} : memref<256xi32, #tpu.memory_space<vmem>>, vector<16xi32>,
      %get3A_130 = arith.constant 160 : index
      %get3A_131 = tpu.vector_load %arg7[%get3A_130] {strides = array<i32>} : memref<256xi32, #tpu.memory_space<vmem>>, vector<16xi32>,
      %get3A_132 = vector.shape_cast %get3A_131 : vector<16xi32> to vector<16xi32>
      %add3A_133 = vector.broadcast %mul3A_26 : i32 to vector<16xi32>
      %add3A_134 = arith.addi %get3A_132, %add3A_133 : vector<16xi32>
      %swap3A_135 = arith.constant 160 : index
      %swap3A_136 = tpu.vector_load %arg7[%swap3A_135] {strides = array<i32>} : memref<256xi32, #tpu.memory_space<vmem>>, vector<16xi32>,
      %swap3A_137 = vector.shape_cast %swap3A_136 : vector<16xi32> to vector<16xi32>
      %swap3A_138 = vector.shape_cast %add3A_134 : vector<16xi32> to vector<16xi32>
      tpu.vector_store %arg7[%swap3A_135], %swap3A_138 {strides = array<i32>} : memref<256xi32, #tpu.memory_space<vmem>>, vector<16xi32>,
      %get3A_139 = arith.constant 176 : index
      %get3A_140 = tpu.vector_load %arg7[%get3A_139] {strides = array<i32>} : memref<256xi32, #tpu.memory_space<vmem>>, vector<16xi32>,
      %get3A_141 = vector.shape_cast %get3A_140 : vector<16xi32> to vector<16xi32>
      %add3A_142 = vector.broadcast %mul3A_26 : i32 to vector<16xi32>
      %add3A_143 = arith.addi %get3A_141, %add3A_142 : vector<16xi32>
      %swap3A_144 = arith.constant 176 : index
      %swap3A_145 = tpu.vector_load %arg7[%swap3A_144] {strides = array<i32>} : memref<256xi32, #tpu.memory_space<vmem>>, vector<16xi32>,
      %swap3A_146 = vector.shape_cast %swap3A_145 : vector<16xi32> to vector<16xi32>
      %swap3A_147 = vector.shape_cast %add3A_143 : vector<16xi32> to vector<16xi32>
      tpu.vector_store %arg7[%swap3A_144], %swap3A_147 {strides = array<i32>} : memref<256xi32, #tpu.memory_space<vmem>>, vector<16xi32>,
      %get3A_148 = arith.constant 192 : index
      %get3A_149 = tpu.vector_load %arg7[%get3A_148] {strides = array<i32>} : memref<256xi32, #tpu.memory_space<vmem>>, vector<16xi32>,
      %get3A_150 = vector.shape_cast %get3A_149 : vector<16xi32> to vector<16xi32>
      %add3A_151 = vector.broadcast %mul3A_26 : i32 to vector<16xi32>
      %add3A_152 = arith.addi %get3A_150, %add3A_151 : vector<16xi32>
      %swap3A_153 = arith.constant 192 : index
      %swap3A_154 = tpu.vector_load %arg7[%swap3A_153] {strides = array<i32>} : memref<256xi32, #tpu.memory_space<vmem>>, vector<16xi32>,
      %swap3A_155 = vector.shape_cast %swap3A_154 : vector<16xi32> to vector<16xi32>
      %swap3A_156 = vector.shape_cast %add3A_152 : vector<16xi32> to vector<16xi32>
      tpu.vector_store %arg7[%swap3A_153], %swap3A_156 {strides = array<i32>} : memref<256xi32, #tpu.memory_space<vmem>>, vector<16xi32>,
      %get3A_157 = arith.constant 208 : index
      %get3A_158 = tpu.vector_load %arg7[%get3A_157] {strides = array<i32>} : memref<256xi32, #tpu.memory_space<vmem>>, vector<16xi32>,
      %get3A_159 = vector.shape_cast %get3A_158 : vector<16xi32> to vector<16xi32>
      %add3A_160 = vector.broadcast %mul3A_26 : i32 to vector<16xi32>
      %add3A_161 = arith.addi %get3A_159, %add3A_160 : vector<16xi32>
      %swap3A_162 = arith.constant 208 : index
      %swap3A_163 = tpu.vector_load %arg7[%swap3A_162] {strides = array<i32>} : memref<256xi32, #tpu.memory_space<vmem>>, vector<16xi32>,
      %swap3A_164 = vector.shape_cast %swap3A_163 : vector<16xi32> to vector<16xi32>
      %swap3A_165 = vector.shape_cast %add3A_161 : vector<16xi32> to vector<16xi32>
      tpu.vector_store %arg7[%swap3A_162], %swap3A_165 {strides = array<i32>} : memref<256xi32, #tpu.memory_space<vmem>>, vector<16xi32>,
      %get3A_166 = arith.constant 224 : index
      %get3A_167 = tpu.vector_load %arg7[%get3A_166] {strides = array<i32>} : memref<256xi32, #tpu.memory_space<vmem>>, vector<16xi32>,
      %get3A_168 = vector.shape_cast %get3A_167 : vector<16xi32> to vector<16xi32>
      %add3A_169 = vector.broadcast %mul3A_26 : i32 to vector<16xi32>
      %add3A_170 = arith.addi %get3A_168, %add3A_169 : vector<16xi32>
      %swap3A_171 = arith.constant 224 : index
      %swap3A_172 = tpu.vector_load %arg7[%swap3A_171] {strides = array<i32>} : memref<256xi32, #tpu.memory_space<vmem>>, vector<16xi32>,
      %swap3A_173 = vector.shape_cast %swap3A_172 : vector<16xi32> to vector<16xi32>
      %swap3A_174 = vector.shape_cast %add3A_170 : vector<16xi32> to vector<16xi32>
      tpu.vector_store %arg7[%swap3A_171], %swap3A_174 {strides = array<i32>} : memref<256xi32, #tpu.memory_space<vmem>>, vector<16xi32>,
      %get3A_175 = arith.constant 240 : index
      %get3A_176 = tpu.vector_load %arg7[%get3A_175] {strides = array<i32>} : memref<256xi32, #tpu.memory_space<vmem>>, vector<16xi32>,
      %get3A_177 = vector.shape_cast %get3A_176 : vector<16xi32> to vector<16xi32>
      %add3A_178 = vector.broadcast %mul3A_26 : i32 to vector<16xi32>
      %add3A_179 = arith.addi %get3A_177, %add3A_178 : vector<16xi32>
      %swap3A_180 = arith.constant 240 : index
      %swap3A_181 = tpu.vector_load %arg7[%swap3A_180] {strides = array<i32>} : memref<256xi32, #tpu.memory_space<vmem>>, vector<16xi32>,
      %swap3A_182 = vector.shape_cast %swap3A_181 : vector<16xi32> to vector<16xi32>
      %swap3A_183 = vector.shape_cast %add3A_179 : vector<16xi32> to vector<16xi32>
      tpu.vector_store %arg7[%swap3A_180], %swap3A_183 {strides = array<i32>} : memref<256xi32, #tpu.memory_space<vmem>>, vector<16xi32>,
      %dma_start3A = arith.constant 0 : i32
      %dma_start3A_184 = tpu.memref_slice %arg7[%dma_start3A] : memref<256xi32, #tpu.memory_space<vmem>> -> memref<128xi32, #tpu.memory_space<vmem>>
      %dma_start3A_185 = arith.constant 0 : i32
      %dma_start3A_186 = arith.constant 0 : i32
      %dma_start3A_187 = tpu.memref_slice %arg2[%dma_start3A_185, %dma_start3A_186] : memref<20000x128xf32, #tpu.memory_space<hbm>> -> memref<20000x128xf32, #tpu.memory_space<hbm>>
      tpu.enqueue_indirect_dma source(%dma_start3A_187 : memref<20000x128xf32, #tpu.memory_space<hbm>>) target(%arg10 : memref<128x128xf32, #tpu.memory_space<vmem>>) offsets(%dma_start3A_184 : memref<128xi32, #tpu.memory_space<vmem>>) semaphore(%arg13 : memref<!tpu.dma_semaphore, #tpu.memory_space<semaphore_mem>>)
      %dma_start3A_188 = arith.constant 128 : i32
      %dma_start3A_189 = tpu.memref_slice %arg7[%dma_start3A_188] : memref<256xi32, #tpu.memory_space<vmem>> -> memref<128xi32, #tpu.memory_space<vmem>>
      %dma_start3A_190 = arith.constant 0 : i32
      %dma_start3A_191 = arith.constant 0 : i32
      %dma_start3A_192 = tpu.memref_slice %arg2[%dma_start3A_190, %dma_start3A_191] : memref<20000x128xf32, #tpu.memory_space<hbm>> -> memref<20000x128xf32, #tpu.memory_space<hbm>>
      tpu.enqueue_indirect_dma source(%dma_start3A_192 : memref<20000x128xf32, #tpu.memory_space<hbm>>) target(%arg11 : memref<128x128xf32, #tpu.memory_space<vmem>>) offsets(%dma_start3A_189 : memref<128xi32, #tpu.memory_space<vmem>>) semaphore(%arg14 : memref<!tpu.dma_semaphore, #tpu.memory_space<semaphore_mem>>)
      %mul3A_193 = arith.constant 2 : i32
      %mul3A_194 = arith.muli %scan3A_36, %mul3A_193 : i32
      %add3A_195 = arith.constant 0 : i32
      %add3A_196 = arith.addi %mul3A_194, %add3A_195 : i32
      %dma_wait3A = arith.constant 0 : i32
      %dma_wait3A_197 = tpu.memref_slice %arg7[%dma_wait3A] : memref<256xi32, #tpu.memory_space<vmem>> -> memref<128xi32, #tpu.memory_space<vmem>>
      %dma_wait3A_198 = arith.constant 0 : i32
      %dma_wait3A_199 = arith.constant 0 : i32
      %dma_wait3A_200 = tpu.memref_slice %arg2[%dma_wait3A_198, %dma_wait3A_199] : memref<20000x128xf32, #tpu.memory_space<hbm>> -> memref<20000x128xf32, #tpu.memory_space<hbm>>
      tpu.wait_indirect_dma semaphore(%arg13 : memref<!tpu.dma_semaphore, #tpu.memory_space<semaphore_mem>>) src(%dma_wait3A_200 : memref<20000x128xf32, #tpu.memory_space<hbm>>) dst(%arg10 : memref<128x128xf32, #tpu.memory_space<vmem>>)
      %scan3A_201 = arith.constant 0 : i32
      %scan3A_202 = arith.constant 0 : i32
      %scan3A_203 = arith.constant 128 : i32
      %scan3A_204 = arith.addi %scan3A_202, %scan3A_203 : i32
      %scan3A_205 = arith.constant 1 : i32
      scf.for %scan3A_254 = %scan3A_202 to %scan3A_204 step %scan3A_205  : i32 {
        %add3A_255 = arith.constant 0 : i32
        %add3A_256 = arith.addi %add3A_255, %scan3A_254 : i32
        %mul3A_257 = arith.constant 16 : i32
        %mul3A_258 = arith.muli %add3A_256, %mul3A_257 : i32
        %get3A_259 = arith.index_cast %mul3A_258 : i32 to index
        %get3A_260 = tpu.vector_load %arg9[%get3A_259] {strides = array<i32>} : memref<4096xf32, #tpu.memory_space<vmem>>, vector<16xf32>,
        %get3A_261 = vector.shape_cast %get3A_260 : vector<16xf32> to vector<16xf32>
        %get3A_262 = arith.index_cast %scan3A_254 : i32 to index
        %get3A_263 = arith.constant 0 : index
        %get3A_264 = tpu.vector_load %arg10[%get3A_262, %get3A_263] {strides = array<i32>} : memref<128x128xf32, #tpu.memory_space<vmem>>, vector<1x16xf32>,
        %get3A_265 = vector.shape_cast %get3A_264 : vector<1x16xf32> to vector<16xf32>
        %mul3A_266 = arith.mulf %get3A_265, %get3A_261 : vector<16xf32>
        %swap3A_267 = arith.index_cast %scan3A_254 : i32 to index
        %swap3A_268 = arith.constant 0 : index
        %swap3A_269 = tpu.vector_load %arg10[%swap3A_267, %swap3A_268] {strides = array<i32>} : memref<128x128xf32, #tpu.memory_space<vmem>>, vector<1x16xf32>,
        %swap3A_270 = vector.shape_cast %swap3A_269 : vector<1x16xf32> to vector<16xf32>
        %swap3A_271 = vector.shape_cast %mul3A_266 : vector<16xf32> to vector<1x16xf32>
        tpu.vector_store %arg10[%swap3A_267, %swap3A_268], %swap3A_271 {strides = array<i32>} : memref<128x128xf32, #tpu.memory_space<vmem>>, vector<1x16xf32>,
        %get3A_272 = arith.index_cast %scan3A_254 : i32 to index
        %get3A_273 = arith.constant 16 : index
        %get3A_274 = tpu.vector_load %arg10[%get3A_272, %get3A_273] {strides = array<i32>} : memref<128x128xf32, #tpu.memory_space<vmem>>, vector<1x16xf32>,
        %get3A_275 = vector.shape_cast %get3A_274 : vector<1x16xf32> to vector<16xf32>
        %mul3A_276 = arith.mulf %get3A_275, %get3A_261 : vector<16xf32>
        %swap3A_277 = arith.index_cast %scan3A_254 : i32 to index
        %swap3A_278 = arith.constant 16 : index
        %swap3A_279 = tpu.vector_load %arg10[%swap3A_277, %swap3A_278] {strides = array<i32>} : memref<128x128xf32, #tpu.memory_space<vmem>>, vector<1x16xf32>,
        %swap3A_280 = vector.shape_cast %swap3A_279 : vector<1x16xf32> to vector<16xf32>
        %swap3A_281 = vector.shape_cast %mul3A_276 : vector<16xf32> to vector<1x16xf32>
        tpu.vector_store %arg10[%swap3A_277, %swap3A_278], %swap3A_281 {strides = array<i32>} : memref<128x128xf32, #tpu.memory_space<vmem>>, vector<1x16xf32>,
        %get3A_282 = arith.index_cast %scan3A_254 : i32 to index
        %get3A_283 = arith.constant 32 : index
        %get3A_284 = tpu.vector_load %arg10[%get3A_282, %get3A_283] {strides = array<i32>} : memref<128x128xf32, #tpu.memory_space<vmem>>, vector<1x16xf32>,
        %get3A_285 = vector.shape_cast %get3A_284 : vector<1x16xf32> to vector<16xf32>
        %mul3A_286 = arith.mulf %get3A_285, %get3A_261 : vector<16xf32>
        %swap3A_287 = arith.index_cast %scan3A_254 : i32 to index
        %swap3A_288 = arith.constant 32 : index
        %swap3A_289 = tpu.vector_load %arg10[%swap3A_287, %swap3A_288] {strides = array<i32>} : memref<128x128xf32, #tpu.memory_space<vmem>>, vector<1x16xf32>,
        %swap3A_290 = vector.shape_cast %swap3A_289 : vector<1x16xf32> to vector<16xf32>
        %swap3A_291 = vector.shape_cast %mul3A_286 : vector<16xf32> to vector<1x16xf32>
        tpu.vector_store %arg10[%swap3A_287, %swap3A_288], %swap3A_291 {strides = array<i32>} : memref<128x128xf32, #tpu.memory_space<vmem>>, vector<1x16xf32>,
        %get3A_292 = arith.index_cast %scan3A_254 : i32 to index
        %get3A_293 = arith.constant 48 : index
        %get3A_294 = tpu.vector_load %arg10[%get3A_292, %get3A_293] {strides = array<i32>} : memref<128x128xf32, #tpu.memory_space<vmem>>, vector<1x16xf32>,
        %get3A_295 = vector.shape_cast %get3A_294 : vector<1x16xf32> to vector<16xf32>
        %mul3A_296 = arith.mulf %get3A_295, %get3A_261 : vector<16xf32>
        %swap3A_297 = arith.index_cast %scan3A_254 : i32 to index
        %swap3A_298 = arith.constant 48 : index
        %swap3A_299 = tpu.vector_load %arg10[%swap3A_297, %swap3A_298] {strides = array<i32>} : memref<128x128xf32, #tpu.memory_space<vmem>>, vector<1x16xf32>,
        %swap3A_300 = vector.shape_cast %swap3A_299 : vector<1x16xf32> to vector<16xf32>
        %swap3A_301 = vector.shape_cast %mul3A_296 : vector<16xf32> to vector<1x16xf32>
        tpu.vector_store %arg10[%swap3A_297, %swap3A_298], %swap3A_301 {strides = array<i32>} : memref<128x128xf32, #tpu.memory_space<vmem>>, vector<1x16xf32>,
        %get3A_302 = arith.index_cast %scan3A_254 : i32 to index
        %get3A_303 = arith.constant 64 : index
        %get3A_304 = tpu.vector_load %arg10[%get3A_302, %get3A_303] {strides = array<i32>} : memref<128x128xf32, #tpu.memory_space<vmem>>, vector<1x16xf32>,
        %get3A_305 = vector.shape_cast %get3A_304 : vector<1x16xf32> to vector<16xf32>
        %mul3A_306 = arith.mulf %get3A_305, %get3A_261 : vector<16xf32>
        %swap3A_307 = arith.index_cast %scan3A_254 : i32 to index
        %swap3A_308 = arith.constant 64 : index
        %swap3A_309 = tpu.vector_load %arg10[%swap3A_307, %swap3A_308] {strides = array<i32>} : memref<128x128xf32, #tpu.memory_space<vmem>>, vector<1x16xf32>,
        %swap3A_310 = vector.shape_cast %swap3A_309 : vector<1x16xf32> to vector<16xf32>
        %swap3A_311 = vector.shape_cast %mul3A_306 : vector<16xf32> to vector<1x16xf32>
        tpu.vector_store %arg10[%swap3A_307, %swap3A_308], %swap3A_311 {strides = array<i32>} : memref<128x128xf32, #tpu.memory_space<vmem>>, vector<1x16xf32>,
        %get3A_312 = arith.index_cast %scan3A_254 : i32 to index
        %get3A_313 = arith.constant 80 : index
        %get3A_314 = tpu.vector_load %arg10[%get3A_312, %get3A_313] {strides = array<i32>} : memref<128x128xf32, #tpu.memory_space<vmem>>, vector<1x16xf32>,
        %get3A_315 = vector.shape_cast %get3A_314 : vector<1x16xf32> to vector<16xf32>
        %mul3A_316 = arith.mulf %get3A_315, %get3A_261 : vector<16xf32>
        %swap3A_317 = arith.index_cast %scan3A_254 : i32 to index
        %swap3A_318 = arith.constant 80 : index
        %swap3A_319 = tpu.vector_load %arg10[%swap3A_317, %swap3A_318] {strides = array<i32>} : memref<128x128xf32, #tpu.memory_space<vmem>>, vector<1x16xf32>,
        %swap3A_320 = vector.shape_cast %swap3A_319 : vector<1x16xf32> to vector<16xf32>
        %swap3A_321 = vector.shape_cast %mul3A_316 : vector<16xf32> to vector<1x16xf32>
        tpu.vector_store %arg10[%swap3A_317, %swap3A_318], %swap3A_321 {strides = array<i32>} : memref<128x128xf32, #tpu.memory_space<vmem>>, vector<1x16xf32>,
        %get3A_322 = arith.index_cast %scan3A_254 : i32 to index
        %get3A_323 = arith.constant 96 : index
        %get3A_324 = tpu.vector_load %arg10[%get3A_322, %get3A_323] {strides = array<i32>} : memref<128x128xf32, #tpu.memory_space<vmem>>, vector<1x16xf32>,
        %get3A_325 = vector.shape_cast %get3A_324 : vector<1x16xf32> to vector<16xf32>
        %mul3A_326 = arith.mulf %get3A_325, %get3A_261 : vector<16xf32>
        %swap3A_327 = arith.index_cast %scan3A_254 : i32 to index
        %swap3A_328 = arith.constant 96 : index
        %swap3A_329 = tpu.vector_load %arg10[%swap3A_327, %swap3A_328] {strides = array<i32>} : memref<128x128xf32, #tpu.memory_space<vmem>>, vector<1x16xf32>,
        %swap3A_330 = vector.shape_cast %swap3A_329 : vector<1x16xf32> to vector<16xf32>
        %swap3A_331 = vector.shape_cast %mul3A_326 : vector<16xf32> to vector<1x16xf32>
        tpu.vector_store %arg10[%swap3A_327, %swap3A_328], %swap3A_331 {strides = array<i32>} : memref<128x128xf32, #tpu.memory_space<vmem>>, vector<1x16xf32>,
        %get3A_332 = arith.index_cast %scan3A_254 : i32 to index
        %get3A_333 = arith.constant 112 : index
        %get3A_334 = tpu.vector_load %arg10[%get3A_332, %get3A_333] {strides = array<i32>} : memref<128x128xf32, #tpu.memory_space<vmem>>, vector<1x16xf32>,
        %get3A_335 = vector.shape_cast %get3A_334 : vector<1x16xf32> to vector<16xf32>
        %mul3A_336 = arith.mulf %get3A_335, %get3A_261 : vector<16xf32>
        %swap3A_337 = arith.index_cast %scan3A_254 : i32 to index
        %swap3A_338 = arith.constant 112 : index
        %swap3A_339 = tpu.vector_load %arg10[%swap3A_337, %swap3A_338] {strides = array<i32>} : memref<128x128xf32, #tpu.memory_space<vmem>>, vector<1x16xf32>,
        %swap3A_340 = vector.shape_cast %swap3A_339 : vector<1x16xf32> to vector<16xf32>
        %swap3A_341 = vector.shape_cast %mul3A_336 : vector<16xf32> to vector<1x16xf32>
        tpu.vector_store %arg10[%swap3A_337, %swap3A_338], %swap3A_341 {strides = array<i32>} : memref<128x128xf32, #tpu.memory_space<vmem>>, vector<1x16xf32>,
      }
      %scan3A_206 = arith.constant 128 : i32
      %dma_start3A_207 = arith.constant 0 : i32
      %dma_start3A_208 = tpu.memref_slice %arg8[%add3A_196, %dma_start3A_207] : memref<80x128xi32, #tpu.memory_space<vmem>> -> memref<1x128xi32, #tpu.memory_space<vmem>>
      %dma_start3A_209 = tpu.memref_squeeze %dma_start3A_208 : memref<1x128xi32, #tpu.memory_space<vmem>> -> memref<128xi32, #tpu.memory_space<vmem>>
      %dma_start3A_210 = arith.constant 0 : i32
      %dma_start3A_211 = arith.constant 0 : i32
      %dma_start3A_212 = tpu.memref_slice %arg12[%dma_start3A_210, %dma_start3A_211] : memref<10112x128xf32, #tpu.memory_space<vmem_shared>> -> memref<10112x128xf32, #tpu.memory_space<vmem_shared>>
      tpu.enqueue_indirect_dma source(%arg10 : memref<128x128xf32, #tpu.memory_space<vmem>>) target(%dma_start3A_212 : memref<10112x128xf32, #tpu.memory_space<vmem_shared>>) offsets(%dma_start3A_209 : memref<128xi32, #tpu.memory_space<vmem>>) semaphore(%arg15 : memref<!tpu.dma_semaphore, #tpu.memory_space<semaphore_mem>>) {add = true}
      %mul3A_213 = arith.constant 2 : i32
      %mul3A_214 = arith.muli %scan3A_36, %mul3A_213 : i32
      %add3A_215 = arith.constant 1 : i32
      %add3A_216 = arith.addi %mul3A_214, %add3A_215 : i32
      %dma_wait3A_217 = arith.constant 128 : i32
      %dma_wait3A_218 = tpu.memref_slice %arg7[%dma_wait3A_217] : memref<256xi32, #tpu.memory_space<vmem>> -> memref<128xi32, #tpu.memory_space<vmem>>
      %dma_wait3A_219 = arith.constant 0 : i32
      %dma_wait3A_220 = arith.constant 0 : i32
      %dma_wait3A_221 = tpu.memref_slice %arg2[%dma_wait3A_219, %dma_wait3A_220] : memref<20000x128xf32, #tpu.memory_space<hbm>> -> memref<20000x128xf32, #tpu.memory_space<hbm>>
      tpu.wait_indirect_dma semaphore(%arg14 : memref<!tpu.dma_semaphore, #tpu.memory_space<semaphore_mem>>) src(%dma_wait3A_221 : memref<20000x128xf32, #tpu.memory_space<hbm>>) dst(%arg11 : memref<128x128xf32, #tpu.memory_space<vmem>>)
      %scan3A_222 = arith.constant 0 : i32
      %scan3A_223 = arith.constant 0 : i32
      %scan3A_224 = arith.constant 128 : i32
      %scan3A_225 = arith.addi %scan3A_223, %scan3A_224 : i32
      %scan3A_226 = arith.constant 1 : i32
      scf.for %scan3A_254 = %scan3A_223 to %scan3A_225 step %scan3A_226  : i32 {
        %add3A_255 = arith.constant 128 : i32
        %add3A_256 = arith.addi %add3A_255, %scan3A_254 : i32
        %mul3A_257 = arith.constant 16 : i32
        %mul3A_258 = arith.muli %add3A_256, %mul3A_257 : i32
        %get3A_259 = arith.index_cast %mul3A_258 : i32 to index
        %get3A_260 = tpu.vector_load %arg9[%get3A_259] {strides = array<i32>} : memref<4096xf32, #tpu.memory_space<vmem>>, vector<16xf32>,
        %get3A_261 = vector.shape_cast %get3A_260 : vector<16xf32> to vector<16xf32>
        %get3A_262 = arith.index_cast %scan3A_254 : i32 to index
        %get3A_263 = arith.constant 0 : index
        %get3A_264 = tpu.vector_load %arg11[%get3A_262, %get3A_263] {strides = array<i32>} : memref<128x128xf32, #tpu.memory_space<vmem>>, vector<1x16xf32>,
        %get3A_265 = vector.shape_cast %get3A_264 : vector<1x16xf32> to vector<16xf32>
        %mul3A_266 = arith.mulf %get3A_265, %get3A_261 : vector<16xf32>
        %swap3A_267 = arith.index_cast %scan3A_254 : i32 to index
        %swap3A_268 = arith.constant 0 : index
        %swap3A_269 = tpu.vector_load %arg11[%swap3A_267, %swap3A_268] {strides = array<i32>} : memref<128x128xf32, #tpu.memory_space<vmem>>, vector<1x16xf32>,
        %swap3A_270 = vector.shape_cast %swap3A_269 : vector<1x16xf32> to vector<16xf32>
        %swap3A_271 = vector.shape_cast %mul3A_266 : vector<16xf32> to vector<1x16xf32>
        tpu.vector_store %arg11[%swap3A_267, %swap3A_268], %swap3A_271 {strides = array<i32>} : memref<128x128xf32, #tpu.memory_space<vmem>>, vector<1x16xf32>,
        %get3A_272 = arith.index_cast %scan3A_254 : i32 to index
        %get3A_273 = arith.constant 16 : index
        %get3A_274 = tpu.vector_load %arg11[%get3A_272, %get3A_273] {strides = array<i32>} : memref<128x128xf32, #tpu.memory_space<vmem>>, vector<1x16xf32>,
        %get3A_275 = vector.shape_cast %get3A_274 : vector<1x16xf32> to vector<16xf32>
        %mul3A_276 = arith.mulf %get3A_275, %get3A_261 : vector<16xf32>
        %swap3A_277 = arith.index_cast %scan3A_254 : i32 to index
        %swap3A_278 = arith.constant 16 : index
        %swap3A_279 = tpu.vector_load %arg11[%swap3A_277, %swap3A_278] {strides = array<i32>} : memref<128x128xf32, #tpu.memory_space<vmem>>, vector<1x16xf32>,
        %swap3A_280 = vector.shape_cast %swap3A_279 : vector<1x16xf32> to vector<16xf32>
        %swap3A_281 = vector.shape_cast %mul3A_276 : vector<16xf32> to vector<1x16xf32>
        tpu.vector_store %arg11[%swap3A_277, %swap3A_278], %swap3A_281 {strides = array<i32>} : memref<128x128xf32, #tpu.memory_space<vmem>>, vector<1x16xf32>,
        %get3A_282 = arith.index_cast %scan3A_254 : i32 to index
        %get3A_283 = arith.constant 32 : index
        %get3A_284 = tpu.vector_load %arg11[%get3A_282, %get3A_283] {strides = array<i32>} : memref<128x128xf32, #tpu.memory_space<vmem>>, vector<1x16xf32>,
        %get3A_285 = vector.shape_cast %get3A_284 : vector<1x16xf32> to vector<16xf32>
        %mul3A_286 = arith.mulf %get3A_285, %get3A_261 : vector<16xf32>
        %swap3A_287 = arith.index_cast %scan3A_254 : i32 to index
        %swap3A_288 = arith.constant 32 : index
        %swap3A_289 = tpu.vector_load %arg11[%swap3A_287, %swap3A_288] {strides = array<i32>} : memref<128x128xf32, #tpu.memory_space<vmem>>, vector<1x16xf32>,
        %swap3A_290 = vector.shape_cast %swap3A_289 : vector<1x16xf32> to vector<16xf32>
        %swap3A_291 = vector.shape_cast %mul3A_286 : vector<16xf32> to vector<1x16xf32>
        tpu.vector_store %arg11[%swap3A_287, %swap3A_288], %swap3A_291 {strides = array<i32>} : memref<128x128xf32, #tpu.memory_space<vmem>>, vector<1x16xf32>,
        %get3A_292 = arith.index_cast %scan3A_254 : i32 to index
        %get3A_293 = arith.constant 48 : index
        %get3A_294 = tpu.vector_load %arg11[%get3A_292, %get3A_293] {strides = array<i32>} : memref<128x128xf32, #tpu.memory_space<vmem>>, vector<1x16xf32>,
        %get3A_295 = vector.shape_cast %get3A_294 : vector<1x16xf32> to vector<16xf32>
        %mul3A_296 = arith.mulf %get3A_295, %get3A_261 : vector<16xf32>
        %swap3A_297 = arith.index_cast %scan3A_254 : i32 to index
        %swap3A_298 = arith.constant 48 : index
        %swap3A_299 = tpu.vector_load %arg11[%swap3A_297, %swap3A_298] {strides = array<i32>} : memref<128x128xf32, #tpu.memory_space<vmem>>, vector<1x16xf32>,
        %swap3A_300 = vector.shape_cast %swap3A_299 : vector<1x16xf32> to vector<16xf32>
        %swap3A_301 = vector.shape_cast %mul3A_296 : vector<16xf32> to vector<1x16xf32>
        tpu.vector_store %arg11[%swap3A_297, %swap3A_298], %swap3A_301 {strides = array<i32>} : memref<128x128xf32, #tpu.memory_space<vmem>>, vector<1x16xf32>,
        %get3A_302 = arith.index_cast %scan3A_254 : i32 to index
        %get3A_303 = arith.constant 64 : index
        %get3A_304 = tpu.vector_load %arg11[%get3A_302, %get3A_303] {strides = array<i32>} : memref<128x128xf32, #tpu.memory_space<vmem>>, vector<1x16xf32>,
        %get3A_305 = vector.shape_cast %get3A_304 : vector<1x16xf32> to vector<16xf32>
        %mul3A_306 = arith.mulf %get3A_305, %get3A_261 : vector<16xf32>
        %swap3A_307 = arith.index_cast %scan3A_254 : i32 to index
        %swap3A_308 = arith.constant 64 : index
        %swap3A_309 = tpu.vector_load %arg11[%swap3A_307, %swap3A_308] {strides = array<i32>} : memref<128x128xf32, #tpu.memory_space<vmem>>, vector<1x16xf32>,
        %swap3A_310 = vector.shape_cast %swap3A_309 : vector<1x16xf32> to vector<16xf32>
        %swap3A_311 = vector.shape_cast %mul3A_306 : vector<16xf32> to vector<1x16xf32>
        tpu.vector_store %arg11[%swap3A_307, %swap3A_308], %swap3A_311 {strides = array<i32>} : memref<128x128xf32, #tpu.memory_space<vmem>>, vector<1x16xf32>,
        %get3A_312 = arith.index_cast %scan3A_254 : i32 to index
        %get3A_313 = arith.constant 80 : index
        %get3A_314 = tpu.vector_load %arg11[%get3A_312, %get3A_313] {strides = array<i32>} : memref<128x128xf32, #tpu.memory_space<vmem>>, vector<1x16xf32>,
        %get3A_315 = vector.shape_cast %get3A_314 : vector<1x16xf32> to vector<16xf32>
        %mul3A_316 = arith.mulf %get3A_315, %get3A_261 : vector<16xf32>
        %swap3A_317 = arith.index_cast %scan3A_254 : i32 to index
        %swap3A_318 = arith.constant 80 : index
        %swap3A_319 = tpu.vector_load %arg11[%swap3A_317, %swap3A_318] {strides = array<i32>} : memref<128x128xf32, #tpu.memory_space<vmem>>, vector<1x16xf32>,
        %swap3A_320 = vector.shape_cast %swap3A_319 : vector<1x16xf32> to vector<16xf32>
        %swap3A_321 = vector.shape_cast %mul3A_316 : vector<16xf32> to vector<1x16xf32>
        tpu.vector_store %arg11[%swap3A_317, %swap3A_318], %swap3A_321 {strides = array<i32>} : memref<128x128xf32, #tpu.memory_space<vmem>>, vector<1x16xf32>,
        %get3A_322 = arith.index_cast %scan3A_254 : i32 to index
        %get3A_323 = arith.constant 96 : index
        %get3A_324 = tpu.vector_load %arg11[%get3A_322, %get3A_323] {strides = array<i32>} : memref<128x128xf32, #tpu.memory_space<vmem>>, vector<1x16xf32>,
        %get3A_325 = vector.shape_cast %get3A_324 : vector<1x16xf32> to vector<16xf32>
        %mul3A_326 = arith.mulf %get3A_325, %get3A_261 : vector<16xf32>
        %swap3A_327 = arith.index_cast %scan3A_254 : i32 to index
        %swap3A_328 = arith.constant 96 : index
        %swap3A_329 = tpu.vector_load %arg11[%swap3A_327, %swap3A_328] {strides = array<i32>} : memref<128x128xf32, #tpu.memory_space<vmem>>, vector<1x16xf32>,
        %swap3A_330 = vector.shape_cast %swap3A_329 : vector<1x16xf32> to vector<16xf32>
        %swap3A_331 = vector.shape_cast %mul3A_326 : vector<16xf32> to vector<1x16xf32>
        tpu.vector_store %arg11[%swap3A_327, %swap3A_328], %swap3A_331 {strides = array<i32>} : memref<128x128xf32, #tpu.memory_space<vmem>>, vector<1x16xf32>,
        %get3A_332 = arith.index_cast %scan3A_254 : i32 to index
        %get3A_333 = arith.constant 112 : index
        %get3A_334 = tpu.vector_load %arg11[%get3A_332, %get3A_333] {strides = array<i32>} : memref<128x128xf32, #tpu.memory_space<vmem>>, vector<1x16xf32>,
        %get3A_335 = vector.shape_cast %get3A_334 : vector<1x16xf32> to vector<16xf32>
        %mul3A_336 = arith.mulf %get3A_335, %get3A_261 : vector<16xf32>
        %swap3A_337 = arith.index_cast %scan3A_254 : i32 to index
        %swap3A_338 = arith.constant 112 : index
        %swap3A_339 = tpu.vector_load %arg11[%swap3A_337, %swap3A_338] {strides = array<i32>} : memref<128x128xf32, #tpu.memory_space<vmem>>, vector<1x16xf32>,
        %swap3A_340 = vector.shape_cast %swap3A_339 : vector<1x16xf32> to vector<16xf32>
        %swap3A_341 = vector.shape_cast %mul3A_336 : vector<16xf32> to vector<1x16xf32>
        tpu.vector_store %arg11[%swap3A_337, %swap3A_338], %swap3A_341 {strides = array<i32>} : memref<128x128xf32, #tpu.memory_space<vmem>>, vector<1x16xf32>,
      }
      %scan3A_227 = arith.constant 128 : i32
      %dma_start3A_228 = arith.constant 0 : i32
      %dma_start3A_229 = tpu.memref_slice %arg8[%add3A_216, %dma_start3A_228] : memref<80x128xi32, #tpu.memory_space<vmem>> -> memref<1x128xi32, #tpu.memory_space<vmem>>
      %dma_start3A_230 = tpu.memref_squeeze %dma_start3A_229 : memref<1x128xi32, #tpu.memory_space<vmem>> -> memref<128xi32, #tpu.memory_space<vmem>>
      %dma_start3A_231 = arith.constant 0 : i32
      %dma_start3A_232 = arith.constant 0 : i32
      %dma_start3A_233 = tpu.memref_slice %arg12[%dma_start3A_231, %dma_start3A_232] : memref<10112x128xf32, #tpu.memory_space<vmem_shared>> -> memref<10112x128xf32, #tpu.memory_space<vmem_shared>>
      tpu.enqueue_indirect_dma source(%arg11 : memref<128x128xf32, #tpu.memory_space<vmem>>) target(%dma_start3A_233 : memref<10112x128xf32, #tpu.memory_space<vmem_shared>>) offsets(%dma_start3A_230 : memref<128xi32, #tpu.memory_space<vmem>>) semaphore(%arg16 : memref<!tpu.dma_semaphore, #tpu.memory_space<semaphore_mem>>) {add = true}
      %mul3A_234 = arith.constant 2 : i32
      %mul3A_235 = arith.muli %scan3A_36, %mul3A_234 : i32
      %add3A_236 = arith.constant 0 : i32
      %add3A_237 = arith.addi %mul3A_235, %add3A_236 : i32
      %dma_wait3A_238 = arith.constant 0 : i32
      %dma_wait3A_239 = tpu.memref_slice %arg8[%add3A_237, %dma_wait3A_238] : memref<80x128xi32, #tpu.memory_space<vmem>> -> memref<1x128xi32, #tpu.memory_space<vmem>>
      %dma_wait3A_240 = tpu.memref_squeeze %dma_wait3A_239 : memref<1x128xi32, #tpu.memory_space<vmem>> -> memref<128xi32, #tpu.memory_space<vmem>>
      %dma_wait3A_241 = arith.constant 0 : i32
      %dma_wait3A_242 = arith.constant 0 : i32
      %dma_wait3A_243 = tpu.memref_slice %arg12[%dma_wait3A_241, %dma_wait3A_242] : memref<10112x128xf32, #tpu.memory_space<vmem_shared>> -> memref<10112x128xf32, #tpu.memory_space<vmem_shared>>
      tpu.wait_indirect_dma semaphore(%arg15 : memref<!tpu.dma_semaphore, #tpu.memory_space<semaphore_mem>>) src(%arg10 : memref<128x128xf32, #tpu.memory_space<vmem>>) dst(%dma_wait3A_243 : memref<10112x128xf32, #tpu.memory_space<vmem_shared>>)
      %mul3A_244 = arith.constant 2 : i32
      %mul3A_245 = arith.muli %scan3A_36, %mul3A_244 : i32
      %add3A_246 = arith.constant 1 : i32
      %add3A_247 = arith.addi %mul3A_245, %add3A_246 : i32
      %dma_wait3A_248 = arith.constant 0 : i32
      %dma_wait3A_249 = tpu.memref_slice %arg8[%add3A_247, %dma_wait3A_248] : memref<80x128xi32, #tpu.memory_space<vmem>> -> memref<1x128xi32, #tpu.memory_space<vmem>>
      %dma_wait3A_250 = tpu.memref_squeeze %dma_wait3A_249 : memref<1x128xi32, #tpu.memory_space<vmem>> -> memref<128xi32, #tpu.memory_space<vmem>>
      %dma_wait3A_251 = arith.constant 0 : i32
      %dma_wait3A_252 = arith.constant 0 : i32
      %dma_wait3A_253 = tpu.memref_slice %arg12[%dma_wait3A_251, %dma_wait3A_252] : memref<10112x128xf32, #tpu.memory_space<vmem_shared>> -> memref<10112x128xf32, #tpu.memory_space<vmem_shared>>
      tpu.wait_indirect_dma semaphore(%arg16 : memref<!tpu.dma_semaphore, #tpu.memory_space<semaphore_mem>>) src(%arg11 : memref<128x128xf32, #tpu.memory_space<vmem>>) dst(%dma_wait3A_253 : memref<10112x128xf32, #tpu.memory_space<vmem_shared>>)
    }
    %scan3A_32 = arith.constant 40 : i32
    %barrier3A_33 = arith.constant 0 : index
    tpu.barrier barrier_id(%barrier3A_33)
    %lt3A = arith.constant 10 : i32
    %lt3A_34 = arith.cmpi slt, %arg1, %lt3A : i32
    %convert_element_type3A = arith.extui %lt3A_34 : i1 to i32
    %cond3A = arith.constant 0 : i32
    %cond3A_35 = arith.cmpi ne, %convert_element_type3A, %cond3A : i32
    scf.if %cond3A_35 {
      %mul3A_36 = arith.constant 1000 : i32
      %mul3A_37 = arith.muli %arg1, %mul3A_36 : i32
      %mul3A_38 = arith.constant 1000 : i32
      %mul3A_39 = arith.muli %arg1, %mul3A_38 : i32
      "tpu.region"() ({
        %run_scoped3A = tpu.sem_alloc : memref<!tpu.dma_semaphore, #tpu.memory_space<semaphore_mem>>
        %dma_start3A = arith.constant 0 : i32
        %dma_start3A_40 = tpu.memref_slice %arg6[%arg0, %mul3A_39, %dma_start3A] : memref<2x10000x128xf32, #tpu.memory_space<hbm>> -> memref<1x1000x128xf32, #tpu.memory_space<hbm>>
        %dma_start3A_41 = tpu.memref_squeeze %dma_start3A_40 : memref<1x1000x128xf32, #tpu.memory_space<hbm>> -> memref<1000x128xf32, #tpu.memory_space<hbm>>
        %dma_start3A_42 = arith.constant 0 : i32
        %dma_start3A_43 = tpu.memref_slice %arg12[%mul3A_37, %dma_start3A_42] : memref<10112x128xf32, #tpu.memory_space<vmem_shared>> -> memref<1000x128xf32, #tpu.memory_space<vmem_shared>>
        tpu.enqueue_dma source(%dma_start3A_43 : memref<1000x128xf32, #tpu.memory_space<vmem_shared>>) target(%dma_start3A_41 : memref<1000x128xf32, #tpu.memory_space<hbm>>) target_semaphore(%run_scoped3A : memref<!tpu.dma_semaphore, #tpu.memory_space<semaphore_mem>>)
        %dma_wait3A = arith.constant 0 : i32
        %dma_wait3A_44 = tpu.memref_slice %arg6[%arg0, %mul3A_39, %dma_wait3A] : memref<2x10000x128xf32, #tpu.memory_space<hbm>> -> memref<1x1000x128xf32, #tpu.memory_space<hbm>>
        %dma_wait3A_45 = tpu.memref_squeeze %dma_wait3A_44 : memref<1x1000x128xf32, #tpu.memory_space<hbm>> -> memref<1000x128xf32, #tpu.memory_space<hbm>>
        %dma_wait3A_46 = arith.constant 0 : i32
        %dma_wait3A_47 = tpu.memref_slice %arg12[%mul3A_37, %dma_wait3A_46] : memref<10112x128xf32, #tpu.memory_space<vmem_shared>> -> memref<1000x128xf32, #tpu.memory_space<vmem_shared>>
        tpu.wait_dma2 semaphore(%run_scoped3A : memref<!tpu.dma_semaphore, #tpu.memory_space<semaphore_mem>>) src(%dma_wait3A_47 : memref<1000x128xf32, #tpu.memory_space<vmem_shared>>) dst(%dma_wait3A_45 : memref<1000x128xf32, #tpu.memory_space<hbm>>)
        tpu.yield
      }) : () -> ()
    } else {
    }
    return
  }
}

#map = affine_map<(d0, d1) -> (0, 0)>
#map1 = affine_map<(d0, d1) -> (0, 0, 0)>
module attributes {stable_mosaic.version = 14 : i64} {
  func.func @_sc_edge_gather(%arg0: i32, %arg1: i32, %arg2: memref<20000x128xf32, #tpu.memory_space<hbm>>, %arg3: memref<20000x128xf32, #tpu.memory_space<hbm>>, %arg4: memref<16x80x128xi32, #tpu.memory_space<hbm>>, %arg5: memref<16x80x128xi32, #tpu.memory_space<hbm>>, %arg6: memref<2x163840x128xf32, #tpu.memory_space<hbm>>, %arg7: memref<80x128xi32, #tpu.memory_space<vmem>>, %arg8: memref<80x128xi32, #tpu.memory_space<vmem>>, %arg9: memref<128x128xf32, #tpu.memory_space<vmem>>, %arg10: memref<128x128xf32, #tpu.memory_space<vmem>>, %arg11: memref<128x128xf32, #tpu.memory_space<vmem>>, %arg12: memref<128x128xf32, #tpu.memory_space<vmem>>, %arg13: memref<!tpu.dma_semaphore, #tpu.memory_space<semaphore_mem>>, %arg14: memref<!tpu.dma_semaphore, #tpu.memory_space<semaphore_mem>>, %arg15: memref<!tpu.dma_semaphore, #tpu.memory_space<semaphore_mem>>, %arg16: memref<!tpu.dma_semaphore, #tpu.memory_space<semaphore_mem>>, %arg17: memref<!tpu.dma_semaphore, #tpu.memory_space<semaphore_mem>>, %arg18: memref<!tpu.dma_semaphore, #tpu.memory_space<semaphore_mem>>) attributes {dimension_semantics = [#tpu.dimension_semantics<core_parallel>, #tpu.dimension_semantics<subcore_parallel>], iteration_bounds = array<i64: 2, 16>, scalar_prefetch = 0 : i64, scratch_operands = 12 : i64, tpu.core_type = #tpu.core_type<sc_vector_subcore>, window_params = [{transform_indices = #map}, {transform_indices = #map}, {transform_indices = #map1}, {transform_indices = #map1}, {transform_indices = #map1}]} {
    %mul3A = arith.constant 10240 : i32
    %mul3A_0 = arith.muli %arg1, %mul3A : i32
    %mul3A_1 = arith.constant 10000 : i32
    %mul3A_2 = arith.muli %arg0, %mul3A_1 : i32
    "tpu.region"() ({
      %run_scoped3A = tpu.sem_alloc : memref<!tpu.dma_semaphore, #tpu.memory_space<semaphore_mem>>
      %dma_start3A = arith.constant 0 : i32
      %dma_start3A_14 = arith.constant 0 : i32
      %dma_start3A_15 = tpu.memref_slice %arg4[%arg1, %dma_start3A, %dma_start3A_14] : memref<16x80x128xi32, #tpu.memory_space<hbm>> -> memref<1x80x128xi32, #tpu.memory_space<hbm>>
      %dma_start3A_16 = tpu.memref_squeeze %dma_start3A_15 : memref<1x80x128xi32, #tpu.memory_space<hbm>> -> memref<80x128xi32, #tpu.memory_space<hbm>>
      %dma_start3A_17 = arith.constant 0 : i32
      %dma_start3A_18 = arith.constant 0 : i32
      %dma_start3A_19 = tpu.memref_slice %arg4[%arg1, %dma_start3A_17, %dma_start3A_18] : memref<16x80x128xi32, #tpu.memory_space<hbm>> -> memref<1x80x128xi32, #tpu.memory_space<hbm>>
      %dma_start3A_20 = tpu.memref_squeeze %dma_start3A_19 : memref<1x80x128xi32, #tpu.memory_space<hbm>> -> memref<80x128xi32, #tpu.memory_space<hbm>>
      tpu.enqueue_dma source(%dma_start3A_20 : memref<80x128xi32, #tpu.memory_space<hbm>>) target(%arg7 : memref<80x128xi32, #tpu.memory_space<vmem>>) target_semaphore(%run_scoped3A : memref<!tpu.dma_semaphore, #tpu.memory_space<semaphore_mem>>)
      %dma_wait3A = arith.constant 0 : i32
      %dma_wait3A_21 = arith.constant 0 : i32
      %dma_wait3A_22 = tpu.memref_slice %arg4[%arg1, %dma_wait3A, %dma_wait3A_21] : memref<16x80x128xi32, #tpu.memory_space<hbm>> -> memref<1x80x128xi32, #tpu.memory_space<hbm>>
      %dma_wait3A_23 = tpu.memref_squeeze %dma_wait3A_22 : memref<1x80x128xi32, #tpu.memory_space<hbm>> -> memref<80x128xi32, #tpu.memory_space<hbm>>
      %dma_wait3A_24 = arith.constant 0 : i32
      %dma_wait3A_25 = arith.constant 0 : i32
      %dma_wait3A_26 = tpu.memref_slice %arg4[%arg1, %dma_wait3A_24, %dma_wait3A_25] : memref<16x80x128xi32, #tpu.memory_space<hbm>> -> memref<1x80x128xi32, #tpu.memory_space<hbm>>
      %dma_wait3A_27 = tpu.memref_squeeze %dma_wait3A_26 : memref<1x80x128xi32, #tpu.memory_space<hbm>> -> memref<80x128xi32, #tpu.memory_space<hbm>>
      tpu.wait_dma2 semaphore(%run_scoped3A : memref<!tpu.dma_semaphore, #tpu.memory_space<semaphore_mem>>) src(%dma_wait3A_27 : memref<80x128xi32, #tpu.memory_space<hbm>>) dst(%arg7 : memref<80x128xi32, #tpu.memory_space<vmem>>)
      tpu.yield
    }) : () -> ()
    "tpu.region"() ({
      %run_scoped3A = tpu.sem_alloc : memref<!tpu.dma_semaphore, #tpu.memory_space<semaphore_mem>>
      %dma_start3A = arith.constant 0 : i32
      %dma_start3A_14 = arith.constant 0 : i32
      %dma_start3A_15 = tpu.memref_slice %arg5[%arg1, %dma_start3A, %dma_start3A_14] : memref<16x80x128xi32, #tpu.memory_space<hbm>> -> memref<1x80x128xi32, #tpu.memory_space<hbm>>
      %dma_start3A_16 = tpu.memref_squeeze %dma_start3A_15 : memref<1x80x128xi32, #tpu.memory_space<hbm>> -> memref<80x128xi32, #tpu.memory_space<hbm>>
      %dma_start3A_17 = arith.constant 0 : i32
      %dma_start3A_18 = arith.constant 0 : i32
      %dma_start3A_19 = tpu.memref_slice %arg5[%arg1, %dma_start3A_17, %dma_start3A_18] : memref<16x80x128xi32, #tpu.memory_space<hbm>> -> memref<1x80x128xi32, #tpu.memory_space<hbm>>
      %dma_start3A_20 = tpu.memref_squeeze %dma_start3A_19 : memref<1x80x128xi32, #tpu.memory_space<hbm>> -> memref<80x128xi32, #tpu.memory_space<hbm>>
      tpu.enqueue_dma source(%dma_start3A_20 : memref<80x128xi32, #tpu.memory_space<hbm>>) target(%arg8 : memref<80x128xi32, #tpu.memory_space<vmem>>) target_semaphore(%run_scoped3A : memref<!tpu.dma_semaphore, #tpu.memory_space<semaphore_mem>>)
      %dma_wait3A = arith.constant 0 : i32
      %dma_wait3A_21 = arith.constant 0 : i32
      %dma_wait3A_22 = tpu.memref_slice %arg5[%arg1, %dma_wait3A, %dma_wait3A_21] : memref<16x80x128xi32, #tpu.memory_space<hbm>> -> memref<1x80x128xi32, #tpu.memory_space<hbm>>
      %dma_wait3A_23 = tpu.memref_squeeze %dma_wait3A_22 : memref<1x80x128xi32, #tpu.memory_space<hbm>> -> memref<80x128xi32, #tpu.memory_space<hbm>>
      %dma_wait3A_24 = arith.constant 0 : i32
      %dma_wait3A_25 = arith.constant 0 : i32
      %dma_wait3A_26 = tpu.memref_slice %arg5[%arg1, %dma_wait3A_24, %dma_wait3A_25] : memref<16x80x128xi32, #tpu.memory_space<hbm>> -> memref<1x80x128xi32, #tpu.memory_space<hbm>>
      %dma_wait3A_27 = tpu.memref_squeeze %dma_wait3A_26 : memref<1x80x128xi32, #tpu.memory_space<hbm>> -> memref<80x128xi32, #tpu.memory_space<hbm>>
      tpu.wait_dma2 semaphore(%run_scoped3A : memref<!tpu.dma_semaphore, #tpu.memory_space<semaphore_mem>>) src(%dma_wait3A_27 : memref<80x128xi32, #tpu.memory_space<hbm>>) dst(%arg8 : memref<80x128xi32, #tpu.memory_space<vmem>>)
      tpu.yield
    }) : () -> ()
    %scan3A = arith.constant 0 : i32
    %scan3A_3 = arith.constant 0 : i32
    %scan3A_4 = arith.constant 80 : i32
    %scan3A_5 = arith.addi %scan3A_3, %scan3A_4 : i32
    %scan3A_6 = arith.constant 1 : i32
    scf.for %scan3A_14 = %scan3A_3 to %scan3A_5 step %scan3A_6  : i32 {
      %get3A = arith.index_cast %scan3A_14 : i32 to index
      %get3A_15 = arith.constant 0 : index
      %get3A_16 = tpu.vector_load %arg7[%get3A, %get3A_15] {strides = array<i32>} : memref<80x128xi32, #tpu.memory_space<vmem>>, vector<1x16xi32>,
      %get3A_17 = vector.shape_cast %get3A_16 : vector<1x16xi32> to vector<16xi32>
      %add3A = vector.broadcast %mul3A_2 : i32 to vector<16xi32>
      %add3A_18 = arith.addi %get3A_17, %add3A : vector<16xi32>
      %swap3A = arith.index_cast %scan3A_14 : i32 to index
      %swap3A_19 = arith.constant 0 : index
      %swap3A_20 = tpu.vector_load %arg7[%swap3A, %swap3A_19] {strides = array<i32>} : memref<80x128xi32, #tpu.memory_space<vmem>>, vector<1x16xi32>,
      %swap3A_21 = vector.shape_cast %swap3A_20 : vector<1x16xi32> to vector<16xi32>
      %swap3A_22 = vector.shape_cast %add3A_18 : vector<16xi32> to vector<1x16xi32>
      tpu.vector_store %arg7[%swap3A, %swap3A_19], %swap3A_22 {strides = array<i32>} : memref<80x128xi32, #tpu.memory_space<vmem>>, vector<1x16xi32>,
      %get3A_23 = arith.index_cast %scan3A_14 : i32 to index
      %get3A_24 = arith.constant 0 : index
      %get3A_25 = tpu.vector_load %arg8[%get3A_23, %get3A_24] {strides = array<i32>} : memref<80x128xi32, #tpu.memory_space<vmem>>, vector<1x16xi32>,
      %get3A_26 = vector.shape_cast %get3A_25 : vector<1x16xi32> to vector<16xi32>
      %add3A_27 = vector.broadcast %mul3A_2 : i32 to vector<16xi32>
      %add3A_28 = arith.addi %get3A_26, %add3A_27 : vector<16xi32>
      %swap3A_29 = arith.index_cast %scan3A_14 : i32 to index
      %swap3A_30 = arith.constant 0 : index
      %swap3A_31 = tpu.vector_load %arg8[%swap3A_29, %swap3A_30] {strides = array<i32>} : memref<80x128xi32, #tpu.memory_space<vmem>>, vector<1x16xi32>,
      %swap3A_32 = vector.shape_cast %swap3A_31 : vector<1x16xi32> to vector<16xi32>
      %swap3A_33 = vector.shape_cast %add3A_28 : vector<16xi32> to vector<1x16xi32>
      tpu.vector_store %arg8[%swap3A_29, %swap3A_30], %swap3A_33 {strides = array<i32>} : memref<80x128xi32, #tpu.memory_space<vmem>>, vector<1x16xi32>,
      %get3A_34 = arith.index_cast %scan3A_14 : i32 to index
      %get3A_35 = arith.constant 16 : index
      %get3A_36 = tpu.vector_load %arg7[%get3A_34, %get3A_35] {strides = array<i32>} : memref<80x128xi32, #tpu.memory_space<vmem>>, vector<1x16xi32>,
      %get3A_37 = vector.shape_cast %get3A_36 : vector<1x16xi32> to vector<16xi32>
      %add3A_38 = vector.broadcast %mul3A_2 : i32 to vector<16xi32>
      %add3A_39 = arith.addi %get3A_37, %add3A_38 : vector<16xi32>
      %swap3A_40 = arith.index_cast %scan3A_14 : i32 to index
      %swap3A_41 = arith.constant 16 : index
      %swap3A_42 = tpu.vector_load %arg7[%swap3A_40, %swap3A_41] {strides = array<i32>} : memref<80x128xi32, #tpu.memory_space<vmem>>, vector<1x16xi32>,
      %swap3A_43 = vector.shape_cast %swap3A_42 : vector<1x16xi32> to vector<16xi32>
      %swap3A_44 = vector.shape_cast %add3A_39 : vector<16xi32> to vector<1x16xi32>
      tpu.vector_store %arg7[%swap3A_40, %swap3A_41], %swap3A_44 {strides = array<i32>} : memref<80x128xi32, #tpu.memory_space<vmem>>, vector<1x16xi32>,
      %get3A_45 = arith.index_cast %scan3A_14 : i32 to index
      %get3A_46 = arith.constant 16 : index
      %get3A_47 = tpu.vector_load %arg8[%get3A_45, %get3A_46] {strides = array<i32>} : memref<80x128xi32, #tpu.memory_space<vmem>>, vector<1x16xi32>,
      %get3A_48 = vector.shape_cast %get3A_47 : vector<1x16xi32> to vector<16xi32>
      %add3A_49 = vector.broadcast %mul3A_2 : i32 to vector<16xi32>
      %add3A_50 = arith.addi %get3A_48, %add3A_49 : vector<16xi32>
      %swap3A_51 = arith.index_cast %scan3A_14 : i32 to index
      %swap3A_52 = arith.constant 16 : index
      %swap3A_53 = tpu.vector_load %arg8[%swap3A_51, %swap3A_52] {strides = array<i32>} : memref<80x128xi32, #tpu.memory_space<vmem>>, vector<1x16xi32>,
      %swap3A_54 = vector.shape_cast %swap3A_53 : vector<1x16xi32> to vector<16xi32>
      %swap3A_55 = vector.shape_cast %add3A_50 : vector<16xi32> to vector<1x16xi32>
      tpu.vector_store %arg8[%swap3A_51, %swap3A_52], %swap3A_55 {strides = array<i32>} : memref<80x128xi32, #tpu.memory_space<vmem>>, vector<1x16xi32>,
      %get3A_56 = arith.index_cast %scan3A_14 : i32 to index
      %get3A_57 = arith.constant 32 : index
      %get3A_58 = tpu.vector_load %arg7[%get3A_56, %get3A_57] {strides = array<i32>} : memref<80x128xi32, #tpu.memory_space<vmem>>, vector<1x16xi32>,
      %get3A_59 = vector.shape_cast %get3A_58 : vector<1x16xi32> to vector<16xi32>
      %add3A_60 = vector.broadcast %mul3A_2 : i32 to vector<16xi32>
      %add3A_61 = arith.addi %get3A_59, %add3A_60 : vector<16xi32>
      %swap3A_62 = arith.index_cast %scan3A_14 : i32 to index
      %swap3A_63 = arith.constant 32 : index
      %swap3A_64 = tpu.vector_load %arg7[%swap3A_62, %swap3A_63] {strides = array<i32>} : memref<80x128xi32, #tpu.memory_space<vmem>>, vector<1x16xi32>,
      %swap3A_65 = vector.shape_cast %swap3A_64 : vector<1x16xi32> to vector<16xi32>
      %swap3A_66 = vector.shape_cast %add3A_61 : vector<16xi32> to vector<1x16xi32>
      tpu.vector_store %arg7[%swap3A_62, %swap3A_63], %swap3A_66 {strides = array<i32>} : memref<80x128xi32, #tpu.memory_space<vmem>>, vector<1x16xi32>,
      %get3A_67 = arith.index_cast %scan3A_14 : i32 to index
      %get3A_68 = arith.constant 32 : index
      %get3A_69 = tpu.vector_load %arg8[%get3A_67, %get3A_68] {strides = array<i32>} : memref<80x128xi32, #tpu.memory_space<vmem>>, vector<1x16xi32>,
      %get3A_70 = vector.shape_cast %get3A_69 : vector<1x16xi32> to vector<16xi32>
      %add3A_71 = vector.broadcast %mul3A_2 : i32 to vector<16xi32>
      %add3A_72 = arith.addi %get3A_70, %add3A_71 : vector<16xi32>
      %swap3A_73 = arith.index_cast %scan3A_14 : i32 to index
      %swap3A_74 = arith.constant 32 : index
      %swap3A_75 = tpu.vector_load %arg8[%swap3A_73, %swap3A_74] {strides = array<i32>} : memref<80x128xi32, #tpu.memory_space<vmem>>, vector<1x16xi32>,
      %swap3A_76 = vector.shape_cast %swap3A_75 : vector<1x16xi32> to vector<16xi32>
      %swap3A_77 = vector.shape_cast %add3A_72 : vector<16xi32> to vector<1x16xi32>
      tpu.vector_store %arg8[%swap3A_73, %swap3A_74], %swap3A_77 {strides = array<i32>} : memref<80x128xi32, #tpu.memory_space<vmem>>, vector<1x16xi32>,
      %get3A_78 = arith.index_cast %scan3A_14 : i32 to index
      %get3A_79 = arith.constant 48 : index
      %get3A_80 = tpu.vector_load %arg7[%get3A_78, %get3A_79] {strides = array<i32>} : memref<80x128xi32, #tpu.memory_space<vmem>>, vector<1x16xi32>,
      %get3A_81 = vector.shape_cast %get3A_80 : vector<1x16xi32> to vector<16xi32>
      %add3A_82 = vector.broadcast %mul3A_2 : i32 to vector<16xi32>
      %add3A_83 = arith.addi %get3A_81, %add3A_82 : vector<16xi32>
      %swap3A_84 = arith.index_cast %scan3A_14 : i32 to index
      %swap3A_85 = arith.constant 48 : index
      %swap3A_86 = tpu.vector_load %arg7[%swap3A_84, %swap3A_85] {strides = array<i32>} : memref<80x128xi32, #tpu.memory_space<vmem>>, vector<1x16xi32>,
      %swap3A_87 = vector.shape_cast %swap3A_86 : vector<1x16xi32> to vector<16xi32>
      %swap3A_88 = vector.shape_cast %add3A_83 : vector<16xi32> to vector<1x16xi32>
      tpu.vector_store %arg7[%swap3A_84, %swap3A_85], %swap3A_88 {strides = array<i32>} : memref<80x128xi32, #tpu.memory_space<vmem>>, vector<1x16xi32>,
      %get3A_89 = arith.index_cast %scan3A_14 : i32 to index
      %get3A_90 = arith.constant 48 : index
      %get3A_91 = tpu.vector_load %arg8[%get3A_89, %get3A_90] {strides = array<i32>} : memref<80x128xi32, #tpu.memory_space<vmem>>, vector<1x16xi32>,
      %get3A_92 = vector.shape_cast %get3A_91 : vector<1x16xi32> to vector<16xi32>
      %add3A_93 = vector.broadcast %mul3A_2 : i32 to vector<16xi32>
      %add3A_94 = arith.addi %get3A_92, %add3A_93 : vector<16xi32>
      %swap3A_95 = arith.index_cast %scan3A_14 : i32 to index
      %swap3A_96 = arith.constant 48 : index
      %swap3A_97 = tpu.vector_load %arg8[%swap3A_95, %swap3A_96] {strides = array<i32>} : memref<80x128xi32, #tpu.memory_space<vmem>>, vector<1x16xi32>,
      %swap3A_98 = vector.shape_cast %swap3A_97 : vector<1x16xi32> to vector<16xi32>
      %swap3A_99 = vector.shape_cast %add3A_94 : vector<16xi32> to vector<1x16xi32>
      tpu.vector_store %arg8[%swap3A_95, %swap3A_96], %swap3A_99 {strides = array<i32>} : memref<80x128xi32, #tpu.memory_space<vmem>>, vector<1x16xi32>,
      %get3A_100 = arith.index_cast %scan3A_14 : i32 to index
      %get3A_101 = arith.constant 64 : index
      %get3A_102 = tpu.vector_load %arg7[%get3A_100, %get3A_101] {strides = array<i32>} : memref<80x128xi32, #tpu.memory_space<vmem>>, vector<1x16xi32>,
      %get3A_103 = vector.shape_cast %get3A_102 : vector<1x16xi32> to vector<16xi32>
      %add3A_104 = vector.broadcast %mul3A_2 : i32 to vector<16xi32>
      %add3A_105 = arith.addi %get3A_103, %add3A_104 : vector<16xi32>
      %swap3A_106 = arith.index_cast %scan3A_14 : i32 to index
      %swap3A_107 = arith.constant 64 : index
      %swap3A_108 = tpu.vector_load %arg7[%swap3A_106, %swap3A_107] {strides = array<i32>} : memref<80x128xi32, #tpu.memory_space<vmem>>, vector<1x16xi32>,
      %swap3A_109 = vector.shape_cast %swap3A_108 : vector<1x16xi32> to vector<16xi32>
      %swap3A_110 = vector.shape_cast %add3A_105 : vector<16xi32> to vector<1x16xi32>
      tpu.vector_store %arg7[%swap3A_106, %swap3A_107], %swap3A_110 {strides = array<i32>} : memref<80x128xi32, #tpu.memory_space<vmem>>, vector<1x16xi32>,
      %get3A_111 = arith.index_cast %scan3A_14 : i32 to index
      %get3A_112 = arith.constant 64 : index
      %get3A_113 = tpu.vector_load %arg8[%get3A_111, %get3A_112] {strides = array<i32>} : memref<80x128xi32, #tpu.memory_space<vmem>>, vector<1x16xi32>,
      %get3A_114 = vector.shape_cast %get3A_113 : vector<1x16xi32> to vector<16xi32>
      %add3A_115 = vector.broadcast %mul3A_2 : i32 to vector<16xi32>
      %add3A_116 = arith.addi %get3A_114, %add3A_115 : vector<16xi32>
      %swap3A_117 = arith.index_cast %scan3A_14 : i32 to index
      %swap3A_118 = arith.constant 64 : index
      %swap3A_119 = tpu.vector_load %arg8[%swap3A_117, %swap3A_118] {strides = array<i32>} : memref<80x128xi32, #tpu.memory_space<vmem>>, vector<1x16xi32>,
      %swap3A_120 = vector.shape_cast %swap3A_119 : vector<1x16xi32> to vector<16xi32>
      %swap3A_121 = vector.shape_cast %add3A_116 : vector<16xi32> to vector<1x16xi32>
      tpu.vector_store %arg8[%swap3A_117, %swap3A_118], %swap3A_121 {strides = array<i32>} : memref<80x128xi32, #tpu.memory_space<vmem>>, vector<1x16xi32>,
      %get3A_122 = arith.index_cast %scan3A_14 : i32 to index
      %get3A_123 = arith.constant 80 : index
      %get3A_124 = tpu.vector_load %arg7[%get3A_122, %get3A_123] {strides = array<i32>} : memref<80x128xi32, #tpu.memory_space<vmem>>, vector<1x16xi32>,
      %get3A_125 = vector.shape_cast %get3A_124 : vector<1x16xi32> to vector<16xi32>
      %add3A_126 = vector.broadcast %mul3A_2 : i32 to vector<16xi32>
      %add3A_127 = arith.addi %get3A_125, %add3A_126 : vector<16xi32>
      %swap3A_128 = arith.index_cast %scan3A_14 : i32 to index
      %swap3A_129 = arith.constant 80 : index
      %swap3A_130 = tpu.vector_load %arg7[%swap3A_128, %swap3A_129] {strides = array<i32>} : memref<80x128xi32, #tpu.memory_space<vmem>>, vector<1x16xi32>,
      %swap3A_131 = vector.shape_cast %swap3A_130 : vector<1x16xi32> to vector<16xi32>
      %swap3A_132 = vector.shape_cast %add3A_127 : vector<16xi32> to vector<1x16xi32>
      tpu.vector_store %arg7[%swap3A_128, %swap3A_129], %swap3A_132 {strides = array<i32>} : memref<80x128xi32, #tpu.memory_space<vmem>>, vector<1x16xi32>,
      %get3A_133 = arith.index_cast %scan3A_14 : i32 to index
      %get3A_134 = arith.constant 80 : index
      %get3A_135 = tpu.vector_load %arg8[%get3A_133, %get3A_134] {strides = array<i32>} : memref<80x128xi32, #tpu.memory_space<vmem>>, vector<1x16xi32>,
      %get3A_136 = vector.shape_cast %get3A_135 : vector<1x16xi32> to vector<16xi32>
      %add3A_137 = vector.broadcast %mul3A_2 : i32 to vector<16xi32>
      %add3A_138 = arith.addi %get3A_136, %add3A_137 : vector<16xi32>
      %swap3A_139 = arith.index_cast %scan3A_14 : i32 to index
      %swap3A_140 = arith.constant 80 : index
      %swap3A_141 = tpu.vector_load %arg8[%swap3A_139, %swap3A_140] {strides = array<i32>} : memref<80x128xi32, #tpu.memory_space<vmem>>, vector<1x16xi32>,
      %swap3A_142 = vector.shape_cast %swap3A_141 : vector<1x16xi32> to vector<16xi32>
      %swap3A_143 = vector.shape_cast %add3A_138 : vector<16xi32> to vector<1x16xi32>
      tpu.vector_store %arg8[%swap3A_139, %swap3A_140], %swap3A_143 {strides = array<i32>} : memref<80x128xi32, #tpu.memory_space<vmem>>, vector<1x16xi32>,
      %get3A_144 = arith.index_cast %scan3A_14 : i32 to index
      %get3A_145 = arith.constant 96 : index
      %get3A_146 = tpu.vector_load %arg7[%get3A_144, %get3A_145] {strides = array<i32>} : memref<80x128xi32, #tpu.memory_space<vmem>>, vector<1x16xi32>,
      %get3A_147 = vector.shape_cast %get3A_146 : vector<1x16xi32> to vector<16xi32>
      %add3A_148 = vector.broadcast %mul3A_2 : i32 to vector<16xi32>
      %add3A_149 = arith.addi %get3A_147, %add3A_148 : vector<16xi32>
      %swap3A_150 = arith.index_cast %scan3A_14 : i32 to index
      %swap3A_151 = arith.constant 96 : index
      %swap3A_152 = tpu.vector_load %arg7[%swap3A_150, %swap3A_151] {strides = array<i32>} : memref<80x128xi32, #tpu.memory_space<vmem>>, vector<1x16xi32>,
      %swap3A_153 = vector.shape_cast %swap3A_152 : vector<1x16xi32> to vector<16xi32>
      %swap3A_154 = vector.shape_cast %add3A_149 : vector<16xi32> to vector<1x16xi32>
      tpu.vector_store %arg7[%swap3A_150, %swap3A_151], %swap3A_154 {strides = array<i32>} : memref<80x128xi32, #tpu.memory_space<vmem>>, vector<1x16xi32>,
      %get3A_155 = arith.index_cast %scan3A_14 : i32 to index
      %get3A_156 = arith.constant 96 : index
      %get3A_157 = tpu.vector_load %arg8[%get3A_155, %get3A_156] {strides = array<i32>} : memref<80x128xi32, #tpu.memory_space<vmem>>, vector<1x16xi32>,
      %get3A_158 = vector.shape_cast %get3A_157 : vector<1x16xi32> to vector<16xi32>
      %add3A_159 = vector.broadcast %mul3A_2 : i32 to vector<16xi32>
      %add3A_160 = arith.addi %get3A_158, %add3A_159 : vector<16xi32>
      %swap3A_161 = arith.index_cast %scan3A_14 : i32 to index
      %swap3A_162 = arith.constant 96 : index
      %swap3A_163 = tpu.vector_load %arg8[%swap3A_161, %swap3A_162] {strides = array<i32>} : memref<80x128xi32, #tpu.memory_space<vmem>>, vector<1x16xi32>,
      %swap3A_164 = vector.shape_cast %swap3A_163 : vector<1x16xi32> to vector<16xi32>
      %swap3A_165 = vector.shape_cast %add3A_160 : vector<16xi32> to vector<1x16xi32>
      tpu.vector_store %arg8[%swap3A_161, %swap3A_162], %swap3A_165 {strides = array<i32>} : memref<80x128xi32, #tpu.memory_space<vmem>>, vector<1x16xi32>,
      %get3A_166 = arith.index_cast %scan3A_14 : i32 to index
      %get3A_167 = arith.constant 112 : index
      %get3A_168 = tpu.vector_load %arg7[%get3A_166, %get3A_167] {strides = array<i32>} : memref<80x128xi32, #tpu.memory_space<vmem>>, vector<1x16xi32>,
      %get3A_169 = vector.shape_cast %get3A_168 : vector<1x16xi32> to vector<16xi32>
      %add3A_170 = vector.broadcast %mul3A_2 : i32 to vector<16xi32>
      %add3A_171 = arith.addi %get3A_169, %add3A_170 : vector<16xi32>
      %swap3A_172 = arith.index_cast %scan3A_14 : i32 to index
      %swap3A_173 = arith.constant 112 : index
      %swap3A_174 = tpu.vector_load %arg7[%swap3A_172, %swap3A_173] {strides = array<i32>} : memref<80x128xi32, #tpu.memory_space<vmem>>, vector<1x16xi32>,
      %swap3A_175 = vector.shape_cast %swap3A_174 : vector<1x16xi32> to vector<16xi32>
      %swap3A_176 = vector.shape_cast %add3A_171 : vector<16xi32> to vector<1x16xi32>
      tpu.vector_store %arg7[%swap3A_172, %swap3A_173], %swap3A_176 {strides = array<i32>} : memref<80x128xi32, #tpu.memory_space<vmem>>, vector<1x16xi32>,
      %get3A_177 = arith.index_cast %scan3A_14 : i32 to index
      %get3A_178 = arith.constant 112 : index
      %get3A_179 = tpu.vector_load %arg8[%get3A_177, %get3A_178] {strides = array<i32>} : memref<80x128xi32, #tpu.memory_space<vmem>>, vector<1x16xi32>,
      %get3A_180 = vector.shape_cast %get3A_179 : vector<1x16xi32> to vector<16xi32>
      %add3A_181 = vector.broadcast %mul3A_2 : i32 to vector<16xi32>
      %add3A_182 = arith.addi %get3A_180, %add3A_181 : vector<16xi32>
      %swap3A_183 = arith.index_cast %scan3A_14 : i32 to index
      %swap3A_184 = arith.constant 112 : index
      %swap3A_185 = tpu.vector_load %arg8[%swap3A_183, %swap3A_184] {strides = array<i32>} : memref<80x128xi32, #tpu.memory_space<vmem>>, vector<1x16xi32>,
      %swap3A_186 = vector.shape_cast %swap3A_185 : vector<1x16xi32> to vector<16xi32>
      %swap3A_187 = vector.shape_cast %add3A_182 : vector<16xi32> to vector<1x16xi32>
      tpu.vector_store %arg8[%swap3A_183, %swap3A_184], %swap3A_187 {strides = array<i32>} : memref<80x128xi32, #tpu.memory_space<vmem>>, vector<1x16xi32>,
    }
    %scan3A_7 = arith.constant 80 : i32
    %scan3A_8 = arith.constant 0 : i32
    %scan3A_9 = arith.constant 0 : i32
    %scan3A_10 = arith.constant 40 : i32
    %scan3A_11 = arith.addi %scan3A_9, %scan3A_10 : i32
    %scan3A_12 = arith.constant 1 : i32
    scf.for %scan3A_14 = %scan3A_9 to %scan3A_11 step %scan3A_12  : i32 {
      %mul3A_15 = arith.constant 2 : i32
      %mul3A_16 = arith.muli %scan3A_14, %mul3A_15 : i32
      %add3A = arith.constant 0 : i32
      %add3A_17 = arith.addi %mul3A_16, %add3A : i32
      %dma_start3A = arith.constant 0 : i32
      %dma_start3A_18 = tpu.memref_slice %arg7[%add3A_17, %dma_start3A] : memref<80x128xi32, #tpu.memory_space<vmem>> -> memref<1x128xi32, #tpu.memory_space<vmem>>
      %dma_start3A_19 = tpu.memref_squeeze %dma_start3A_18 : memref<1x128xi32, #tpu.memory_space<vmem>> -> memref<128xi32, #tpu.memory_space<vmem>>
      %dma_start3A_20 = arith.constant 0 : i32
      %dma_start3A_21 = arith.constant 0 : i32
      %dma_start3A_22 = tpu.memref_slice %arg2[%dma_start3A_20, %dma_start3A_21] : memref<20000x128xf32, #tpu.memory_space<hbm>> -> memref<20000x128xf32, #tpu.memory_space<hbm>>
      tpu.enqueue_indirect_dma source(%dma_start3A_22 : memref<20000x128xf32, #tpu.memory_space<hbm>>) target(%arg9 : memref<128x128xf32, #tpu.memory_space<vmem>>) offsets(%dma_start3A_19 : memref<128xi32, #tpu.memory_space<vmem>>) semaphore(%arg13 : memref<!tpu.dma_semaphore, #tpu.memory_space<semaphore_mem>>)
      %dma_start3A_23 = arith.constant 0 : i32
      %dma_start3A_24 = tpu.memref_slice %arg8[%add3A_17, %dma_start3A_23] : memref<80x128xi32, #tpu.memory_space<vmem>> -> memref<1x128xi32, #tpu.memory_space<vmem>>
      %dma_start3A_25 = tpu.memref_squeeze %dma_start3A_24 : memref<1x128xi32, #tpu.memory_space<vmem>> -> memref<128xi32, #tpu.memory_space<vmem>>
      %dma_start3A_26 = arith.constant 0 : i32
      %dma_start3A_27 = arith.constant 0 : i32
      %dma_start3A_28 = tpu.memref_slice %arg3[%dma_start3A_26, %dma_start3A_27] : memref<20000x128xf32, #tpu.memory_space<hbm>> -> memref<20000x128xf32, #tpu.memory_space<hbm>>
      tpu.enqueue_indirect_dma source(%dma_start3A_28 : memref<20000x128xf32, #tpu.memory_space<hbm>>) target(%arg11 : memref<128x128xf32, #tpu.memory_space<vmem>>) offsets(%dma_start3A_25 : memref<128xi32, #tpu.memory_space<vmem>>) semaphore(%arg15 : memref<!tpu.dma_semaphore, #tpu.memory_space<semaphore_mem>>)
      %mul3A_29 = arith.constant 2 : i32
      %mul3A_30 = arith.muli %scan3A_14, %mul3A_29 : i32
      %add3A_31 = arith.constant 1 : i32
      %add3A_32 = arith.addi %mul3A_30, %add3A_31 : i32
      %dma_start3A_33 = arith.constant 0 : i32
      %dma_start3A_34 = tpu.memref_slice %arg7[%add3A_32, %dma_start3A_33] : memref<80x128xi32, #tpu.memory_space<vmem>> -> memref<1x128xi32, #tpu.memory_space<vmem>>
      %dma_start3A_35 = tpu.memref_squeeze %dma_start3A_34 : memref<1x128xi32, #tpu.memory_space<vmem>> -> memref<128xi32, #tpu.memory_space<vmem>>
      %dma_start3A_36 = arith.constant 0 : i32
      %dma_start3A_37 = arith.constant 0 : i32
      %dma_start3A_38 = tpu.memref_slice %arg2[%dma_start3A_36, %dma_start3A_37] : memref<20000x128xf32, #tpu.memory_space<hbm>> -> memref<20000x128xf32, #tpu.memory_space<hbm>>
      tpu.enqueue_indirect_dma source(%dma_start3A_38 : memref<20000x128xf32, #tpu.memory_space<hbm>>) target(%arg10 : memref<128x128xf32, #tpu.memory_space<vmem>>) offsets(%dma_start3A_35 : memref<128xi32, #tpu.memory_space<vmem>>) semaphore(%arg14 : memref<!tpu.dma_semaphore, #tpu.memory_space<semaphore_mem>>)
      %dma_start3A_39 = arith.constant 0 : i32
      %dma_start3A_40 = tpu.memref_slice %arg8[%add3A_32, %dma_start3A_39] : memref<80x128xi32, #tpu.memory_space<vmem>> -> memref<1x128xi32, #tpu.memory_space<vmem>>
      %dma_start3A_41 = tpu.memref_squeeze %dma_start3A_40 : memref<1x128xi32, #tpu.memory_space<vmem>> -> memref<128xi32, #tpu.memory_space<vmem>>
      %dma_start3A_42 = arith.constant 0 : i32
      %dma_start3A_43 = arith.constant 0 : i32
      %dma_start3A_44 = tpu.memref_slice %arg3[%dma_start3A_42, %dma_start3A_43] : memref<20000x128xf32, #tpu.memory_space<hbm>> -> memref<20000x128xf32, #tpu.memory_space<hbm>>
      tpu.enqueue_indirect_dma source(%dma_start3A_44 : memref<20000x128xf32, #tpu.memory_space<hbm>>) target(%arg12 : memref<128x128xf32, #tpu.memory_space<vmem>>) offsets(%dma_start3A_41 : memref<128xi32, #tpu.memory_space<vmem>>) semaphore(%arg16 : memref<!tpu.dma_semaphore, #tpu.memory_space<semaphore_mem>>)
      %mul3A_45 = arith.constant 2 : i32
      %mul3A_46 = arith.muli %scan3A_14, %mul3A_45 : i32
      %add3A_47 = arith.constant 0 : i32
      %add3A_48 = arith.addi %mul3A_46, %add3A_47 : i32
      %dma_wait3A = arith.constant 0 : i32
      %dma_wait3A_49 = tpu.memref_slice %arg7[%add3A_48, %dma_wait3A] : memref<80x128xi32, #tpu.memory_space<vmem>> -> memref<1x128xi32, #tpu.memory_space<vmem>>
      %dma_wait3A_50 = tpu.memref_squeeze %dma_wait3A_49 : memref<1x128xi32, #tpu.memory_space<vmem>> -> memref<128xi32, #tpu.memory_space<vmem>>
      %dma_wait3A_51 = arith.constant 0 : i32
      %dma_wait3A_52 = arith.constant 0 : i32
      %dma_wait3A_53 = tpu.memref_slice %arg2[%dma_wait3A_51, %dma_wait3A_52] : memref<20000x128xf32, #tpu.memory_space<hbm>> -> memref<20000x128xf32, #tpu.memory_space<hbm>>
      tpu.wait_indirect_dma semaphore(%arg13 : memref<!tpu.dma_semaphore, #tpu.memory_space<semaphore_mem>>) src(%dma_wait3A_53 : memref<20000x128xf32, #tpu.memory_space<hbm>>) dst(%arg9 : memref<128x128xf32, #tpu.memory_space<vmem>>)
      %dma_wait3A_54 = arith.constant 0 : i32
      %dma_wait3A_55 = tpu.memref_slice %arg8[%add3A_48, %dma_wait3A_54] : memref<80x128xi32, #tpu.memory_space<vmem>> -> memref<1x128xi32, #tpu.memory_space<vmem>>
      %dma_wait3A_56 = tpu.memref_squeeze %dma_wait3A_55 : memref<1x128xi32, #tpu.memory_space<vmem>> -> memref<128xi32, #tpu.memory_space<vmem>>
      %dma_wait3A_57 = arith.constant 0 : i32
      %dma_wait3A_58 = arith.constant 0 : i32
      %dma_wait3A_59 = tpu.memref_slice %arg3[%dma_wait3A_57, %dma_wait3A_58] : memref<20000x128xf32, #tpu.memory_space<hbm>> -> memref<20000x128xf32, #tpu.memory_space<hbm>>
      tpu.wait_indirect_dma semaphore(%arg15 : memref<!tpu.dma_semaphore, #tpu.memory_space<semaphore_mem>>) src(%dma_wait3A_59 : memref<20000x128xf32, #tpu.memory_space<hbm>>) dst(%arg11 : memref<128x128xf32, #tpu.memory_space<vmem>>)
      %scan3A_60 = arith.constant 0 : i32
      %scan3A_61 = arith.constant 0 : i32
      %scan3A_62 = arith.constant 128 : i32
      %scan3A_63 = arith.addi %scan3A_61, %scan3A_62 : i32
      %scan3A_64 = arith.constant 1 : i32
      scf.for %scan3A_122 = %scan3A_61 to %scan3A_63 step %scan3A_64  : i32 {
        %get3A = arith.index_cast %scan3A_122 : i32 to index
        %get3A_123 = arith.constant 0 : index
        %get3A_124 = tpu.vector_load %arg9[%get3A, %get3A_123] {strides = array<i32>} : memref<128x128xf32, #tpu.memory_space<vmem>>, vector<1x16xf32>,
        %get3A_125 = vector.shape_cast %get3A_124 : vector<1x16xf32> to vector<16xf32>
        %get3A_126 = arith.index_cast %scan3A_122 : i32 to index
        %get3A_127 = arith.constant 0 : index
        %get3A_128 = tpu.vector_load %arg11[%get3A_126, %get3A_127] {strides = array<i32>} : memref<128x128xf32, #tpu.memory_space<vmem>>, vector<1x16xf32>,
        %get3A_129 = vector.shape_cast %get3A_128 : vector<1x16xf32> to vector<16xf32>
        %add3A_130 = arith.addf %get3A_125, %get3A_129 : vector<16xf32>
        %swap3A = arith.index_cast %scan3A_122 : i32 to index
        %swap3A_131 = arith.constant 0 : index
        %swap3A_132 = tpu.vector_load %arg9[%swap3A, %swap3A_131] {strides = array<i32>} : memref<128x128xf32, #tpu.memory_space<vmem>>, vector<1x16xf32>,
        %swap3A_133 = vector.shape_cast %swap3A_132 : vector<1x16xf32> to vector<16xf32>
        %swap3A_134 = vector.shape_cast %add3A_130 : vector<16xf32> to vector<1x16xf32>
        tpu.vector_store %arg9[%swap3A, %swap3A_131], %swap3A_134 {strides = array<i32>} : memref<128x128xf32, #tpu.memory_space<vmem>>, vector<1x16xf32>,
        %get3A_135 = arith.index_cast %scan3A_122 : i32 to index
        %get3A_136 = arith.constant 16 : index
        %get3A_137 = tpu.vector_load %arg9[%get3A_135, %get3A_136] {strides = array<i32>} : memref<128x128xf32, #tpu.memory_space<vmem>>, vector<1x16xf32>,
        %get3A_138 = vector.shape_cast %get3A_137 : vector<1x16xf32> to vector<16xf32>
        %get3A_139 = arith.index_cast %scan3A_122 : i32 to index
        %get3A_140 = arith.constant 16 : index
        %get3A_141 = tpu.vector_load %arg11[%get3A_139, %get3A_140] {strides = array<i32>} : memref<128x128xf32, #tpu.memory_space<vmem>>, vector<1x16xf32>,
        %get3A_142 = vector.shape_cast %get3A_141 : vector<1x16xf32> to vector<16xf32>
        %add3A_143 = arith.addf %get3A_138, %get3A_142 : vector<16xf32>
        %swap3A_144 = arith.index_cast %scan3A_122 : i32 to index
        %swap3A_145 = arith.constant 16 : index
        %swap3A_146 = tpu.vector_load %arg9[%swap3A_144, %swap3A_145] {strides = array<i32>} : memref<128x128xf32, #tpu.memory_space<vmem>>, vector<1x16xf32>,
        %swap3A_147 = vector.shape_cast %swap3A_146 : vector<1x16xf32> to vector<16xf32>
        %swap3A_148 = vector.shape_cast %add3A_143 : vector<16xf32> to vector<1x16xf32>
        tpu.vector_store %arg9[%swap3A_144, %swap3A_145], %swap3A_148 {strides = array<i32>} : memref<128x128xf32, #tpu.memory_space<vmem>>, vector<1x16xf32>,
        %get3A_149 = arith.index_cast %scan3A_122 : i32 to index
        %get3A_150 = arith.constant 32 : index
        %get3A_151 = tpu.vector_load %arg9[%get3A_149, %get3A_150] {strides = array<i32>} : memref<128x128xf32, #tpu.memory_space<vmem>>, vector<1x16xf32>,
        %get3A_152 = vector.shape_cast %get3A_151 : vector<1x16xf32> to vector<16xf32>
        %get3A_153 = arith.index_cast %scan3A_122 : i32 to index
        %get3A_154 = arith.constant 32 : index
        %get3A_155 = tpu.vector_load %arg11[%get3A_153, %get3A_154] {strides = array<i32>} : memref<128x128xf32, #tpu.memory_space<vmem>>, vector<1x16xf32>,
        %get3A_156 = vector.shape_cast %get3A_155 : vector<1x16xf32> to vector<16xf32>
        %add3A_157 = arith.addf %get3A_152, %get3A_156 : vector<16xf32>
        %swap3A_158 = arith.index_cast %scan3A_122 : i32 to index
        %swap3A_159 = arith.constant 32 : index
        %swap3A_160 = tpu.vector_load %arg9[%swap3A_158, %swap3A_159] {strides = array<i32>} : memref<128x128xf32, #tpu.memory_space<vmem>>, vector<1x16xf32>,
        %swap3A_161 = vector.shape_cast %swap3A_160 : vector<1x16xf32> to vector<16xf32>
        %swap3A_162 = vector.shape_cast %add3A_157 : vector<16xf32> to vector<1x16xf32>
        tpu.vector_store %arg9[%swap3A_158, %swap3A_159], %swap3A_162 {strides = array<i32>} : memref<128x128xf32, #tpu.memory_space<vmem>>, vector<1x16xf32>,
        %get3A_163 = arith.index_cast %scan3A_122 : i32 to index
        %get3A_164 = arith.constant 48 : index
        %get3A_165 = tpu.vector_load %arg9[%get3A_163, %get3A_164] {strides = array<i32>} : memref<128x128xf32, #tpu.memory_space<vmem>>, vector<1x16xf32>,
        %get3A_166 = vector.shape_cast %get3A_165 : vector<1x16xf32> to vector<16xf32>
        %get3A_167 = arith.index_cast %scan3A_122 : i32 to index
        %get3A_168 = arith.constant 48 : index
        %get3A_169 = tpu.vector_load %arg11[%get3A_167, %get3A_168] {strides = array<i32>} : memref<128x128xf32, #tpu.memory_space<vmem>>, vector<1x16xf32>,
        %get3A_170 = vector.shape_cast %get3A_169 : vector<1x16xf32> to vector<16xf32>
        %add3A_171 = arith.addf %get3A_166, %get3A_170 : vector<16xf32>
        %swap3A_172 = arith.index_cast %scan3A_122 : i32 to index
        %swap3A_173 = arith.constant 48 : index
        %swap3A_174 = tpu.vector_load %arg9[%swap3A_172, %swap3A_173] {strides = array<i32>} : memref<128x128xf32, #tpu.memory_space<vmem>>, vector<1x16xf32>,
        %swap3A_175 = vector.shape_cast %swap3A_174 : vector<1x16xf32> to vector<16xf32>
        %swap3A_176 = vector.shape_cast %add3A_171 : vector<16xf32> to vector<1x16xf32>
        tpu.vector_store %arg9[%swap3A_172, %swap3A_173], %swap3A_176 {strides = array<i32>} : memref<128x128xf32, #tpu.memory_space<vmem>>, vector<1x16xf32>,
        %get3A_177 = arith.index_cast %scan3A_122 : i32 to index
        %get3A_178 = arith.constant 64 : index
        %get3A_179 = tpu.vector_load %arg9[%get3A_177, %get3A_178] {strides = array<i32>} : memref<128x128xf32, #tpu.memory_space<vmem>>, vector<1x16xf32>,
        %get3A_180 = vector.shape_cast %get3A_179 : vector<1x16xf32> to vector<16xf32>
        %get3A_181 = arith.index_cast %scan3A_122 : i32 to index
        %get3A_182 = arith.constant 64 : index
        %get3A_183 = tpu.vector_load %arg11[%get3A_181, %get3A_182] {strides = array<i32>} : memref<128x128xf32, #tpu.memory_space<vmem>>, vector<1x16xf32>,
        %get3A_184 = vector.shape_cast %get3A_183 : vector<1x16xf32> to vector<16xf32>
        %add3A_185 = arith.addf %get3A_180, %get3A_184 : vector<16xf32>
        %swap3A_186 = arith.index_cast %scan3A_122 : i32 to index
        %swap3A_187 = arith.constant 64 : index
        %swap3A_188 = tpu.vector_load %arg9[%swap3A_186, %swap3A_187] {strides = array<i32>} : memref<128x128xf32, #tpu.memory_space<vmem>>, vector<1x16xf32>,
        %swap3A_189 = vector.shape_cast %swap3A_188 : vector<1x16xf32> to vector<16xf32>
        %swap3A_190 = vector.shape_cast %add3A_185 : vector<16xf32> to vector<1x16xf32>
        tpu.vector_store %arg9[%swap3A_186, %swap3A_187], %swap3A_190 {strides = array<i32>} : memref<128x128xf32, #tpu.memory_space<vmem>>, vector<1x16xf32>,
        %get3A_191 = arith.index_cast %scan3A_122 : i32 to index
        %get3A_192 = arith.constant 80 : index
        %get3A_193 = tpu.vector_load %arg9[%get3A_191, %get3A_192] {strides = array<i32>} : memref<128x128xf32, #tpu.memory_space<vmem>>, vector<1x16xf32>,
        %get3A_194 = vector.shape_cast %get3A_193 : vector<1x16xf32> to vector<16xf32>
        %get3A_195 = arith.index_cast %scan3A_122 : i32 to index
        %get3A_196 = arith.constant 80 : index
        %get3A_197 = tpu.vector_load %arg11[%get3A_195, %get3A_196] {strides = array<i32>} : memref<128x128xf32, #tpu.memory_space<vmem>>, vector<1x16xf32>,
        %get3A_198 = vector.shape_cast %get3A_197 : vector<1x16xf32> to vector<16xf32>
        %add3A_199 = arith.addf %get3A_194, %get3A_198 : vector<16xf32>
        %swap3A_200 = arith.index_cast %scan3A_122 : i32 to index
        %swap3A_201 = arith.constant 80 : index
        %swap3A_202 = tpu.vector_load %arg9[%swap3A_200, %swap3A_201] {strides = array<i32>} : memref<128x128xf32, #tpu.memory_space<vmem>>, vector<1x16xf32>,
        %swap3A_203 = vector.shape_cast %swap3A_202 : vector<1x16xf32> to vector<16xf32>
        %swap3A_204 = vector.shape_cast %add3A_199 : vector<16xf32> to vector<1x16xf32>
        tpu.vector_store %arg9[%swap3A_200, %swap3A_201], %swap3A_204 {strides = array<i32>} : memref<128x128xf32, #tpu.memory_space<vmem>>, vector<1x16xf32>,
        %get3A_205 = arith.index_cast %scan3A_122 : i32 to index
        %get3A_206 = arith.constant 96 : index
        %get3A_207 = tpu.vector_load %arg9[%get3A_205, %get3A_206] {strides = array<i32>} : memref<128x128xf32, #tpu.memory_space<vmem>>, vector<1x16xf32>,
        %get3A_208 = vector.shape_cast %get3A_207 : vector<1x16xf32> to vector<16xf32>
        %get3A_209 = arith.index_cast %scan3A_122 : i32 to index
        %get3A_210 = arith.constant 96 : index
        %get3A_211 = tpu.vector_load %arg11[%get3A_209, %get3A_210] {strides = array<i32>} : memref<128x128xf32, #tpu.memory_space<vmem>>, vector<1x16xf32>,
        %get3A_212 = vector.shape_cast %get3A_211 : vector<1x16xf32> to vector<16xf32>
        %add3A_213 = arith.addf %get3A_208, %get3A_212 : vector<16xf32>
        %swap3A_214 = arith.index_cast %scan3A_122 : i32 to index
        %swap3A_215 = arith.constant 96 : index
        %swap3A_216 = tpu.vector_load %arg9[%swap3A_214, %swap3A_215] {strides = array<i32>} : memref<128x128xf32, #tpu.memory_space<vmem>>, vector<1x16xf32>,
        %swap3A_217 = vector.shape_cast %swap3A_216 : vector<1x16xf32> to vector<16xf32>
        %swap3A_218 = vector.shape_cast %add3A_213 : vector<16xf32> to vector<1x16xf32>
        tpu.vector_store %arg9[%swap3A_214, %swap3A_215], %swap3A_218 {strides = array<i32>} : memref<128x128xf32, #tpu.memory_space<vmem>>, vector<1x16xf32>,
        %get3A_219 = arith.index_cast %scan3A_122 : i32 to index
        %get3A_220 = arith.constant 112 : index
        %get3A_221 = tpu.vector_load %arg9[%get3A_219, %get3A_220] {strides = array<i32>} : memref<128x128xf32, #tpu.memory_space<vmem>>, vector<1x16xf32>,
        %get3A_222 = vector.shape_cast %get3A_221 : vector<1x16xf32> to vector<16xf32>
        %get3A_223 = arith.index_cast %scan3A_122 : i32 to index
        %get3A_224 = arith.constant 112 : index
        %get3A_225 = tpu.vector_load %arg11[%get3A_223, %get3A_224] {strides = array<i32>} : memref<128x128xf32, #tpu.memory_space<vmem>>, vector<1x16xf32>,
        %get3A_226 = vector.shape_cast %get3A_225 : vector<1x16xf32> to vector<16xf32>
        %add3A_227 = arith.addf %get3A_222, %get3A_226 : vector<16xf32>
        %swap3A_228 = arith.index_cast %scan3A_122 : i32 to index
        %swap3A_229 = arith.constant 112 : index
        %swap3A_230 = tpu.vector_load %arg9[%swap3A_228, %swap3A_229] {strides = array<i32>} : memref<128x128xf32, #tpu.memory_space<vmem>>, vector<1x16xf32>,
        %swap3A_231 = vector.shape_cast %swap3A_230 : vector<1x16xf32> to vector<16xf32>
        %swap3A_232 = vector.shape_cast %add3A_227 : vector<16xf32> to vector<1x16xf32>
        tpu.vector_store %arg9[%swap3A_228, %swap3A_229], %swap3A_232 {strides = array<i32>} : memref<128x128xf32, #tpu.memory_space<vmem>>, vector<1x16xf32>,
      }
      %scan3A_65 = arith.constant 128 : i32
      %mul3A_66 = arith.constant 128 : i32
      %mul3A_67 = arith.muli %add3A_48, %mul3A_66 : i32
      %add3A_68 = arith.addi %mul3A_0, %mul3A_67 : i32
      %dma_start3A_69 = arith.constant 0 : i32
      %dma_start3A_70 = tpu.memref_slice %arg6[%arg0, %add3A_68, %dma_start3A_69] : memref<2x163840x128xf32, #tpu.memory_space<hbm>> -> memref<1x128x128xf32, #tpu.memory_space<hbm>>
      %dma_start3A_71 = tpu.memref_squeeze %dma_start3A_70 : memref<1x128x128xf32, #tpu.memory_space<hbm>> -> memref<128x128xf32, #tpu.memory_space<hbm>>
      %dma_start3A_72 = arith.constant 0 : i32
      %dma_start3A_73 = tpu.memref_slice %arg6[%arg0, %add3A_68, %dma_start3A_72] : memref<2x163840x128xf32, #tpu.memory_space<hbm>> -> memref<1x128x128xf32, #tpu.memory_space<hbm>>
      %dma_start3A_74 = tpu.memref_squeeze %dma_start3A_73 : memref<1x128x128xf32, #tpu.memory_space<hbm>> -> memref<128x128xf32, #tpu.memory_space<hbm>>
      tpu.enqueue_dma source(%arg9 : memref<128x128xf32, #tpu.memory_space<vmem>>) target(%dma_start3A_74 : memref<128x128xf32, #tpu.memory_space<hbm>>) target_semaphore(%arg17 : memref<!tpu.dma_semaphore, #tpu.memory_space<semaphore_mem>>)
      %mul3A_75 = arith.constant 2 : i32
      %mul3A_76 = arith.muli %scan3A_14, %mul3A_75 : i32
      %add3A_77 = arith.constant 1 : i32
      %add3A_78 = arith.addi %mul3A_76, %add3A_77 : i32
      %dma_wait3A_79 = arith.constant 0 : i32
      %dma_wait3A_80 = tpu.memref_slice %arg7[%add3A_78, %dma_wait3A_79] : memref<80x128xi32, #tpu.memory_space<vmem>> -> memref<1x128xi32, #tpu.memory_space<vmem>>
      %dma_wait3A_81 = tpu.memref_squeeze %dma_wait3A_80 : memref<1x128xi32, #tpu.memory_space<vmem>> -> memref<128xi32, #tpu.memory_space<vmem>>
      %dma_wait3A_82 = arith.constant 0 : i32
      %dma_wait3A_83 = arith.constant 0 : i32
      %dma_wait3A_84 = tpu.memref_slice %arg2[%dma_wait3A_82, %dma_wait3A_83] : memref<20000x128xf32, #tpu.memory_space<hbm>> -> memref<20000x128xf32, #tpu.memory_space<hbm>>
      tpu.wait_indirect_dma semaphore(%arg14 : memref<!tpu.dma_semaphore, #tpu.memory_space<semaphore_mem>>) src(%dma_wait3A_84 : memref<20000x128xf32, #tpu.memory_space<hbm>>) dst(%arg10 : memref<128x128xf32, #tpu.memory_space<vmem>>)
      %dma_wait3A_85 = arith.constant 0 : i32
      %dma_wait3A_86 = tpu.memref_slice %arg8[%add3A_78, %dma_wait3A_85] : memref<80x128xi32, #tpu.memory_space<vmem>> -> memref<1x128xi32, #tpu.memory_space<vmem>>
      %dma_wait3A_87 = tpu.memref_squeeze %dma_wait3A_86 : memref<1x128xi32, #tpu.memory_space<vmem>> -> memref<128xi32, #tpu.memory_space<vmem>>
      %dma_wait3A_88 = arith.constant 0 : i32
      %dma_wait3A_89 = arith.constant 0 : i32
      %dma_wait3A_90 = tpu.memref_slice %arg3[%dma_wait3A_88, %dma_wait3A_89] : memref<20000x128xf32, #tpu.memory_space<hbm>> -> memref<20000x128xf32, #tpu.memory_space<hbm>>
      tpu.wait_indirect_dma semaphore(%arg16 : memref<!tpu.dma_semaphore, #tpu.memory_space<semaphore_mem>>) src(%dma_wait3A_90 : memref<20000x128xf32, #tpu.memory_space<hbm>>) dst(%arg12 : memref<128x128xf32, #tpu.memory_space<vmem>>)
      %scan3A_91 = arith.constant 0 : i32
      %scan3A_92 = arith.constant 0 : i32
      %scan3A_93 = arith.constant 128 : i32
      %scan3A_94 = arith.addi %scan3A_92, %scan3A_93 : i32
      %scan3A_95 = arith.constant 1 : i32
      scf.for %scan3A_122 = %scan3A_92 to %scan3A_94 step %scan3A_95  : i32 {
        %get3A = arith.index_cast %scan3A_122 : i32 to index
        %get3A_123 = arith.constant 0 : index
        %get3A_124 = tpu.vector_load %arg10[%get3A, %get3A_123] {strides = array<i32>} : memref<128x128xf32, #tpu.memory_space<vmem>>, vector<1x16xf32>,
        %get3A_125 = vector.shape_cast %get3A_124 : vector<1x16xf32> to vector<16xf32>
        %get3A_126 = arith.index_cast %scan3A_122 : i32 to index
        %get3A_127 = arith.constant 0 : index
        %get3A_128 = tpu.vector_load %arg12[%get3A_126, %get3A_127] {strides = array<i32>} : memref<128x128xf32, #tpu.memory_space<vmem>>, vector<1x16xf32>,
        %get3A_129 = vector.shape_cast %get3A_128 : vector<1x16xf32> to vector<16xf32>
        %add3A_130 = arith.addf %get3A_125, %get3A_129 : vector<16xf32>
        %swap3A = arith.index_cast %scan3A_122 : i32 to index
        %swap3A_131 = arith.constant 0 : index
        %swap3A_132 = tpu.vector_load %arg10[%swap3A, %swap3A_131] {strides = array<i32>} : memref<128x128xf32, #tpu.memory_space<vmem>>, vector<1x16xf32>,
        %swap3A_133 = vector.shape_cast %swap3A_132 : vector<1x16xf32> to vector<16xf32>
        %swap3A_134 = vector.shape_cast %add3A_130 : vector<16xf32> to vector<1x16xf32>
        tpu.vector_store %arg10[%swap3A, %swap3A_131], %swap3A_134 {strides = array<i32>} : memref<128x128xf32, #tpu.memory_space<vmem>>, vector<1x16xf32>,
        %get3A_135 = arith.index_cast %scan3A_122 : i32 to index
        %get3A_136 = arith.constant 16 : index
        %get3A_137 = tpu.vector_load %arg10[%get3A_135, %get3A_136] {strides = array<i32>} : memref<128x128xf32, #tpu.memory_space<vmem>>, vector<1x16xf32>,
        %get3A_138 = vector.shape_cast %get3A_137 : vector<1x16xf32> to vector<16xf32>
        %get3A_139 = arith.index_cast %scan3A_122 : i32 to index
        %get3A_140 = arith.constant 16 : index
        %get3A_141 = tpu.vector_load %arg12[%get3A_139, %get3A_140] {strides = array<i32>} : memref<128x128xf32, #tpu.memory_space<vmem>>, vector<1x16xf32>,
        %get3A_142 = vector.shape_cast %get3A_141 : vector<1x16xf32> to vector<16xf32>
        %add3A_143 = arith.addf %get3A_138, %get3A_142 : vector<16xf32>
        %swap3A_144 = arith.index_cast %scan3A_122 : i32 to index
        %swap3A_145 = arith.constant 16 : index
        %swap3A_146 = tpu.vector_load %arg10[%swap3A_144, %swap3A_145] {strides = array<i32>} : memref<128x128xf32, #tpu.memory_space<vmem>>, vector<1x16xf32>,
        %swap3A_147 = vector.shape_cast %swap3A_146 : vector<1x16xf32> to vector<16xf32>
        %swap3A_148 = vector.shape_cast %add3A_143 : vector<16xf32> to vector<1x16xf32>
        tpu.vector_store %arg10[%swap3A_144, %swap3A_145], %swap3A_148 {strides = array<i32>} : memref<128x128xf32, #tpu.memory_space<vmem>>, vector<1x16xf32>,
        %get3A_149 = arith.index_cast %scan3A_122 : i32 to index
        %get3A_150 = arith.constant 32 : index
        %get3A_151 = tpu.vector_load %arg10[%get3A_149, %get3A_150] {strides = array<i32>} : memref<128x128xf32, #tpu.memory_space<vmem>>, vector<1x16xf32>,
        %get3A_152 = vector.shape_cast %get3A_151 : vector<1x16xf32> to vector<16xf32>
        %get3A_153 = arith.index_cast %scan3A_122 : i32 to index
        %get3A_154 = arith.constant 32 : index
        %get3A_155 = tpu.vector_load %arg12[%get3A_153, %get3A_154] {strides = array<i32>} : memref<128x128xf32, #tpu.memory_space<vmem>>, vector<1x16xf32>,
        %get3A_156 = vector.shape_cast %get3A_155 : vector<1x16xf32> to vector<16xf32>
        %add3A_157 = arith.addf %get3A_152, %get3A_156 : vector<16xf32>
        %swap3A_158 = arith.index_cast %scan3A_122 : i32 to index
        %swap3A_159 = arith.constant 32 : index
        %swap3A_160 = tpu.vector_load %arg10[%swap3A_158, %swap3A_159] {strides = array<i32>} : memref<128x128xf32, #tpu.memory_space<vmem>>, vector<1x16xf32>,
        %swap3A_161 = vector.shape_cast %swap3A_160 : vector<1x16xf32> to vector<16xf32>
        %swap3A_162 = vector.shape_cast %add3A_157 : vector<16xf32> to vector<1x16xf32>
        tpu.vector_store %arg10[%swap3A_158, %swap3A_159], %swap3A_162 {strides = array<i32>} : memref<128x128xf32, #tpu.memory_space<vmem>>, vector<1x16xf32>,
        %get3A_163 = arith.index_cast %scan3A_122 : i32 to index
        %get3A_164 = arith.constant 48 : index
        %get3A_165 = tpu.vector_load %arg10[%get3A_163, %get3A_164] {strides = array<i32>} : memref<128x128xf32, #tpu.memory_space<vmem>>, vector<1x16xf32>,
        %get3A_166 = vector.shape_cast %get3A_165 : vector<1x16xf32> to vector<16xf32>
        %get3A_167 = arith.index_cast %scan3A_122 : i32 to index
        %get3A_168 = arith.constant 48 : index
        %get3A_169 = tpu.vector_load %arg12[%get3A_167, %get3A_168] {strides = array<i32>} : memref<128x128xf32, #tpu.memory_space<vmem>>, vector<1x16xf32>,
        %get3A_170 = vector.shape_cast %get3A_169 : vector<1x16xf32> to vector<16xf32>
        %add3A_171 = arith.addf %get3A_166, %get3A_170 : vector<16xf32>
        %swap3A_172 = arith.index_cast %scan3A_122 : i32 to index
        %swap3A_173 = arith.constant 48 : index
        %swap3A_174 = tpu.vector_load %arg10[%swap3A_172, %swap3A_173] {strides = array<i32>} : memref<128x128xf32, #tpu.memory_space<vmem>>, vector<1x16xf32>,
        %swap3A_175 = vector.shape_cast %swap3A_174 : vector<1x16xf32> to vector<16xf32>
        %swap3A_176 = vector.shape_cast %add3A_171 : vector<16xf32> to vector<1x16xf32>
        tpu.vector_store %arg10[%swap3A_172, %swap3A_173], %swap3A_176 {strides = array<i32>} : memref<128x128xf32, #tpu.memory_space<vmem>>, vector<1x16xf32>,
        %get3A_177 = arith.index_cast %scan3A_122 : i32 to index
        %get3A_178 = arith.constant 64 : index
        %get3A_179 = tpu.vector_load %arg10[%get3A_177, %get3A_178] {strides = array<i32>} : memref<128x128xf32, #tpu.memory_space<vmem>>, vector<1x16xf32>,
        %get3A_180 = vector.shape_cast %get3A_179 : vector<1x16xf32> to vector<16xf32>
        %get3A_181 = arith.index_cast %scan3A_122 : i32 to index
        %get3A_182 = arith.constant 64 : index
        %get3A_183 = tpu.vector_load %arg12[%get3A_181, %get3A_182] {strides = array<i32>} : memref<128x128xf32, #tpu.memory_space<vmem>>, vector<1x16xf32>,
        %get3A_184 = vector.shape_cast %get3A_183 : vector<1x16xf32> to vector<16xf32>
        %add3A_185 = arith.addf %get3A_180, %get3A_184 : vector<16xf32>
        %swap3A_186 = arith.index_cast %scan3A_122 : i32 to index
        %swap3A_187 = arith.constant 64 : index
        %swap3A_188 = tpu.vector_load %arg10[%swap3A_186, %swap3A_187] {strides = array<i32>} : memref<128x128xf32, #tpu.memory_space<vmem>>, vector<1x16xf32>,
        %swap3A_189 = vector.shape_cast %swap3A_188 : vector<1x16xf32> to vector<16xf32>
        %swap3A_190 = vector.shape_cast %add3A_185 : vector<16xf32> to vector<1x16xf32>
        tpu.vector_store %arg10[%swap3A_186, %swap3A_187], %swap3A_190 {strides = array<i32>} : memref<128x128xf32, #tpu.memory_space<vmem>>, vector<1x16xf32>,
        %get3A_191 = arith.index_cast %scan3A_122 : i32 to index
        %get3A_192 = arith.constant 80 : index
        %get3A_193 = tpu.vector_load %arg10[%get3A_191, %get3A_192] {strides = array<i32>} : memref<128x128xf32, #tpu.memory_space<vmem>>, vector<1x16xf32>,
        %get3A_194 = vector.shape_cast %get3A_193 : vector<1x16xf32> to vector<16xf32>
        %get3A_195 = arith.index_cast %scan3A_122 : i32 to index
        %get3A_196 = arith.constant 80 : index
        %get3A_197 = tpu.vector_load %arg12[%get3A_195, %get3A_196] {strides = array<i32>} : memref<128x128xf32, #tpu.memory_space<vmem>>, vector<1x16xf32>,
        %get3A_198 = vector.shape_cast %get3A_197 : vector<1x16xf32> to vector<16xf32>
        %add3A_199 = arith.addf %get3A_194, %get3A_198 : vector<16xf32>
        %swap3A_200 = arith.index_cast %scan3A_122 : i32 to index
        %swap3A_201 = arith.constant 80 : index
        %swap3A_202 = tpu.vector_load %arg10[%swap3A_200, %swap3A_201] {strides = array<i32>} : memref<128x128xf32, #tpu.memory_space<vmem>>, vector<1x16xf32>,
        %swap3A_203 = vector.shape_cast %swap3A_202 : vector<1x16xf32> to vector<16xf32>
        %swap3A_204 = vector.shape_cast %add3A_199 : vector<16xf32> to vector<1x16xf32>
        tpu.vector_store %arg10[%swap3A_200, %swap3A_201], %swap3A_204 {strides = array<i32>} : memref<128x128xf32, #tpu.memory_space<vmem>>, vector<1x16xf32>,
        %get3A_205 = arith.index_cast %scan3A_122 : i32 to index
        %get3A_206 = arith.constant 96 : index
        %get3A_207 = tpu.vector_load %arg10[%get3A_205, %get3A_206] {strides = array<i32>} : memref<128x128xf32, #tpu.memory_space<vmem>>, vector<1x16xf32>,
        %get3A_208 = vector.shape_cast %get3A_207 : vector<1x16xf32> to vector<16xf32>
        %get3A_209 = arith.index_cast %scan3A_122 : i32 to index
        %get3A_210 = arith.constant 96 : index
        %get3A_211 = tpu.vector_load %arg12[%get3A_209, %get3A_210] {strides = array<i32>} : memref<128x128xf32, #tpu.memory_space<vmem>>, vector<1x16xf32>,
        %get3A_212 = vector.shape_cast %get3A_211 : vector<1x16xf32> to vector<16xf32>
        %add3A_213 = arith.addf %get3A_208, %get3A_212 : vector<16xf32>
        %swap3A_214 = arith.index_cast %scan3A_122 : i32 to index
        %swap3A_215 = arith.constant 96 : index
        %swap3A_216 = tpu.vector_load %arg10[%swap3A_214, %swap3A_215] {strides = array<i32>} : memref<128x128xf32, #tpu.memory_space<vmem>>, vector<1x16xf32>,
        %swap3A_217 = vector.shape_cast %swap3A_216 : vector<1x16xf32> to vector<16xf32>
        %swap3A_218 = vector.shape_cast %add3A_213 : vector<16xf32> to vector<1x16xf32>
        tpu.vector_store %arg10[%swap3A_214, %swap3A_215], %swap3A_218 {strides = array<i32>} : memref<128x128xf32, #tpu.memory_space<vmem>>, vector<1x16xf32>,
        %get3A_219 = arith.index_cast %scan3A_122 : i32 to index
        %get3A_220 = arith.constant 112 : index
        %get3A_221 = tpu.vector_load %arg10[%get3A_219, %get3A_220] {strides = array<i32>} : memref<128x128xf32, #tpu.memory_space<vmem>>, vector<1x16xf32>,
        %get3A_222 = vector.shape_cast %get3A_221 : vector<1x16xf32> to vector<16xf32>
        %get3A_223 = arith.index_cast %scan3A_122 : i32 to index
        %get3A_224 = arith.constant 112 : index
        %get3A_225 = tpu.vector_load %arg12[%get3A_223, %get3A_224] {strides = array<i32>} : memref<128x128xf32, #tpu.memory_space<vmem>>, vector<1x16xf32>,
        %get3A_226 = vector.shape_cast %get3A_225 : vector<1x16xf32> to vector<16xf32>
        %add3A_227 = arith.addf %get3A_222, %get3A_226 : vector<16xf32>
        %swap3A_228 = arith.index_cast %scan3A_122 : i32 to index
        %swap3A_229 = arith.constant 112 : index
        %swap3A_230 = tpu.vector_load %arg10[%swap3A_228, %swap3A_229] {strides = array<i32>} : memref<128x128xf32, #tpu.memory_space<vmem>>, vector<1x16xf32>,
        %swap3A_231 = vector.shape_cast %swap3A_230 : vector<1x16xf32> to vector<16xf32>
        %swap3A_232 = vector.shape_cast %add3A_227 : vector<16xf32> to vector<1x16xf32>
        tpu.vector_store %arg10[%swap3A_228, %swap3A_229], %swap3A_232 {strides = array<i32>} : memref<128x128xf32, #tpu.memory_space<vmem>>, vector<1x16xf32>,
      }
      %scan3A_96 = arith.constant 128 : i32
      %mul3A_97 = arith.constant 128 : i32
      %mul3A_98 = arith.muli %add3A_78, %mul3A_97 : i32
      %add3A_99 = arith.addi %mul3A_0, %mul3A_98 : i32
      %dma_start3A_100 = arith.constant 0 : i32
      %dma_start3A_101 = tpu.memref_slice %arg6[%arg0, %add3A_99, %dma_start3A_100] : memref<2x163840x128xf32, #tpu.memory_space<hbm>> -> memref<1x128x128xf32, #tpu.memory_space<hbm>>
      %dma_start3A_102 = tpu.memref_squeeze %dma_start3A_101 : memref<1x128x128xf32, #tpu.memory_space<hbm>> -> memref<128x128xf32, #tpu.memory_space<hbm>>
      %dma_start3A_103 = arith.constant 0 : i32
      %dma_start3A_104 = tpu.memref_slice %arg6[%arg0, %add3A_99, %dma_start3A_103] : memref<2x163840x128xf32, #tpu.memory_space<hbm>> -> memref<1x128x128xf32, #tpu.memory_space<hbm>>
      %dma_start3A_105 = tpu.memref_squeeze %dma_start3A_104 : memref<1x128x128xf32, #tpu.memory_space<hbm>> -> memref<128x128xf32, #tpu.memory_space<hbm>>
      tpu.enqueue_dma source(%arg10 : memref<128x128xf32, #tpu.memory_space<vmem>>) target(%dma_start3A_105 : memref<128x128xf32, #tpu.memory_space<hbm>>) target_semaphore(%arg18 : memref<!tpu.dma_semaphore, #tpu.memory_space<semaphore_mem>>)
      %dma_wait3A_106 = arith.constant 0 : i32
      %dma_wait3A_107 = arith.constant 0 : i32
      %dma_wait3A_108 = tpu.memref_slice %arg6[%arg0, %dma_wait3A_106, %dma_wait3A_107] : memref<2x163840x128xf32, #tpu.memory_space<hbm>> -> memref<1x128x128xf32, #tpu.memory_space<hbm>>
      %dma_wait3A_109 = tpu.memref_squeeze %dma_wait3A_108 : memref<1x128x128xf32, #tpu.memory_space<hbm>> -> memref<128x128xf32, #tpu.memory_space<hbm>>
      %dma_wait3A_110 = arith.constant 0 : i32
      %dma_wait3A_111 = arith.constant 0 : i32
      %dma_wait3A_112 = tpu.memref_slice %arg6[%arg0, %dma_wait3A_110, %dma_wait3A_111] : memref<2x163840x128xf32, #tpu.memory_space<hbm>> -> memref<1x128x128xf32, #tpu.memory_space<hbm>>
      %dma_wait3A_113 = tpu.memref_squeeze %dma_wait3A_112 : memref<1x128x128xf32, #tpu.memory_space<hbm>> -> memref<128x128xf32, #tpu.memory_space<hbm>>
      tpu.wait_dma2 semaphore(%arg17 : memref<!tpu.dma_semaphore, #tpu.memory_space<semaphore_mem>>) src(%arg9 : memref<128x128xf32, #tpu.memory_space<vmem>>) dst(%dma_wait3A_113 : memref<128x128xf32, #tpu.memory_space<hbm>>)
      %dma_wait3A_114 = arith.constant 0 : i32
      %dma_wait3A_115 = arith.constant 0 : i32
      %dma_wait3A_116 = tpu.memref_slice %arg6[%arg0, %dma_wait3A_114, %dma_wait3A_115] : memref<2x163840x128xf32, #tpu.memory_space<hbm>> -> memref<1x128x128xf32, #tpu.memory_space<hbm>>
      %dma_wait3A_117 = tpu.memref_squeeze %dma_wait3A_116 : memref<1x128x128xf32, #tpu.memory_space<hbm>> -> memref<128x128xf32, #tpu.memory_space<hbm>>
      %dma_wait3A_118 = arith.constant 0 : i32
      %dma_wait3A_119 = arith.constant 0 : i32
      %dma_wait3A_120 = tpu.memref_slice %arg6[%arg0, %dma_wait3A_118, %dma_wait3A_119] : memref<2x163840x128xf32, #tpu.memory_space<hbm>> -> memref<1x128x128xf32, #tpu.memory_space<hbm>>
      %dma_wait3A_121 = tpu.memref_squeeze %dma_wait3A_120 : memref<1x128x128xf32, #tpu.memory_space<hbm>> -> memref<128x128xf32, #tpu.memory_space<hbm>>
      tpu.wait_dma2 semaphore(%arg18 : memref<!tpu.dma_semaphore, #tpu.memory_space<semaphore_mem>>) src(%arg10 : memref<128x128xf32, #tpu.memory_space<vmem>>) dst(%dma_wait3A_121 : memref<128x128xf32, #tpu.memory_space<hbm>>)
    }
    %scan3A_13 = arith.constant 40 : i32
    return
  }
}

module attributes {stable_mosaic.version = 14 : i64} {
  func.func @_proj_body(%arg0: i32, %arg1: memref<1000x256xf32, #tpu.memory_space<vmem>>, %arg2: memref<128x128xf32, #tpu.memory_space<vmem>>, %arg3: memref<1x128xf32, #tpu.memory_space<vmem>>, %arg4: memref<1x128xf32, #tpu.memory_space<vmem>>, %arg5: memref<1x128xf32, #tpu.memory_space<vmem>>, %arg6: memref<128x128xf32, #tpu.memory_space<vmem>>, %arg7: memref<1x128xf32, #tpu.memory_space<vmem>>, %arg8: memref<1x128xf32, #tpu.memory_space<vmem>>, %arg9: memref<1x128xf32, #tpu.memory_space<vmem>>, %arg10: memref<2x1000x128xf32, #tpu.memory_space<vmem>>) attributes {dimension_semantics = [#tpu.dimension_semantics<arbitrary>], iteration_bounds = array<i64: 10>, scalar_prefetch = 0 : i64, scratch_operands = 0 : i64, tpu.core_type = #tpu.core_type<tc>, window_params = [{transform_indices = @transform_0, window_bounds = array<i64: 1000, 256>}, {pipeline_mode = #tpu.pipeline_mode<synchronous>, transform_indices = @transform_1, window_bounds = array<i64: 128, 128>}, {pipeline_mode = #tpu.pipeline_mode<synchronous>, transform_indices = @transform_2, window_bounds = array<i64: 1, 128>}, {pipeline_mode = #tpu.pipeline_mode<synchronous>, transform_indices = @transform_3, window_bounds = array<i64: 1, 128>}, {pipeline_mode = #tpu.pipeline_mode<synchronous>, transform_indices = @transform_4, window_bounds = array<i64: 1, 128>}, {pipeline_mode = #tpu.pipeline_mode<synchronous>, transform_indices = @transform_5, window_bounds = array<i64: 128, 128>}, {pipeline_mode = #tpu.pipeline_mode<synchronous>, transform_indices = @transform_6, window_bounds = array<i64: 1, 128>}, {pipeline_mode = #tpu.pipeline_mode<synchronous>, transform_indices = @transform_7, window_bounds = array<i64: 1, 128>}, {pipeline_mode = #tpu.pipeline_mode<synchronous>, transform_indices = @transform_8, window_bounds = array<i64: 1, 128>}, {transform_indices = @transform_9, window_bounds = array<i64: 2, 1000, 128>}]} {
    %get3A = arith.constant 0 : index
    %get3A_0 = arith.constant 0 : index
    %get3A_1 = vector.load %arg1[%get3A, %get3A_0] : memref<1000x256xf32, #tpu.memory_space<vmem>>, vector<1000x128xf32>
    %get3A_2 = arith.constant 0 : index
    %get3A_3 = arith.constant 128 : index
    %get3A_4 = vector.load %arg1[%get3A_2, %get3A_3] : memref<1000x256xf32, #tpu.memory_space<vmem>>, vector<1000x128xf32>
    %get3A_5 = arith.constant 0 : index
    %get3A_6 = arith.constant 0 : index
    %get3A_7 = vector.load %arg2[%get3A_5, %get3A_6] : memref<128x128xf32, #tpu.memory_space<vmem>>, vector<128x128xf32>
    %dot_general3A = arith.constant dense<0.000000e+00> : vector<1000x128xf32>
    %dot_general3A_8 = tpu.matmul %get3A_1, %get3A_7, %dot_general3A {dimension_numbers = #tpu.dot_dimension_numbers<[1], [0], [0], [1], [0, 0, 1, 1], [], []>, transpose_lhs_hint = false} : vector<1000x128xf32>, vector<128x128xf32>, vector<1000x128xf32> -> vector<1000x128xf32>
    %get3A_9 = arith.constant 0 : index
    %get3A_10 = arith.constant 0 : index
    %get3A_11 = vector.load %arg3[%get3A_9, %get3A_10] : memref<1x128xf32, #tpu.memory_space<vmem>>, vector<1x128xf32>
    %add3A = vector.broadcast %get3A_11 : vector<1x128xf32> to vector<1000x128xf32>
    %add3A_12 = arith.addf %dot_general3A_8, %add3A : vector<1000x128xf32>
    %get3A_13 = arith.constant 0 : index
    %get3A_14 = arith.constant 0 : index
    %get3A_15 = vector.load %arg4[%get3A_13, %get3A_14] : memref<1x128xf32, #tpu.memory_space<vmem>>, vector<1x128xf32>
    %get3A_16 = arith.constant 0 : index
    %get3A_17 = arith.constant 0 : index
    %get3A_18 = vector.load %arg5[%get3A_16, %get3A_17] : memref<1x128xf32, #tpu.memory_space<vmem>>, vector<1x128xf32>
    %reduce_sum3A = arith.constant dense<0.000000e+00> : vector<1000xf32>
    %reduce_sum3A_19 = vector.multi_reduction <add>, %add3A_12, %reduce_sum3A [1] : vector<1000x128xf32> to vector<1000xf32>
    %broadcast_in_dim3A = vector.shape_cast %reduce_sum3A_19 : vector<1000xf32> to vector<1000x1xf32>
    %div3A = arith.constant 1.280000e+02 : f32
    %div3A_20 = vector.broadcast %div3A : f32 to vector<1000x1xf32>
    %div3A_21 = arith.divf %broadcast_in_dim3A, %div3A_20 : vector<1000x1xf32>
    %sub3A = vector.broadcast %div3A_21 : vector<1000x1xf32> to vector<1000x128xf32>
    %sub3A_22 = arith.subf %add3A_12, %sub3A : vector<1000x128xf32>
    %mul3A = arith.mulf %sub3A_22, %sub3A_22 : vector<1000x128xf32>
    %reduce_sum3A_23 = arith.constant dense<0.000000e+00> : vector<1000xf32>
    %reduce_sum3A_24 = vector.multi_reduction <add>, %mul3A, %reduce_sum3A_23 [1] : vector<1000x128xf32> to vector<1000xf32>
    %broadcast_in_dim3A_25 = vector.shape_cast %reduce_sum3A_24 : vector<1000xf32> to vector<1000x1xf32>
    %div3A_26 = arith.constant 1.280000e+02 : f32
    %div3A_27 = vector.broadcast %div3A_26 : f32 to vector<1000x1xf32>
    %div3A_28 = arith.divf %broadcast_in_dim3A_25, %div3A_27 : vector<1000x1xf32>
    %add3A_29 = arith.constant 9.99999974E-6 : f32
    %add3A_30 = vector.broadcast %add3A_29 : f32 to vector<1000x1xf32>
    %add3A_31 = arith.addf %div3A_28, %add3A_30 : vector<1000x1xf32>
    %rsqrt3A = math.rsqrt %add3A_31 : vector<1000x1xf32>
    %mul3A_32 = vector.broadcast %rsqrt3A : vector<1000x1xf32> to vector<1000x128xf32>
    %mul3A_33 = arith.mulf %sub3A_22, %mul3A_32 : vector<1000x128xf32>
    %mul3A_34 = vector.broadcast %get3A_15 : vector<1x128xf32> to vector<1000x128xf32>
    %mul3A_35 = arith.mulf %mul3A_33, %mul3A_34 : vector<1000x128xf32>
    %add3A_36 = vector.broadcast %get3A_18 : vector<1x128xf32> to vector<1000x128xf32>
    %add3A_37 = arith.addf %mul3A_35, %add3A_36 : vector<1000x128xf32>
    %max3A = arith.constant 0.000000e+00 : f32
    %max3A_38 = vector.broadcast %max3A : f32 to vector<1000x128xf32>
    %max3A_39 = arith.maximumf %add3A_37, %max3A_38 : vector<1000x128xf32>
    %get3A_40 = arith.constant 0 : index
    %get3A_41 = arith.constant 0 : index
    %get3A_42 = vector.load %arg6[%get3A_40, %get3A_41] : memref<128x128xf32, #tpu.memory_space<vmem>>, vector<128x128xf32>
    %dot_general3A_43 = arith.constant dense<0.000000e+00> : vector<1000x128xf32>
    %dot_general3A_44 = tpu.matmul %get3A_4, %get3A_42, %dot_general3A_43 {dimension_numbers = #tpu.dot_dimension_numbers<[1], [0], [0], [1], [0, 0, 1, 1], [], []>, transpose_lhs_hint = false} : vector<1000x128xf32>, vector<128x128xf32>, vector<1000x128xf32> -> vector<1000x128xf32>
    %get3A_45 = arith.constant 0 : index
    %get3A_46 = arith.constant 0 : index
    %get3A_47 = vector.load %arg7[%get3A_45, %get3A_46] : memref<1x128xf32, #tpu.memory_space<vmem>>, vector<1x128xf32>
    %add3A_48 = vector.broadcast %get3A_47 : vector<1x128xf32> to vector<1000x128xf32>
    %add3A_49 = arith.addf %dot_general3A_44, %add3A_48 : vector<1000x128xf32>
    %get3A_50 = arith.constant 0 : index
    %get3A_51 = arith.constant 0 : index
    %get3A_52 = vector.load %arg8[%get3A_50, %get3A_51] : memref<1x128xf32, #tpu.memory_space<vmem>>, vector<1x128xf32>
    %get3A_53 = arith.constant 0 : index
    %get3A_54 = arith.constant 0 : index
    %get3A_55 = vector.load %arg9[%get3A_53, %get3A_54] : memref<1x128xf32, #tpu.memory_space<vmem>>, vector<1x128xf32>
    %reduce_sum3A_56 = arith.constant dense<0.000000e+00> : vector<1000xf32>
    %reduce_sum3A_57 = vector.multi_reduction <add>, %add3A_49, %reduce_sum3A_56 [1] : vector<1000x128xf32> to vector<1000xf32>
    %broadcast_in_dim3A_58 = vector.shape_cast %reduce_sum3A_57 : vector<1000xf32> to vector<1000x1xf32>
    %div3A_59 = arith.constant 1.280000e+02 : f32
    %div3A_60 = vector.broadcast %div3A_59 : f32 to vector<1000x1xf32>
    %div3A_61 = arith.divf %broadcast_in_dim3A_58, %div3A_60 : vector<1000x1xf32>
    %sub3A_62 = vector.broadcast %div3A_61 : vector<1000x1xf32> to vector<1000x128xf32>
    %sub3A_63 = arith.subf %add3A_49, %sub3A_62 : vector<1000x128xf32>
    %mul3A_64 = arith.mulf %sub3A_63, %sub3A_63 : vector<1000x128xf32>
    %reduce_sum3A_65 = arith.constant dense<0.000000e+00> : vector<1000xf32>
    %reduce_sum3A_66 = vector.multi_reduction <add>, %mul3A_64, %reduce_sum3A_65 [1] : vector<1000x128xf32> to vector<1000xf32>
    %broadcast_in_dim3A_67 = vector.shape_cast %reduce_sum3A_66 : vector<1000xf32> to vector<1000x1xf32>
    %div3A_68 = arith.constant 1.280000e+02 : f32
    %div3A_69 = vector.broadcast %div3A_68 : f32 to vector<1000x1xf32>
    %div3A_70 = arith.divf %broadcast_in_dim3A_67, %div3A_69 : vector<1000x1xf32>
    %add3A_71 = arith.constant 9.99999974E-6 : f32
    %add3A_72 = vector.broadcast %add3A_71 : f32 to vector<1000x1xf32>
    %add3A_73 = arith.addf %div3A_70, %add3A_72 : vector<1000x1xf32>
    %rsqrt3A_74 = math.rsqrt %add3A_73 : vector<1000x1xf32>
    %mul3A_75 = vector.broadcast %rsqrt3A_74 : vector<1000x1xf32> to vector<1000x128xf32>
    %mul3A_76 = arith.mulf %sub3A_63, %mul3A_75 : vector<1000x128xf32>
    %mul3A_77 = vector.broadcast %get3A_52 : vector<1x128xf32> to vector<1000x128xf32>
    %mul3A_78 = arith.mulf %mul3A_76, %mul3A_77 : vector<1000x128xf32>
    %add3A_79 = vector.broadcast %get3A_55 : vector<1x128xf32> to vector<1000x128xf32>
    %add3A_80 = arith.addf %mul3A_78, %add3A_79 : vector<1000x128xf32>
    %max3A_81 = arith.constant 0.000000e+00 : f32
    %max3A_82 = vector.broadcast %max3A_81 : f32 to vector<1000x128xf32>
    %max3A_83 = arith.maximumf %add3A_80, %max3A_82 : vector<1000x128xf32>
    %swap3A = arith.constant 0 : index
    %swap3A_84 = arith.constant 0 : index
    %swap3A_85 = arith.constant 0 : index
    %swap3A_86 = vector.load %arg10[%swap3A, %swap3A_84, %swap3A_85] : memref<2x1000x128xf32, #tpu.memory_space<vmem>>, vector<1x1000x128xf32>
    %swap3A_87 = vector.shape_cast %swap3A_86 : vector<1x1000x128xf32> to vector<1000x128xf32>
    %swap3A_88 = vector.shape_cast %max3A_39 : vector<1000x128xf32> to vector<1x1000x128xf32>
    tpu.vector_store %arg10[%swap3A, %swap3A_84, %swap3A_85], %swap3A_88 {strides = array<i32>} : memref<2x1000x128xf32, #tpu.memory_space<vmem>>, vector<1x1000x128xf32>,
    %swap3A_89 = arith.constant 1 : index
    %swap3A_90 = arith.constant 0 : index
    %swap3A_91 = arith.constant 0 : index
    %swap3A_92 = vector.load %arg10[%swap3A_89, %swap3A_90, %swap3A_91] : memref<2x1000x128xf32, #tpu.memory_space<vmem>>, vector<1x1000x128xf32>
    %swap3A_93 = vector.shape_cast %swap3A_92 : vector<1x1000x128xf32> to vector<1000x128xf32>
    %swap3A_94 = vector.shape_cast %max3A_83 : vector<1000x128xf32> to vector<1x1000x128xf32>
    tpu.vector_store %arg10[%swap3A_89, %swap3A_90, %swap3A_91], %swap3A_94 {strides = array<i32>} : memref<2x1000x128xf32, #tpu.memory_space<vmem>>, vector<1x1000x128xf32>,
    return
  }
  func.func @transform_0(%arg0: i32) -> (i32, i32) {
    %c0_i32 = arith.constant 0 : i32
    %c0_i32_0 = arith.constant 0 : i32
    return %arg0, %c0_i32 : i32, i32
  }
  func.func @transform_1(%arg0: i32) -> (i32, i32) {
    %c0_i32 = arith.constant 0 : i32
    %c0_i32_0 = arith.constant 0 : i32
    %c0_i32_1 = arith.constant 0 : i32
    return %c0_i32, %c0_i32_0 : i32, i32
  }
  func.func @transform_2(%arg0: i32) -> (i32, i32) {
    %c0_i32 = arith.constant 0 : i32
    %c0_i32_0 = arith.constant 0 : i32
    %c0_i32_1 = arith.constant 0 : i32
    return %c0_i32, %c0_i32_0 : i32, i32
  }
  func.func @transform_3(%arg0: i32) -> (i32, i32) {
    %c0_i32 = arith.constant 0 : i32
    %c0_i32_0 = arith.constant 0 : i32
    %c0_i32_1 = arith.constant 0 : i32
    return %c0_i32, %c0_i32_0 : i32, i32
  }
  func.func @transform_4(%arg0: i32) -> (i32, i32) {
    %c0_i32 = arith.constant 0 : i32
    %c0_i32_0 = arith.constant 0 : i32
    %c0_i32_1 = arith.constant 0 : i32
    return %c0_i32, %c0_i32_0 : i32, i32
  }
  func.func @transform_5(%arg0: i32) -> (i32, i32) {
    %c0_i32 = arith.constant 0 : i32
    %c0_i32_0 = arith.constant 0 : i32
    %c0_i32_1 = arith.constant 0 : i32
    return %c0_i32, %c0_i32_0 : i32, i32
  }
  func.func @transform_6(%arg0: i32) -> (i32, i32) {
    %c0_i32 = arith.constant 0 : i32
    %c0_i32_0 = arith.constant 0 : i32
    %c0_i32_1 = arith.constant 0 : i32
    return %c0_i32, %c0_i32_0 : i32, i32
  }
  func.func @transform_7(%arg0: i32) -> (i32, i32) {
    %c0_i32 = arith.constant 0 : i32
    %c0_i32_0 = arith.constant 0 : i32
    %c0_i32_1 = arith.constant 0 : i32
    return %c0_i32, %c0_i32_0 : i32, i32
  }
  func.func @transform_8(%arg0: i32) -> (i32, i32) {
    %c0_i32 = arith.constant 0 : i32
    %c0_i32_0 = arith.constant 0 : i32
    %c0_i32_1 = arith.constant 0 : i32
    return %c0_i32, %c0_i32_0 : i32, i32
  }
  func.func @transform_9(%arg0: i32) -> (i32, i32, i32) {
    %c0_i32 = arith.constant 0 : i32
    %c0_i32_0 = arith.constant 0 : i32
    %c0_i32_1 = arith.constant 0 : i32
    return %c0_i32, %arg0, %c0_i32_0 : i32, i32, i32
  }
}

module attributes {stable_mosaic.version = 14 : i64} {
  func.func @_layer_body(%arg0: i32, %arg1: memref<1x1000x128xf32, #tpu.memory_space<vmem>>, %arg2: memref<1x1000x128xf32, #tpu.memory_space<vmem>>, %arg3: memref<1x1000x128xf32, #tpu.memory_space<vmem>>, %arg4: memref<1x1000x128xf32, #tpu.memory_space<vmem>>, %arg5: memref<1x1000x128xf32, #tpu.memory_space<vmem>>, %arg6: memref<1x1000x128xf32, #tpu.memory_space<vmem>>, %arg7: memref<256x256xf32, #tpu.memory_space<vmem>>, %arg8: memref<1x256xf32, #tpu.memory_space<vmem>>, %arg9: memref<256x256xf32, #tpu.memory_space<vmem>>, %arg10: memref<1x256xf32, #tpu.memory_space<vmem>>, %arg11: memref<1x256xf32, #tpu.memory_space<vmem>>, %arg12: memref<2x1000x128xf32, #tpu.memory_space<vmem>>) attributes {dimension_semantics = [#tpu.dimension_semantics<arbitrary>], iteration_bounds = array<i64: 10>, scalar_prefetch = 0 : i64, scratch_operands = 0 : i64, tpu.core_type = #tpu.core_type<tc>, window_params = [{transform_indices = @transform_0, window_bounds = array<i64: 1, 1000, 128>}, {transform_indices = @transform_1, window_bounds = array<i64: 1, 1000, 128>}, {transform_indices = @transform_2, window_bounds = array<i64: 1, 1000, 128>}, {transform_indices = @transform_3, window_bounds = array<i64: 1, 1000, 128>}, {transform_indices = @transform_4, window_bounds = array<i64: 1, 1000, 128>}, {transform_indices = @transform_5, window_bounds = array<i64: 1, 1000, 128>}, {pipeline_mode = #tpu.pipeline_mode<synchronous>, transform_indices = @transform_6, window_bounds = array<i64: 256, 256>}, {pipeline_mode = #tpu.pipeline_mode<synchronous>, transform_indices = @transform_7, window_bounds = array<i64: 1, 256>}, {pipeline_mode = #tpu.pipeline_mode<synchronous>, transform_indices = @transform_8, window_bounds = array<i64: 256, 256>}, {pipeline_mode = #tpu.pipeline_mode<synchronous>, transform_indices = @transform_9, window_bounds = array<i64: 1, 256>}, {pipeline_mode = #tpu.pipeline_mode<synchronous>, transform_indices = @transform_10, window_bounds = array<i64: 1, 256>}, {transform_indices = @transform_11, window_bounds = array<i64: 2, 1000, 128>}]} {
    %get3A = arith.constant 0 : index
    %get3A_0 = arith.constant 0 : index
    %get3A_1 = arith.constant 0 : index
    %get3A_2 = vector.load %arg1[%get3A, %get3A_0, %get3A_1] : memref<1x1000x128xf32, #tpu.memory_space<vmem>>, vector<1x1000x128xf32>
    %get3A_3 = vector.shape_cast %get3A_2 : vector<1x1000x128xf32> to vector<1000x128xf32>
    %get3A_4 = arith.constant 0 : index
    %get3A_5 = arith.constant 0 : index
    %get3A_6 = arith.constant 0 : index
    %get3A_7 = vector.load %arg2[%get3A_4, %get3A_5, %get3A_6] : memref<1x1000x128xf32, #tpu.memory_space<vmem>>, vector<1x1000x128xf32>
    %get3A_8 = vector.shape_cast %get3A_7 : vector<1x1000x128xf32> to vector<1000x128xf32>
    %concatenate3A = tpu.concatenate %get3A_3, %get3A_8 in 1 : vector<1000x128xf32>, vector<1000x128xf32> -> vector<1000x256xf32>
    %get3A_9 = arith.constant 0 : index
    %get3A_10 = arith.constant 0 : index
    %get3A_11 = arith.constant 0 : index
    %get3A_12 = vector.load %arg5[%get3A_9, %get3A_10, %get3A_11] : memref<1x1000x128xf32, #tpu.memory_space<vmem>>, vector<1x1000x128xf32>
    %get3A_13 = vector.shape_cast %get3A_12 : vector<1x1000x128xf32> to vector<1000x128xf32>
    %slice3A = vector.extract_strided_slice %get3A_13 {offsets = [0, 0], sizes = [1000, 1], strides = [1, 1]} : vector<1000x128xf32> to vector<1000x1xf32>
    %get3A_14 = arith.constant 0 : index
    %get3A_15 = arith.constant 0 : index
    %get3A_16 = arith.constant 0 : index
    %get3A_17 = vector.load %arg6[%get3A_14, %get3A_15, %get3A_16] : memref<1x1000x128xf32, #tpu.memory_space<vmem>>, vector<1x1000x128xf32>
    %get3A_18 = vector.shape_cast %get3A_17 : vector<1x1000x128xf32> to vector<1000x128xf32>
    %slice3A_19 = vector.extract_strided_slice %get3A_18 {offsets = [0, 0], sizes = [1000, 1], strides = [1, 1]} : vector<1000x128xf32> to vector<1000x1xf32>
    %add3A = arith.addf %slice3A, %slice3A_19 : vector<1000x1xf32>
    %max3A = arith.constant 1.000000e+00 : f32
    %max3A_20 = vector.broadcast %max3A : f32 to vector<1000x1xf32>
    %max3A_21 = arith.maximumf %add3A, %max3A_20 : vector<1000x1xf32>
    %div3A = arith.constant 1.000000e+00 : f32
    %div3A_22 = vector.broadcast %div3A : f32 to vector<1000x1xf32>
    %div3A_23 = arith.divf %div3A_22, %max3A_21 : vector<1000x1xf32>
    %get3A_24 = arith.constant 0 : index
    %get3A_25 = arith.constant 0 : index
    %get3A_26 = arith.constant 0 : index
    %get3A_27 = vector.load %arg3[%get3A_24, %get3A_25, %get3A_26] : memref<1x1000x128xf32, #tpu.memory_space<vmem>>, vector<1x1000x128xf32>
    %get3A_28 = vector.shape_cast %get3A_27 : vector<1x1000x128xf32> to vector<1000x128xf32>
    %get3A_29 = arith.constant 0 : index
    %get3A_30 = arith.constant 0 : index
    %get3A_31 = arith.constant 0 : index
    %get3A_32 = vector.load %arg4[%get3A_29, %get3A_30, %get3A_31] : memref<1x1000x128xf32, #tpu.memory_space<vmem>>, vector<1x1000x128xf32>
    %get3A_33 = vector.shape_cast %get3A_32 : vector<1x1000x128xf32> to vector<1000x128xf32>
    %concatenate3A_34 = tpu.concatenate %get3A_28, %get3A_33 in 1 : vector<1000x128xf32>, vector<1000x128xf32> -> vector<1000x256xf32>
    %mul3A = vector.broadcast %div3A_23 : vector<1000x1xf32> to vector<1000x256xf32>
    %mul3A_35 = arith.mulf %concatenate3A_34, %mul3A : vector<1000x256xf32>
    %get3A_36 = arith.constant 0 : index
    %get3A_37 = arith.constant 0 : index
    %get3A_38 = vector.load %arg7[%get3A_36, %get3A_37] : memref<256x256xf32, #tpu.memory_space<vmem>>, vector<256x256xf32>
    %dot_general3A = arith.constant dense<0.000000e+00> : vector<1000x256xf32>
    %dot_general3A_39 = tpu.matmul %concatenate3A, %get3A_38, %dot_general3A {dimension_numbers = #tpu.dot_dimension_numbers<[1], [0], [0], [1], [0, 0, 1, 1], [], []>, transpose_lhs_hint = false} : vector<1000x256xf32>, vector<256x256xf32>, vector<1000x256xf32> -> vector<1000x256xf32>
    %get3A_40 = arith.constant 0 : index
    %get3A_41 = arith.constant 0 : index
    %get3A_42 = vector.load %arg8[%get3A_40, %get3A_41] : memref<1x256xf32, #tpu.memory_space<vmem>>, vector<1x256xf32>
    %add3A_43 = vector.broadcast %get3A_42 : vector<1x256xf32> to vector<1000x256xf32>
    %add3A_44 = arith.addf %dot_general3A_39, %add3A_43 : vector<1000x256xf32>
    %get3A_45 = arith.constant 0 : index
    %get3A_46 = arith.constant 0 : index
    %get3A_47 = vector.load %arg9[%get3A_45, %get3A_46] : memref<256x256xf32, #tpu.memory_space<vmem>>, vector<256x256xf32>
    %dot_general3A_48 = arith.constant dense<0.000000e+00> : vector<1000x256xf32>
    %dot_general3A_49 = tpu.matmul %mul3A_35, %get3A_47, %dot_general3A_48 {dimension_numbers = #tpu.dot_dimension_numbers<[1], [0], [0], [1], [0, 0, 1, 1], [], []>, transpose_lhs_hint = false} : vector<1000x256xf32>, vector<256x256xf32>, vector<1000x256xf32> -> vector<1000x256xf32>
    %add3A_50 = arith.addf %add3A_44, %dot_general3A_49 : vector<1000x256xf32>
    %max3A_51 = arith.constant 0.000000e+00 : f32
    %max3A_52 = vector.broadcast %max3A_51 : f32 to vector<1000x256xf32>
    %max3A_53 = arith.maximumf %add3A_50, %max3A_52 : vector<1000x256xf32>
    %get3A_54 = arith.constant 0 : index
    %get3A_55 = arith.constant 0 : index
    %get3A_56 = vector.load %arg10[%get3A_54, %get3A_55] : memref<1x256xf32, #tpu.memory_space<vmem>>, vector<1x256xf32>
    %get3A_57 = arith.constant 0 : index
    %get3A_58 = arith.constant 0 : index
    %get3A_59 = vector.load %arg11[%get3A_57, %get3A_58] : memref<1x256xf32, #tpu.memory_space<vmem>>, vector<1x256xf32>
    %reduce_sum3A = arith.constant dense<0.000000e+00> : vector<1000xf32>
    %reduce_sum3A_60 = vector.multi_reduction <add>, %max3A_53, %reduce_sum3A [1] : vector<1000x256xf32> to vector<1000xf32>
    %broadcast_in_dim3A = vector.shape_cast %reduce_sum3A_60 : vector<1000xf32> to vector<1000x1xf32>
    %div3A_61 = arith.constant 2.560000e+02 : f32
    %div3A_62 = vector.broadcast %div3A_61 : f32 to vector<1000x1xf32>
    %div3A_63 = arith.divf %broadcast_in_dim3A, %div3A_62 : vector<1000x1xf32>
    %sub3A = vector.broadcast %div3A_63 : vector<1000x1xf32> to vector<1000x256xf32>
    %sub3A_64 = arith.subf %max3A_53, %sub3A : vector<1000x256xf32>
    %mul3A_65 = arith.mulf %sub3A_64, %sub3A_64 : vector<1000x256xf32>
    %reduce_sum3A_66 = arith.constant dense<0.000000e+00> : vector<1000xf32>
    %reduce_sum3A_67 = vector.multi_reduction <add>, %mul3A_65, %reduce_sum3A_66 [1] : vector<1000x256xf32> to vector<1000xf32>
    %broadcast_in_dim3A_68 = vector.shape_cast %reduce_sum3A_67 : vector<1000xf32> to vector<1000x1xf32>
    %div3A_69 = arith.constant 2.560000e+02 : f32
    %div3A_70 = vector.broadcast %div3A_69 : f32 to vector<1000x1xf32>
    %div3A_71 = arith.divf %broadcast_in_dim3A_68, %div3A_70 : vector<1000x1xf32>
    %add3A_72 = arith.constant 9.99999974E-6 : f32
    %add3A_73 = vector.broadcast %add3A_72 : f32 to vector<1000x1xf32>
    %add3A_74 = arith.addf %div3A_71, %add3A_73 : vector<1000x1xf32>
    %rsqrt3A = math.rsqrt %add3A_74 : vector<1000x1xf32>
    %mul3A_75 = vector.broadcast %rsqrt3A : vector<1000x1xf32> to vector<1000x256xf32>
    %mul3A_76 = arith.mulf %sub3A_64, %mul3A_75 : vector<1000x256xf32>
    %mul3A_77 = vector.broadcast %get3A_56 : vector<1x256xf32> to vector<1000x256xf32>
    %mul3A_78 = arith.mulf %mul3A_76, %mul3A_77 : vector<1000x256xf32>
    %add3A_79 = vector.broadcast %get3A_59 : vector<1x256xf32> to vector<1000x256xf32>
    %add3A_80 = arith.addf %mul3A_78, %add3A_79 : vector<1000x256xf32>
    %slice3A_81 = vector.extract_strided_slice %add3A_80 {offsets = [0, 0], sizes = [1000, 128], strides = [1, 1]} : vector<1000x256xf32> to vector<1000x128xf32>
    %swap3A = arith.constant 0 : index
    %swap3A_82 = arith.constant 0 : index
    %swap3A_83 = arith.constant 0 : index
    %swap3A_84 = vector.load %arg12[%swap3A, %swap3A_82, %swap3A_83] : memref<2x1000x128xf32, #tpu.memory_space<vmem>>, vector<1x1000x128xf32>
    %swap3A_85 = vector.shape_cast %swap3A_84 : vector<1x1000x128xf32> to vector<1000x128xf32>
    %swap3A_86 = vector.shape_cast %slice3A_81 : vector<1000x128xf32> to vector<1x1000x128xf32>
    tpu.vector_store %arg12[%swap3A, %swap3A_82, %swap3A_83], %swap3A_86 {strides = array<i32>} : memref<2x1000x128xf32, #tpu.memory_space<vmem>>, vector<1x1000x128xf32>,
    %slice3A_87 = vector.extract_strided_slice %add3A_80 {offsets = [0, 128], sizes = [1000, 128], strides = [1, 1]} : vector<1000x256xf32> to vector<1000x128xf32>
    %swap3A_88 = arith.constant 1 : index
    %swap3A_89 = arith.constant 0 : index
    %swap3A_90 = arith.constant 0 : index
    %swap3A_91 = vector.load %arg12[%swap3A_88, %swap3A_89, %swap3A_90] : memref<2x1000x128xf32, #tpu.memory_space<vmem>>, vector<1x1000x128xf32>
    %swap3A_92 = vector.shape_cast %swap3A_91 : vector<1x1000x128xf32> to vector<1000x128xf32>
    %swap3A_93 = vector.shape_cast %slice3A_87 : vector<1000x128xf32> to vector<1x1000x128xf32>
    tpu.vector_store %arg12[%swap3A_88, %swap3A_89, %swap3A_90], %swap3A_93 {strides = array<i32>} : memref<2x1000x128xf32, #tpu.memory_space<vmem>>, vector<1x1000x128xf32>,
    return
  }
  func.func @transform_0(%arg0: i32) -> (i32, i32, i32) {
    %c0_i32 = arith.constant 0 : i32
    %c0_i32_0 = arith.constant 0 : i32
    %c0_i32_1 = arith.constant 0 : i32
    return %c0_i32, %arg0, %c0_i32_0 : i32, i32, i32
  }
  func.func @transform_1(%arg0: i32) -> (i32, i32, i32) {
    %c1_i32 = arith.constant 1 : i32
    %c0_i32 = arith.constant 0 : i32
    %c0_i32_0 = arith.constant 0 : i32
    return %c1_i32, %arg0, %c0_i32 : i32, i32, i32
  }
  func.func @transform_2(%arg0: i32) -> (i32, i32, i32) {
    %c0_i32 = arith.constant 0 : i32
    %c0_i32_0 = arith.constant 0 : i32
    %c0_i32_1 = arith.constant 0 : i32
    return %c0_i32, %arg0, %c0_i32_0 : i32, i32, i32
  }
  func.func @transform_3(%arg0: i32) -> (i32, i32, i32) {
    %c1_i32 = arith.constant 1 : i32
    %c0_i32 = arith.constant 0 : i32
    %c0_i32_0 = arith.constant 0 : i32
    return %c1_i32, %arg0, %c0_i32 : i32, i32, i32
  }
  func.func @transform_4(%arg0: i32) -> (i32, i32, i32) {
    %c0_i32 = arith.constant 0 : i32
    %c0_i32_0 = arith.constant 0 : i32
    %c0_i32_1 = arith.constant 0 : i32
    return %c0_i32, %arg0, %c0_i32_0 : i32, i32, i32
  }
  func.func @transform_5(%arg0: i32) -> (i32, i32, i32) {
    %c1_i32 = arith.constant 1 : i32
    %c0_i32 = arith.constant 0 : i32
    %c0_i32_0 = arith.constant 0 : i32
    return %c1_i32, %arg0, %c0_i32 : i32, i32, i32
  }
  func.func @transform_6(%arg0: i32) -> (i32, i32) {
    %c0_i32 = arith.constant 0 : i32
    %c0_i32_0 = arith.constant 0 : i32
    %c0_i32_1 = arith.constant 0 : i32
    return %c0_i32, %c0_i32_0 : i32, i32
  }
  func.func @transform_7(%arg0: i32) -> (i32, i32) {
    %c0_i32 = arith.constant 0 : i32
    %c0_i32_0 = arith.constant 0 : i32
    %c0_i32_1 = arith.constant 0 : i32
    return %c0_i32, %c0_i32_0 : i32, i32
  }
  func.func @transform_8(%arg0: i32) -> (i32, i32) {
    %c0_i32 = arith.constant 0 : i32
    %c0_i32_0 = arith.constant 0 : i32
    %c0_i32_1 = arith.constant 0 : i32
    return %c0_i32, %c0_i32_0 : i32, i32
  }
  func.func @transform_9(%arg0: i32) -> (i32, i32) {
    %c0_i32 = arith.constant 0 : i32
    %c0_i32_0 = arith.constant 0 : i32
    %c0_i32_1 = arith.constant 0 : i32
    return %c0_i32, %c0_i32_0 : i32, i32
  }
  func.func @transform_10(%arg0: i32) -> (i32, i32) {
    %c0_i32 = arith.constant 0 : i32
    %c0_i32_0 = arith.constant 0 : i32
    %c0_i32_1 = arith.constant 0 : i32
    return %c0_i32, %c0_i32_0 : i32, i32
  }
  func.func @transform_11(%arg0: i32) -> (i32, i32, i32) {
    %c0_i32 = arith.constant 0 : i32
    %c0_i32_0 = arith.constant 0 : i32
    %c0_i32_1 = arith.constant 0 : i32
    return %c0_i32, %arg0, %c0_i32_0 : i32, i32, i32
  }
}

module attributes {stable_mosaic.version = 14 : i64} {
  func.func @_ab_body(%arg0: i32, %arg1: memref<1x1000x128xf32, #tpu.memory_space<vmem>>, %arg2: memref<1x1000x128xf32, #tpu.memory_space<vmem>>, %arg3: memref<256x256xf32, #tpu.memory_space<vmem>>, %arg4: memref<256x256xf32, #tpu.memory_space<vmem>>, %arg5: memref<2x1000x128xf32, #tpu.memory_space<vmem>>, %arg6: memref<2x1000x128xf32, #tpu.memory_space<vmem>>) attributes {dimension_semantics = [#tpu.dimension_semantics<arbitrary>], iteration_bounds = array<i64: 10>, scalar_prefetch = 0 : i64, scratch_operands = 0 : i64, tpu.core_type = #tpu.core_type<tc>, window_params = [{transform_indices = @transform_0, window_bounds = array<i64: 1, 1000, 128>}, {transform_indices = @transform_1, window_bounds = array<i64: 1, 1000, 128>}, {pipeline_mode = #tpu.pipeline_mode<synchronous>, transform_indices = @transform_2, window_bounds = array<i64: 256, 256>}, {pipeline_mode = #tpu.pipeline_mode<synchronous>, transform_indices = @transform_3, window_bounds = array<i64: 256, 256>}, {transform_indices = @transform_4, window_bounds = array<i64: 2, 1000, 128>}, {transform_indices = @transform_5, window_bounds = array<i64: 2, 1000, 128>}]} {
    %get3A = arith.constant 0 : index
    %get3A_0 = arith.constant 0 : index
    %get3A_1 = arith.constant 0 : index
    %get3A_2 = vector.load %arg1[%get3A, %get3A_0, %get3A_1] : memref<1x1000x128xf32, #tpu.memory_space<vmem>>, vector<1x1000x128xf32>
    %get3A_3 = vector.shape_cast %get3A_2 : vector<1x1000x128xf32> to vector<1000x128xf32>
    %get3A_4 = arith.constant 0 : index
    %get3A_5 = arith.constant 0 : index
    %get3A_6 = arith.constant 0 : index
    %get3A_7 = vector.load %arg2[%get3A_4, %get3A_5, %get3A_6] : memref<1x1000x128xf32, #tpu.memory_space<vmem>>, vector<1x1000x128xf32>
    %get3A_8 = vector.shape_cast %get3A_7 : vector<1x1000x128xf32> to vector<1000x128xf32>
    %concatenate3A = tpu.concatenate %get3A_3, %get3A_8 in 1 : vector<1000x128xf32>, vector<1000x128xf32> -> vector<1000x256xf32>
    %get3A_9 = arith.constant 0 : index
    %get3A_10 = arith.constant 0 : index
    %get3A_11 = vector.load %arg3[%get3A_9, %get3A_10] : memref<256x256xf32, #tpu.memory_space<vmem>>, vector<256x256xf32>
    %dot_general3A = arith.constant dense<0.000000e+00> : vector<1000x256xf32>
    %dot_general3A_12 = tpu.matmul %concatenate3A, %get3A_11, %dot_general3A {dimension_numbers = #tpu.dot_dimension_numbers<[1], [0], [0], [1], [0, 0, 1, 1], [], []>, transpose_lhs_hint = false} : vector<1000x256xf32>, vector<256x256xf32>, vector<1000x256xf32> -> vector<1000x256xf32>
    %get3A_13 = arith.constant 0 : index
    %get3A_14 = arith.constant 0 : index
    %get3A_15 = vector.load %arg4[%get3A_13, %get3A_14] : memref<256x256xf32, #tpu.memory_space<vmem>>, vector<256x256xf32>
    %dot_general3A_16 = arith.constant dense<0.000000e+00> : vector<1000x256xf32>
    %dot_general3A_17 = tpu.matmul %concatenate3A, %get3A_15, %dot_general3A_16 {dimension_numbers = #tpu.dot_dimension_numbers<[1], [0], [0], [1], [0, 0, 1, 1], [], []>, transpose_lhs_hint = false} : vector<1000x256xf32>, vector<256x256xf32>, vector<1000x256xf32> -> vector<1000x256xf32>
    %slice3A = vector.extract_strided_slice %dot_general3A_12 {offsets = [0, 0], sizes = [1000, 128], strides = [1, 1]} : vector<1000x256xf32> to vector<1000x128xf32>
    %swap3A = arith.constant 0 : index
    %swap3A_18 = arith.constant 0 : index
    %swap3A_19 = arith.constant 0 : index
    %swap3A_20 = vector.load %arg5[%swap3A, %swap3A_18, %swap3A_19] : memref<2x1000x128xf32, #tpu.memory_space<vmem>>, vector<1x1000x128xf32>
    %swap3A_21 = vector.shape_cast %swap3A_20 : vector<1x1000x128xf32> to vector<1000x128xf32>
    %swap3A_22 = vector.shape_cast %slice3A : vector<1000x128xf32> to vector<1x1000x128xf32>
    tpu.vector_store %arg5[%swap3A, %swap3A_18, %swap3A_19], %swap3A_22 {strides = array<i32>} : memref<2x1000x128xf32, #tpu.memory_space<vmem>>, vector<1x1000x128xf32>,
    %slice3A_23 = vector.extract_strided_slice %dot_general3A_12 {offsets = [0, 128], sizes = [1000, 128], strides = [1, 1]} : vector<1000x256xf32> to vector<1000x128xf32>
    %swap3A_24 = arith.constant 1 : index
    %swap3A_25 = arith.constant 0 : index
    %swap3A_26 = arith.constant 0 : index
    %swap3A_27 = vector.load %arg5[%swap3A_24, %swap3A_25, %swap3A_26] : memref<2x1000x128xf32, #tpu.memory_space<vmem>>, vector<1x1000x128xf32>
    %swap3A_28 = vector.shape_cast %swap3A_27 : vector<1x1000x128xf32> to vector<1000x128xf32>
    %swap3A_29 = vector.shape_cast %slice3A_23 : vector<1000x128xf32> to vector<1x1000x128xf32>
    tpu.vector_store %arg5[%swap3A_24, %swap3A_25, %swap3A_26], %swap3A_29 {strides = array<i32>} : memref<2x1000x128xf32, #tpu.memory_space<vmem>>, vector<1x1000x128xf32>,
    %slice3A_30 = vector.extract_strided_slice %dot_general3A_17 {offsets = [0, 0], sizes = [1000, 128], strides = [1, 1]} : vector<1000x256xf32> to vector<1000x128xf32>
    %swap3A_31 = arith.constant 0 : index
    %swap3A_32 = arith.constant 0 : index
    %swap3A_33 = arith.constant 0 : index
    %swap3A_34 = vector.load %arg6[%swap3A_31, %swap3A_32, %swap3A_33] : memref<2x1000x128xf32, #tpu.memory_space<vmem>>, vector<1x1000x128xf32>
    %swap3A_35 = vector.shape_cast %swap3A_34 : vector<1x1000x128xf32> to vector<1000x128xf32>
    %swap3A_36 = vector.shape_cast %slice3A_30 : vector<1000x128xf32> to vector<1x1000x128xf32>
    tpu.vector_store %arg6[%swap3A_31, %swap3A_32, %swap3A_33], %swap3A_36 {strides = array<i32>} : memref<2x1000x128xf32, #tpu.memory_space<vmem>>, vector<1x1000x128xf32>,
    %slice3A_37 = vector.extract_strided_slice %dot_general3A_17 {offsets = [0, 128], sizes = [1000, 128], strides = [1, 1]} : vector<1000x256xf32> to vector<1000x128xf32>
    %swap3A_38 = arith.constant 1 : index
    %swap3A_39 = arith.constant 0 : index
    %swap3A_40 = arith.constant 0 : index
    %swap3A_41 = vector.load %arg6[%swap3A_38, %swap3A_39, %swap3A_40] : memref<2x1000x128xf32, #tpu.memory_space<vmem>>, vector<1x1000x128xf32>
    %swap3A_42 = vector.shape_cast %swap3A_41 : vector<1x1000x128xf32> to vector<1000x128xf32>
    %swap3A_43 = vector.shape_cast %slice3A_37 : vector<1000x128xf32> to vector<1x1000x128xf32>
    tpu.vector_store %arg6[%swap3A_38, %swap3A_39, %swap3A_40], %swap3A_43 {strides = array<i32>} : memref<2x1000x128xf32, #tpu.memory_space<vmem>>, vector<1x1000x128xf32>,
    return
  }
  func.func @transform_0(%arg0: i32) -> (i32, i32, i32) {
    %c0_i32 = arith.constant 0 : i32
    %c0_i32_0 = arith.constant 0 : i32
    %c0_i32_1 = arith.constant 0 : i32
    return %c0_i32, %arg0, %c0_i32_0 : i32, i32, i32
  }
  func.func @transform_1(%arg0: i32) -> (i32, i32, i32) {
    %c1_i32 = arith.constant 1 : i32
    %c0_i32 = arith.constant 0 : i32
    %c0_i32_0 = arith.constant 0 : i32
    return %c1_i32, %arg0, %c0_i32 : i32, i32, i32
  }
  func.func @transform_2(%arg0: i32) -> (i32, i32) {
    %c0_i32 = arith.constant 0 : i32
    %c0_i32_0 = arith.constant 0 : i32
    %c0_i32_1 = arith.constant 0 : i32
    return %c0_i32, %c0_i32_0 : i32, i32
  }
  func.func @transform_3(%arg0: i32) -> (i32, i32) {
    %c0_i32 = arith.constant 0 : i32
    %c0_i32_0 = arith.constant 0 : i32
    %c0_i32_1 = arith.constant 0 : i32
    return %c0_i32, %c0_i32_0 : i32, i32
  }
  func.func @transform_4(%arg0: i32) -> (i32, i32, i32) {
    %c0_i32 = arith.constant 0 : i32
    %c0_i32_0 = arith.constant 0 : i32
    %c0_i32_1 = arith.constant 0 : i32
    return %c0_i32, %arg0, %c0_i32_0 : i32, i32, i32
  }
  func.func @transform_5(%arg0: i32) -> (i32, i32, i32) {
    %c0_i32 = arith.constant 0 : i32
    %c0_i32_0 = arith.constant 0 : i32
    %c0_i32_1 = arith.constant 0 : i32
    return %c0_i32, %arg0, %c0_i32_0 : i32, i32, i32
  }
}

module attributes {stable_mosaic.version = 14 : i64} {
  func.func @_edge_body(%arg0: i32, %arg1: memref<1x2000x128xf32, #tpu.memory_space<vmem>>, %arg2: memref<1x2000x128xf32, #tpu.memory_space<vmem>>, %arg3: memref<2000x2xf32, #tpu.memory_space<vmem>>, %arg4: memref<1x256xf32, #tpu.memory_space<vmem>>, %arg5: memref<1x256xf32, #tpu.memory_space<vmem>>, %arg6: memref<1x256xf32, #tpu.memory_space<vmem>>, %arg7: memref<256x5xf32, #tpu.memory_space<vmem>>, %arg8: memref<2x5xf32, #tpu.memory_space<vmem>>, %arg9: memref<1x5xf32, #tpu.memory_space<vmem>>, %arg10: memref<2000x5xf32, #tpu.memory_space<vmem>>) attributes {dimension_semantics = [#tpu.dimension_semantics<arbitrary>], iteration_bounds = array<i64: 80>, scalar_prefetch = 0 : i64, scratch_operands = 0 : i64, tpu.core_type = #tpu.core_type<tc>, window_params = [{transform_indices = @transform_0, window_bounds = array<i64: 1, 2000, 128>}, {transform_indices = @transform_1, window_bounds = array<i64: 1, 2000, 128>}, {transform_indices = @transform_2, window_bounds = array<i64: 2000, 2>}, {pipeline_mode = #tpu.pipeline_mode<synchronous>, transform_indices = @transform_3, window_bounds = array<i64: 1, 256>}, {pipeline_mode = #tpu.pipeline_mode<synchronous>, transform_indices = @transform_4, window_bounds = array<i64: 1, 256>}, {pipeline_mode = #tpu.pipeline_mode<synchronous>, transform_indices = @transform_5, window_bounds = array<i64: 1, 256>}, {pipeline_mode = #tpu.pipeline_mode<synchronous>, transform_indices = @transform_6, window_bounds = array<i64: 256, 5>}, {pipeline_mode = #tpu.pipeline_mode<synchronous>, transform_indices = @transform_7, window_bounds = array<i64: 2, 5>}, {pipeline_mode = #tpu.pipeline_mode<synchronous>, transform_indices = @transform_8, window_bounds = array<i64: 1, 5>}, {transform_indices = @transform_9, window_bounds = array<i64: 2000, 5>}]} {
    %get3A = arith.constant 0 : index
    %get3A_0 = arith.constant 0 : index
    %get3A_1 = arith.constant 0 : index
    %get3A_2 = vector.load %arg1[%get3A, %get3A_0, %get3A_1] : memref<1x2000x128xf32, #tpu.memory_space<vmem>>, vector<1x2000x128xf32>
    %get3A_3 = vector.shape_cast %get3A_2 : vector<1x2000x128xf32> to vector<2000x128xf32>
    %get3A_4 = arith.constant 0 : index
    %get3A_5 = arith.constant 0 : index
    %get3A_6 = arith.constant 0 : index
    %get3A_7 = vector.load %arg2[%get3A_4, %get3A_5, %get3A_6] : memref<1x2000x128xf32, #tpu.memory_space<vmem>>, vector<1x2000x128xf32>
    %get3A_8 = vector.shape_cast %get3A_7 : vector<1x2000x128xf32> to vector<2000x128xf32>
    %concatenate3A = tpu.concatenate %get3A_3, %get3A_8 in 1 : vector<2000x128xf32>, vector<2000x128xf32> -> vector<2000x256xf32>
    %get3A_9 = arith.constant 0 : index
    %get3A_10 = arith.constant 0 : index
    %get3A_11 = vector.load %arg4[%get3A_9, %get3A_10] : memref<1x256xf32, #tpu.memory_space<vmem>>, vector<1x256xf32>
    %add3A = vector.broadcast %get3A_11 : vector<1x256xf32> to vector<2000x256xf32>
    %add3A_12 = arith.addf %concatenate3A, %add3A : vector<2000x256xf32>
    %get3A_13 = arith.constant 0 : index
    %get3A_14 = arith.constant 0 : index
    %get3A_15 = vector.load %arg5[%get3A_13, %get3A_14] : memref<1x256xf32, #tpu.memory_space<vmem>>, vector<1x256xf32>
    %get3A_16 = arith.constant 0 : index
    %get3A_17 = arith.constant 0 : index
    %get3A_18 = vector.load %arg6[%get3A_16, %get3A_17] : memref<1x256xf32, #tpu.memory_space<vmem>>, vector<1x256xf32>
    %reduce_sum3A = arith.constant dense<0.000000e+00> : vector<2000xf32>
    %reduce_sum3A_19 = vector.multi_reduction <add>, %add3A_12, %reduce_sum3A [1] : vector<2000x256xf32> to vector<2000xf32>
    %broadcast_in_dim3A = vector.shape_cast %reduce_sum3A_19 : vector<2000xf32> to vector<2000x1xf32>
    %div3A = arith.constant 2.560000e+02 : f32
    %div3A_20 = vector.broadcast %div3A : f32 to vector<2000x1xf32>
    %div3A_21 = arith.divf %broadcast_in_dim3A, %div3A_20 : vector<2000x1xf32>
    %sub3A = vector.broadcast %div3A_21 : vector<2000x1xf32> to vector<2000x256xf32>
    %sub3A_22 = arith.subf %add3A_12, %sub3A : vector<2000x256xf32>
    %mul3A = arith.mulf %sub3A_22, %sub3A_22 : vector<2000x256xf32>
    %reduce_sum3A_23 = arith.constant dense<0.000000e+00> : vector<2000xf32>
    %reduce_sum3A_24 = vector.multi_reduction <add>, %mul3A, %reduce_sum3A_23 [1] : vector<2000x256xf32> to vector<2000xf32>
    %broadcast_in_dim3A_25 = vector.shape_cast %reduce_sum3A_24 : vector<2000xf32> to vector<2000x1xf32>
    %div3A_26 = arith.constant 2.560000e+02 : f32
    %div3A_27 = vector.broadcast %div3A_26 : f32 to vector<2000x1xf32>
    %div3A_28 = arith.divf %broadcast_in_dim3A_25, %div3A_27 : vector<2000x1xf32>
    %add3A_29 = arith.constant 9.99999974E-6 : f32
    %add3A_30 = vector.broadcast %add3A_29 : f32 to vector<2000x1xf32>
    %add3A_31 = arith.addf %div3A_28, %add3A_30 : vector<2000x1xf32>
    %rsqrt3A = math.rsqrt %add3A_31 : vector<2000x1xf32>
    %mul3A_32 = vector.broadcast %rsqrt3A : vector<2000x1xf32> to vector<2000x256xf32>
    %mul3A_33 = arith.mulf %sub3A_22, %mul3A_32 : vector<2000x256xf32>
    %mul3A_34 = vector.broadcast %get3A_15 : vector<1x256xf32> to vector<2000x256xf32>
    %mul3A_35 = arith.mulf %mul3A_33, %mul3A_34 : vector<2000x256xf32>
    %add3A_36 = vector.broadcast %get3A_18 : vector<1x256xf32> to vector<2000x256xf32>
    %add3A_37 = arith.addf %mul3A_35, %add3A_36 : vector<2000x256xf32>
    %max3A = arith.constant 0.000000e+00 : f32
    %max3A_38 = vector.broadcast %max3A : f32 to vector<2000x256xf32>
    %max3A_39 = arith.maximumf %add3A_37, %max3A_38 : vector<2000x256xf32>
    %get3A_40 = arith.constant 0 : index
    %get3A_41 = arith.constant 0 : index
    %get3A_42 = vector.load %arg7[%get3A_40, %get3A_41] : memref<256x5xf32, #tpu.memory_space<vmem>>, vector<256x5xf32>
    %dot_general3A = arith.constant dense<0.000000e+00> : vector<2000x5xf32>
    %dot_general3A_43 = tpu.matmul %max3A_39, %get3A_42, %dot_general3A {dimension_numbers = #tpu.dot_dimension_numbers<[1], [0], [0], [1], [0, 0, 1, 1], [], []>, transpose_lhs_hint = false} : vector<2000x256xf32>, vector<256x5xf32>, vector<2000x5xf32> -> vector<2000x5xf32>
    %get3A_44 = arith.constant 0 : index
    %get3A_45 = arith.constant 0 : index
    %get3A_46 = vector.load %arg3[%get3A_44, %get3A_45] : memref<2000x2xf32, #tpu.memory_space<vmem>>, vector<2000x2xf32>
    %get3A_47 = arith.constant 0 : index
    %get3A_48 = arith.constant 0 : index
    %get3A_49 = vector.load %arg8[%get3A_47, %get3A_48] : memref<2x5xf32, #tpu.memory_space<vmem>>, vector<2x5xf32>
    %dot_general3A_50 = arith.constant dense<0.000000e+00> : vector<2000x5xf32>
    %dot_general3A_51 = tpu.matmul %get3A_46, %get3A_49, %dot_general3A_50 {dimension_numbers = #tpu.dot_dimension_numbers<[1], [0], [0], [1], [0, 0, 1, 1], [], []>, transpose_lhs_hint = false} : vector<2000x2xf32>, vector<2x5xf32>, vector<2000x5xf32> -> vector<2000x5xf32>
    %add3A_52 = arith.addf %dot_general3A_43, %dot_general3A_51 : vector<2000x5xf32>
    %get3A_53 = arith.constant 0 : index
    %get3A_54 = arith.constant 0 : index
    %get3A_55 = vector.load %arg9[%get3A_53, %get3A_54] : memref<1x5xf32, #tpu.memory_space<vmem>>, vector<1x5xf32>
    %add3A_56 = vector.broadcast %get3A_55 : vector<1x5xf32> to vector<2000x5xf32>
    %add3A_57 = arith.addf %add3A_52, %add3A_56 : vector<2000x5xf32>
    %swap3A = arith.constant 0 : index
    %swap3A_58 = arith.constant 0 : index
    %swap3A_59 = vector.load %arg10[%swap3A, %swap3A_58] : memref<2000x5xf32, #tpu.memory_space<vmem>>, vector<2000x5xf32>
    tpu.vector_store %arg10[%swap3A, %swap3A_58], %add3A_57 {strides = array<i32>} : memref<2000x5xf32, #tpu.memory_space<vmem>>, vector<2000x5xf32>,
    return
  }
  func.func @transform_0(%arg0: i32) -> (i32, i32, i32) {
    %c0_i32 = arith.constant 0 : i32
    %c0_i32_0 = arith.constant 0 : i32
    %c0_i32_1 = arith.constant 0 : i32
    return %c0_i32, %arg0, %c0_i32_0 : i32, i32, i32
  }
  func.func @transform_1(%arg0: i32) -> (i32, i32, i32) {
    %c1_i32 = arith.constant 1 : i32
    %c0_i32 = arith.constant 0 : i32
    %c0_i32_0 = arith.constant 0 : i32
    return %c1_i32, %arg0, %c0_i32 : i32, i32, i32
  }
  func.func @transform_2(%arg0: i32) -> (i32, i32) {
    %c0_i32 = arith.constant 0 : i32
    %c0_i32_0 = arith.constant 0 : i32
    return %arg0, %c0_i32 : i32, i32
  }
  func.func @transform_3(%arg0: i32) -> (i32, i32) {
    %c0_i32 = arith.constant 0 : i32
    %c0_i32_0 = arith.constant 0 : i32
    %c0_i32_1 = arith.constant 0 : i32
    return %c0_i32, %c0_i32_0 : i32, i32
  }
  func.func @transform_4(%arg0: i32) -> (i32, i32) {
    %c0_i32 = arith.constant 0 : i32
    %c0_i32_0 = arith.constant 0 : i32
    %c0_i32_1 = arith.constant 0 : i32
    return %c0_i32, %c0_i32_0 : i32, i32
  }
  func.func @transform_5(%arg0: i32) -> (i32, i32) {
    %c0_i32 = arith.constant 0 : i32
    %c0_i32_0 = arith.constant 0 : i32
    %c0_i32_1 = arith.constant 0 : i32
    return %c0_i32, %c0_i32_0 : i32, i32
  }
  func.func @transform_6(%arg0: i32) -> (i32, i32) {
    %c0_i32 = arith.constant 0 : i32
    %c0_i32_0 = arith.constant 0 : i32
    %c0_i32_1 = arith.constant 0 : i32
    return %c0_i32, %c0_i32_0 : i32, i32
  }
  func.func @transform_7(%arg0: i32) -> (i32, i32) {
    %c0_i32 = arith.constant 0 : i32
    %c0_i32_0 = arith.constant 0 : i32
    %c0_i32_1 = arith.constant 0 : i32
    return %c0_i32, %c0_i32_0 : i32, i32
  }
  func.func @transform_8(%arg0: i32) -> (i32, i32) {
    %c0_i32 = arith.constant 0 : i32
    %c0_i32_0 = arith.constant 0 : i32
    %c0_i32_1 = arith.constant 0 : i32
    return %c0_i32, %c0_i32_0 : i32, i32
  }
  func.func @transform_9(%arg0: i32) -> (i32, i32) {
    %c0_i32 = arith.constant 0 : i32
    %c0_i32_0 = arith.constant 0 : i32
    return %arg0, %c0_i32 : i32, i32
  }
}

</mosaic_0001>

<sc_bundles>
// kernel: kernel.13.cloned.1.call-start
scs
__scs_entry_jumppad:
0x0: {  	(pc) =	sbr.rel $0x88, $3  }
0x1: {  	(tag) =	ssettag $0x0;
	lr =	simm.s32 $0x1  }
0x2: {  	[smem:$0x3F80] =	sst lr;
	_ =	strace $0xD0000000  }
0x3: {  	_ = 	snop  }
0x4: {  	_ = 	snop  }
0x5: {  	_ = 	snop  }
0x6: {  	_ = 	snop  }
0x7: {  	_ = 	snop  }
__scs_overlays_trampoline_lowered:
0x8: {  	[smem:$0x3F8F] =	sst s0  }
0x9: {  	[smem:$0x3F90] =	sst s1  }
0xa: {  	[smem:$0x3F91] =	sst s2  }
0xb: {  	[smem:$0x3F92] =	sst s3  }
0xc: {  	[smem:$0x3F93] =	sst s4  }
0xd: {  	[smem:$0x3F94] =	sst s5  }
0xe: {  	[smem:$0x3F95] =	sst s6  }
0xf: {  	[smem:$0x3F96] =	sst s7  }
0x10: {  	[smem:$0x3F97] =	sst s8  }
0x11: {  	[smem:$0x3F98] =	sst s9;
	s0 =	simm.s32 @!p0 $0x0  }
0x12: {  	s1 =	sld [smem:$0x3F7E];
	s0 =	simm.s32 @p0 $0x1  }
0x13: {  	[smem:$0x3F99] =	sst s0;
	s0 =	simm.s32 @!p1 $0x0  }
0x14: {  	s2 =	sld [smem:$0x3F7D];
	s0 =	simm.s32 @p1 $0x1  }
0x15: {  	[smem:$0x3F9A] =	sst s0;
	s0 =	simm.s32 @!p2 $0x0  }
0x16: {  	s3 =	sld [smem:$0x3FDB];
	s0 =	simm.s32 @p2 $0x1  }
0x17: {  	s4 =	simm.s32 $0x1BF5;
	[smem:$0x3F9C] =	sst s0  }
0x18: {  	s0 =	sld [smem:$0x3F7F];
	_ =	swait.ge [sflag:s4], $0x0  }
0x19: {  	s7 =	sld [smem:$0x3F80]  }
0x1a: {  	s8 =	sadd.s32 $0xFFFFE003, lr  }
0x1b: {  	s9 =	sadd.s32 $0xFFFFFEF7, lr;
	s5 =	simm.s32 $0xFFFFFFFF;
	p2 =	slt.u32 s8, $0xFFFFF086  }
0x1c: {  	p1 =	slt.u32 s9, $0xF7A;
	s5 =	simm.s32 @!p2 $0x0  }
0x1d: {  	s5 =	simm.s32 @p1 $0x1;
	p0 =	seq.s32 s7, s2  }
0x1e: {  	s7 =	smul.u32 @!p0 $0xF7A, s2;
	p2 =	seq.s32 @!p0 s5, $0x0  }
0x1f: {  	s9 =	smul.u32 $0xF7A, s1;
	s8 =	simm.s32 @!p0 $0x1BF5;
	p2 =	por !p2, p0  }
0x20: {  	[sflag:s8] =	ssyncset.s32 @!p0 $0xFFFFF086;
	s6 =	sadd.s32 @!p0 s3, s7;
	s7 =	simm.s32 @!p0 $0x108  }
0x21: {  	s3 =	sadd.s32 s3, s9;
	s6 =	sadd.s32 @!p0 $0x88, s6;
	s7 =	simm.s32 @p2 $0x1082  }
0x22: {  	[simem:s7], [sflag:s8] =	dma.local @!p0 [hbm:s6], $0xF7A  }
0x23: {  	s9 =	sor.u32 $0xD0000000, s2;
	s6 =	simm.s32 $0x108;
	_ =	swait.ge @!p0 [sflag:s8], $0x0  }
0x24: {  	s3 =	sadd.s32 $0x88, s3;
	s6 =	simm.s32 @!p1 $0x1082;
	[sflag:s4] =	ssyncset.s32 $0xFFFFF086  }
0x25: {  	[simem:s6], [sflag:s4] =	dma.local [hbm:s3], $0xF7A  }
0x26: {  	[smem:$0x3F80] =	sst s1;
	(tag) =	ssettag s2;
	_ =	strace s9  }
0x27: {  	s1 =	sld [smem:$0x3F90]  }
0x28: {  	s2 =	sld [smem:$0x3F91]  }
0x29: {  	s4 =	sld [smem:$0x3F93]  }
0x2a: {  	p0 =	seq.s32 s5, $0x0;
	s5 =	sld [smem:$0x3F94]  }
0x2b: {  	s6 =	sld [smem:$0x3F95]  }
0x2c: {  	s7 =	sld [smem:$0x3F96]  }
0x2d: {  	s3 =	simm.s32 $0x108;
	s8 =	sld [smem:$0x3F97]  }
0x2e: {  	s3 =	simm.s32 @!p0 $0x1082;
	s9 =	sld [smem:$0x3F98]  }
0x2f: {  	lr =	sadd.s32 s0, s3;
	s0 =	sld [smem:$0x3F8F]  }
0x30: {  	s3 =	sld [smem:$0x3F92]  }
0x31: {  	[smem:$0x3F9B] =	sst s10  }
0x32: {  	s10 =	sld [smem:$0x3F99];
	_ =	sdelay $0x3  }
0x33: {  	p0 =	seq.s32 s10, $0x1;
	s10 =	sld [smem:$0x3F9B];
	_ =	sdelay $0x3  }
0x34: {  	[smem:$0x3F9B] =	sst s10  }
0x35: {  	s10 =	sld [smem:$0x3F9A];
	_ =	sdelay $0x3  }
0x36: {  	p1 =	seq.s32 s10, $0x1;
	s10 =	sld [smem:$0x3F9B];
	_ =	sdelay $0x3  }
0x37: {  	[smem:$0x3F9B] =	sst s10  }
0x38: {  	s10 =	sld [smem:$0x3F9C]  }
0x39: {  	_ = 	snop;
	(pc) =	sbr.ind lr, $3  }
0x3a: {  	_ = 	snop  }
0x3b: {  	_ = 	snop  }
0x3c: {  	p2 =	seq.s32 s10, $0x1;
	s10 =	sld [smem:$0x3F9B]  }
0x3d: {  	_ =	shalt  }
0x3e: {  	_ =	shalt  }
0x3f: {  	_ =	shalt  }
0x40: {  	_ =	shalt  }
0x41: {  	_ =	shalt  }
0x42: {  	_ =	shalt  }
0x43: {  	_ =	shalt  }
0x44: {  	_ =	shalt  }
0x45: {  	_ =	shalt  }
0x46: {  	_ =	shalt  }
0x47: {  	_ =	shalt  }
0x48: {  	_ =	shalt  }
0x49: {  	_ =	shalt  }
0x4a: {  	_ =	shalt  }
0x4b: {  	_ =	shalt  }
0x4c: {  	_ =	shalt  }
0x4d: {  	_ =	shalt  }
0x4e: {  	_ =	shalt  }
0x4f: {  	_ =	shalt  }
0x50: {  	_ =	shalt  }
0x51: {  	_ =	shalt  }
0x52: {  	_ =	shalt  }
0x53: {  	_ =	shalt  }
0x54: {  	_ =	shalt  }
0x55: {  	_ =	shalt  }
0x56: {  	_ =	shalt  }
0x57: {  	_ =	shalt  }
0x58: {  	_ =	shalt  }
0x59: {  	_ =	shalt  }
0x5a: {  	_ =	shalt  }
0x5b: {  	_ =	shalt  }
0x5c: {  	_ =	shalt  }
0x5d: {  	_ =	shalt  }
0x5e: {  	_ =	shalt  }
0x5f: {  	_ =	shalt  }
0x60: {  	_ =	shalt  }
0x61: {  	_ =	shalt  }
0x62: {  	_ =	shalt  }
0x63: {  	_ =	shalt  }
0x64: {  	_ =	shalt  }
0x65: {  	_ =	shalt  }
0x66: {  	_ =	shalt  }
0x67: {  	_ =	shalt  }
0x68: {  	_ =	shalt  }
0x69: {  	_ =	shalt  }
0x6a: {  	_ =	shalt  }
0x6b: {  	_ =	shalt  }
0x6c: {  	_ =	shalt  }
0x6d: {  	_ =	shalt  }
0x6e: {  	_ =	shalt  }
0x6f: {  	_ =	shalt  }
0x70: {  	_ =	shalt  }
0x71: {  	_ =	shalt  }
0x72: {  	_ =	shalt  }
0x73: {  	_ =	shalt  }
0x74: {  	_ =	shalt  }
0x75: {  	_ =	shalt  }
0x76: {  	_ =	shalt  }
0x77: {  	_ =	shalt  }
0x78: {  	_ =	shalt  }
0x79: {  	_ =	shalt  }
0x7a: {  	_ =	shalt  }
0x7b: {  	_ =	shalt  }
0x7c: {  	_ =	shalt  }
0x7d: {  	_ =	shalt  }
0x7e: {  	_ =	shalt  }
0x7f: {  	_ =	shalt  }
0x80: {  	_ =	shalt  }
0x81: {  	_ =	shalt  }
0x82: {  	_ =	shalt  }
0x83: {  	_ =	shalt  }
0x84: {  	_ =	shalt  }
0x85: {  	_ =	shalt  }
0x86: {  	_ =	shalt  }
0x87: {  	_ =	shalt  }
.Lfunc_end0:
.L_simem_size_0:
called_computation_lowered:
.L_overlay_start_0:
0x88: {  	s2 =	sld [smem:$0x3FD9]  }
0x89: {  	s3 =	sld [smem:$0x3FFE];
	_ =	sdelay $0x1  }
0x8a: {  	s1 =	srdreg.scid  }
0x8b: {  	s0 =	sand.u32 $0x1, s1  }
0x8c: {  	s16 =	sshll.u32 s0, $0xA;
	s2 =	sadd.s32 s3, s2  }
0x8d: {  	s2 =	sadd.s32 s2, s16  }
0x8e: {  	[smem:$0x3FA7] =	sst s2  }
0x8f: {  	_ = 	snop  }
0x90: {  	(tm) =	ssettm $0x1  }
0x91: {  	s17 =	sld [smem:$0x3FFB];
	_ =	sdelay $0x3  }
0x92: {  	_ =	strace s17  }
0x93: {  	s2 =	sld [smem:$0x3FFC];
	_ =	sdelay $0x3  }
0x94: {  	_ =	strace s2  }
0x95: {  	s2 =	sld [smem:$0x3FFD];
	_ =	sdelay $0x3  }
0x96: {  	_ =	strace s2  }
0x97: {  	_ =	strace $0x8FFFFFFF  }
0x98: {  	s18 =	sld [smem:$0x3FDB];
	_ =	sdelay $0x1  }
0x99: {  	s19 =	simm.s32 $_scs_section_size  }
0x9a: {  	s4 =	simm.s32 $_size__tile_overlayer_lowered;
	s5 =	simm.s32 $_tile_overlayer_lowered  }
0x9b: {  	s22 =	simm.s32 $0x1BFF;
	s21 =	sshll.u32 s5, $0x1;
	s2 =	sadd.s32 s19, s18  }
0x9c: {  	s6 =	simm.s32 $0x0;
	s20 =	sshll.u32 s4, $0x1;
	s4 =	sadd.s32 s21, s2  }
0x9d: {  	[timem:s6], [sflag:s22] =	dma.local [hbm:s4], s20  }
0x9e: {  	_ =	swait.ge [sflag:s22], s20  }
0x9f: {  	s3 =	ssub.s32 $0x0, s20;
	[sflag:s22] =	ssyncset.done $0x0  }
0xa0: {  	[sflag:s22] =	ssyncadd.s32 s3;
	_ =	sdelay $0x1  }
0xa1: {  	s23 =	simm.s32 $0x1B8B  }
0xa2: {  	_ =	swait.ge [sflag:s23], $0x1  }
0xa3: {  	[sflag:s23] =	ssyncset.done $0x0  }
0xa4: {  	s25 =	simm.s32 $0x1B8E;
	s24 =	sld [smem:$0x3FFE];
	[sflag:s23] =	ssyncadd.s32 $0xFFFFFFFF  }
0xa5: {  	s26 =	simm.s32 $execute0_lowered;
	[smem:$0x3FD2] =	sst s25  }
0xa6: {  	s4 =	sshll.u32 s26, $0x1;
	_ =	strace $0x80000046;
	[dreg:$0x1] =	wrdreg $0xFFFFFFFF  }
0xa7: {  	s28 =	simm.s32 $_size_execute0_lowered;
	s2 =	sadd.s32 s2, s4;
	[dreg:$0x0] =	wrdreg $0x0  }
0xa8: {  	s4 =	sshll.u32 s28, $0x1;
	[dreg:$0x2] =	wrdreg s2  }
0xa9: {  	[dreg:$0x3] =	wrdreg s4  }
0xaa: {  	[dreg:$0x4] =	wrdreg $0xC0  }
0xab: {  	_ =	task [dreg:s6], $0x5FFFF  }
0xac: {  	[dreg:$0x1] =	wrdreg $0xFFFFFFFF  }
0xad: {  	[dreg:$0x0] =	wrdreg $0x60  }
0xae: {  	[dreg:$0x2] =	wrdreg s24  }
0xaf: {  	[dreg:$0x3] =	wrdreg $0x80800  }
0xb0: {  	[dreg:$0x4] =	wrdreg $0x9  }
0xb1: {  	_ =	task.clear_ibuf [dreg:s6], $0x5FFFF;
	_ =	strace $0x90000046  }
0xb2: {  	s29 =	simm.s32 $0x9;
	_ =	strace $0x80000048  }
0xb3: {  	_ =	swait.ge [sflag:s29], $0x1  }
0xb4: {  	[sflag:s29] =	ssyncadd.s32 $0xFFFFFFFF  }
0xb5: {  	_ =	strace $0x90000048  }
0xb6: {  	_ =	sfence  }
0xb7: {  	s30 =	sld [smem:$0x0];
	_ =	sdelay $0x2  }
0xb8: {  	s31 =	sshll.u32 s1, $0xD;
	s1 =	sshrl.u32 s1, $0x2  }
0xb9: {  	s3 =	sand.u32 $0x4000, s31;
	s1 =	sadd.s32 s1, s30  }
0xba: {  	s0 =	sor.u32 s3, s0;
	s1 =	sshll.u32 s1, $0x11  }
0xbb: {  	s0 =	sor.u32 s1, s0  }
0xbc: {  	s0 =	sadd.s32 $0x8F2B, s0  }
0xbd: {  	[sflag:s0] =	ssyncadd.remote.s32 $0x1  }
0xbe: {  	_ =	sfence.sel $0xFFFF  }
0xbf: {  	[dreg:$0x0] =	wrdreg $0xFFFFFFFF;
	(pc) =	sbr.abs _section_cstart, $3  }
0xc0: {  	[dreg:$0x1] =	wrdreg $0xFFFFFFFF  }
0xc1: {  	_ =	task.clear_ibuf [dreg:s6], $0x2FFFF;
	_ =	strace $0x9FFFFFFF  }
0xc2: {  	(tm) =	ssettm $0x7FFFFFFF  }
0xc3: {  	_ =	shalt  }
tec
execute0_lowered:
.L_overlay_start_1:
0x0: {  	(tag) =	ssettag $0x1  }
0x1: {  	s0 =	srdreg.scid;
	s1 =	stileid.u32  }
0x2: {  	s4 =	rddreg [dreg:$0x0];
	s8 =	smul.u32 $0x1F400, s1  }
0x3: {  	s2 =	rddreg [dreg:$0x1];
	s9 =	smul.u32 $0x4F000, s1  }
0x4: {  	s3 =	simm.s32 $0x0;
	s14 =	simm.s32 $0x80;
	s12 =	smul.u32 $0x7D000, s1  }
0x5: {  	s17 =	simm.s32 $0x0;
	s5 =	sand.u32 $0x1, s0;
	s13 =	smul.u32 $0x280, s1  }
0x6: {  	[smem:$0x7FF] =	sst s3;
	p0 =	sgt.u32 s1, $0x9;
	s6 =	smul.u32 $0x2800, s5  }
0x7: {  	s0 =	rddreg [dreg:$0x2];
	s7 =	smul.u32 $0x138800, s5;
	_ =	strace $0x80000047  }
0x8: {  	s5 =	ssub.s32 $0x2, s5;
	s15 =	sshll.u32 @!p0 s1, $0x6;
	s29 =	sshrl.u32 s9, $0x2  }
0x9: {  	s31 =	sshrl.u32 s5, $0x1;
	s12 =	sshrl.u32 s12, $0x2;
	s15 =	sor.u32 @!p0 $0x1C01, s15  }
0xa: {  	s11 =	sadd.s32 s6, s4;
	s28 =	sadd.s32 s8, s7;
	s10 =	ssub.s32 s5, s31  }
0xb: {  	s16 =	sadd.s32 s12, s2;
	s12 =	simm.s32 $0x4080;
	s6 =	sshrl.u32 s28, $0x3  }
0xc: {  	s10 =	smax.u32 s10, $0x1;
	s11 =	sadd.s32 s13, s11;
	s13 =	simm.s32 $0x1  }
0xd: {  	s16 =	sshrl.u32 @!p0 s16, $0x3;
	s30 =	sadd.s32 s6, s4;
	s4 =	sadd.s32 s29, s2  }
0xe: {  	s11 =	sadd.s32 $0x7400, s11;
	s5 =	sadd.s32 $0x4000, s4;
	s6 =	sadd.s32 $0x8000, s4  }
0xf: {  	v0 =	vimm.f32 $0.0e+00;
	v1 =	vimm.f32 $1.000000000e+00;
	s7 =	sadd.s32 $0xC000, s4;
	s8 =	sadd.s32 $0x10000, s4;
	s9 =	sadd.s32 $0xC600, s30  }
.LBB2_1:
0x10: {  	s18 =	simm.s32 $0x0;
	s19 =	simm.s32 $0x200  }
.LBB2_2:
0x11: {  	p1 =	sne.s32 s19, $0xFE00;
	[tilespmem:s18+$0xF0] =	vst v1  }
0x12: {  	[tilespmem:s18+$0x4080] =	vst v0  }
0x13: {  	[tilespmem:s18+$0x80] =	vst v1  }
0x14: {  	[tilespmem:s18+$0x4090] =	vst v0  }
0x15: {  	[tilespmem:s18+$0x90] =	vst v1  }
0x16: {  	[tilespmem:s18+$0x40A0] =	vst v0  }
0x17: {  	[tilespmem:s18+$0xA0] =	vst v1  }
0x18: {  	[tilespmem:s18+$0x40B0] =	vst v0  }
0x19: {  	[tilespmem:s18+$0xB0] =	vst v1  }
0x1a: {  	[tilespmem:s18+$0x40C0] =	vst v0  }
0x1b: {  	[tilespmem:s18+$0xC0] =	vst v1  }
.Ltmp0:
0x1c: {  	[tilespmem:s18+$0x40D0] =	vst v0;
	(pc) =	sbr.rel @p1 .LBB2_2-.Ltmp0, $4  }
0x1d: {  	[tilespmem:s18+$0xD0] =	vst v1  }
0x1e: {  	[tilespmem:s18+$0x40E0] =	vst v0  }
0x1f: {  	[tilespmem:s18+$0xE0] =	vst v1  }
0x20: {  	[tilespmem:s18+$0x40F0] =	vst v0;
	s18 =	sshra.s32 s19, $0x2;
	s19 =	sadd.s32 $0x200, s19  }
0x21: {  	[tilespmem:s18+$0xF0] =	vst v1  }
0x22: {  	[tilespmem:s18+$0x4080] =	vst v0  }
0x23: {  	[tilespmem:s18+$0x80] =	vst v1  }
0x24: {  	[tilespmem:s18+$0x4090] =	vst v0  }
0x25: {  	[tilespmem:s18+$0x90] =	vst v1  }
0x26: {  	[tilespmem:s18+$0x40A0] =	vst v0  }
0x27: {  	[tilespmem:s18+$0xA0] =	vst v1  }
0x28: {  	[tilespmem:s18+$0x40B0] =	vst v0  }
0x29: {  	[tilespmem:s18+$0xB0] =	vst v1  }
0x2a: {  	[tilespmem:s18+$0x40C0] =	vst v0  }
0x2b: {  	[tilespmem:s18+$0xC0] =	vst v1  }
0x2c: {  	[tilespmem:s18+$0x40D0] =	vst v0  }
0x2d: {  	[tilespmem:s18+$0xD0] =	vst v1  }
0x2e: {  	[tilespmem:s18+$0x40E0] =	vst v0  }
0x2f: {  	[tilespmem:s18+$0xE0] =	vst v1  }
0x30: {  	[tilespmem:s18+$0x40F0] =	vst v0  }
0x31: {  	[spmem:s4] =	stream.linear.scatter [tilespmem:s12], [sflag:$0x1], $0x4000, $0x38;
	[tilespmem:$0x1BC80] =	vst v63  }
0x32: {  	_ =	swait.ge [sflag:s13], $0x4000  }
0x33: {  	[sflag:s13] =	ssyncset.done $0x0  }
0x34: {  	[sflag:s13] =	ssyncadd.s32 $0xFFFFC000  }
0x35: {  	[spmem:s5] =	stream.linear.scatter [tilespmem:s12], [sflag:$0x1], $0x4000, $0x38;
	[tilespmem:$0x1BC80] =	vst v63  }
0x36: {  	_ =	swait.ge [sflag:s13], $0x4000  }
0x37: {  	[sflag:s13] =	ssyncset.done $0x0  }
0x38: {  	[sflag:s13] =	ssyncadd.s32 $0xFFFFC000  }
0x39: {  	[spmem:s6] =	stream.linear.scatter [tilespmem:s12], [sflag:$0x1], $0x4000, $0x38;
	[tilespmem:$0x1BC80] =	vst v63  }
0x3a: {  	_ =	swait.ge [sflag:s13], $0x4000  }
0x3b: {  	[sflag:s13] =	ssyncset.done $0x0  }
0x3c: {  	[sflag:s13] =	ssyncadd.s32 $0xFFFFC000  }
0x3d: {  	[spmem:s7] =	stream.linear.scatter [tilespmem:s12], [sflag:$0x1], $0x4000, $0x38;
	[tilespmem:$0x1BC80] =	vst v63  }
0x3e: {  	_ =	swait.ge [sflag:s13], $0x4000  }
0x3f: {  	[sflag:s13] =	ssyncset.done $0x0  }
0x40: {  	[sflag:s13] =	ssyncadd.s32 $0xFFFFC000  }
0x41: {  	[spmem:s8] =	stream.linear.scatter [tilespmem:s12], [sflag:$0x1], $0x3C00, $0x38;
	[tilespmem:$0x1BC80] =	vst v63  }
0x42: {  	_ =	swait.ge [sflag:s13], $0x3C00  }
0x43: {  	[sflag:s13] =	ssyncset.done $0x0  }
0x44: {  	[sflag:s13] =	ssyncadd.s32 $0xFFFFC400  }
0x45: {  	s31 =	sadd.s32 $0x0, s11;
	[bflag:$0x0] =	sbarrier.arrive $0xFFFF  }
0x46: {  	[tilespmem:s3], [sflag:$0x1] =	stream.linear.gather [hbm4b:s31+s3], $0x80, $0x38;
	[tilespmem:$0x1BC80] =	vst v63  }
0x47: {  	_ =	swait.ge [sflag:s13], $0x80  }
0x48: {  	[sflag:s13] =	ssyncset.done $0x0  }
0x49: {  	[sflag:s13] =	ssyncadd.s32 $0xFFFFFF80  }
0x4a: {  	[spmem:s2] =	stream.indirect.scatter.add.f32 [tilespmem:s14], [sflag:$0x1], $0x80, s3, s14, $0xb8;
	[tilespmem:$0x1BC80] =	vst v63  }
0x4b: {  	_ =	swait.ge [sflag:s13], $0x4000  }
0x4c: {  	s18 =	simm.s32 $0x10;
	s19 =	simm.s32 $0x20;
	[sflag:s13] =	ssyncset.done $0x0  }
.LBB2_4:
0x4d: {  	s20 =	sadd.s32 s18, s11  }
0x4e: {  	[sflag:s13] =	ssyncadd.s32 $0xFFFFC000;
	s18 =	smov.u32 s19;
	s21 =	sadd.s32 $0x10, s19  }
0x4f: {  	[tilespmem:s3], [sflag:$0x1] =	stream.linear.gather [hbm4b:s20+s3], $0x80, $0x38;
	[tilespmem:$0x1BC80] =	vst v63  }
0x50: {  	p1 =	sne.s32 s19, $0x270;
	_ =	swait.ge [sflag:s13], $0x80  }
.Ltmp1:
0x51: {  	[sflag:s13] =	ssyncset.done $0x0;
	(pc) =	sbr.rel @p1 .LBB2_4-.Ltmp1, $4  }
0x52: {  	[sflag:s13] =	ssyncadd.s32 $0xFFFFFF80  }
0x53: {  	[spmem:s2] =	stream.indirect.scatter.add.f32 [tilespmem:s14], [sflag:$0x1], $0x80, s3, s14, $0xb8;
	[tilespmem:$0x1BC80] =	vst v63  }
0x54: {  	_ =	swait.ge [sflag:s13], $0x4000  }
0x55: {  	s19 =	smov.u32 s21;
	[sflag:s13] =	ssyncset.done $0x0  }
0x56: {  	s18 =	sadd.s32 s18, s11;
	[sflag:s13] =	ssyncadd.s32 $0xFFFFC000  }
0x57: {  	[tilespmem:s3], [sflag:$0x1] =	stream.linear.gather [hbm4b:s18+s3], $0x80, $0x38;
	[tilespmem:$0x1BC80] =	vst v63  }
0x58: {  	_ =	swait.ge [sflag:s13], $0x80  }
0x59: {  	[sflag:s13] =	ssyncset.done $0x0  }
0x5a: {  	[sflag:s13] =	ssyncadd.s32 $0xFFFFFF80  }
0x5b: {  	[spmem:s2] =	stream.indirect.scatter.add.f32 [tilespmem:s14], [sflag:$0x1], $0x80, s3, s14, $0xb8;
	[tilespmem:$0x1BC80] =	vst v63  }
0x5c: {  	_ =	swait.ge [sflag:s13], $0x4000  }
0x5d: {  	s17 =	sadd.s32 $0x1, s17;
	[sflag:s13] =	ssyncset.done $0x0  }
0x5e: {  	p1 =	sne.s32 s17, s10;
	[sflag:s13] =	ssyncadd.s32 $0xFFFFC000  }
.Ltmp2:
0x5f: {  	s18 =	simm.s32 @!p0 $0x1;
	[bflag:$0x0] =	sbarrier.arrive $0xFFFF;
	(pc) =	sbr.rel @p1 .LBB2_1-.Ltmp2, $4  }
0x60: {  	[hbm:s9], [sflag:s15] =	dma.local @!p0 [spmem:s16], $0x3E80  }
0x61: {  	_ =	swait.ge @!p0 [sflag:s18], $0x3E80  }
0x62: {  	[sflag:s18] =	ssyncset.done @!p0 $0x0  }
0x63: {  	[sflag:s18] =	ssyncadd.s32 @!p0 $0xFFFFC180  }
0x64: {  	_ =	sfence.sel $0x180000  }
0x65: {  	[bflag:$0x0] =	sbarrier.arrive $0xFFFF  }
0x66: {  	p0 =	sne.s32 s1, $0x0;
	_ =	strace $0x90000047  }
0x67: {  	s0 =	sadd.s32 @!p0 $0x100000, s0;
	[bflag:$0x2] =	sbarrier.arrive $0xFFFF  }
0x68: {  	[sflag:s0] =	ssyncadd.tile.s32 @!p0 $0x1;
	_ =	shalt  }
.Lfunc_end2:
_tile_overlayer_lowered:
.L_overlay_start_2:
0x69: {  	(tag) =	ssettag $0x2  }
0x6a: {  	s0 =	rddreg [dreg:$0x0];
	s2 =	stileid.u32  }
0x6b: {  	s1 =	rddreg [dreg:$0x1];
	p0 =	sne.s32 s2, $0x0  }
0x6c: {  	s3 =	rddreg [dreg:$0x2];
	[bflag:$0x3] =	sbarrier.arrive $0xFFFF;
	s2 =	simm.s32 @!p0 $0x1C01  }
0x6d: {  	[timem:s3], [sflag:s2] =	dma.local @!p0 [hbm:s0], s1  }
0x6e: {  	s0 =	simm.s32 @!p0 $0x1  }
0x6f: {  	_ =	swait.ge @!p0 [sflag:s0], s1  }
0x70: {  	s1 =	ssub.s32 @!p0 $0x0, s1;
	[sflag:s0] =	ssyncset.done @!p0 $0x0  }
0x71: {  	[sflag:s0] =	ssyncadd.s32 @!p0 s1  }
0x72: {  	[bflag:$0x3] =	sbarrier.arrive $0xFFFF  }
0x73: {  	_ =	shalt  }

// kernel: kernel.16.cloned.1.call-start
scs
__scs_entry_jumppad:
0x0: {  	(pc) =	sbr.rel $0x88, $3  }
0x1: {  	(tag) =	ssettag $0x0;
	lr =	simm.s32 $0x1  }
0x2: {  	[smem:$0x3F80] =	sst lr;
	_ =	strace $0xD0000000  }
0x3: {  	_ = 	snop  }
0x4: {  	_ = 	snop  }
0x5: {  	_ = 	snop  }
0x6: {  	_ = 	snop  }
0x7: {  	_ = 	snop  }
__scs_overlays_trampoline_lowered:
0x8: {  	[smem:$0x3F8F] =	sst s0  }
0x9: {  	[smem:$0x3F90] =	sst s1  }
0xa: {  	[smem:$0x3F91] =	sst s2  }
0xb: {  	[smem:$0x3F92] =	sst s3  }
0xc: {  	[smem:$0x3F93] =	sst s4  }
0xd: {  	[smem:$0x3F94] =	sst s5  }
0xe: {  	[smem:$0x3F95] =	sst s6  }
0xf: {  	[smem:$0x3F96] =	sst s7  }
0x10: {  	[smem:$0x3F97] =	sst s8  }
0x11: {  	[smem:$0x3F98] =	sst s9;
	s0 =	simm.s32 @!p0 $0x0  }
0x12: {  	s1 =	sld [smem:$0x3F7E];
	s0 =	simm.s32 @p0 $0x1  }
0x13: {  	[smem:$0x3F99] =	sst s0;
	s0 =	simm.s32 @!p1 $0x0  }
0x14: {  	s2 =	sld [smem:$0x3F7D];
	s0 =	simm.s32 @p1 $0x1  }
0x15: {  	[smem:$0x3F9A] =	sst s0;
	s0 =	simm.s32 @!p2 $0x0  }
0x16: {  	s3 =	sld [smem:$0x3FDB];
	s0 =	simm.s32 @p2 $0x1  }
0x17: {  	s4 =	simm.s32 $0x1BF5;
	[smem:$0x3F9C] =	sst s0  }
0x18: {  	s0 =	sld [smem:$0x3F7F];
	_ =	swait.ge [sflag:s4], $0x0  }
0x19: {  	s7 =	sld [smem:$0x3F80]  }
0x1a: {  	s8 =	sadd.s32 $0xFFFFE003, lr  }
0x1b: {  	s9 =	sadd.s32 $0xFFFFFEF7, lr;
	s5 =	simm.s32 $0xFFFFFFFF;
	p2 =	slt.u32 s8, $0xFFFFF086  }
0x1c: {  	p1 =	slt.u32 s9, $0xF7A;
	s5 =	simm.s32 @!p2 $0x0  }
0x1d: {  	s5 =	simm.s32 @p1 $0x1;
	p0 =	seq.s32 s7, s2  }
0x1e: {  	s7 =	smul.u32 @!p0 $0xF7A, s2;
	p2 =	seq.s32 @!p0 s5, $0x0  }
0x1f: {  	s9 =	smul.u32 $0xF7A, s1;
	s8 =	simm.s32 @!p0 $0x1BF5;
	p2 =	por !p2, p0  }
0x20: {  	[sflag:s8] =	ssyncset.s32 @!p0 $0xFFFFF086;
	s6 =	sadd.s32 @!p0 s3, s7;
	s7 =	simm.s32 @!p0 $0x108  }
0x21: {  	s3 =	sadd.s32 s3, s9;
	s6 =	sadd.s32 @!p0 $0x88, s6;
	s7 =	simm.s32 @p2 $0x1082  }
0x22: {  	[simem:s7], [sflag:s8] =	dma.local @!p0 [hbm:s6], $0xF7A  }
0x23: {  	s9 =	sor.u32 $0xD0000000, s2;
	s6 =	simm.s32 $0x108;
	_ =	swait.ge @!p0 [sflag:s8], $0x0  }
0x24: {  	s3 =	sadd.s32 $0x88, s3;
	s6 =	simm.s32 @!p1 $0x1082;
	[sflag:s4] =	ssyncset.s32 $0xFFFFF086  }
0x25: {  	[simem:s6], [sflag:s4] =	dma.local [hbm:s3], $0xF7A  }
0x26: {  	[smem:$0x3F80] =	sst s1;
	(tag) =	ssettag s2;
	_ =	strace s9  }
0x27: {  	s1 =	sld [smem:$0x3F90]  }
0x28: {  	s2 =	sld [smem:$0x3F91]  }
0x29: {  	s4 =	sld [smem:$0x3F93]  }
0x2a: {  	p0 =	seq.s32 s5, $0x0;
	s5 =	sld [smem:$0x3F94]  }
0x2b: {  	s6 =	sld [smem:$0x3F95]  }
0x2c: {  	s7 =	sld [smem:$0x3F96]  }
0x2d: {  	s3 =	simm.s32 $0x108;
	s8 =	sld [smem:$0x3F97]  }
0x2e: {  	s3 =	simm.s32 @!p0 $0x1082;
	s9 =	sld [smem:$0x3F98]  }
0x2f: {  	lr =	sadd.s32 s0, s3;
	s0 =	sld [smem:$0x3F8F]  }
0x30: {  	s3 =	sld [smem:$0x3F92]  }
0x31: {  	[smem:$0x3F9B] =	sst s10  }
0x32: {  	s10 =	sld [smem:$0x3F99];
	_ =	sdelay $0x3  }
0x33: {  	p0 =	seq.s32 s10, $0x1;
	s10 =	sld [smem:$0x3F9B];
	_ =	sdelay $0x3  }
0x34: {  	[smem:$0x3F9B] =	sst s10  }
0x35: {  	s10 =	sld [smem:$0x3F9A];
	_ =	sdelay $0x3  }
0x36: {  	p1 =	seq.s32 s10, $0x1;
	s10 =	sld [smem:$0x3F9B];
	_ =	sdelay $0x3  }
0x37: {  	[smem:$0x3F9B] =	sst s10  }
0x38: {  	s10 =	sld [smem:$0x3F9C]  }
0x39: {  	_ = 	snop;
	(pc) =	sbr.ind lr, $3  }
0x3a: {  	_ = 	snop  }
0x3b: {  	_ = 	snop  }
0x3c: {  	p2 =	seq.s32 s10, $0x1;
	s10 =	sld [smem:$0x3F9B]  }
0x3d: {  	_ =	shalt  }
0x3e: {  	_ =	shalt  }
0x3f: {  	_ =	shalt  }
0x40: {  	_ =	shalt  }
0x41: {  	_ =	shalt  }
0x42: {  	_ =	shalt  }
0x43: {  	_ =	shalt  }
0x44: {  	_ =	shalt  }
0x45: {  	_ =	shalt  }
0x46: {  	_ =	shalt  }
0x47: {  	_ =	shalt  }
0x48: {  	_ =	shalt  }
0x49: {  	_ =	shalt  }
0x4a: {  	_ =	shalt  }
0x4b: {  	_ =	shalt  }
0x4c: {  	_ =	shalt  }
0x4d: {  	_ =	shalt  }
0x4e: {  	_ =	shalt  }
0x4f: {  	_ =	shalt  }
0x50: {  	_ =	shalt  }
0x51: {  	_ =	shalt  }
0x52: {  	_ =	shalt  }
0x53: {  	_ =	shalt  }
0x54: {  	_ =	shalt  }
0x55: {  	_ =	shalt  }
0x56: {  	_ =	shalt  }
0x57: {  	_ =	shalt  }
0x58: {  	_ =	shalt  }
0x59: {  	_ =	shalt  }
0x5a: {  	_ =	shalt  }
0x5b: {  	_ =	shalt  }
0x5c: {  	_ =	shalt  }
0x5d: {  	_ =	shalt  }
0x5e: {  	_ =	shalt  }
0x5f: {  	_ =	shalt  }
0x60: {  	_ =	shalt  }
0x61: {  	_ =	shalt  }
0x62: {  	_ =	shalt  }
0x63: {  	_ =	shalt  }
0x64: {  	_ =	shalt  }
0x65: {  	_ =	shalt  }
0x66: {  	_ =	shalt  }
0x67: {  	_ =	shalt  }
0x68: {  	_ =	shalt  }
0x69: {  	_ =	shalt  }
0x6a: {  	_ =	shalt  }
0x6b: {  	_ =	shalt  }
0x6c: {  	_ =	shalt  }
0x6d: {  	_ =	shalt  }
0x6e: {  	_ =	shalt  }
0x6f: {  	_ =	shalt  }
0x70: {  	_ =	shalt  }
0x71: {  	_ =	shalt  }
0x72: {  	_ =	shalt  }
0x73: {  	_ =	shalt  }
0x74: {  	_ =	shalt  }
0x75: {  	_ =	shalt  }
0x76: {  	_ =	shalt  }
0x77: {  	_ =	shalt  }
0x78: {  	_ =	shalt  }
0x79: {  	_ =	shalt  }
0x7a: {  	_ =	shalt  }
0x7b: {  	_ =	shalt  }
0x7c: {  	_ =	shalt  }
0x7d: {  	_ =	shalt  }
0x7e: {  	_ =	shalt  }
0x7f: {  	_ =	shalt  }
0x80: {  	_ =	shalt  }
0x81: {  	_ =	shalt  }
0x82: {  	_ =	shalt  }
0x83: {  	_ =	shalt  }
0x84: {  	_ =	shalt  }
0x85: {  	_ =	shalt  }
0x86: {  	_ =	shalt  }
0x87: {  	_ =	shalt  }
.Lfunc_end0:
.L_simem_size_0:
called_computation.1_lowered:
.L_overlay_start_0:
0x88: {  	s2 =	sld [smem:$0x3FD9]  }
0x89: {  	s3 =	sld [smem:$0x3FFE];
	_ =	sdelay $0x1  }
0x8a: {  	s1 =	srdreg.scid  }
0x8b: {  	s0 =	sand.u32 $0x1, s1  }
0x8c: {  	s17 =	sshll.u32 s0, $0xA;
	s2 =	sadd.s32 s3, s2  }
0x8d: {  	s2 =	sadd.s32 s2, s17  }
0x8e: {  	[smem:$0x3FA7] =	sst s2  }
0x8f: {  	_ = 	snop  }
0x90: {  	s18 =	sld [smem:$0x3FD0];
	(tm) =	ssettm $0x1  }
0x91: {  	s19 =	sld [smem:$0x3FFB];
	_ =	sdelay $0x3  }
0x92: {  	_ =	strace s19  }
0x93: {  	s2 =	sld [smem:$0x3FFC];
	_ =	sdelay $0x3  }
0x94: {  	_ =	strace s2  }
0x95: {  	s2 =	sld [smem:$0x3FFD];
	_ =	sdelay $0x3  }
0x96: {  	_ =	strace s2  }
0x97: {  	_ =	strace $0x8FFFFFFF  }
0x98: {  	s20 =	sld [smem:$0x3FDB];
	_ =	sdelay $0x1  }
0x99: {  	s4 =	simm.s32 $_scs_section_size  }
0x9a: {  	s5 =	simm.s32 $_size__tile_overlayer_lowered;
	s6 =	simm.s32 $_tile_overlayer_lowered  }
0x9b: {  	s7 =	simm.s32 $0x1BFF;
	s21 =	sshll.u32 s6, $0x1;
	s4 =	sadd.s32 s4, s20  }
0x9c: {  	s22 =	simm.s32 $0x0;
	s5 =	sshll.u32 s5, $0x1;
	s6 =	sadd.s32 s21, s4  }
0x9d: {  	[timem:s22], [sflag:s7] =	dma.local [hbm:s6], s5  }
0x9e: {  	_ =	swait.ge [sflag:s7], s5  }
0x9f: {  	s5 =	ssub.s32 $0x0, s5;
	[sflag:s7] =	ssyncset.done $0x0  }
0xa0: {  	[sflag:s7] =	ssyncadd.s32 s5;
	_ =	sdelay $0x1  }
0xa1: {  	s23 =	simm.s32 $0x1B8B  }
0xa2: {  	_ =	swait.ge [sflag:s23], $0x1  }
0xa3: {  	[sflag:s23] =	ssyncset.done $0x0  }
0xa4: {  	[sflag:s23] =	ssyncadd.s32 $0xFFFFFFFF  }
0xa5: {  	s5 =	sld [smem:$0x0]  }
0xa6: {  	s6 =	sand.u32 $0xFFFFFFFE, s1  }
0xa7: {  	p0 =	sne.s32 s1, s6  }
0xa8: {  	s6 =	sshll.u32 @p0 s6, $0xE  }
0xa9: {  	s6 =	sadd.s32 @p0 $0x11B8D, s6;
	s7 =	sshll.u32 @p0 s5, $0x11  }
0xaa: {  	s6 =	sor.u32 @p0 s7, s6  }
0xab: {  	[sflag:s6] =	ssyncadd.remote.s32 @p0 $0x1;
	_ =	sdelay $0x1  }
0xac: {  	s6 =	simm.s32 @p0 $0x1B8D  }
0xad: {  	_ =	swait.eq @p0 [sflag:s6], $0x1  }
0xae: {  	[sflag:s6] =	ssyncadd.s32 @p0 $0xFFFFFFFF  }
0xaf: {  	s7 =	sshll.u32 @!p0 s1, $0xE  }
0xb0: {  	s7 =	sor.u32 @!p0 $0x4000, s7;
	s6 =	simm.s32 @!p0 $0x1B8D  }
0xb1: {  	s5 =	sshll.u32 @!p0 s5, $0x11;
	s7 =	sadd.s32 @!p0 $0x11B8D, s7;
	_ =	swait.eq @!p0 [sflag:s6], $0x1  }
0xb2: {  	s5 =	sor.u32 @!p0 s5, s7;
	[sflag:s6] =	ssyncadd.s32 @!p0 $0xFFFFFFFF  }
0xb3: {  	s25 =	simm.s32 $0x1B8E;
	s24 =	sld [smem:$0x3FFE];
	[sflag:s5] =	ssyncadd.remote.s32 @!p0 $0x1  }
0xb4: {  	s26 =	simm.s32 $execute0_lowered;
	[smem:$0x3FD2] =	sst s25  }
0xb5: {  	s6 =	sshll.u32 s26, $0x1;
	_ =	strace $0x80000049;
	[dreg:$0x1] =	wrdreg $0xFFFFFFFF  }
0xb6: {  	s28 =	simm.s32 $_size_execute0_lowered;
	s4 =	sadd.s32 s4, s6;
	[dreg:$0x0] =	wrdreg $0x0  }
0xb7: {  	s6 =	sshll.u32 s28, $0x1;
	[dreg:$0x2] =	wrdreg s4  }
0xb8: {  	[dreg:$0x3] =	wrdreg s6  }
0xb9: {  	[dreg:$0x4] =	wrdreg $0xC0  }
0xba: {  	_ =	task [dreg:s22], $0x5FFFF  }
0xbb: {  	[dreg:$0x1] =	wrdreg $0xFFFFFFFF  }
0xbc: {  	[dreg:$0x0] =	wrdreg $0x60  }
0xbd: {  	[dreg:$0x2] =	wrdreg s24  }
0xbe: {  	[dreg:$0x3] =	wrdreg s18  }
0xbf: {  	[dreg:$0x4] =	wrdreg $0xB9000  }
0xc0: {  	[dreg:$0x5] =	wrdreg $0xA  }
0xc1: {  	_ =	task.clear_ibuf [dreg:s22], $0x6FFFF;
	_ =	strace $0x90000049  }
0xc2: {  	s29 =	simm.s32 $0xA;
	_ =	strace $0x8000004B  }
0xc3: {  	_ =	swait.ge [sflag:s29], $0x1  }
0xc4: {  	[sflag:s29] =	ssyncadd.s32 $0xFFFFFFFF  }
0xc5: {  	_ =	strace $0x9000004B  }
0xc6: {  	_ =	sfence  }
0xc7: {  	s30 =	sld [smem:$0x0];
	_ =	sdelay $0x2  }
0xc8: {  	s31 =	sshll.u32 s1, $0xD;
	s1 =	sshrl.u32 s1, $0x2  }
0xc9: {  	s4 =	sand.u32 $0x4000, s31;
	s1 =	sadd.s32 s1, s30  }
0xca: {  	s0 =	sor.u32 s4, s0;
	s1 =	sshll.u32 s1, $0x11  }
0xcb: {  	s0 =	sor.u32 s1, s0  }
0xcc: {  	s0 =	sadd.s32 $0x8F2B, s0  }
0xcd: {  	[sflag:s0] =	ssyncadd.remote.s32 $0x1  }
0xce: {  	_ =	sfence.sel $0xFFFF  }
0xcf: {  	[dreg:$0x0] =	wrdreg $0xFFFFFFFF;
	(pc) =	sbr.abs _section_cstart, $3  }
0xd0: {  	[dreg:$0x1] =	wrdreg $0xFFFFFFFF  }
0xd1: {  	_ =	task.clear_ibuf [dreg:s22], $0x2FFFF;
	_ =	strace $0x9FFFFFFF  }
0xd2: {  	(tm) =	ssettm $0x7FFFFFFF  }
0xd3: {  	_ =	shalt  }
tec
execute0_lowered:
.L_overlay_start_1:
0x0: {  	(tag) =	ssettag $0x1  }
0x1: {  	s0 =	rddreg [dreg:$0x0]  }
0x2: {  	s2 =	rddreg [dreg:$0x1]  }
0x3: {  	s3 =	rddreg [dreg:$0x2]  }
0x4: {  	s1 =	stileid.u32;
	s6 =	srdreg.scid;
	s4 =	simm.s32 $0x0  }
0x5: {  	s17 =	simm.s32 $0x5;
	s19 =	simm.s32 $0x2900;
	s20 =	simm.s32 $0x80  }
0x6: {  	s21 =	simm.s32 $0x7900;
	s22 =	simm.s32 $0x1;
	s5 =	smul.u32 $0x2800, s1  }
0x7: {  	s23 =	simm.s32 $0x2;
	s24 =	simm.s32 $0x3;
	s9 =	smul.u32 $0x1F400, s1  }
0x8: {  	s26 =	simm.s32 $0x4;
	s28 =	simm.s32 $0x0;
	s10 =	smul.u32 $0x4F000, s1  }
0x9: {  	s14 =	sand.u32 $0x1, s6;
	[smem:$0x7FF] =	sst s4;
	s16 =	smul.u32 $0x7D000, s1  }
0xa: {  	s6 =	sadd.s32 $0x5A800, s0;
	p0 =	sgt.u32 s1, $0x9;
	s8 =	smul.u32 $0x138800, s14  }
0xb: {  	_ =	strace $0x8000004A;
	s31 =	ssub.s32 $0x2, s14;
	s18 =	smul.u32 $0x2710, s14  }
0xc: {  	s7 =	sshrl.u32 s5, $0x3;
	s10 =	sshrl.u32 s10, $0x2;
	s11 =	sshrl.u32 s31, $0x1  }
0xd: {  	s16 =	sshrl.u32 s16, $0x2;
	s13 =	sadd.s32 s7, s0;
	s8 =	sadd.s32 s9, s8  }
0xe: {  	s7 =	sadd.s32 $0x2DB000, s0;
	s15 =	ssub.s32 s31, s11;
	s8 =	sshrl.u32 s8, $0x3  }
0xf: {  	s13 =	sadd.s32 $0xA8A00, s13;
	s0 =	sadd.s32 s8, s0;
	s8 =	sadd.s32 s10, s3  }
0x10: {  	s15 =	smax.u32 s15, $0x1;
	s9 =	sadd.s32 $0x4000, s8;
	s10 =	sadd.s32 $0x8000, s8  }
0x11: {  	s11 =	sadd.s32 $0xC000, s8;
	s14 =	sadd.s32 $0xB2A00, s0;
	s0 =	sadd.s32 s16, s3  }
0x12: {  	v1 =	vimm.f32 $0.0e+00;
	v0 =	vmov s18;
	s12 =	sadd.s32 $0x10000, s8;
	s16 =	simm.s32 $0x3900;
	s25 =	sshrl.u32 @!p0 s0, $0x3  }
.LBB2_1:
0x13: {  	s0 =	simm.s32 $0x0;
	s18 =	simm.s32 $0x200  }
.LBB2_2:
0x14: {  	p1 =	sne.s32 s18, $0xFE00;
	[tilespmem:s0+$0x3970] =	vst v1  }
0x15: {  	[tilespmem:s0+$0x3900] =	vst v1  }
0x16: {  	[tilespmem:s0+$0x3910] =	vst v1  }
.Ltmp0:
0x17: {  	[tilespmem:s0+$0x3920] =	vst v1;
	(pc) =	sbr.rel @p1 .LBB2_2-.Ltmp0, $4  }
0x18: {  	[tilespmem:s0+$0x3930] =	vst v1  }
0x19: {  	[tilespmem:s0+$0x3940] =	vst v1  }
0x1a: {  	[tilespmem:s0+$0x3950] =	vst v1  }
0x1b: {  	[tilespmem:s0+$0x3960] =	vst v1;
	s0 =	sshra.s32 s18, $0x2;
	s18 =	sadd.s32 $0x200, s18  }
0x1c: {  	[tilespmem:s0+$0x3970] =	vst v1  }
0x1d: {  	[tilespmem:s0+$0x3900] =	vst v1  }
0x1e: {  	[tilespmem:s0+$0x3910] =	vst v1  }
0x1f: {  	[tilespmem:s0+$0x3920] =	vst v1  }
0x20: {  	[tilespmem:s0+$0x3930] =	vst v1  }
0x21: {  	[tilespmem:s0+$0x3940] =	vst v1  }
0x22: {  	[tilespmem:s0+$0x3950] =	vst v1  }
0x23: {  	[tilespmem:s0+$0x3960] =	vst v1  }
0x24: {  	[spmem:s8] =	stream.linear.scatter [tilespmem:s16], [sflag:$0x5], $0x4000, $0x38;
	[tilespmem:$0x1F500] =	vst v63  }
0x25: {  	_ =	swait.ge [sflag:s17], $0x4000  }
0x26: {  	[sflag:s17] =	ssyncset.done $0x0  }
0x27: {  	[sflag:s17] =	ssyncadd.s32 $0xFFFFC000  }
0x28: {  	[spmem:s9] =	stream.linear.scatter [tilespmem:s16], [sflag:$0x5], $0x4000, $0x38;
	[tilespmem:$0x1F500] =	vst v63  }
0x29: {  	_ =	swait.ge [sflag:s17], $0x4000  }
0x2a: {  	[sflag:s17] =	ssyncset.done $0x0  }
0x2b: {  	[sflag:s17] =	ssyncadd.s32 $0xFFFFC000  }
0x2c: {  	[spmem:s10] =	stream.linear.scatter [tilespmem:s16], [sflag:$0x5], $0x4000, $0x38;
	[tilespmem:$0x1F500] =	vst v63  }
0x2d: {  	_ =	swait.ge [sflag:s17], $0x4000  }
0x2e: {  	[sflag:s17] =	ssyncset.done $0x0  }
0x2f: {  	[sflag:s17] =	ssyncadd.s32 $0xFFFFC000  }
0x30: {  	[spmem:s11] =	stream.linear.scatter [tilespmem:s16], [sflag:$0x5], $0x4000, $0x38;
	[tilespmem:$0x1F500] =	vst v63  }
0x31: {  	_ =	swait.ge [sflag:s17], $0x4000  }
0x32: {  	[sflag:s17] =	ssyncset.done $0x0  }
0x33: {  	[sflag:s17] =	ssyncadd.s32 $0xFFFFC000  }
0x34: {  	[spmem:s12] =	stream.linear.scatter [tilespmem:s16], [sflag:$0x5], $0x3C00, $0x38;
	[tilespmem:$0x1F500] =	vst v63  }
0x35: {  	_ =	swait.ge [sflag:s17], $0x3C00  }
0x36: {  	[sflag:s17] =	ssyncset.done $0x0  }
0x37: {  	s31 =	simm.s32 $0x100;
	[sflag:s17] =	ssyncadd.s32 $0xFFFFC400  }
0x38: {  	[tilespmem:s31], [sflag:$0x5] =	stream.linear.gather [hbm4b:s13+s28], $0x2800, $0x38;
	[tilespmem:$0x1F500] =	vst v63  }
0x39: {  	_ =	swait.ge [sflag:s17], $0x2800  }
0x3a: {  	[sflag:s17] =	ssyncset.done $0x0  }
0x3b: {  	[sflag:s17] =	ssyncadd.s32 $0xFFFFD800  }
0x3c: {  	s29 =	simm.s32 $0x0;
	[bflag:$0x0] =	sbarrier.arrive $0xFFFF  }
.LBB2_4:
0x3d: {  	s30 =	sshll.u32 s29, $0x8  }
0x3e: {  	s0 =	sadd.s32 s5, s30  }
0x3f: {  	s18 =	sshrl.u32 s0, $0x3  }
0x40: {  	s18 =	sadd.s32 s2, s18  }
0x41: {  	[tilespmem:s28], [sflag:$0x5] =	stream.linear.gather [hbm4b:s18+s28], $0x100, $0x38;
	[tilespmem:$0x1F500] =	vst v63  }
0x42: {  	_ =	swait.ge [sflag:s17], $0x100  }
0x43: {  	s0 =	sshll.u32 s0, $0x1;
	[sflag:s17] =	ssyncset.done $0x0  }
0x44: {  	s0 =	sadd.s32 s7, s0;
	[sflag:s17] =	ssyncadd.s32 $0xFFFFFF00  }
0x45: {  	[tilespmem:s19], [sflag:$0x5] =	stream.linear.gather [hbm4b:s0+s28], $0x1000, $0x38;
	[tilespmem:$0x1F500] =	vst v63  }
0x46: {  	_ =	swait.ge [sflag:s17], $0x1000  }
0x47: {  	[sflag:s17] =	ssyncset.done $0x0  }
0x48: {  	[sflag:s17] =	ssyncadd.s32 $0xFFFFF000  }
0x49: {  	v2 =	vld [tilespmem:$0x0]  }
0x4a: {  	v3 =	vld [tilespmem:$0x10]  }
0x4b: {  	v4 =	vld [tilespmem:$0x20]  }
0x4c: {  	v5 =	vld [tilespmem:$0x30]  }
0x4d: {  	v6 =	vld [tilespmem:$0x40]  }
0x4e: {  	v7 =	vld [tilespmem:$0x50];
	v2 =	vadd.s32 v0, v2  }
0x4f: {  	[tilespmem:$0x0] =	vst v2;
	v2 =	vadd.s32 v0, v3;
	v3 =	vld [tilespmem:$0x60]  }
0x50: {  	[tilespmem:$0x10] =	vst v2;
	v2 =	vadd.s32 v0, v4;
	v4 =	vld [tilespmem:$0x70]  }
0x51: {  	[tilespmem:$0x20] =	vst v2;
	v2 =	vadd.s32 v0, v5;
	v5 =	vld [tilespmem:$0x80]  }
0x52: {  	[tilespmem:$0x30] =	vst v2;
	v2 =	vadd.s32 v0, v6;
	v6 =	vld [tilespmem:$0x90]  }
0x53: {  	[tilespmem:$0x40] =	vst v2;
	v2 =	vadd.s32 v0, v7;
	v7 =	vld [tilespmem:$0xA0]  }
0x54: {  	[tilespmem:$0x50] =	vst v2;
	v2 =	vadd.s32 v0, v3;
	v3 =	vld [tilespmem:$0xB0]  }
0x55: {  	[tilespmem:$0x60] =	vst v2;
	v2 =	vadd.s32 v0, v4;
	v4 =	vld [tilespmem:$0xC0]  }
0x56: {  	[tilespmem:$0x70] =	vst v2;
	v2 =	vadd.s32 v0, v5;
	v5 =	vld [tilespmem:$0xD0]  }
0x57: {  	[tilespmem:$0x80] =	vst v2;
	v2 =	vadd.s32 v0, v6;
	v6 =	vld [tilespmem:$0xE0]  }
0x58: {  	[tilespmem:$0x90] =	vst v2;
	v2 =	vadd.s32 v0, v7;
	v7 =	vld [tilespmem:$0xF0]  }
0x59: {  	[tilespmem:$0xA0] =	vst v2;
	v2 =	vadd.s32 v0, v3  }
0x5a: {  	[tilespmem:$0xB0] =	vst v2;
	v2 =	vadd.s32 v0, v4  }
0x5b: {  	[tilespmem:$0xC0] =	vst v2;
	v2 =	vadd.s32 v0, v5  }
0x5c: {  	[tilespmem:$0xD0] =	vst v2;
	v2 =	vadd.s32 v0, v6  }
0x5d: {  	[tilespmem:$0xE0] =	vst v2;
	v2 =	vadd.s32 v0, v7  }
0x5e: {  	[tilespmem:$0xF0] =	vst v2  }
0x5f: {  	[tilespmem:s16], [sflag:$0x1] =	stream.indirect.gather [hbm4b:s6+s20], $0x80, s28, s20, $0xb8;
	[tilespmem:$0x1F500] =	vst v63  }
0x60: {  	_ = 	snop  }
0x61: {  	[tilespmem:s21], [sflag:$0x2] =	stream.indirect.gather [hbm4b:s6+s20], $0x80, s20, s20, $0xb8;
	[tilespmem:$0x1F500] =	vst v63  }
0x62: {  	_ =	swait.ge [sflag:s22], $0x4000  }
0x63: {  	[sflag:s22] =	ssyncset.done $0x0  }
0x64: {  	s31 =	simm.s32 $0x3940;
	[sflag:s22] =	ssyncadd.s32 $0xFFFFC000  }
0x65: {  	v6 =	vld [tilespmem:s31+$0x30]  }
0x66: {  	v9 =	vld [tilespmem:s31+$0x10]  }
0x67: {  	s18 =	simm.s32 $0x0;
	v7 =	vld [tilespmem:s31+$0xFFFFFFC0]  }
0x68: {  	v3 =	vld [tilespmem:s18+$0x2900]  }
0x69: {  	v11 =	vld [tilespmem:s31+$0xFFFFFFE0]  }
0x6a: {  	v2 =	vld [tilespmem:s31+$0xFFFFFFF0]  }
0x6b: {  	v4 =	vld [tilespmem:s31+$0x20]  }
0x6c: {  	v5 =	vld [tilespmem:s31+$0xFFFFFFD0]  }
0x6d: {  	v10 =	vmul.f32 v6, v3;
	v6 =	vld [tilespmem:s31+$0x0]  }
0x6e: {  	v8 =	vmul.f32 v7, v3  }
0x6f: {  	s0 =	simm.s32 $0x40;
	s18 =	simm.s32 $0x3940;
	v7 =	vmul.f32 v11, v3;
	v9 =	vmul.f32 v9, v3  }
.LBB2_5:
0x70: {  	p1 =	sne.s32 s0, $0x1FC0  }
0x71: {  	v5 =	vmul.f32 v5, v3;
	v4 =	vmul.f32 v4, v3;
	[tilespmem:s31+$0x30] =	vst v10;
	s18 =	sadd.s32 $0x80, s18;
	s1 =	smov.u32 s0;
	s0 =	sadd.s32 $0x40, s0  }
0x72: {  	[tilespmem:s31+$0xFFFFFFC0] =	vst v8;
	v8 =	vmul.f32 v2, v3;
	v3 =	vmul.f32 v6, v3  }
0x73: {  	[tilespmem:s31+$0x10] =	vst v9  }
0x74: {  	v2 =	vld [tilespmem:s18+$0xFFFFFFF0];
	[tilespmem:s31+$0xFFFFFFE0] =	vst v7  }
0x75: {  	v7 =	vld [tilespmem:s18+$0x30];
	[tilespmem:s31+$0xFFFFFFF0] =	vst v8  }
0x76: {  	v9 =	vld [tilespmem:s18+$0x10];
	[tilespmem:s31+$0x0] =	vst v3  }
0x77: {  	v8 =	vld [tilespmem:s18+$0xFFFFFFC0];
	[tilespmem:s31+$0x20] =	vst v4  }
0x78: {  	s1 =	sshra.s32 s1, $0x2;
	v11 =	vld [tilespmem:s18+$0xFFFFFFE0];
	[tilespmem:s31+$0xFFFFFFD0] =	vst v5;
	s31 =	smov.u32 s18  }
0x79: {  	v3 =	vld [tilespmem:s1+$0x2900]  }
0x7a: {  	v4 =	vld [tilespmem:s18+$0x20]  }
.Ltmp1:
0x7b: {  	v5 =	vld [tilespmem:s18+$0xFFFFFFD0];
	(pc) =	sbr.rel @p1 .LBB2_5-.Ltmp1, $3  }
0x7c: {  	v6 =	vld [tilespmem:s18+$0x0];
	_ =	sdelay $0x1  }
0x7d: {  	v8 =	vmul.f32 v8, v3;
	v10 =	vmul.f32 v7, v3  }
0x7e: {  	v7 =	vmul.f32 v11, v3;
	v9 =	vmul.f32 v9, v3  }
0x7f: {  	[tilespmem:s31+$0x30] =	vst v10  }
0x80: {  	[tilespmem:s31+$0xFFFFFFC0] =	vst v8  }
0x81: {  	v2 =	vmul.f32 v2, v3;
	[tilespmem:s31+$0x10] =	vst v9  }
0x82: {  	v4 =	vmul.f32 v4, v3;
	[tilespmem:s31+$0xFFFFFFE0] =	vst v7  }
0x83: {  	v6 =	vmul.f32 v6, v3;
	[tilespmem:s31+$0xFFFFFFF0] =	vst v2  }
0x84: {  	v2 =	vmul.f32 v5, v3;
	[tilespmem:s31+$0x20] =	vst v4  }
0x85: {  	s30 =	sand.u32 $0x3FFFFF00, s30;
	[tilespmem:s31+$0x0] =	vst v6  }
0x86: {  	s0 =	sadd.s32 $0x100, s30;
	[tilespmem:s31+$0xFFFFFFD0] =	vst v2  }
0x87: {  	[spmem:s3] =	stream.indirect.scatter.add.f32 [tilespmem:s16], [sflag:$0x3], $0x80, s0, s20, $0xb8;
	[tilespmem:$0x1F500] =	vst v63  }
0x88: {  	_ =	swait.ge [sflag:s23], $0x4000  }
0x89: {  	[sflag:s23] =	ssyncset.done $0x0  }
0x8a: {  	s31 =	simm.s32 $0x7940;
	[sflag:s23] =	ssyncadd.s32 $0xFFFFC000  }
0x8b: {  	v6 =	vld [tilespmem:s31+$0x30]  }
0x8c: {  	s18 =	simm.s32 $0x0;
	v9 =	vld [tilespmem:s31+$0x10]  }
0x8d: {  	s0 =	sand.u32 $0x7F0, s18;
	v7 =	vld [tilespmem:s31+$0xFFFFFFC0]  }
0x8e: {  	v3 =	vld [tilespmem:s0+$0x3100]  }
0x8f: {  	v11 =	vld [tilespmem:s31+$0xFFFFFFE0]  }
0x90: {  	v2 =	vld [tilespmem:s31+$0xFFFFFFF0]  }
0x91: {  	v4 =	vld [tilespmem:s31+$0x20]  }
0x92: {  	v5 =	vld [tilespmem:s31+$0xFFFFFFD0]  }
0x93: {  	v10 =	vmul.f32 v6, v3;
	v6 =	vld [tilespmem:s31+$0x0]  }
0x94: {  	v8 =	vmul.f32 v7, v3  }
0x95: {  	s18 =	simm.s32 $0x7940;
	s0 =	simm.s32 $0x10;
	v7 =	vmul.f32 v11, v3;
	v9 =	vmul.f32 v9, v3  }
.LBB2_7:
0x96: {  	p1 =	sne.s32 s0, $0x7F0  }
0x97: {  	v5 =	vmul.f32 v5, v3;
	v4 =	vmul.f32 v4, v3;
	[tilespmem:s31+$0x30] =	vst v10;
	s18 =	sadd.s32 $0x80, s18;
	s1 =	smov.u32 s0;
	s0 =	sadd.s32 $0x10, s0  }
0x98: {  	[tilespmem:s31+$0xFFFFFFC0] =	vst v8;
	v8 =	vmul.f32 v2, v3;
	v3 =	vmul.f32 v6, v3  }
0x99: {  	[tilespmem:s31+$0x10] =	vst v9  }
0x9a: {  	v2 =	vld [tilespmem:s18+$0xFFFFFFF0];
	[tilespmem:s31+$0xFFFFFFE0] =	vst v7  }
0x9b: {  	v7 =	vld [tilespmem:s18+$0x30];
	[tilespmem:s31+$0xFFFFFFF0] =	vst v8  }
0x9c: {  	v9 =	vld [tilespmem:s18+$0x10];
	[tilespmem:s31+$0x0] =	vst v3  }
0x9d: {  	v8 =	vld [tilespmem:s18+$0xFFFFFFC0];
	[tilespmem:s31+$0x20] =	vst v4  }
0x9e: {  	s1 =	sand.u32 $0x7F0, s1;
	v11 =	vld [tilespmem:s18+$0xFFFFFFE0];
	[tilespmem:s31+$0xFFFFFFD0] =	vst v5;
	s31 =	smov.u32 s18  }
0x9f: {  	v3 =	vld [tilespmem:s1+$0x3100]  }
0xa0: {  	v4 =	vld [tilespmem:s18+$0x20]  }
.Ltmp2:
0xa1: {  	v5 =	vld [tilespmem:s18+$0xFFFFFFD0];
	(pc) =	sbr.rel @p1 .LBB2_7-.Ltmp2, $3  }
0xa2: {  	v6 =	vld [tilespmem:s18+$0x0];
	_ =	sdelay $0x1  }
0xa3: {  	v8 =	vmul.f32 v8, v3;
	v10 =	vmul.f32 v7, v3  }
0xa4: {  	v7 =	vmul.f32 v11, v3;
	v9 =	vmul.f32 v9, v3  }
0xa5: {  	[tilespmem:s31+$0x30] =	vst v10  }
0xa6: {  	[tilespmem:s31+$0xFFFFFFC0] =	vst v8  }
0xa7: {  	v2 =	vmul.f32 v2, v3;
	[tilespmem:s31+$0x10] =	vst v9  }
0xa8: {  	v4 =	vmul.f32 v4, v3;
	[tilespmem:s31+$0xFFFFFFE0] =	vst v7  }
0xa9: {  	v6 =	vmul.f32 v6, v3;
	[tilespmem:s31+$0xFFFFFFF0] =	vst v2  }
0xaa: {  	v2 =	vmul.f32 v5, v3;
	[tilespmem:s31+$0x20] =	vst v4  }
0xab: {  	[tilespmem:s31+$0x0] =	vst v6  }
0xac: {  	s0 =	sadd.s32 $0x180, s30;
	s29 =	sadd.s32 $0x1, s29;
	[tilespmem:s31+$0xFFFFFFD0] =	vst v2  }
0xad: {  	[spmem:s3] =	stream.indirect.scatter.add.f32 [tilespmem:s21], [sflag:$0x4], $0x80, s0, s20, $0xb8;
	[tilespmem:$0x1F500] =	vst v63  }
0xae: {  	p1 =	sne.s32 s29, $0x28;
	_ =	swait.ge [sflag:s24], $0x4000  }
.Ltmp3:
0xaf: {  	[sflag:s24] =	ssyncset.done $0x0;
	(pc) =	sbr.rel @p1 .LBB2_4-.Ltmp3, $4  }
0xb0: {  	[sflag:s24] =	ssyncadd.s32 $0xFFFFC000  }
0xb1: {  	_ =	swait.ge [sflag:s26], $0x4000  }
0xb2: {  	[sflag:s26] =	ssyncset.done $0x0  }
0xb3: {  	[sflag:s26] =	ssyncadd.s32 $0xFFFFC000  }
0xb4: {  	s0 =	stileid.u32  }
0xb5: {  	s4 =	sadd.s32 $0x1, s4;
	s0 =	sshll.u32 @!p0 s0, $0x6  }
0xb6: {  	[bflag:$0x0] =	sbarrier.arrive $0xFFFF;
	p1 =	sne.s32 s4, s15;
	s0 =	sor.u32 @!p0 $0x1C05, s0  }
0xb7: {  	[hbm:s14], [sflag:s0] =	dma.local @!p0 [spmem:s25], $0x3E80  }
.Ltmp4:
0xb8: {  	_ = 	snop;
	(pc) =	sbr.rel @p1 .LBB2_1-.Ltmp4, $4  }
0xb9: {  	s0 =	simm.s32 @!p0 $0x5  }
0xba: {  	_ =	swait.ge @!p0 [sflag:s0], $0x3E80  }
0xbb: {  	[sflag:s0] =	ssyncset.done @!p0 $0x0  }
0xbc: {  	[sflag:s0] =	ssyncadd.s32 @!p0 $0xFFFFC180  }
0xbd: {  	_ =	sfence.sel $0x180000  }
0xbe: {  	[bflag:$0x0] =	sbarrier.arrive $0xFFFF  }
0xbf: {  	_ =	strace $0x9000004A  }
0xc0: {  	s0 =	stileid.u32;
	[bflag:$0x2] =	sbarrier.arrive $0xFFFF  }
0xc1: {  	p0 =	sne.s32 s0, $0x0;
	s0 =	rddreg [dreg:$0x3]  }
0xc2: {  	s0 =	sadd.s32 @!p0 $0x100000, s0  }
0xc3: {  	[sflag:s0] =	ssyncadd.tile.s32 @!p0 $0x1;
	_ =	shalt  }
.Lfunc_end2:
_tile_overlayer_lowered:
.L_overlay_start_2:
0xc4: {  	(tag) =	ssettag $0x2  }
0xc5: {  	s0 =	rddreg [dreg:$0x0];
	s2 =	stileid.u32  }
0xc6: {  	s1 =	rddreg [dreg:$0x1];
	p0 =	sne.s32 s2, $0x0  }
0xc7: {  	s3 =	rddreg [dreg:$0x2];
	[bflag:$0x3] =	sbarrier.arrive $0xFFFF;
	s2 =	simm.s32 @!p0 $0x1C05  }
0xc8: {  	[timem:s3], [sflag:s2] =	dma.local @!p0 [hbm:s0], s1  }
0xc9: {  	s0 =	simm.s32 @!p0 $0x5  }
0xca: {  	_ =	swait.ge @!p0 [sflag:s0], s1  }
0xcb: {  	s1 =	ssub.s32 @!p0 $0x0, s1;
	[sflag:s0] =	ssyncset.done @!p0 $0x0  }
0xcc: {  	[sflag:s0] =	ssyncadd.s32 @!p0 s1  }
0xcd: {  	[bflag:$0x3] =	sbarrier.arrive $0xFFFF  }
0xce: {  	_ =	shalt  }

// kernel: kernel.19.cloned.1.call-start
scs
__scs_entry_jumppad:
0x0: {  	(pc) =	sbr.rel $0x88, $3  }
0x1: {  	(tag) =	ssettag $0x0;
	lr =	simm.s32 $0x1  }
0x2: {  	[smem:$0x3F80] =	sst lr;
	_ =	strace $0xD0000000  }
0x3: {  	_ = 	snop  }
0x4: {  	_ = 	snop  }
0x5: {  	_ = 	snop  }
0x6: {  	_ = 	snop  }
0x7: {  	_ = 	snop  }
__scs_overlays_trampoline_lowered:
0x8: {  	[smem:$0x3F8F] =	sst s0  }
0x9: {  	[smem:$0x3F90] =	sst s1  }
0xa: {  	[smem:$0x3F91] =	sst s2  }
0xb: {  	[smem:$0x3F92] =	sst s3  }
0xc: {  	[smem:$0x3F93] =	sst s4  }
0xd: {  	[smem:$0x3F94] =	sst s5  }
0xe: {  	[smem:$0x3F95] =	sst s6  }
0xf: {  	[smem:$0x3F96] =	sst s7  }
0x10: {  	[smem:$0x3F97] =	sst s8  }
0x11: {  	[smem:$0x3F98] =	sst s9;
	s0 =	simm.s32 @!p0 $0x0  }
0x12: {  	s1 =	sld [smem:$0x3F7E];
	s0 =	simm.s32 @p0 $0x1  }
0x13: {  	[smem:$0x3F99] =	sst s0;
	s0 =	simm.s32 @!p1 $0x0  }
0x14: {  	s2 =	sld [smem:$0x3F7D];
	s0 =	simm.s32 @p1 $0x1  }
0x15: {  	[smem:$0x3F9A] =	sst s0;
	s0 =	simm.s32 @!p2 $0x0  }
0x16: {  	s3 =	sld [smem:$0x3FDB];
	s0 =	simm.s32 @p2 $0x1  }
0x17: {  	s4 =	simm.s32 $0x1BF5;
	[smem:$0x3F9C] =	sst s0  }
0x18: {  	s0 =	sld [smem:$0x3F7F];
	_ =	swait.ge [sflag:s4], $0x0  }
0x19: {  	s7 =	sld [smem:$0x3F80]  }
0x1a: {  	s8 =	sadd.s32 $0xFFFFE003, lr  }
0x1b: {  	s9 =	sadd.s32 $0xFFFFFEF7, lr;
	s5 =	simm.s32 $0xFFFFFFFF;
	p2 =	slt.u32 s8, $0xFFFFF086  }
0x1c: {  	p1 =	slt.u32 s9, $0xF7A;
	s5 =	simm.s32 @!p2 $0x0  }
0x1d: {  	s5 =	simm.s32 @p1 $0x1;
	p0 =	seq.s32 s7, s2  }
0x1e: {  	s7 =	smul.u32 @!p0 $0xF7A, s2;
	p2 =	seq.s32 @!p0 s5, $0x0  }
0x1f: {  	s9 =	smul.u32 $0xF7A, s1;
	s8 =	simm.s32 @!p0 $0x1BF5;
	p2 =	por !p2, p0  }
0x20: {  	[sflag:s8] =	ssyncset.s32 @!p0 $0xFFFFF086;
	s6 =	sadd.s32 @!p0 s3, s7;
	s7 =	simm.s32 @!p0 $0x108  }
0x21: {  	s3 =	sadd.s32 s3, s9;
	s6 =	sadd.s32 @!p0 $0x88, s6;
	s7 =	simm.s32 @p2 $0x1082  }
0x22: {  	[simem:s7], [sflag:s8] =	dma.local @!p0 [hbm:s6], $0xF7A  }
0x23: {  	s9 =	sor.u32 $0xD0000000, s2;
	s6 =	simm.s32 $0x108;
	_ =	swait.ge @!p0 [sflag:s8], $0x0  }
0x24: {  	s3 =	sadd.s32 $0x88, s3;
	s6 =	simm.s32 @!p1 $0x1082;
	[sflag:s4] =	ssyncset.s32 $0xFFFFF086  }
0x25: {  	[simem:s6], [sflag:s4] =	dma.local [hbm:s3], $0xF7A  }
0x26: {  	[smem:$0x3F80] =	sst s1;
	(tag) =	ssettag s2;
	_ =	strace s9  }
0x27: {  	s1 =	sld [smem:$0x3F90]  }
0x28: {  	s2 =	sld [smem:$0x3F91]  }
0x29: {  	s4 =	sld [smem:$0x3F93]  }
0x2a: {  	p0 =	seq.s32 s5, $0x0;
	s5 =	sld [smem:$0x3F94]  }
0x2b: {  	s6 =	sld [smem:$0x3F95]  }
0x2c: {  	s7 =	sld [smem:$0x3F96]  }
0x2d: {  	s3 =	simm.s32 $0x108;
	s8 =	sld [smem:$0x3F97]  }
0x2e: {  	s3 =	simm.s32 @!p0 $0x1082;
	s9 =	sld [smem:$0x3F98]  }
0x2f: {  	lr =	sadd.s32 s0, s3;
	s0 =	sld [smem:$0x3F8F]  }
0x30: {  	s3 =	sld [smem:$0x3F92]  }
0x31: {  	[smem:$0x3F9B] =	sst s10  }
0x32: {  	s10 =	sld [smem:$0x3F99];
	_ =	sdelay $0x3  }
0x33: {  	p0 =	seq.s32 s10, $0x1;
	s10 =	sld [smem:$0x3F9B];
	_ =	sdelay $0x3  }
0x34: {  	[smem:$0x3F9B] =	sst s10  }
0x35: {  	s10 =	sld [smem:$0x3F9A];
	_ =	sdelay $0x3  }
0x36: {  	p1 =	seq.s32 s10, $0x1;
	s10 =	sld [smem:$0x3F9B];
	_ =	sdelay $0x3  }
0x37: {  	[smem:$0x3F9B] =	sst s10  }
0x38: {  	s10 =	sld [smem:$0x3F9C]  }
0x39: {  	_ = 	snop;
	(pc) =	sbr.ind lr, $3  }
0x3a: {  	_ = 	snop  }
0x3b: {  	_ = 	snop  }
0x3c: {  	p2 =	seq.s32 s10, $0x1;
	s10 =	sld [smem:$0x3F9B]  }
0x3d: {  	_ =	shalt  }
0x3e: {  	_ =	shalt  }
0x3f: {  	_ =	shalt  }
0x40: {  	_ =	shalt  }
0x41: {  	_ =	shalt  }
0x42: {  	_ =	shalt  }
0x43: {  	_ =	shalt  }
0x44: {  	_ =	shalt  }
0x45: {  	_ =	shalt  }
0x46: {  	_ =	shalt  }
0x47: {  	_ =	shalt  }
0x48: {  	_ =	shalt  }
0x49: {  	_ =	shalt  }
0x4a: {  	_ =	shalt  }
0x4b: {  	_ =	shalt  }
0x4c: {  	_ =	shalt  }
0x4d: {  	_ =	shalt  }
0x4e: {  	_ =	shalt  }
0x4f: {  	_ =	shalt  }
0x50: {  	_ =	shalt  }
0x51: {  	_ =	shalt  }
0x52: {  	_ =	shalt  }
0x53: {  	_ =	shalt  }
0x54: {  	_ =	shalt  }
0x55: {  	_ =	shalt  }
0x56: {  	_ =	shalt  }
0x57: {  	_ =	shalt  }
0x58: {  	_ =	shalt  }
0x59: {  	_ =	shalt  }
0x5a: {  	_ =	shalt  }
0x5b: {  	_ =	shalt  }
0x5c: {  	_ =	shalt  }
0x5d: {  	_ =	shalt  }
0x5e: {  	_ =	shalt  }
0x5f: {  	_ =	shalt  }
0x60: {  	_ =	shalt  }
0x61: {  	_ =	shalt  }
0x62: {  	_ =	shalt  }
0x63: {  	_ =	shalt  }
0x64: {  	_ =	shalt  }
0x65: {  	_ =	shalt  }
0x66: {  	_ =	shalt  }
0x67: {  	_ =	shalt  }
0x68: {  	_ =	shalt  }
0x69: {  	_ =	shalt  }
0x6a: {  	_ =	shalt  }
0x6b: {  	_ =	shalt  }
0x6c: {  	_ =	shalt  }
0x6d: {  	_ =	shalt  }
0x6e: {  	_ =	shalt  }
0x6f: {  	_ =	shalt  }
0x70: {  	_ =	shalt  }
0x71: {  	_ =	shalt  }
0x72: {  	_ =	shalt  }
0x73: {  	_ =	shalt  }
0x74: {  	_ =	shalt  }
0x75: {  	_ =	shalt  }
0x76: {  	_ =	shalt  }
0x77: {  	_ =	shalt  }
0x78: {  	_ =	shalt  }
0x79: {  	_ =	shalt  }
0x7a: {  	_ =	shalt  }
0x7b: {  	_ =	shalt  }
0x7c: {  	_ =	shalt  }
0x7d: {  	_ =	shalt  }
0x7e: {  	_ =	shalt  }
0x7f: {  	_ =	shalt  }
0x80: {  	_ =	shalt  }
0x81: {  	_ =	shalt  }
0x82: {  	_ =	shalt  }
0x83: {  	_ =	shalt  }
0x84: {  	_ =	shalt  }
0x85: {  	_ =	shalt  }
0x86: {  	_ =	shalt  }
0x87: {  	_ =	shalt  }
.Lfunc_end0:
.L_simem_size_0:
called_computation.2_lowered:
.L_overlay_start_0:
0x88: {  	s2 =	sld [smem:$0x3FD9]  }
0x89: {  	s3 =	sld [smem:$0x3FFE];
	_ =	sdelay $0x1  }
0x8a: {  	s1 =	srdreg.scid  }
0x8b: {  	s0 =	sand.u32 $0x1, s1  }
0x8c: {  	s17 =	sshll.u32 s0, $0xA;
	s2 =	sadd.s32 s3, s2  }
0x8d: {  	s2 =	sadd.s32 s2, s17  }
0x8e: {  	[smem:$0x3FA7] =	sst s2  }
0x8f: {  	_ = 	snop  }
0x90: {  	s2 =	sld [smem:$0x3FD0];
	(tm) =	ssettm $0x1  }
0x91: {  	s18 =	sld [smem:$0x3FFB];
	_ =	sdelay $0x3  }
0x92: {  	_ =	strace s18  }
0x93: {  	s3 =	sld [smem:$0x3FFC];
	_ =	sdelay $0x3  }
0x94: {  	_ =	strace s3  }
0x95: {  	s3 =	sld [smem:$0x3FFD];
	_ =	sdelay $0x3  }
0x96: {  	_ =	strace s3  }
0x97: {  	_ =	strace $0x8FFFFFFF  }
0x98: {  	s19 =	sld [smem:$0x3FDB];
	_ =	sdelay $0x1  }
0x99: {  	s4 =	simm.s32 $_scs_section_size  }
0x9a: {  	s5 =	simm.s32 $_size__tile_overlayer_lowered;
	s6 =	simm.s32 $_tile_overlayer_lowered  }
0x9b: {  	s22 =	simm.s32 $0x1BFF;
	s21 =	sshll.u32 s6, $0x1;
	s3 =	sadd.s32 s4, s19  }
0x9c: {  	s7 =	simm.s32 $0x0;
	s20 =	sshll.u32 s5, $0x1;
	s5 =	sadd.s32 s21, s3  }
0x9d: {  	[timem:s7], [sflag:s22] =	dma.local [hbm:s5], s20  }
0x9e: {  	_ =	swait.ge [sflag:s22], s20  }
0x9f: {  	s4 =	ssub.s32 $0x0, s20;
	[sflag:s22] =	ssyncset.done $0x0  }
0xa0: {  	[sflag:s22] =	ssyncadd.s32 s4;
	_ =	sdelay $0x1  }
0xa1: {  	s23 =	simm.s32 $0x1B8B  }
0xa2: {  	_ =	swait.ge [sflag:s23], $0x1  }
0xa3: {  	[sflag:s23] =	ssyncset.done $0x0  }
0xa4: {  	s25 =	simm.s32 $0x1B8E;
	s24 =	sld [smem:$0x3FFE];
	[sflag:s23] =	ssyncadd.s32 $0xFFFFFFFF  }
0xa5: {  	s26 =	simm.s32 $execute0_lowered;
	[smem:$0x3FD2] =	sst s25  }
0xa6: {  	s5 =	sshll.u32 s26, $0x1;
	_ =	strace $0x8000004C;
	[dreg:$0x1] =	wrdreg $0xFFFFFFFF  }
0xa7: {  	s28 =	simm.s32 $_size_execute0_lowered;
	s3 =	sadd.s32 s3, s5;
	[dreg:$0x0] =	wrdreg $0x0  }
0xa8: {  	s5 =	sshll.u32 s28, $0x1;
	[dreg:$0x2] =	wrdreg s3  }
0xa9: {  	[dreg:$0x3] =	wrdreg s5  }
0xaa: {  	[dreg:$0x4] =	wrdreg $0xC0  }
0xab: {  	_ =	task [dreg:s7], $0x5FFFF  }
0xac: {  	[dreg:$0x1] =	wrdreg $0xFFFFFFFF  }
0xad: {  	[dreg:$0x0] =	wrdreg $0x60  }
0xae: {  	[dreg:$0x2] =	wrdreg s24  }
0xaf: {  	[dreg:$0x3] =	wrdreg s2  }
0xb0: {  	[dreg:$0x4] =	wrdreg $0xB9000  }
0xb1: {  	[dreg:$0x5] =	wrdreg $0x9  }
0xb2: {  	_ =	task.clear_ibuf [dreg:s7], $0x6FFFF;
	_ =	strace $0x9000004C  }
0xb3: {  	s29 =	simm.s32 $0x9;
	_ =	strace $0x8000004E  }
0xb4: {  	_ =	swait.ge [sflag:s29], $0x1  }
0xb5: {  	[sflag:s29] =	ssyncadd.s32 $0xFFFFFFFF  }
0xb6: {  	_ =	strace $0x9000004E  }
0xb7: {  	_ =	sfence  }
0xb8: {  	s30 =	sld [smem:$0x0];
	_ =	sdelay $0x2  }
0xb9: {  	s31 =	sshll.u32 s1, $0xD;
	s1 =	sshrl.u32 s1, $0x2  }
0xba: {  	s3 =	sand.u32 $0x4000, s31;
	s1 =	sadd.s32 s1, s30  }
0xbb: {  	s0 =	sor.u32 s3, s0;
	s1 =	sshll.u32 s1, $0x11  }
0xbc: {  	s0 =	sor.u32 s1, s0  }
0xbd: {  	s0 =	sadd.s32 $0x8F2B, s0  }
0xbe: {  	[sflag:s0] =	ssyncadd.remote.s32 $0x1  }
0xbf: {  	_ =	sfence.sel $0xFFFF  }
0xc0: {  	[dreg:$0x0] =	wrdreg $0xFFFFFFFF;
	(pc) =	sbr.abs _section_cstart, $3  }
0xc1: {  	[dreg:$0x1] =	wrdreg $0xFFFFFFFF  }
0xc2: {  	_ =	task.clear_ibuf [dreg:s7], $0x2FFFF;
	_ =	strace $0x9FFFFFFF  }
0xc3: {  	(tm) =	ssettm $0x7FFFFFFF  }
tec
execute0_lowered:
.L_overlay_start_1:
0x0: {  	(tag) =	ssettag $0x1  }
0x1: {  	s0 =	rddreg [dreg:$0x0]  }
0x2: {  	s2 =	rddreg [dreg:$0x1]  }
0x3: {  	s3 =	rddreg [dreg:$0x2]  }
0x4: {  	s1 =	stileid.u32;
	s6 =	srdreg.scid;
	s4 =	simm.s32 $0x0  }
0x5: {  	s17 =	simm.s32 $0x5;
	s19 =	simm.s32 $0x2900;
	s20 =	simm.s32 $0x80  }
0x6: {  	s21 =	simm.s32 $0x7900;
	s22 =	simm.s32 $0x1;
	s5 =	smul.u32 $0x2800, s1  }
0x7: {  	s23 =	simm.s32 $0x2;
	s24 =	simm.s32 $0x3;
	s9 =	smul.u32 $0x1F400, s1  }
0x8: {  	s26 =	simm.s32 $0x4;
	s28 =	simm.s32 $0x0;
	s10 =	smul.u32 $0x4F000, s1  }
0x9: {  	s14 =	sand.u32 $0x1, s6;
	[smem:$0x7FF] =	sst s4;
	s16 =	smul.u32 $0x7D000, s1  }
0xa: {  	s6 =	sadd.s32 $0x5A800, s0;
	p0 =	sgt.u32 s1, $0x9;
	s8 =	smul.u32 $0x138800, s14  }
0xb: {  	_ =	strace $0x8000004D;
	s31 =	ssub.s32 $0x2, s14;
	s18 =	smul.u32 $0x2710, s14  }
0xc: {  	s7 =	sshrl.u32 s5, $0x3;
	s10 =	sshrl.u32 s10, $0x2;
	s11 =	sshrl.u32 s31, $0x1  }
0xd: {  	s16 =	sshrl.u32 s16, $0x2;
	s13 =	sadd.s32 s7, s0;
	s8 =	sadd.s32 s9, s8  }
0xe: {  	s7 =	sadd.s32 $0x2DB000, s0;
	s15 =	ssub.s32 s31, s11;
	s8 =	sshrl.u32 s8, $0x3  }
0xf: {  	s13 =	sadd.s32 $0xA8A00, s13;
	s0 =	sadd.s32 s8, s0;
	s8 =	sadd.s32 s10, s3  }
0x10: {  	s15 =	smax.u32 s15, $0x1;
	s9 =	sadd.s32 $0x4000, s8;
	s10 =	sadd.s32 $0x8000, s8  }
0x11: {  	s11 =	sadd.s32 $0xC000, s8;
	s14 =	sadd.s32 $0xB2A00, s0;
	s0 =	sadd.s32 s16, s3  }
0x12: {  	v1 =	vimm.f32 $0.0e+00;
	v0 =	vmov s18;
	s12 =	sadd.s32 $0x10000, s8;
	s16 =	simm.s32 $0x3900;
	s25 =	sshrl.u32 @!p0 s0, $0x3  }
.LBB2_1:
0x13: {  	s0 =	simm.s32 $0x0;
	s18 =	simm.s32 $0x200  }
.LBB2_2:
0x14: {  	p1 =	sne.s32 s18, $0xFE00;
	[tilespmem:s0+$0x3970] =	vst v1  }
0x15: {  	[tilespmem:s0+$0x3900] =	vst v1  }
0x16: {  	[tilespmem:s0+$0x3910] =	vst v1  }
.Ltmp0:
0x17: {  	[tilespmem:s0+$0x3920] =	vst v1;
	(pc) =	sbr.rel @p1 .LBB2_2-.Ltmp0, $4  }
0x18: {  	[tilespmem:s0+$0x3930] =	vst v1  }
0x19: {  	[tilespmem:s0+$0x3940] =	vst v1  }
0x1a: {  	[tilespmem:s0+$0x3950] =	vst v1  }
0x1b: {  	[tilespmem:s0+$0x3960] =	vst v1;
	s0 =	sshra.s32 s18, $0x2;
	s18 =	sadd.s32 $0x200, s18  }
0x1c: {  	[tilespmem:s0+$0x3970] =	vst v1  }
0x1d: {  	[tilespmem:s0+$0x3900] =	vst v1  }
0x1e: {  	[tilespmem:s0+$0x3910] =	vst v1  }
0x1f: {  	[tilespmem:s0+$0x3920] =	vst v1  }
0x20: {  	[tilespmem:s0+$0x3930] =	vst v1  }
0x21: {  	[tilespmem:s0+$0x3940] =	vst v1  }
0x22: {  	[tilespmem:s0+$0x3950] =	vst v1  }
0x23: {  	[tilespmem:s0+$0x3960] =	vst v1  }
0x24: {  	[spmem:s8] =	stream.linear.scatter [tilespmem:s16], [sflag:$0x5], $0x4000, $0x38;
	[tilespmem:$0x1F500] =	vst v63  }
0x25: {  	_ =	swait.ge [sflag:s17], $0x4000  }
0x26: {  	[sflag:s17] =	ssyncset.done $0x0  }
0x27: {  	[sflag:s17] =	ssyncadd.s32 $0xFFFFC000  }
0x28: {  	[spmem:s9] =	stream.linear.scatter [tilespmem:s16], [sflag:$0x5], $0x4000, $0x38;
	[tilespmem:$0x1F500] =	vst v63  }
0x29: {  	_ =	swait.ge [sflag:s17], $0x4000  }
0x2a: {  	[sflag:s17] =	ssyncset.done $0x0  }
0x2b: {  	[sflag:s17] =	ssyncadd.s32 $0xFFFFC000  }
0x2c: {  	[spmem:s10] =	stream.linear.scatter [tilespmem:s16], [sflag:$0x5], $0x4000, $0x38;
	[tilespmem:$0x1F500] =	vst v63  }
0x2d: {  	_ =	swait.ge [sflag:s17], $0x4000  }
0x2e: {  	[sflag:s17] =	ssyncset.done $0x0  }
0x2f: {  	[sflag:s17] =	ssyncadd.s32 $0xFFFFC000  }
0x30: {  	[spmem:s11] =	stream.linear.scatter [tilespmem:s16], [sflag:$0x5], $0x4000, $0x38;
	[tilespmem:$0x1F500] =	vst v63  }
0x31: {  	_ =	swait.ge [sflag:s17], $0x4000  }
0x32: {  	[sflag:s17] =	ssyncset.done $0x0  }
0x33: {  	[sflag:s17] =	ssyncadd.s32 $0xFFFFC000  }
0x34: {  	[spmem:s12] =	stream.linear.scatter [tilespmem:s16], [sflag:$0x5], $0x3C00, $0x38;
	[tilespmem:$0x1F500] =	vst v63  }
0x35: {  	_ =	swait.ge [sflag:s17], $0x3C00  }
0x36: {  	[sflag:s17] =	ssyncset.done $0x0  }
0x37: {  	s31 =	simm.s32 $0x100;
	[sflag:s17] =	ssyncadd.s32 $0xFFFFC400  }
0x38: {  	[tilespmem:s31], [sflag:$0x5] =	stream.linear.gather [hbm4b:s13+s28], $0x2800, $0x38;
	[tilespmem:$0x1F500] =	vst v63  }
0x39: {  	_ =	swait.ge [sflag:s17], $0x2800  }
0x3a: {  	[sflag:s17] =	ssyncset.done $0x0  }
0x3b: {  	[sflag:s17] =	ssyncadd.s32 $0xFFFFD800  }
0x3c: {  	s29 =	simm.s32 $0x0;
	[bflag:$0x0] =	sbarrier.arrive $0xFFFF  }
.LBB2_4:
0x3d: {  	s30 =	sshll.u32 s29, $0x8  }
0x3e: {  	s0 =	sadd.s32 s5, s30  }
0x3f: {  	s18 =	sshrl.u32 s0, $0x3  }
0x40: {  	s18 =	sadd.s32 s2, s18  }
0x41: {  	[tilespmem:s28], [sflag:$0x5] =	stream.linear.gather [hbm4b:s18+s28], $0x100, $0x38;
	[tilespmem:$0x1F500] =	vst v63  }
0x42: {  	_ =	swait.ge [sflag:s17], $0x100  }
0x43: {  	s0 =	sshll.u32 s0, $0x1;
	[sflag:s17] =	ssyncset.done $0x0  }
0x44: {  	s0 =	sadd.s32 s7, s0;
	[sflag:s17] =	ssyncadd.s32 $0xFFFFFF00  }
0x45: {  	[tilespmem:s19], [sflag:$0x5] =	stream.linear.gather [hbm4b:s0+s28], $0x1000, $0x38;
	[tilespmem:$0x1F500] =	vst v63  }
0x46: {  	_ =	swait.ge [sflag:s17], $0x1000  }
0x47: {  	[sflag:s17] =	ssyncset.done $0x0  }
0x48: {  	[sflag:s17] =	ssyncadd.s32 $0xFFFFF000  }
0x49: {  	v2 =	vld [tilespmem:$0x0]  }
0x4a: {  	v3 =	vld [tilespmem:$0x10]  }
0x4b: {  	v4 =	vld [tilespmem:$0x20]  }
0x4c: {  	v5 =	vld [tilespmem:$0x30]  }
0x4d: {  	v6 =	vld [tilespmem:$0x40]  }
0x4e: {  	v7 =	vld [tilespmem:$0x50];
	v2 =	vadd.s32 v0, v2  }
0x4f: {  	[tilespmem:$0x0] =	vst v2;
	v2 =	vadd.s32 v0, v3;
	v3 =	vld [tilespmem:$0x60]  }
0x50: {  	[tilespmem:$0x10] =	vst v2;
	v2 =	vadd.s32 v0, v4;
	v4 =	vld [tilespmem:$0x70]  }
0x51: {  	[tilespmem:$0x20] =	vst v2;
	v2 =	vadd.s32 v0, v5;
	v5 =	vld [tilespmem:$0x80]  }
0x52: {  	[tilespmem:$0x30] =	vst v2;
	v2 =	vadd.s32 v0, v6;
	v6 =	vld [tilespmem:$0x90]  }
0x53: {  	[tilespmem:$0x40] =	vst v2;
	v2 =	vadd.s32 v0, v7;
	v7 =	vld [tilespmem:$0xA0]  }
0x54: {  	[tilespmem:$0x50] =	vst v2;
	v2 =	vadd.s32 v0, v3;
	v3 =	vld [tilespmem:$0xB0]  }
0x55: {  	[tilespmem:$0x60] =	vst v2;
	v2 =	vadd.s32 v0, v4;
	v4 =	vld [tilespmem:$0xC0]  }
0x56: {  	[tilespmem:$0x70] =	vst v2;
	v2 =	vadd.s32 v0, v5;
	v5 =	vld [tilespmem:$0xD0]  }
0x57: {  	[tilespmem:$0x80] =	vst v2;
	v2 =	vadd.s32 v0, v6;
	v6 =	vld [tilespmem:$0xE0]  }
0x58: {  	[tilespmem:$0x90] =	vst v2;
	v2 =	vadd.s32 v0, v7;
	v7 =	vld [tilespmem:$0xF0]  }
0x59: {  	[tilespmem:$0xA0] =	vst v2;
	v2 =	vadd.s32 v0, v3  }
0x5a: {  	[tilespmem:$0xB0] =	vst v2;
	v2 =	vadd.s32 v0, v4  }
0x5b: {  	[tilespmem:$0xC0] =	vst v2;
	v2 =	vadd.s32 v0, v5  }
0x5c: {  	[tilespmem:$0xD0] =	vst v2;
	v2 =	vadd.s32 v0, v6  }
0x5d: {  	[tilespmem:$0xE0] =	vst v2;
	v2 =	vadd.s32 v0, v7  }
0x5e: {  	[tilespmem:$0xF0] =	vst v2  }
0x5f: {  	[tilespmem:s16], [sflag:$0x1] =	stream.indirect.gather [hbm4b:s6+s20], $0x80, s28, s20, $0xb8;
	[tilespmem:$0x1F500] =	vst v63  }
0x60: {  	_ = 	snop  }
0x61: {  	[tilespmem:s21], [sflag:$0x2] =	stream.indirect.gather [hbm4b:s6+s20], $0x80, s20, s20, $0xb8;
	[tilespmem:$0x1F500] =	vst v63  }
0x62: {  	_ =	swait.ge [sflag:s22], $0x4000  }
0x63: {  	[sflag:s22] =	ssyncset.done $0x0  }
0x64: {  	s31 =	simm.s32 $0x3940;
	[sflag:s22] =	ssyncadd.s32 $0xFFFFC000  }
0x65: {  	v6 =	vld [tilespmem:s31+$0x30]  }
0x66: {  	v9 =	vld [tilespmem:s31+$0x10]  }
0x67: {  	s18 =	simm.s32 $0x0;
	v7 =	vld [tilespmem:s31+$0xFFFFFFC0]  }
0x68: {  	v3 =	vld [tilespmem:s18+$0x2900]  }
0x69: {  	v11 =	vld [tilespmem:s31+$0xFFFFFFE0]  }
0x6a: {  	v2 =	vld [tilespmem:s31+$0xFFFFFFF0]  }
0x6b: {  	v4 =	vld [tilespmem:s31+$0x20]  }
0x6c: {  	v5 =	vld [tilespmem:s31+$0xFFFFFFD0]  }
0x6d: {  	v10 =	vmul.f32 v6, v3;
	v6 =	vld [tilespmem:s31+$0x0]  }
0x6e: {  	v8 =	vmul.f32 v7, v3  }
0x6f: {  	s0 =	simm.s32 $0x40;
	s18 =	simm.s32 $0x3940;
	v7 =	vmul.f32 v11, v3;
	v9 =	vmul.f32 v9, v3  }
.LBB2_5:
0x70: {  	p1 =	sne.s32 s0, $0x1FC0  }
0x71: {  	v5 =	vmul.f32 v5, v3;
	v4 =	vmul.f32 v4, v3;
	[tilespmem:s31+$0x30] =	vst v10;
	s18 =	sadd.s32 $0x80, s18;
	s1 =	smov.u32 s0;
	s0 =	sadd.s32 $0x40, s0  }
0x72: {  	[tilespmem:s31+$0xFFFFFFC0] =	vst v8;
	v8 =	vmul.f32 v2, v3;
	v3 =	vmul.f32 v6, v3  }
0x73: {  	[tilespmem:s31+$0x10] =	vst v9  }
0x74: {  	v2 =	vld [tilespmem:s18+$0xFFFFFFF0];
	[tilespmem:s31+$0xFFFFFFE0] =	vst v7  }
0x75: {  	v7 =	vld [tilespmem:s18+$0x30];
	[tilespmem:s31+$0xFFFFFFF0] =	vst v8  }
0x76: {  	v9 =	vld [tilespmem:s18+$0x10];
	[tilespmem:s31+$0x0] =	vst v3  }
0x77: {  	v8 =	vld [tilespmem:s18+$0xFFFFFFC0];
	[tilespmem:s31+$0x20] =	vst v4  }
0x78: {  	s1 =	sshra.s32 s1, $0x2;
	v11 =	vld [tilespmem:s18+$0xFFFFFFE0];
	[tilespmem:s31+$0xFFFFFFD0] =	vst v5;
	s31 =	smov.u32 s18  }
0x79: {  	v3 =	vld [tilespmem:s1+$0x2900]  }
0x7a: {  	v4 =	vld [tilespmem:s18+$0x20]  }
.Ltmp1:
0x7b: {  	v5 =	vld [tilespmem:s18+$0xFFFFFFD0];
	(pc) =	sbr.rel @p1 .LBB2_5-.Ltmp1, $3  }
0x7c: {  	v6 =	vld [tilespmem:s18+$0x0];
	_ =	sdelay $0x1  }
0x7d: {  	v8 =	vmul.f32 v8, v3;
	v10 =	vmul.f32 v7, v3  }
0x7e: {  	v7 =	vmul.f32 v11, v3;
	v9 =	vmul.f32 v9, v3  }
0x7f: {  	[tilespmem:s31+$0x30] =	vst v10  }
0x80: {  	[tilespmem:s31+$0xFFFFFFC0] =	vst v8  }
0x81: {  	v2 =	vmul.f32 v2, v3;
	[tilespmem:s31+$0x10] =	vst v9  }
0x82: {  	v4 =	vmul.f32 v4, v3;
	[tilespmem:s31+$0xFFFFFFE0] =	vst v7  }
0x83: {  	v6 =	vmul.f32 v6, v3;
	[tilespmem:s31+$0xFFFFFFF0] =	vst v2  }
0x84: {  	v2 =	vmul.f32 v5, v3;
	[tilespmem:s31+$0x20] =	vst v4  }
0x85: {  	s30 =	sand.u32 $0x3FFFFF00, s30;
	[tilespmem:s31+$0x0] =	vst v6  }
0x86: {  	s0 =	sadd.s32 $0x100, s30;
	[tilespmem:s31+$0xFFFFFFD0] =	vst v2  }
0x87: {  	[spmem:s3] =	stream.indirect.scatter.add.f32 [tilespmem:s16], [sflag:$0x3], $0x80, s0, s20, $0xb8;
	[tilespmem:$0x1F500] =	vst v63  }
0x88: {  	_ =	swait.ge [sflag:s23], $0x4000  }
0x89: {  	[sflag:s23] =	ssyncset.done $0x0  }
0x8a: {  	s31 =	simm.s32 $0x7940;
	[sflag:s23] =	ssyncadd.s32 $0xFFFFC000  }
0x8b: {  	v6 =	vld [tilespmem:s31+$0x30]  }
0x8c: {  	s18 =	simm.s32 $0x0;
	v9 =	vld [tilespmem:s31+$0x10]  }
0x8d: {  	s0 =	sand.u32 $0x7F0, s18;
	v7 =	vld [tilespmem:s31+$0xFFFFFFC0]  }
0x8e: {  	v3 =	vld [tilespmem:s0+$0x3100]  }
0x8f: {  	v11 =	vld [tilespmem:s31+$0xFFFFFFE0]  }
0x90: {  	v2 =	vld [tilespmem:s31+$0xFFFFFFF0]  }
0x91: {  	v4 =	vld [tilespmem:s31+$0x20]  }
0x92: {  	v5 =	vld [tilespmem:s31+$0xFFFFFFD0]  }
0x93: {  	v10 =	vmul.f32 v6, v3;
	v6 =	vld [tilespmem:s31+$0x0]  }
0x94: {  	v8 =	vmul.f32 v7, v3  }
0x95: {  	s18 =	simm.s32 $0x7940;
	s0 =	simm.s32 $0x10;
	v7 =	vmul.f32 v11, v3;
	v9 =	vmul.f32 v9, v3  }
.LBB2_7:
0x96: {  	p1 =	sne.s32 s0, $0x7F0  }
0x97: {  	v5 =	vmul.f32 v5, v3;
	v4 =	vmul.f32 v4, v3;
	[tilespmem:s31+$0x30] =	vst v10;
	s18 =	sadd.s32 $0x80, s18;
	s1 =	smov.u32 s0;
	s0 =	sadd.s32 $0x10, s0  }
0x98: {  	[tilespmem:s31+$0xFFFFFFC0] =	vst v8;
	v8 =	vmul.f32 v2, v3;
	v3 =	vmul.f32 v6, v3  }
0x99: {  	[tilespmem:s31+$0x10] =	vst v9  }
0x9a: {  	v2 =	vld [tilespmem:s18+$0xFFFFFFF0];
	[tilespmem:s31+$0xFFFFFFE0] =	vst v7  }
0x9b: {  	v7 =	vld [tilespmem:s18+$0x30];
	[tilespmem:s31+$0xFFFFFFF0] =	vst v8  }
0x9c: {  	v9 =	vld [tilespmem:s18+$0x10];
	[tilespmem:s31+$0x0] =	vst v3  }
0x9d: {  	v8 =	vld [tilespmem:s18+$0xFFFFFFC0];
	[tilespmem:s31+$0x20] =	vst v4  }
0x9e: {  	s1 =	sand.u32 $0x7F0, s1;
	v11 =	vld [tilespmem:s18+$0xFFFFFFE0];
	[tilespmem:s31+$0xFFFFFFD0] =	vst v5;
	s31 =	smov.u32 s18  }
0x9f: {  	v3 =	vld [tilespmem:s1+$0x3100]  }
0xa0: {  	v4 =	vld [tilespmem:s18+$0x20]  }
.Ltmp2:
0xa1: {  	v5 =	vld [tilespmem:s18+$0xFFFFFFD0];
	(pc) =	sbr.rel @p1 .LBB2_7-.Ltmp2, $3  }
0xa2: {  	v6 =	vld [tilespmem:s18+$0x0];
	_ =	sdelay $0x1  }
0xa3: {  	v8 =	vmul.f32 v8, v3;
	v10 =	vmul.f32 v7, v3  }
0xa4: {  	v7 =	vmul.f32 v11, v3;
	v9 =	vmul.f32 v9, v3  }
0xa5: {  	[tilespmem:s31+$0x30] =	vst v10  }
0xa6: {  	[tilespmem:s31+$0xFFFFFFC0] =	vst v8  }
0xa7: {  	v2 =	vmul.f32 v2, v3;
	[tilespmem:s31+$0x10] =	vst v9  }
0xa8: {  	v4 =	vmul.f32 v4, v3;
	[tilespmem:s31+$0xFFFFFFE0] =	vst v7  }
0xa9: {  	v6 =	vmul.f32 v6, v3;
	[tilespmem:s31+$0xFFFFFFF0] =	vst v2  }
0xaa: {  	v2 =	vmul.f32 v5, v3;
	[tilespmem:s31+$0x20] =	vst v4  }
0xab: {  	[tilespmem:s31+$0x0] =	vst v6  }
0xac: {  	s0 =	sadd.s32 $0x180, s30;
	s29 =	sadd.s32 $0x1, s29;
	[tilespmem:s31+$0xFFFFFFD0] =	vst v2  }
0xad: {  	[spmem:s3] =	stream.indirect.scatter.add.f32 [tilespmem:s21], [sflag:$0x4], $0x80, s0, s20, $0xb8;
	[tilespmem:$0x1F500] =	vst v63  }
0xae: {  	p1 =	sne.s32 s29, $0x28;
	_ =	swait.ge [sflag:s24], $0x4000  }
.Ltmp3:
0xaf: {  	[sflag:s24] =	ssyncset.done $0x0;
	(pc) =	sbr.rel @p1 .LBB2_4-.Ltmp3, $4  }
0xb0: {  	[sflag:s24] =	ssyncadd.s32 $0xFFFFC000  }
0xb1: {  	_ =	swait.ge [sflag:s26], $0x4000  }
0xb2: {  	[sflag:s26] =	ssyncset.done $0x0  }
0xb3: {  	[sflag:s26] =	ssyncadd.s32 $0xFFFFC000  }
0xb4: {  	s0 =	stileid.u32  }
0xb5: {  	s4 =	sadd.s32 $0x1, s4;
	s0 =	sshll.u32 @!p0 s0, $0x6  }
0xb6: {  	[bflag:$0x0] =	sbarrier.arrive $0xFFFF;
	p1 =	sne.s32 s4, s15;
	s0 =	sor.u32 @!p0 $0x1C05, s0  }
0xb7: {  	[hbm:s14], [sflag:s0] =	dma.local @!p0 [spmem:s25], $0x3E80  }
.Ltmp4:
0xb8: {  	_ = 	snop;
	(pc) =	sbr.rel @p1 .LBB2_1-.Ltmp4, $4  }
0xb9: {  	s0 =	simm.s32 @!p0 $0x5  }
0xba: {  	_ =	swait.ge @!p0 [sflag:s0], $0x3E80  }
0xbb: {  	[sflag:s0] =	ssyncset.done @!p0 $0x0  }
0xbc: {  	[sflag:s0] =	ssyncadd.s32 @!p0 $0xFFFFC180  }
0xbd: {  	_ =	sfence.sel $0x180000  }
0xbe: {  	[bflag:$0x0] =	sbarrier.arrive $0xFFFF  }
0xbf: {  	_ =	strace $0x9000004D  }
0xc0: {  	s0 =	stileid.u32;
	[bflag:$0x2] =	sbarrier.arrive $0xFFFF  }
0xc1: {  	p0 =	sne.s32 s0, $0x0;
	s0 =	rddreg [dreg:$0x3]  }
0xc2: {  	s0 =	sadd.s32 @!p0 $0x100000, s0  }
0xc3: {  	[sflag:s0] =	ssyncadd.tile.s32 @!p0 $0x1;
	_ =	shalt  }
.Lfunc_end2:
_tile_overlayer_lowered:
.L_overlay_start_2:
0xc4: {  	(tag) =	ssettag $0x2  }
0xc5: {  	s0 =	rddreg [dreg:$0x0];
	s2 =	stileid.u32  }
0xc6: {  	s1 =	rddreg [dreg:$0x1];
	p0 =	sne.s32 s2, $0x0  }
0xc7: {  	s3 =	rddreg [dreg:$0x2];
	[bflag:$0x3] =	sbarrier.arrive $0xFFFF;
	s2 =	simm.s32 @!p0 $0x1C05  }
0xc8: {  	[timem:s3], [sflag:s2] =	dma.local @!p0 [hbm:s0], s1  }
0xc9: {  	s0 =	simm.s32 @!p0 $0x5  }
0xca: {  	_ =	swait.ge @!p0 [sflag:s0], s1  }
0xcb: {  	s1 =	ssub.s32 @!p0 $0x0, s1;
	[sflag:s0] =	ssyncset.done @!p0 $0x0  }
0xcc: {  	[sflag:s0] =	ssyncadd.s32 @!p0 s1  }
0xcd: {  	[bflag:$0x3] =	sbarrier.arrive $0xFFFF  }
0xce: {  	_ =	shalt  }

// kernel: kernel.22.cloned.1.call-start
scs
__scs_entry_jumppad:
0x0: {  	(pc) =	sbr.rel $0x88, $3  }
0x1: {  	(tag) =	ssettag $0x0;
	lr =	simm.s32 $0x1  }
0x2: {  	[smem:$0x3F80] =	sst lr;
	_ =	strace $0xD0000000  }
0x3: {  	_ = 	snop  }
0x4: {  	_ = 	snop  }
0x5: {  	_ = 	snop  }
0x6: {  	_ = 	snop  }
0x7: {  	_ = 	snop  }
__scs_overlays_trampoline_lowered:
0x8: {  	[smem:$0x3F8F] =	sst s0  }
0x9: {  	[smem:$0x3F90] =	sst s1  }
0xa: {  	[smem:$0x3F91] =	sst s2  }
0xb: {  	[smem:$0x3F92] =	sst s3  }
0xc: {  	[smem:$0x3F93] =	sst s4  }
0xd: {  	[smem:$0x3F94] =	sst s5  }
0xe: {  	[smem:$0x3F95] =	sst s6  }
0xf: {  	[smem:$0x3F96] =	sst s7  }
0x10: {  	[smem:$0x3F97] =	sst s8  }
0x11: {  	[smem:$0x3F98] =	sst s9;
	s0 =	simm.s32 @!p0 $0x0  }
0x12: {  	s1 =	sld [smem:$0x3F7E];
	s0 =	simm.s32 @p0 $0x1  }
0x13: {  	[smem:$0x3F99] =	sst s0;
	s0 =	simm.s32 @!p1 $0x0  }
0x14: {  	s2 =	sld [smem:$0x3F7D];
	s0 =	simm.s32 @p1 $0x1  }
0x15: {  	[smem:$0x3F9A] =	sst s0;
	s0 =	simm.s32 @!p2 $0x0  }
0x16: {  	s3 =	sld [smem:$0x3FDB];
	s0 =	simm.s32 @p2 $0x1  }
0x17: {  	s4 =	simm.s32 $0x1BF5;
	[smem:$0x3F9C] =	sst s0  }
0x18: {  	s0 =	sld [smem:$0x3F7F];
	_ =	swait.ge [sflag:s4], $0x0  }
0x19: {  	s7 =	sld [smem:$0x3F80]  }
0x1a: {  	s8 =	sadd.s32 $0xFFFFE003, lr  }
0x1b: {  	s9 =	sadd.s32 $0xFFFFFEF7, lr;
	s5 =	simm.s32 $0xFFFFFFFF;
	p2 =	slt.u32 s8, $0xFFFFF086  }
0x1c: {  	p1 =	slt.u32 s9, $0xF7A;
	s5 =	simm.s32 @!p2 $0x0  }
0x1d: {  	s5 =	simm.s32 @p1 $0x1;
	p0 =	seq.s32 s7, s2  }
0x1e: {  	s7 =	smul.u32 @!p0 $0xF7A, s2;
	p2 =	seq.s32 @!p0 s5, $0x0  }
0x1f: {  	s9 =	smul.u32 $0xF7A, s1;
	s8 =	simm.s32 @!p0 $0x1BF5;
	p2 =	por !p2, p0  }
0x20: {  	[sflag:s8] =	ssyncset.s32 @!p0 $0xFFFFF086;
	s6 =	sadd.s32 @!p0 s3, s7;
	s7 =	simm.s32 @!p0 $0x108  }
0x21: {  	s3 =	sadd.s32 s3, s9;
	s6 =	sadd.s32 @!p0 $0x88, s6;
	s7 =	simm.s32 @p2 $0x1082  }
0x22: {  	[simem:s7], [sflag:s8] =	dma.local @!p0 [hbm:s6], $0xF7A  }
0x23: {  	s9 =	sor.u32 $0xD0000000, s2;
	s6 =	simm.s32 $0x108;
	_ =	swait.ge @!p0 [sflag:s8], $0x0  }
0x24: {  	s3 =	sadd.s32 $0x88, s3;
	s6 =	simm.s32 @!p1 $0x1082;
	[sflag:s4] =	ssyncset.s32 $0xFFFFF086  }
0x25: {  	[simem:s6], [sflag:s4] =	dma.local [hbm:s3], $0xF7A  }
0x26: {  	[smem:$0x3F80] =	sst s1;
	(tag) =	ssettag s2;
	_ =	strace s9  }
0x27: {  	s1 =	sld [smem:$0x3F90]  }
0x28: {  	s2 =	sld [smem:$0x3F91]  }
0x29: {  	s4 =	sld [smem:$0x3F93]  }
0x2a: {  	p0 =	seq.s32 s5, $0x0;
	s5 =	sld [smem:$0x3F94]  }
0x2b: {  	s6 =	sld [smem:$0x3F95]  }
0x2c: {  	s7 =	sld [smem:$0x3F96]  }
0x2d: {  	s3 =	simm.s32 $0x108;
	s8 =	sld [smem:$0x3F97]  }
0x2e: {  	s3 =	simm.s32 @!p0 $0x1082;
	s9 =	sld [smem:$0x3F98]  }
0x2f: {  	lr =	sadd.s32 s0, s3;
	s0 =	sld [smem:$0x3F8F]  }
0x30: {  	s3 =	sld [smem:$0x3F92]  }
0x31: {  	[smem:$0x3F9B] =	sst s10  }
0x32: {  	s10 =	sld [smem:$0x3F99];
	_ =	sdelay $0x3  }
0x33: {  	p0 =	seq.s32 s10, $0x1;
	s10 =	sld [smem:$0x3F9B];
	_ =	sdelay $0x3  }
0x34: {  	[smem:$0x3F9B] =	sst s10  }
0x35: {  	s10 =	sld [smem:$0x3F9A];
	_ =	sdelay $0x3  }
0x36: {  	p1 =	seq.s32 s10, $0x1;
	s10 =	sld [smem:$0x3F9B];
	_ =	sdelay $0x3  }
0x37: {  	[smem:$0x3F9B] =	sst s10  }
0x38: {  	s10 =	sld [smem:$0x3F9C]  }
0x39: {  	_ = 	snop;
	(pc) =	sbr.ind lr, $3  }
0x3a: {  	_ = 	snop  }
0x3b: {  	_ = 	snop  }
0x3c: {  	p2 =	seq.s32 s10, $0x1;
	s10 =	sld [smem:$0x3F9B]  }
0x3d: {  	_ =	shalt  }
0x3e: {  	_ =	shalt  }
0x3f: {  	_ =	shalt  }
0x40: {  	_ =	shalt  }
0x41: {  	_ =	shalt  }
0x42: {  	_ =	shalt  }
0x43: {  	_ =	shalt  }
0x44: {  	_ =	shalt  }
0x45: {  	_ =	shalt  }
0x46: {  	_ =	shalt  }
0x47: {  	_ =	shalt  }
0x48: {  	_ =	shalt  }
0x49: {  	_ =	shalt  }
0x4a: {  	_ =	shalt  }
0x4b: {  	_ =	shalt  }
0x4c: {  	_ =	shalt  }
0x4d: {  	_ =	shalt  }
0x4e: {  	_ =	shalt  }
0x4f: {  	_ =	shalt  }
0x50: {  	_ =	shalt  }
0x51: {  	_ =	shalt  }
0x52: {  	_ =	shalt  }
0x53: {  	_ =	shalt  }
0x54: {  	_ =	shalt  }
0x55: {  	_ =	shalt  }
0x56: {  	_ =	shalt  }
0x57: {  	_ =	shalt  }
0x58: {  	_ =	shalt  }
0x59: {  	_ =	shalt  }
0x5a: {  	_ =	shalt  }
0x5b: {  	_ =	shalt  }
0x5c: {  	_ =	shalt  }
0x5d: {  	_ =	shalt  }
0x5e: {  	_ =	shalt  }
0x5f: {  	_ =	shalt  }
0x60: {  	_ =	shalt  }
0x61: {  	_ =	shalt  }
0x62: {  	_ =	shalt  }
0x63: {  	_ =	shalt  }
0x64: {  	_ =	shalt  }
0x65: {  	_ =	shalt  }
0x66: {  	_ =	shalt  }
0x67: {  	_ =	shalt  }
0x68: {  	_ =	shalt  }
0x69: {  	_ =	shalt  }
0x6a: {  	_ =	shalt  }
0x6b: {  	_ =	shalt  }
0x6c: {  	_ =	shalt  }
0x6d: {  	_ =	shalt  }
0x6e: {  	_ =	shalt  }
0x6f: {  	_ =	shalt  }
0x70: {  	_ =	shalt  }
0x71: {  	_ =	shalt  }
0x72: {  	_ =	shalt  }
0x73: {  	_ =	shalt  }
0x74: {  	_ =	shalt  }
0x75: {  	_ =	shalt  }
0x76: {  	_ =	shalt  }
0x77: {  	_ =	shalt  }
0x78: {  	_ =	shalt  }
0x79: {  	_ =	shalt  }
0x7a: {  	_ =	shalt  }
0x7b: {  	_ =	shalt  }
0x7c: {  	_ =	shalt  }
0x7d: {  	_ =	shalt  }
0x7e: {  	_ =	shalt  }
0x7f: {  	_ =	shalt  }
0x80: {  	_ =	shalt  }
0x81: {  	_ =	shalt  }
0x82: {  	_ =	shalt  }
0x83: {  	_ =	shalt  }
0x84: {  	_ =	shalt  }
0x85: {  	_ =	shalt  }
0x86: {  	_ =	shalt  }
0x87: {  	_ =	shalt  }
.Lfunc_end0:
.L_simem_size_0:
called_computation.3_lowered:
.L_overlay_start_0:
0x88: {  	s2 =	sld [smem:$0x3FD9]  }
0x89: {  	s3 =	sld [smem:$0x3FFE];
	_ =	sdelay $0x1  }
0x8a: {  	s1 =	srdreg.scid  }
0x8b: {  	s0 =	sand.u32 $0x1, s1  }
0x8c: {  	s17 =	sshll.u32 s0, $0xA;
	s2 =	sadd.s32 s3, s2  }
0x8d: {  	s2 =	sadd.s32 s2, s17  }
0x8e: {  	[smem:$0x3FA7] =	sst s2  }
0x8f: {  	_ = 	snop  }
0x90: {  	s2 =	sld [smem:$0x3FD0];
	(tm) =	ssettm $0x1  }
0x91: {  	s18 =	sld [smem:$0x3FFB];
	_ =	sdelay $0x3  }
0x92: {  	_ =	strace s18  }
0x93: {  	s3 =	sld [smem:$0x3FFC];
	_ =	sdelay $0x3  }
0x94: {  	_ =	strace s3  }
0x95: {  	s3 =	sld [smem:$0x3FFD];
	_ =	sdelay $0x3  }
0x96: {  	_ =	strace s3  }
0x97: {  	_ =	strace $0x8FFFFFFF  }
0x98: {  	s19 =	sld [smem:$0x3FDB];
	_ =	sdelay $0x1  }
0x99: {  	s4 =	simm.s32 $_scs_section_size  }
0x9a: {  	s5 =	simm.s32 $_size__tile_overlayer_lowered;
	s6 =	simm.s32 $_tile_overlayer_lowered  }
0x9b: {  	s22 =	simm.s32 $0x1BFF;
	s21 =	sshll.u32 s6, $0x1;
	s3 =	sadd.s32 s4, s19  }
0x9c: {  	s7 =	simm.s32 $0x0;
	s20 =	sshll.u32 s5, $0x1;
	s5 =	sadd.s32 s21, s3  }
0x9d: {  	[timem:s7], [sflag:s22] =	dma.local [hbm:s5], s20  }
0x9e: {  	_ =	swait.ge [sflag:s22], s20  }
0x9f: {  	s4 =	ssub.s32 $0x0, s20;
	[sflag:s22] =	ssyncset.done $0x0  }
0xa0: {  	[sflag:s22] =	ssyncadd.s32 s4;
	_ =	sdelay $0x1  }
0xa1: {  	s23 =	simm.s32 $0x1B8B  }
0xa2: {  	_ =	swait.ge [sflag:s23], $0x1  }
0xa3: {  	[sflag:s23] =	ssyncset.done $0x0  }
0xa4: {  	s25 =	simm.s32 $0x1B8E;
	s24 =	sld [smem:$0x3FFE];
	[sflag:s23] =	ssyncadd.s32 $0xFFFFFFFF  }
0xa5: {  	s26 =	simm.s32 $execute0_lowered;
	[smem:$0x3FD2] =	sst s25  }
0xa6: {  	s5 =	sshll.u32 s26, $0x1;
	_ =	strace $0x8000004F;
	[dreg:$0x1] =	wrdreg $0xFFFFFFFF  }
0xa7: {  	s28 =	simm.s32 $_size_execute0_lowered;
	s3 =	sadd.s32 s3, s5;
	[dreg:$0x0] =	wrdreg $0x0  }
0xa8: {  	s5 =	sshll.u32 s28, $0x1;
	[dreg:$0x2] =	wrdreg s3  }
0xa9: {  	[dreg:$0x3] =	wrdreg s5  }
0xaa: {  	[dreg:$0x4] =	wrdreg $0xC0  }
0xab: {  	_ =	task [dreg:s7], $0x5FFFF  }
0xac: {  	[dreg:$0x1] =	wrdreg $0xFFFFFFFF  }
0xad: {  	[dreg:$0x0] =	wrdreg $0x60  }
0xae: {  	[dreg:$0x2] =	wrdreg s24  }
0xaf: {  	[dreg:$0x3] =	wrdreg s2  }
0xb0: {  	[dreg:$0x4] =	wrdreg $0xB9000  }
0xb1: {  	[dreg:$0x5] =	wrdreg $0x9  }
0xb2: {  	_ =	task.clear_ibuf [dreg:s7], $0x6FFFF;
	_ =	strace $0x9000004F  }
0xb3: {  	s29 =	simm.s32 $0x9;
	_ =	strace $0x80000051  }
0xb4: {  	_ =	swait.ge [sflag:s29], $0x1  }
0xb5: {  	[sflag:s29] =	ssyncadd.s32 $0xFFFFFFFF  }
0xb6: {  	_ =	strace $0x90000051  }
0xb7: {  	_ =	sfence  }
0xb8: {  	s30 =	sld [smem:$0x0];
	_ =	sdelay $0x2  }
0xb9: {  	s31 =	sshll.u32 s1, $0xD;
	s1 =	sshrl.u32 s1, $0x2  }
0xba: {  	s3 =	sand.u32 $0x4000, s31;
	s1 =	sadd.s32 s1, s30  }
0xbb: {  	s0 =	sor.u32 s3, s0;
	s1 =	sshll.u32 s1, $0x11  }
0xbc: {  	s0 =	sor.u32 s1, s0  }
0xbd: {  	s0 =	sadd.s32 $0x8F2B, s0  }
0xbe: {  	[sflag:s0] =	ssyncadd.remote.s32 $0x1  }
0xbf: {  	_ =	sfence.sel $0xFFFF  }
0xc0: {  	[dreg:$0x0] =	wrdreg $0xFFFFFFFF;
	(pc) =	sbr.abs _section_cstart, $3  }
0xc1: {  	[dreg:$0x1] =	wrdreg $0xFFFFFFFF  }
0xc2: {  	_ =	task.clear_ibuf [dreg:s7], $0x2FFFF;
	_ =	strace $0x9FFFFFFF  }
0xc3: {  	(tm) =	ssettm $0x7FFFFFFF  }
tec
execute0_lowered:
.L_overlay_start_1:
0x0: {  	(tag) =	ssettag $0x1  }
0x1: {  	s0 =	rddreg [dreg:$0x0]  }
0x2: {  	s2 =	rddreg [dreg:$0x1]  }
0x3: {  	s3 =	rddreg [dreg:$0x2]  }
0x4: {  	s1 =	stileid.u32;
	s6 =	srdreg.scid;
	s4 =	simm.s32 $0x0  }
0x5: {  	s17 =	simm.s32 $0x5;
	s19 =	simm.s32 $0x2900;
	s20 =	simm.s32 $0x80  }
0x6: {  	s21 =	simm.s32 $0x7900;
	s22 =	simm.s32 $0x1;
	s5 =	smul.u32 $0x2800, s1  }
0x7: {  	s23 =	simm.s32 $0x2;
	s24 =	simm.s32 $0x3;
	s9 =	smul.u32 $0x1F400, s1  }
0x8: {  	s26 =	simm.s32 $0x4;
	s28 =	simm.s32 $0x0;
	s10 =	smul.u32 $0x4F000, s1  }
0x9: {  	s14 =	sand.u32 $0x1, s6;
	[smem:$0x7FF] =	sst s4;
	s16 =	smul.u32 $0x7D000, s1  }
0xa: {  	s6 =	sadd.s32 $0x5A800, s0;
	p0 =	sgt.u32 s1, $0x9;
	s8 =	smul.u32 $0x138800, s14  }
0xb: {  	_ =	strace $0x80000050;
	s31 =	ssub.s32 $0x2, s14;
	s18 =	smul.u32 $0x2710, s14  }
0xc: {  	s7 =	sshrl.u32 s5, $0x3;
	s10 =	sshrl.u32 s10, $0x2;
	s11 =	sshrl.u32 s31, $0x1  }
0xd: {  	s16 =	sshrl.u32 s16, $0x2;
	s13 =	sadd.s32 s7, s0;
	s8 =	sadd.s32 s9, s8  }
0xe: {  	s7 =	sadd.s32 $0x2DB000, s0;
	s15 =	ssub.s32 s31, s11;
	s8 =	sshrl.u32 s8, $0x3  }
0xf: {  	s13 =	sadd.s32 $0xA8A00, s13;
	s0 =	sadd.s32 s8, s0;
	s8 =	sadd.s32 s10, s3  }
0x10: {  	s15 =	smax.u32 s15, $0x1;
	s9 =	sadd.s32 $0x4000, s8;
	s10 =	sadd.s32 $0x8000, s8  }
0x11: {  	s11 =	sadd.s32 $0xC000, s8;
	s14 =	sadd.s32 $0xB2A00, s0;
	s0 =	sadd.s32 s16, s3  }
0x12: {  	v1 =	vimm.f32 $0.0e+00;
	v0 =	vmov s18;
	s12 =	sadd.s32 $0x10000, s8;
	s16 =	simm.s32 $0x3900;
	s25 =	sshrl.u32 @!p0 s0, $0x3  }
.LBB2_1:
0x13: {  	s0 =	simm.s32 $0x0;
	s18 =	simm.s32 $0x200  }
.LBB2_2:
0x14: {  	p1 =	sne.s32 s18, $0xFE00;
	[tilespmem:s0+$0x3970] =	vst v1  }
0x15: {  	[tilespmem:s0+$0x3900] =	vst v1  }
0x16: {  	[tilespmem:s0+$0x3910] =	vst v1  }
.Ltmp0:
0x17: {  	[tilespmem:s0+$0x3920] =	vst v1;
	(pc) =	sbr.rel @p1 .LBB2_2-.Ltmp0, $4  }
0x18: {  	[tilespmem:s0+$0x3930] =	vst v1  }
0x19: {  	[tilespmem:s0+$0x3940] =	vst v1  }
0x1a: {  	[tilespmem:s0+$0x3950] =	vst v1  }
0x1b: {  	[tilespmem:s0+$0x3960] =	vst v1;
	s0 =	sshra.s32 s18, $0x2;
	s18 =	sadd.s32 $0x200, s18  }
0x1c: {  	[tilespmem:s0+$0x3970] =	vst v1  }
0x1d: {  	[tilespmem:s0+$0x3900] =	vst v1  }
0x1e: {  	[tilespmem:s0+$0x3910] =	vst v1  }
0x1f: {  	[tilespmem:s0+$0x3920] =	vst v1  }
0x20: {  	[tilespmem:s0+$0x3930] =	vst v1  }
0x21: {  	[tilespmem:s0+$0x3940] =	vst v1  }
0x22: {  	[tilespmem:s0+$0x3950] =	vst v1  }
0x23: {  	[tilespmem:s0+$0x3960] =	vst v1  }
0x24: {  	[spmem:s8] =	stream.linear.scatter [tilespmem:s16], [sflag:$0x5], $0x4000, $0x38;
	[tilespmem:$0x1F500] =	vst v63  }
0x25: {  	_ =	swait.ge [sflag:s17], $0x4000  }
0x26: {  	[sflag:s17] =	ssyncset.done $0x0  }
0x27: {  	[sflag:s17] =	ssyncadd.s32 $0xFFFFC000  }
0x28: {  	[spmem:s9] =	stream.linear.scatter [tilespmem:s16], [sflag:$0x5], $0x4000, $0x38;
	[tilespmem:$0x1F500] =	vst v63  }
0x29: {  	_ =	swait.ge [sflag:s17], $0x4000  }
0x2a: {  	[sflag:s17] =	ssyncset.done $0x0  }
0x2b: {  	[sflag:s17] =	ssyncadd.s32 $0xFFFFC000  }
0x2c: {  	[spmem:s10] =	stream.linear.scatter [tilespmem:s16], [sflag:$0x5], $0x4000, $0x38;
	[tilespmem:$0x1F500] =	vst v63  }
0x2d: {  	_ =	swait.ge [sflag:s17], $0x4000  }
0x2e: {  	[sflag:s17] =	ssyncset.done $0x0  }
0x2f: {  	[sflag:s17] =	ssyncadd.s32 $0xFFFFC000  }
0x30: {  	[spmem:s11] =	stream.linear.scatter [tilespmem:s16], [sflag:$0x5], $0x4000, $0x38;
	[tilespmem:$0x1F500] =	vst v63  }
0x31: {  	_ =	swait.ge [sflag:s17], $0x4000  }
0x32: {  	[sflag:s17] =	ssyncset.done $0x0  }
0x33: {  	[sflag:s17] =	ssyncadd.s32 $0xFFFFC000  }
0x34: {  	[spmem:s12] =	stream.linear.scatter [tilespmem:s16], [sflag:$0x5], $0x3C00, $0x38;
	[tilespmem:$0x1F500] =	vst v63  }
0x35: {  	_ =	swait.ge [sflag:s17], $0x3C00  }
0x36: {  	[sflag:s17] =	ssyncset.done $0x0  }
0x37: {  	s31 =	simm.s32 $0x100;
	[sflag:s17] =	ssyncadd.s32 $0xFFFFC400  }
0x38: {  	[tilespmem:s31], [sflag:$0x5] =	stream.linear.gather [hbm4b:s13+s28], $0x2800, $0x38;
	[tilespmem:$0x1F500] =	vst v63  }
0x39: {  	_ =	swait.ge [sflag:s17], $0x2800  }
0x3a: {  	[sflag:s17] =	ssyncset.done $0x0  }
0x3b: {  	[sflag:s17] =	ssyncadd.s32 $0xFFFFD800  }
0x3c: {  	s29 =	simm.s32 $0x0;
	[bflag:$0x0] =	sbarrier.arrive $0xFFFF  }
.LBB2_4:
0x3d: {  	s30 =	sshll.u32 s29, $0x8  }
0x3e: {  	s0 =	sadd.s32 s5, s30  }
0x3f: {  	s18 =	sshrl.u32 s0, $0x3  }
0x40: {  	s18 =	sadd.s32 s2, s18  }
0x41: {  	[tilespmem:s28], [sflag:$0x5] =	stream.linear.gather [hbm4b:s18+s28], $0x100, $0x38;
	[tilespmem:$0x1F500] =	vst v63  }
0x42: {  	_ =	swait.ge [sflag:s17], $0x100  }
0x43: {  	s0 =	sshll.u32 s0, $0x1;
	[sflag:s17] =	ssyncset.done $0x0  }
0x44: {  	s0 =	sadd.s32 s7, s0;
	[sflag:s17] =	ssyncadd.s32 $0xFFFFFF00  }
0x45: {  	[tilespmem:s19], [sflag:$0x5] =	stream.linear.gather [hbm4b:s0+s28], $0x1000, $0x38;
	[tilespmem:$0x1F500] =	vst v63  }
0x46: {  	_ =	swait.ge [sflag:s17], $0x1000  }
0x47: {  	[sflag:s17] =	ssyncset.done $0x0  }
0x48: {  	[sflag:s17] =	ssyncadd.s32 $0xFFFFF000  }
0x49: {  	v2 =	vld [tilespmem:$0x0]  }
0x4a: {  	v3 =	vld [tilespmem:$0x10]  }
0x4b: {  	v4 =	vld [tilespmem:$0x20]  }
0x4c: {  	v5 =	vld [tilespmem:$0x30]  }
0x4d: {  	v6 =	vld [tilespmem:$0x40]  }
0x4e: {  	v7 =	vld [tilespmem:$0x50];
	v2 =	vadd.s32 v0, v2  }
0x4f: {  	[tilespmem:$0x0] =	vst v2;
	v2 =	vadd.s32 v0, v3;
	v3 =	vld [tilespmem:$0x60]  }
0x50: {  	[tilespmem:$0x10] =	vst v2;
	v2 =	vadd.s32 v0, v4;
	v4 =	vld [tilespmem:$0x70]  }
0x51: {  	[tilespmem:$0x20] =	vst v2;
	v2 =	vadd.s32 v0, v5;
	v5 =	vld [tilespmem:$0x80]  }
0x52: {  	[tilespmem:$0x30] =	vst v2;
	v2 =	vadd.s32 v0, v6;
	v6 =	vld [tilespmem:$0x90]  }
0x53: {  	[tilespmem:$0x40] =	vst v2;
	v2 =	vadd.s32 v0, v7;
	v7 =	vld [tilespmem:$0xA0]  }
0x54: {  	[tilespmem:$0x50] =	vst v2;
	v2 =	vadd.s32 v0, v3;
	v3 =	vld [tilespmem:$0xB0]  }
0x55: {  	[tilespmem:$0x60] =	vst v2;
	v2 =	vadd.s32 v0, v4;
	v4 =	vld [tilespmem:$0xC0]  }
0x56: {  	[tilespmem:$0x70] =	vst v2;
	v2 =	vadd.s32 v0, v5;
	v5 =	vld [tilespmem:$0xD0]  }
0x57: {  	[tilespmem:$0x80] =	vst v2;
	v2 =	vadd.s32 v0, v6;
	v6 =	vld [tilespmem:$0xE0]  }
0x58: {  	[tilespmem:$0x90] =	vst v2;
	v2 =	vadd.s32 v0, v7;
	v7 =	vld [tilespmem:$0xF0]  }
0x59: {  	[tilespmem:$0xA0] =	vst v2;
	v2 =	vadd.s32 v0, v3  }
0x5a: {  	[tilespmem:$0xB0] =	vst v2;
	v2 =	vadd.s32 v0, v4  }
0x5b: {  	[tilespmem:$0xC0] =	vst v2;
	v2 =	vadd.s32 v0, v5  }
0x5c: {  	[tilespmem:$0xD0] =	vst v2;
	v2 =	vadd.s32 v0, v6  }
0x5d: {  	[tilespmem:$0xE0] =	vst v2;
	v2 =	vadd.s32 v0, v7  }
0x5e: {  	[tilespmem:$0xF0] =	vst v2  }
0x5f: {  	[tilespmem:s16], [sflag:$0x1] =	stream.indirect.gather [hbm4b:s6+s20], $0x80, s28, s20, $0xb8;
	[tilespmem:$0x1F500] =	vst v63  }
0x60: {  	_ = 	snop  }
0x61: {  	[tilespmem:s21], [sflag:$0x2] =	stream.indirect.gather [hbm4b:s6+s20], $0x80, s20, s20, $0xb8;
	[tilespmem:$0x1F500] =	vst v63  }
0x62: {  	_ =	swait.ge [sflag:s22], $0x4000  }
0x63: {  	[sflag:s22] =	ssyncset.done $0x0  }
0x64: {  	s31 =	simm.s32 $0x3940;
	[sflag:s22] =	ssyncadd.s32 $0xFFFFC000  }
0x65: {  	v6 =	vld [tilespmem:s31+$0x30]  }
0x66: {  	v9 =	vld [tilespmem:s31+$0x10]  }
0x67: {  	s18 =	simm.s32 $0x0;
	v7 =	vld [tilespmem:s31+$0xFFFFFFC0]  }
0x68: {  	v3 =	vld [tilespmem:s18+$0x2900]  }
0x69: {  	v11 =	vld [tilespmem:s31+$0xFFFFFFE0]  }
0x6a: {  	v2 =	vld [tilespmem:s31+$0xFFFFFFF0]  }
0x6b: {  	v4 =	vld [tilespmem:s31+$0x20]  }
0x6c: {  	v5 =	vld [tilespmem:s31+$0xFFFFFFD0]  }
0x6d: {  	v10 =	vmul.f32 v6, v3;
	v6 =	vld [tilespmem:s31+$0x0]  }
0x6e: {  	v8 =	vmul.f32 v7, v3  }
0x6f: {  	s0 =	simm.s32 $0x40;
	s18 =	simm.s32 $0x3940;
	v7 =	vmul.f32 v11, v3;
	v9 =	vmul.f32 v9, v3  }
.LBB2_5:
0x70: {  	p1 =	sne.s32 s0, $0x1FC0  }
0x71: {  	v5 =	vmul.f32 v5, v3;
	v4 =	vmul.f32 v4, v3;
	[tilespmem:s31+$0x30] =	vst v10;
	s18 =	sadd.s32 $0x80, s18;
	s1 =	smov.u32 s0;
	s0 =	sadd.s32 $0x40, s0  }
0x72: {  	[tilespmem:s31+$0xFFFFFFC0] =	vst v8;
	v8 =	vmul.f32 v2, v3;
	v3 =	vmul.f32 v6, v3  }
0x73: {  	[tilespmem:s31+$0x10] =	vst v9  }
0x74: {  	v2 =	vld [tilespmem:s18+$0xFFFFFFF0];
	[tilespmem:s31+$0xFFFFFFE0] =	vst v7  }
0x75: {  	v7 =	vld [tilespmem:s18+$0x30];
	[tilespmem:s31+$0xFFFFFFF0] =	vst v8  }
0x76: {  	v9 =	vld [tilespmem:s18+$0x10];
	[tilespmem:s31+$0x0] =	vst v3  }
0x77: {  	v8 =	vld [tilespmem:s18+$0xFFFFFFC0];
	[tilespmem:s31+$0x20] =	vst v4  }
0x78: {  	s1 =	sshra.s32 s1, $0x2;
	v11 =	vld [tilespmem:s18+$0xFFFFFFE0];
	[tilespmem:s31+$0xFFFFFFD0] =	vst v5;
	s31 =	smov.u32 s18  }
0x79: {  	v3 =	vld [tilespmem:s1+$0x2900]  }
0x7a: {  	v4 =	vld [tilespmem:s18+$0x20]  }
.Ltmp1:
0x7b: {  	v5 =	vld [tilespmem:s18+$0xFFFFFFD0];
	(pc) =	sbr.rel @p1 .LBB2_5-.Ltmp1, $3  }
0x7c: {  	v6 =	vld [tilespmem:s18+$0x0];
	_ =	sdelay $0x1  }
0x7d: {  	v8 =	vmul.f32 v8, v3;
	v10 =	vmul.f32 v7, v3  }
0x7e: {  	v7 =	vmul.f32 v11, v3;
	v9 =	vmul.f32 v9, v3  }
0x7f: {  	[tilespmem:s31+$0x30] =	vst v10  }
0x80: {  	[tilespmem:s31+$0xFFFFFFC0] =	vst v8  }
0x81: {  	v2 =	vmul.f32 v2, v3;
	[tilespmem:s31+$0x10] =	vst v9  }
0x82: {  	v4 =	vmul.f32 v4, v3;
	[tilespmem:s31+$0xFFFFFFE0] =	vst v7  }
0x83: {  	v6 =	vmul.f32 v6, v3;
	[tilespmem:s31+$0xFFFFFFF0] =	vst v2  }
0x84: {  	v2 =	vmul.f32 v5, v3;
	[tilespmem:s31+$0x20] =	vst v4  }
0x85: {  	s30 =	sand.u32 $0x3FFFFF00, s30;
	[tilespmem:s31+$0x0] =	vst v6  }
0x86: {  	s0 =	sadd.s32 $0x100, s30;
	[tilespmem:s31+$0xFFFFFFD0] =	vst v2  }
0x87: {  	[spmem:s3] =	stream.indirect.scatter.add.f32 [tilespmem:s16], [sflag:$0x3], $0x80, s0, s20, $0xb8;
	[tilespmem:$0x1F500] =	vst v63  }
0x88: {  	_ =	swait.ge [sflag:s23], $0x4000  }
0x89: {  	[sflag:s23] =	ssyncset.done $0x0  }
0x8a: {  	s31 =	simm.s32 $0x7940;
	[sflag:s23] =	ssyncadd.s32 $0xFFFFC000  }
0x8b: {  	v6 =	vld [tilespmem:s31+$0x30]  }
0x8c: {  	s18 =	simm.s32 $0x0;
	v9 =	vld [tilespmem:s31+$0x10]  }
0x8d: {  	s0 =	sand.u32 $0x7F0, s18;
	v7 =	vld [tilespmem:s31+$0xFFFFFFC0]  }
0x8e: {  	v3 =	vld [tilespmem:s0+$0x3100]  }
0x8f: {  	v11 =	vld [tilespmem:s31+$0xFFFFFFE0]  }
0x90: {  	v2 =	vld [tilespmem:s31+$0xFFFFFFF0]  }
0x91: {  	v4 =	vld [tilespmem:s31+$0x20]  }
0x92: {  	v5 =	vld [tilespmem:s31+$0xFFFFFFD0]  }
0x93: {  	v10 =	vmul.f32 v6, v3;
	v6 =	vld [tilespmem:s31+$0x0]  }
0x94: {  	v8 =	vmul.f32 v7, v3  }
0x95: {  	s18 =	simm.s32 $0x7940;
	s0 =	simm.s32 $0x10;
	v7 =	vmul.f32 v11, v3;
	v9 =	vmul.f32 v9, v3  }
.LBB2_7:
0x96: {  	p1 =	sne.s32 s0, $0x7F0  }
0x97: {  	v5 =	vmul.f32 v5, v3;
	v4 =	vmul.f32 v4, v3;
	[tilespmem:s31+$0x30] =	vst v10;
	s18 =	sadd.s32 $0x80, s18;
	s1 =	smov.u32 s0;
	s0 =	sadd.s32 $0x10, s0  }
0x98: {  	[tilespmem:s31+$0xFFFFFFC0] =	vst v8;
	v8 =	vmul.f32 v2, v3;
	v3 =	vmul.f32 v6, v3  }
0x99: {  	[tilespmem:s31+$0x10] =	vst v9  }
0x9a: {  	v2 =	vld [tilespmem:s18+$0xFFFFFFF0];
	[tilespmem:s31+$0xFFFFFFE0] =	vst v7  }
0x9b: {  	v7 =	vld [tilespmem:s18+$0x30];
	[tilespmem:s31+$0xFFFFFFF0] =	vst v8  }
0x9c: {  	v9 =	vld [tilespmem:s18+$0x10];
	[tilespmem:s31+$0x0] =	vst v3  }
0x9d: {  	v8 =	vld [tilespmem:s18+$0xFFFFFFC0];
	[tilespmem:s31+$0x20] =	vst v4  }
0x9e: {  	s1 =	sand.u32 $0x7F0, s1;
	v11 =	vld [tilespmem:s18+$0xFFFFFFE0];
	[tilespmem:s31+$0xFFFFFFD0] =	vst v5;
	s31 =	smov.u32 s18  }
0x9f: {  	v3 =	vld [tilespmem:s1+$0x3100]  }
0xa0: {  	v4 =	vld [tilespmem:s18+$0x20]  }
.Ltmp2:
0xa1: {  	v5 =	vld [tilespmem:s18+$0xFFFFFFD0];
	(pc) =	sbr.rel @p1 .LBB2_7-.Ltmp2, $3  }
0xa2: {  	v6 =	vld [tilespmem:s18+$0x0];
	_ =	sdelay $0x1  }
0xa3: {  	v8 =	vmul.f32 v8, v3;
	v10 =	vmul.f32 v7, v3  }
0xa4: {  	v7 =	vmul.f32 v11, v3;
	v9 =	vmul.f32 v9, v3  }
0xa5: {  	[tilespmem:s31+$0x30] =	vst v10  }
0xa6: {  	[tilespmem:s31+$0xFFFFFFC0] =	vst v8  }
0xa7: {  	v2 =	vmul.f32 v2, v3;
	[tilespmem:s31+$0x10] =	vst v9  }
0xa8: {  	v4 =	vmul.f32 v4, v3;
	[tilespmem:s31+$0xFFFFFFE0] =	vst v7  }
0xa9: {  	v6 =	vmul.f32 v6, v3;
	[tilespmem:s31+$0xFFFFFFF0] =	vst v2  }
0xaa: {  	v2 =	vmul.f32 v5, v3;
	[tilespmem:s31+$0x20] =	vst v4  }
0xab: {  	[tilespmem:s31+$0x0] =	vst v6  }
0xac: {  	s0 =	sadd.s32 $0x180, s30;
	s29 =	sadd.s32 $0x1, s29;
	[tilespmem:s31+$0xFFFFFFD0] =	vst v2  }
0xad: {  	[spmem:s3] =	stream.indirect.scatter.add.f32 [tilespmem:s21], [sflag:$0x4], $0x80, s0, s20, $0xb8;
	[tilespmem:$0x1F500] =	vst v63  }
0xae: {  	p1 =	sne.s32 s29, $0x28;
	_ =	swait.ge [sflag:s24], $0x4000  }
.Ltmp3:
0xaf: {  	[sflag:s24] =	ssyncset.done $0x0;
	(pc) =	sbr.rel @p1 .LBB2_4-.Ltmp3, $4  }
0xb0: {  	[sflag:s24] =	ssyncadd.s32 $0xFFFFC000  }
0xb1: {  	_ =	swait.ge [sflag:s26], $0x4000  }
0xb2: {  	[sflag:s26] =	ssyncset.done $0x0  }
0xb3: {  	[sflag:s26] =	ssyncadd.s32 $0xFFFFC000  }
0xb4: {  	s0 =	stileid.u32  }
0xb5: {  	s4 =	sadd.s32 $0x1, s4;
	s0 =	sshll.u32 @!p0 s0, $0x6  }
0xb6: {  	[bflag:$0x0] =	sbarrier.arrive $0xFFFF;
	p1 =	sne.s32 s4, s15;
	s0 =	sor.u32 @!p0 $0x1C05, s0  }
0xb7: {  	[hbm:s14], [sflag:s0] =	dma.local @!p0 [spmem:s25], $0x3E80  }
.Ltmp4:
0xb8: {  	_ = 	snop;
	(pc) =	sbr.rel @p1 .LBB2_1-.Ltmp4, $4  }
0xb9: {  	s0 =	simm.s32 @!p0 $0x5  }
0xba: {  	_ =	swait.ge @!p0 [sflag:s0], $0x3E80  }
0xbb: {  	[sflag:s0] =	ssyncset.done @!p0 $0x0  }
0xbc: {  	[sflag:s0] =	ssyncadd.s32 @!p0 $0xFFFFC180  }
0xbd: {  	_ =	sfence.sel $0x180000  }
0xbe: {  	[bflag:$0x0] =	sbarrier.arrive $0xFFFF  }
0xbf: {  	_ =	strace $0x90000050  }
0xc0: {  	s0 =	stileid.u32;
	[bflag:$0x2] =	sbarrier.arrive $0xFFFF  }
0xc1: {  	p0 =	sne.s32 s0, $0x0;
	s0 =	rddreg [dreg:$0x3]  }
0xc2: {  	s0 =	sadd.s32 @!p0 $0x100000, s0  }
0xc3: {  	[sflag:s0] =	ssyncadd.tile.s32 @!p0 $0x1;
	_ =	shalt  }
.Lfunc_end2:
_tile_overlayer_lowered:
.L_overlay_start_2:
0xc4: {  	(tag) =	ssettag $0x2  }
0xc5: {  	s0 =	rddreg [dreg:$0x0];
	s2 =	stileid.u32  }
0xc6: {  	s1 =	rddreg [dreg:$0x1];
	p0 =	sne.s32 s2, $0x0  }
0xc7: {  	s3 =	rddreg [dreg:$0x2];
	[bflag:$0x3] =	sbarrier.arrive $0xFFFF;
	s2 =	simm.s32 @!p0 $0x1C05  }
0xc8: {  	[timem:s3], [sflag:s2] =	dma.local @!p0 [hbm:s0], s1  }
0xc9: {  	s0 =	simm.s32 @!p0 $0x5  }
0xca: {  	_ =	swait.ge @!p0 [sflag:s0], s1  }
0xcb: {  	s1 =	ssub.s32 @!p0 $0x0, s1;
	[sflag:s0] =	ssyncset.done @!p0 $0x0  }
0xcc: {  	[sflag:s0] =	ssyncadd.s32 @!p0 s1  }
0xcd: {  	[bflag:$0x3] =	sbarrier.arrive $0xFFFF  }
0xce: {  	_ =	shalt  }

// kernel: kernel.25.cloned.1.call-start
scs
__scs_entry_jumppad:
0x0: {  	(pc) =	sbr.rel $0x88, $3  }
0x1: {  	(tag) =	ssettag $0x0;
	lr =	simm.s32 $0x1  }
0x2: {  	[smem:$0x3F80] =	sst lr;
	_ =	strace $0xD0000000  }
0x3: {  	_ = 	snop  }
0x4: {  	_ = 	snop  }
0x5: {  	_ = 	snop  }
0x6: {  	_ = 	snop  }
0x7: {  	_ = 	snop  }
__scs_overlays_trampoline_lowered:
0x8: {  	[smem:$0x3F8F] =	sst s0  }
0x9: {  	[smem:$0x3F90] =	sst s1  }
0xa: {  	[smem:$0x3F91] =	sst s2  }
0xb: {  	[smem:$0x3F92] =	sst s3  }
0xc: {  	[smem:$0x3F93] =	sst s4  }
0xd: {  	[smem:$0x3F94] =	sst s5  }
0xe: {  	[smem:$0x3F95] =	sst s6  }
0xf: {  	[smem:$0x3F96] =	sst s7  }
0x10: {  	[smem:$0x3F97] =	sst s8  }
0x11: {  	[smem:$0x3F98] =	sst s9;
	s0 =	simm.s32 @!p0 $0x0  }
0x12: {  	s1 =	sld [smem:$0x3F7E];
	s0 =	simm.s32 @p0 $0x1  }
0x13: {  	[smem:$0x3F99] =	sst s0;
	s0 =	simm.s32 @!p1 $0x0  }
0x14: {  	s2 =	sld [smem:$0x3F7D];
	s0 =	simm.s32 @p1 $0x1  }
0x15: {  	[smem:$0x3F9A] =	sst s0;
	s0 =	simm.s32 @!p2 $0x0  }
0x16: {  	s3 =	sld [smem:$0x3FDB];
	s0 =	simm.s32 @p2 $0x1  }
0x17: {  	s4 =	simm.s32 $0x1BF5;
	[smem:$0x3F9C] =	sst s0  }
0x18: {  	s0 =	sld [smem:$0x3F7F];
	_ =	swait.ge [sflag:s4], $0x0  }
0x19: {  	s7 =	sld [smem:$0x3F80]  }
0x1a: {  	s8 =	sadd.s32 $0xFFFFE003, lr  }
0x1b: {  	s9 =	sadd.s32 $0xFFFFFEF7, lr;
	s5 =	simm.s32 $0xFFFFFFFF;
	p2 =	slt.u32 s8, $0xFFFFF086  }
0x1c: {  	p1 =	slt.u32 s9, $0xF7A;
	s5 =	simm.s32 @!p2 $0x0  }
0x1d: {  	s5 =	simm.s32 @p1 $0x1;
	p0 =	seq.s32 s7, s2  }
0x1e: {  	s7 =	smul.u32 @!p0 $0xF7A, s2;
	p2 =	seq.s32 @!p0 s5, $0x0  }
0x1f: {  	s9 =	smul.u32 $0xF7A, s1;
	s8 =	simm.s32 @!p0 $0x1BF5;
	p2 =	por !p2, p0  }
0x20: {  	[sflag:s8] =	ssyncset.s32 @!p0 $0xFFFFF086;
	s6 =	sadd.s32 @!p0 s3, s7;
	s7 =	simm.s32 @!p0 $0x108  }
0x21: {  	s3 =	sadd.s32 s3, s9;
	s6 =	sadd.s32 @!p0 $0x88, s6;
	s7 =	simm.s32 @p2 $0x1082  }
0x22: {  	[simem:s7], [sflag:s8] =	dma.local @!p0 [hbm:s6], $0xF7A  }
0x23: {  	s9 =	sor.u32 $0xD0000000, s2;
	s6 =	simm.s32 $0x108;
	_ =	swait.ge @!p0 [sflag:s8], $0x0  }
0x24: {  	s3 =	sadd.s32 $0x88, s3;
	s6 =	simm.s32 @!p1 $0x1082;
	[sflag:s4] =	ssyncset.s32 $0xFFFFF086  }
0x25: {  	[simem:s6], [sflag:s4] =	dma.local [hbm:s3], $0xF7A  }
0x26: {  	[smem:$0x3F80] =	sst s1;
	(tag) =	ssettag s2;
	_ =	strace s9  }
0x27: {  	s1 =	sld [smem:$0x3F90]  }
0x28: {  	s2 =	sld [smem:$0x3F91]  }
0x29: {  	s4 =	sld [smem:$0x3F93]  }
0x2a: {  	p0 =	seq.s32 s5, $0x0;
	s5 =	sld [smem:$0x3F94]  }
0x2b: {  	s6 =	sld [smem:$0x3F95]  }
0x2c: {  	s7 =	sld [smem:$0x3F96]  }
0x2d: {  	s3 =	simm.s32 $0x108;
	s8 =	sld [smem:$0x3F97]  }
0x2e: {  	s3 =	simm.s32 @!p0 $0x1082;
	s9 =	sld [smem:$0x3F98]  }
0x2f: {  	lr =	sadd.s32 s0, s3;
	s0 =	sld [smem:$0x3F8F]  }
0x30: {  	s3 =	sld [smem:$0x3F92]  }
0x31: {  	[smem:$0x3F9B] =	sst s10  }
0x32: {  	s10 =	sld [smem:$0x3F99];
	_ =	sdelay $0x3  }
0x33: {  	p0 =	seq.s32 s10, $0x1;
	s10 =	sld [smem:$0x3F9B];
	_ =	sdelay $0x3  }
0x34: {  	[smem:$0x3F9B] =	sst s10  }
0x35: {  	s10 =	sld [smem:$0x3F9A];
	_ =	sdelay $0x3  }
0x36: {  	p1 =	seq.s32 s10, $0x1;
	s10 =	sld [smem:$0x3F9B];
	_ =	sdelay $0x3  }
0x37: {  	[smem:$0x3F9B] =	sst s10  }
0x38: {  	s10 =	sld [smem:$0x3F9C]  }
0x39: {  	_ = 	snop;
	(pc) =	sbr.ind lr, $3  }
0x3a: {  	_ = 	snop  }
0x3b: {  	_ = 	snop  }
0x3c: {  	p2 =	seq.s32 s10, $0x1;
	s10 =	sld [smem:$0x3F9B]  }
0x3d: {  	_ =	shalt  }
0x3e: {  	_ =	shalt  }
0x3f: {  	_ =	shalt  }
0x40: {  	_ =	shalt  }
0x41: {  	_ =	shalt  }
0x42: {  	_ =	shalt  }
0x43: {  	_ =	shalt  }
0x44: {  	_ =	shalt  }
0x45: {  	_ =	shalt  }
0x46: {  	_ =	shalt  }
0x47: {  	_ =	shalt  }
0x48: {  	_ =	shalt  }
0x49: {  	_ =	shalt  }
0x4a: {  	_ =	shalt  }
0x4b: {  	_ =	shalt  }
0x4c: {  	_ =	shalt  }
0x4d: {  	_ =	shalt  }
0x4e: {  	_ =	shalt  }
0x4f: {  	_ =	shalt  }
0x50: {  	_ =	shalt  }
0x51: {  	_ =	shalt  }
0x52: {  	_ =	shalt  }
0x53: {  	_ =	shalt  }
0x54: {  	_ =	shalt  }
0x55: {  	_ =	shalt  }
0x56: {  	_ =	shalt  }
0x57: {  	_ =	shalt  }
0x58: {  	_ =	shalt  }
0x59: {  	_ =	shalt  }
0x5a: {  	_ =	shalt  }
0x5b: {  	_ =	shalt  }
0x5c: {  	_ =	shalt  }
0x5d: {  	_ =	shalt  }
0x5e: {  	_ =	shalt  }
0x5f: {  	_ =	shalt  }
0x60: {  	_ =	shalt  }
0x61: {  	_ =	shalt  }
0x62: {  	_ =	shalt  }
0x63: {  	_ =	shalt  }
0x64: {  	_ =	shalt  }
0x65: {  	_ =	shalt  }
0x66: {  	_ =	shalt  }
0x67: {  	_ =	shalt  }
0x68: {  	_ =	shalt  }
0x69: {  	_ =	shalt  }
0x6a: {  	_ =	shalt  }
0x6b: {  	_ =	shalt  }
0x6c: {  	_ =	shalt  }
0x6d: {  	_ =	shalt  }
0x6e: {  	_ =	shalt  }
0x6f: {  	_ =	shalt  }
0x70: {  	_ =	shalt  }
0x71: {  	_ =	shalt  }
0x72: {  	_ =	shalt  }
0x73: {  	_ =	shalt  }
0x74: {  	_ =	shalt  }
0x75: {  	_ =	shalt  }
0x76: {  	_ =	shalt  }
0x77: {  	_ =	shalt  }
0x78: {  	_ =	shalt  }
0x79: {  	_ =	shalt  }
0x7a: {  	_ =	shalt  }
0x7b: {  	_ =	shalt  }
0x7c: {  	_ =	shalt  }
0x7d: {  	_ =	shalt  }
0x7e: {  	_ =	shalt  }
0x7f: {  	_ =	shalt  }
0x80: {  	_ =	shalt  }
0x81: {  	_ =	shalt  }
0x82: {  	_ =	shalt  }
0x83: {  	_ =	shalt  }
0x84: {  	_ =	shalt  }
0x85: {  	_ =	shalt  }
0x86: {  	_ =	shalt  }
0x87: {  	_ =	shalt  }
.Lfunc_end0:
.L_simem_size_0:
called_computation.4_lowered:
.L_overlay_start_0:
0x88: {  	s2 =	sld [smem:$0x3FD9]  }
0x89: {  	s3 =	sld [smem:$0x3FFE];
	_ =	sdelay $0x1  }
0x8a: {  	s1 =	srdreg.scid  }
0x8b: {  	s0 =	sand.u32 $0x1, s1  }
0x8c: {  	s16 =	sshll.u32 s0, $0xA;
	s2 =	sadd.s32 s3, s2  }
0x8d: {  	s2 =	sadd.s32 s2, s16  }
0x8e: {  	[smem:$0x3FA7] =	sst s2  }
0x8f: {  	_ = 	snop  }
0x90: {  	(tm) =	ssettm $0x1  }
0x91: {  	s17 =	sld [smem:$0x3FFB];
	_ =	sdelay $0x3  }
0x92: {  	_ =	strace s17  }
0x93: {  	s2 =	sld [smem:$0x3FFC];
	_ =	sdelay $0x3  }
0x94: {  	_ =	strace s2  }
0x95: {  	s2 =	sld [smem:$0x3FFD];
	_ =	sdelay $0x3  }
0x96: {  	_ =	strace s2  }
0x97: {  	_ =	strace $0x8FFFFFFF  }
0x98: {  	s18 =	sld [smem:$0x3FDB];
	_ =	sdelay $0x1  }
0x99: {  	s19 =	simm.s32 $_scs_section_size  }
0x9a: {  	s4 =	simm.s32 $_size__tile_overlayer_lowered;
	s5 =	simm.s32 $_tile_overlayer_lowered  }
0x9b: {  	s22 =	simm.s32 $0x1BFF;
	s21 =	sshll.u32 s5, $0x1;
	s2 =	sadd.s32 s19, s18  }
0x9c: {  	s6 =	simm.s32 $0x0;
	s20 =	sshll.u32 s4, $0x1;
	s4 =	sadd.s32 s21, s2  }
0x9d: {  	[timem:s6], [sflag:s22] =	dma.local [hbm:s4], s20  }
0x9e: {  	_ =	swait.ge [sflag:s22], s20  }
0x9f: {  	s3 =	ssub.s32 $0x0, s20;
	[sflag:s22] =	ssyncset.done $0x0  }
0xa0: {  	[sflag:s22] =	ssyncadd.s32 s3;
	_ =	sdelay $0x1  }
0xa1: {  	s23 =	simm.s32 $0x1B8B  }
0xa2: {  	_ =	swait.ge [sflag:s23], $0x1  }
0xa3: {  	[sflag:s23] =	ssyncset.done $0x0  }
0xa4: {  	s25 =	simm.s32 $0x1B8E;
	s24 =	sld [smem:$0x3FFE];
	[sflag:s23] =	ssyncadd.s32 $0xFFFFFFFF  }
0xa5: {  	s26 =	simm.s32 $execute0_lowered;
	[smem:$0x3FD2] =	sst s25  }
0xa6: {  	s4 =	sshll.u32 s26, $0x1;
	_ =	strace $0x80000052;
	[dreg:$0x1] =	wrdreg $0xFFFFFFFF  }
0xa7: {  	s28 =	simm.s32 $_size_execute0_lowered;
	s2 =	sadd.s32 s2, s4;
	[dreg:$0x0] =	wrdreg $0x0  }
0xa8: {  	s4 =	sshll.u32 s28, $0x1;
	[dreg:$0x2] =	wrdreg s2  }
0xa9: {  	[dreg:$0x3] =	wrdreg s4  }
0xaa: {  	[dreg:$0x4] =	wrdreg $0xC0  }
0xab: {  	_ =	task [dreg:s6], $0x5FFFF  }
0xac: {  	[dreg:$0x1] =	wrdreg $0xFFFFFFFF  }
0xad: {  	[dreg:$0x0] =	wrdreg $0x60  }
0xae: {  	[dreg:$0x2] =	wrdreg s24  }
0xaf: {  	[dreg:$0x3] =	wrdreg $0x9  }
0xb0: {  	_ =	task.clear_ibuf [dreg:s6], $0x4FFFF;
	_ =	strace $0x90000052  }
0xb1: {  	s29 =	simm.s32 $0x9;
	_ =	strace $0x80000054  }
0xb2: {  	_ =	swait.ge [sflag:s29], $0x1  }
0xb3: {  	[sflag:s29] =	ssyncadd.s32 $0xFFFFFFFF  }
0xb4: {  	_ =	strace $0x90000054  }
0xb5: {  	_ =	sfence  }
0xb6: {  	s30 =	sld [smem:$0x0];
	_ =	sdelay $0x2  }
0xb7: {  	s31 =	sshll.u32 s1, $0xD;
	s1 =	sshrl.u32 s1, $0x2  }
0xb8: {  	s3 =	sand.u32 $0x4000, s31;
	s1 =	sadd.s32 s1, s30  }
0xb9: {  	s0 =	sor.u32 s3, s0;
	s1 =	sshll.u32 s1, $0x11  }
0xba: {  	s0 =	sor.u32 s1, s0  }
0xbb: {  	s0 =	sadd.s32 $0x8F2B, s0  }
0xbc: {  	[sflag:s0] =	ssyncadd.remote.s32 $0x1  }
0xbd: {  	_ =	sfence.sel $0xFFFF  }
0xbe: {  	[dreg:$0x0] =	wrdreg $0xFFFFFFFF;
	(pc) =	sbr.abs _section_cstart, $3  }
0xbf: {  	[dreg:$0x1] =	wrdreg $0xFFFFFFFF  }
0xc0: {  	_ =	task.clear_ibuf [dreg:s6], $0x2FFFF;
	_ =	strace $0x9FFFFFFF  }
0xc1: {  	(tm) =	ssettm $0x7FFFFFFF  }
tec
execute0_lowered:
.L_overlay_start_1:
0x0: {  	(tag) =	ssettag $0x1  }
0x1: {  	s7 =	rddreg [dreg:$0x0]  }
0x2: {  	s0 =	rddreg [dreg:$0x1]  }
0x3: {  	s2 =	simm.s32 $0x0;
	s1 =	stileid.u32;
	s6 =	srdreg.scid  }
0x4: {  	s13 =	simm.s32 $0x2800;
	s14 =	simm.s32 $0x80;
	s15 =	simm.s32 $0x5000  }
0x5: {  	s16 =	simm.s32 $0xD000;
	s17 =	simm.s32 $0x9000;
	s18 =	simm.s32 $0x11000  }
0x6: {  	s19 =	simm.s32 $0x1;
	s20 =	simm.s32 $0x3;
	s21 =	simm.s32 $0x2  }
0x7: {  	s22 =	simm.s32 $0x4;
	s24 =	simm.s32 $0x6;
	s25 =	simm.s32 $0x0  }
0x8: {  	[smem:$0x7FF] =	sst s2;
	s3 =	smul.u32 $0x2800, s1;
	s4 =	sadd.s32 $0x7400, s7  }
0x9: {  	s5 =	sadd.s32 $0x55600, s7;
	s8 =	sand.u32 $0x1, s6;
	s12 =	smul.u32 $0x140000, s1  }
0xa: {  	_ =	strace $0x80000053;
	s10 =	ssub.s32 $0x2, s8;
	s6 =	smul.u32 $0x1400000, s8  }
0xb: {  	s23 =	smul.u32 $0x2710, s8;
	s9 =	sshrl.u32 s3, $0x3;
	s11 =	sshrl.u32 s10, $0x1  }
0xc: {  	s9 =	sadd.s32 s9, s7;
	s7 =	sadd.s32 $0xB2A00, s7;
	s11 =	ssub.s32 s10, s11  }
0xd: {  	s10 =	sadd.s32 s12, s6;
	s12 =	simm.s32 $0x7;
	v0 =	vmov s23;
	s23 =	simm.s32 $0x5  }
0xe: {  	s8 =	sadd.s32 $0xADA00, s9;
	s9 =	sadd.s32 $0xA8A00, s9;
	s11 =	smax.u32 s11, $0x1  }
.LBB2_1:
0xf: {  	[tilespmem:s2], [sflag:$0x7] =	stream.linear.gather [hbm4b:s8+s2], $0x2800, $0x38;
	[tilespmem:$0x15000] =	vst v63  }
0x10: {  	_ =	swait.ge [sflag:s12], $0x2800  }
0x11: {  	[sflag:s12] =	ssyncset.done $0x0  }
0x12: {  	[sflag:s12] =	ssyncadd.s32 $0xFFFFD800  }
0x13: {  	[tilespmem:s13], [sflag:$0x7] =	stream.linear.gather [hbm4b:s9+s2], $0x2800, $0x38;
	[tilespmem:$0x15000] =	vst v63  }
0x14: {  	_ =	swait.ge [sflag:s12], $0x2800  }
0x15: {  	[sflag:s12] =	ssyncset.done $0x0  }
0x16: {  	s26 =	simm.s32 $0x0;
	[sflag:s12] =	ssyncadd.s32 $0xFFFFD800  }
0x17: {  	v1 =	vld [tilespmem:s26+$0x0]  }
0x18: {  	v2 =	vld [tilespmem:s26+$0x2800]  }
0x19: {  	v3 =	vld [tilespmem:s26+$0x10]  }
0x1a: {  	v4 =	vld [tilespmem:s26+$0x2810]  }
0x1b: {  	v5 =	vld [tilespmem:s26+$0x20]  }
0x1c: {  	v6 =	vld [tilespmem:s26+$0x2820];
	v1 =	vadd.s32 v0, v1  }
0x1d: {  	v7 =	vld [tilespmem:s26+$0x30];
	[tilespmem:s26+$0x0] =	vst v1;
	v1 =	vadd.s32 v0, v2  }
0x1e: {  	[tilespmem:s26+$0x2800] =	vst v1;
	v1 =	vadd.s32 v0, v3;
	v3 =	vld [tilespmem:s26+$0x2830]  }
0x1f: {  	[tilespmem:s26+$0x10] =	vst v1;
	v1 =	vadd.s32 v0, v4;
	v4 =	vld [tilespmem:s26+$0x40]  }
0x20: {  	[tilespmem:s26+$0x2810] =	vst v1;
	v1 =	vadd.s32 v0, v5;
	v5 =	vld [tilespmem:s26+$0x2840]  }
0x21: {  	v2 =	vld [tilespmem:s26+$0x50];
	[tilespmem:s26+$0x20] =	vst v1;
	v1 =	vadd.s32 v0, v6  }
0x22: {  	v6 =	vadd.s32 v0, v7;
	[tilespmem:s26+$0x2820] =	vst v1;
	v1 =	vld [tilespmem:s26+$0x2850]  }
0x23: {  	[tilespmem:s26+$0x30] =	vst v6;
	v6 =	vadd.s32 v0, v3;
	v3 =	vld [tilespmem:s26+$0x60]  }
0x24: {  	[tilespmem:s26+$0x2830] =	vst v6;
	v6 =	vadd.s32 v0, v4;
	v4 =	vld [tilespmem:s26+$0x2860]  }
0x25: {  	s28 =	simm.s32 $0x200;
	[tilespmem:s26+$0x40] =	vst v6;
	v6 =	vadd.s32 v0, v5;
	v5 =	vld [tilespmem:s26+$0x70]  }
.LBB2_2:
0x26: {  	s29 =	sshra.s32 s28, $0x2;
	p0 =	sne.s32 s28, $0x9E00;
	[tilespmem:s26+$0x2840] =	vst v6;
	v2 =	vadd.s32 v0, v2;
	v6 =	vld [tilespmem:s26+$0x2870]  }
0x27: {  	v7 =	vld [tilespmem:s29+$0x0];
	[tilespmem:s26+$0x50] =	vst v2;
	v1 =	vadd.s32 v0, v1  }
0x28: {  	v2 =	vld [tilespmem:s29+$0x2800];
	[tilespmem:s26+$0x2850] =	vst v1;
	v1 =	vadd.s32 v0, v3  }
0x29: {  	v3 =	vld [tilespmem:s29+$0x10];
	[tilespmem:s26+$0x60] =	vst v1;
	v1 =	vadd.s32 v0, v4  }
0x2a: {  	v4 =	vld [tilespmem:s29+$0x2810];
	[tilespmem:s26+$0x2860] =	vst v1;
	v1 =	vadd.s32 v0, v5  }
0x2b: {  	v5 =	vld [tilespmem:s29+$0x20];
	[tilespmem:s26+$0x70] =	vst v1;
	v1 =	vadd.s32 v0, v6  }
0x2c: {  	v6 =	vadd.s32 v0, v7;
	v7 =	vld [tilespmem:s29+$0x2820];
	[tilespmem:s26+$0x2870] =	vst v1;
	s26 =	smov.u32 s29  }
0x2d: {  	[tilespmem:s26+$0x0] =	vst v6;
	v1 =	vadd.s32 v0, v2;
	v6 =	vld [tilespmem:s26+$0x30]  }
0x2e: {  	[tilespmem:s26+$0x2800] =	vst v1;
	v1 =	vadd.s32 v0, v3;
	v3 =	vld [tilespmem:s26+$0x2830]  }
0x2f: {  	[tilespmem:s26+$0x10] =	vst v1;
	v1 =	vadd.s32 v0, v4;
	v4 =	vld [tilespmem:s26+$0x40]  }
0x30: {  	[tilespmem:s26+$0x2810] =	vst v1;
	v1 =	vadd.s32 v0, v5;
	v5 =	vld [tilespmem:s26+$0x2840]  }
.Ltmp0:
0x31: {  	[tilespmem:s26+$0x20] =	vst v1;
	v1 =	vadd.s32 v0, v7;
	v2 =	vld [tilespmem:s26+$0x50];
	(pc) =	sbr.rel @p0 .LBB2_2-.Ltmp0, $4  }
0x32: {  	[tilespmem:s26+$0x2820] =	vst v1;
	v6 =	vadd.s32 v0, v6;
	v1 =	vld [tilespmem:s26+$0x2850]  }
0x33: {  	[tilespmem:s26+$0x30] =	vst v6;
	v6 =	vadd.s32 v0, v3;
	v3 =	vld [tilespmem:s26+$0x60]  }
0x34: {  	[tilespmem:s26+$0x2830] =	vst v6;
	v6 =	vadd.s32 v0, v4;
	v4 =	vld [tilespmem:s26+$0x2860]  }
0x35: {  	s28 =	sadd.s32 $0x200, s28;
	[tilespmem:s26+$0x40] =	vst v6;
	v6 =	vadd.s32 v0, v5;
	v5 =	vld [tilespmem:s26+$0x70]  }
0x36: {  	[tilespmem:s26+$0x2840] =	vst v6;
	v2 =	vadd.s32 v0, v2;
	v63 =	vld [tilespmem:s26+$0x2870]  }
0x37: {  	[tilespmem:s26+$0x50] =	vst v2;
	v1 =	vadd.s32 v0, v1  }
0x38: {  	[tilespmem:s26+$0x2850] =	vst v1;
	v1 =	vadd.s32 v0, v3  }
0x39: {  	[tilespmem:s26+$0x60] =	vst v1;
	v1 =	vadd.s32 v0, v4  }
0x3a: {  	[tilespmem:s26+$0x2860] =	vst v1;
	v1 =	vadd.s32 v0, v5  }
0x3b: {  	[tilespmem:s26+$0x70] =	vst v1;
	v1 =	vadd.s32 v0, v63  }
0x3c: {  	[tilespmem:s26+$0x2870] =	vst v1;
	s26 =	simm.s32 $0x0  }
.LBB2_4:
0x3d: {  	s29 =	sshll.u32 s26, $0x8  }
0x3e: {  	[tilespmem:s15], [sflag:$0x1] =	stream.indirect.gather [hbm4b:s4+s14], $0x80, s29, s14, $0xb8;
	[tilespmem:$0x15000] =	vst v63  }
0x3f: {  	s28 =	sadd.s32 $0x2800, s29  }
0x40: {  	[tilespmem:s16], [sflag:$0x3] =	stream.indirect.gather [hbm4b:s5+s14], $0x80, s28, s14, $0xb8;
	[tilespmem:$0x15000] =	vst v63  }
0x41: {  	s28 =	sor.u32 $0x80, s29  }
0x42: {  	[tilespmem:s17], [sflag:$0x2] =	stream.indirect.gather [hbm4b:s4+s14], $0x80, s28, s14, $0xb8;
	[tilespmem:$0x15000] =	vst v63  }
0x43: {  	s29 =	sadd.s32 $0x2880, s29  }
0x44: {  	[tilespmem:s18], [sflag:$0x4] =	stream.indirect.gather [hbm4b:s5+s14], $0x80, s29, s14, $0xb8;
	[tilespmem:$0x15000] =	vst v63  }
0x45: {  	_ =	swait.ge [sflag:s19], $0x4000  }
0x46: {  	[sflag:s19] =	ssyncset.done $0x0  }
0x47: {  	[sflag:s19] =	ssyncadd.s32 $0xFFFFC000  }
0x48: {  	_ =	swait.ge [sflag:s20], $0x4000  }
0x49: {  	[sflag:s20] =	ssyncset.done $0x0  }
0x4a: {  	s29 =	simm.s32 $0x0;
	[sflag:s20] =	ssyncadd.s32 $0xFFFFC000  }
0x4b: {  	v8 =	vld [tilespmem:s29+$0xD000]  }
0x4c: {  	v12 =	vld [tilespmem:s29+$0xD010]  }
0x4d: {  	v6 =	vld [tilespmem:s29+$0xD020]  }
0x4e: {  	v5 =	vld [tilespmem:s29+$0xD030]  }
0x4f: {  	v4 =	vld [tilespmem:s29+$0xD040]  }
0x50: {  	v3 =	vld [tilespmem:s29+$0xD050]  }
0x51: {  	v2 =	vld [tilespmem:s29+$0xD060]  }
0x52: {  	v1 =	vld [tilespmem:s29+$0xD070]  }
0x53: {  	v13 =	vld [tilespmem:s29+$0x5000]  }
0x54: {  	v14 =	vld [tilespmem:s29+$0x5010]  }
0x55: {  	v11 =	vld [tilespmem:s29+$0x5020]  }
0x56: {  	v10 =	vld [tilespmem:s29+$0x5030]  }
0x57: {  	v9 =	vld [tilespmem:s29+$0x5040]  }
0x58: {  	v7 =	vld [tilespmem:s29+$0x5050];
	v13 =	vadd.f32 v8, v13  }
0x59: {  	s30 =	simm.s32 $0x200;
	v12 =	vadd.f32 v12, v14;
	v8 =	vld [tilespmem:s29+$0x5060]  }
.LBB2_5:
0x5a: {  	s31 =	sshra.s32 s30, $0x2;
	p0 =	sne.s32 s30, $0xFE00;
	[tilespmem:s29+$0x5000] =	vst v13;
	v6 =	vadd.f32 v6, v11;
	v11 =	vld [tilespmem:s29+$0x5070]  }
0x5b: {  	v13 =	vld [tilespmem:s31+$0xD000];
	[tilespmem:s29+$0x5010] =	vst v12;
	v5 =	vadd.f32 v5, v10  }
0x5c: {  	v12 =	vld [tilespmem:s31+$0xD010];
	[tilespmem:s29+$0x5020] =	vst v6;
	v4 =	vadd.f32 v4, v9  }
0x5d: {  	v6 =	vld [tilespmem:s31+$0xD020];
	[tilespmem:s29+$0x5030] =	vst v5;
	v3 =	vadd.f32 v3, v7  }
0x5e: {  	v5 =	vld [tilespmem:s31+$0xD030];
	[tilespmem:s29+$0x5040] =	vst v4;
	v2 =	vadd.f32 v2, v8  }
0x5f: {  	v4 =	vld [tilespmem:s31+$0xD040];
	[tilespmem:s29+$0x5050] =	vst v3;
	v1 =	vadd.f32 v1, v11  }
0x60: {  	v3 =	vld [tilespmem:s31+$0xD050];
	[tilespmem:s29+$0x5060] =	vst v2  }
0x61: {  	v2 =	vld [tilespmem:s31+$0xD060];
	[tilespmem:s29+$0x5070] =	vst v1;
	s29 =	smov.u32 s31  }
0x62: {  	v1 =	vld [tilespmem:s29+$0xD070]  }
0x63: {  	v7 =	vld [tilespmem:s29+$0x5000]  }
0x64: {  	v8 =	vld [tilespmem:s29+$0x5010]  }
.Ltmp1:
0x65: {  	v11 =	vld [tilespmem:s29+$0x5020];
	(pc) =	sbr.rel @p0 .LBB2_5-.Ltmp1, $4  }
0x66: {  	v10 =	vld [tilespmem:s29+$0x5030]  }
0x67: {  	v9 =	vld [tilespmem:s29+$0x5040]  }
0x68: {  	v13 =	vadd.f32 v13, v7;
	v7 =	vld [tilespmem:s29+$0x5050]  }
0x69: {  	s30 =	sadd.s32 $0x200, s30;
	v12 =	vadd.f32 v12, v8;
	v8 =	vld [tilespmem:s29+$0x5060]  }
0x6a: {  	[tilespmem:s29+$0x5000] =	vst v13;
	v6 =	vadd.f32 v6, v11;
	v11 =	vld [tilespmem:s29+$0x5070]  }
0x6b: {  	[tilespmem:s29+$0x5010] =	vst v12;
	v5 =	vadd.f32 v5, v10  }
0x6c: {  	[tilespmem:s29+$0x5020] =	vst v6;
	v4 =	vadd.f32 v4, v9  }
0x6d: {  	[tilespmem:s29+$0x5030] =	vst v5;
	v3 =	vadd.f32 v3, v7  }
0x6e: {  	s30 =	sshll.u32 s26, $0xF;
	[tilespmem:s29+$0x5040] =	vst v4;
	v2 =	vadd.f32 v2, v8  }
0x6f: {  	s30 =	sadd.s32 s30, s10;
	[tilespmem:s29+$0x5050] =	vst v3;
	v1 =	vadd.f32 v1, v11  }
0x70: {  	s30 =	sshrl.u32 s30, $0x3;
	[tilespmem:s29+$0x5060] =	vst v2  }
0x71: {  	[tilespmem:s29+$0x5070] =	vst v1;
	s29 =	sadd.s32 s7, s30;
	s30 =	simm.s32 $0x0  }
0x72: {  	[hbm4b:s29+s30] =	stream.linear.scatter [tilespmem:s15], [sflag:$0x5], $0x4000, $0x38;
	[tilespmem:$0x15000] =	vst v63  }
0x73: {  	_ =	swait.ge [sflag:s21], $0x4000  }
0x74: {  	[sflag:s21] =	ssyncset.done $0x0  }
0x75: {  	[sflag:s21] =	ssyncadd.s32 $0xFFFFC000  }
0x76: {  	_ =	swait.ge [sflag:s22], $0x4000  }
0x77: {  	[sflag:s22] =	ssyncset.done $0x0  }
0x78: {  	s29 =	simm.s32 $0x0;
	[sflag:s22] =	ssyncadd.s32 $0xFFFFC000  }
0x79: {  	v7 =	vld [tilespmem:s29+$0x11000]  }
0x7a: {  	v12 =	vld [tilespmem:s29+$0x11010]  }
0x7b: {  	v6 =	vld [tilespmem:s29+$0x11020]  }
0x7c: {  	v5 =	vld [tilespmem:s29+$0x11030]  }
0x7d: {  	v4 =	vld [tilespmem:s29+$0x11040]  }
0x7e: {  	v3 =	vld [tilespmem:s29+$0x11050]  }
0x7f: {  	v2 =	vld [tilespmem:s29+$0x11060]  }
0x80: {  	v1 =	vld [tilespmem:s29+$0x11070]  }
0x81: {  	v13 =	vld [tilespmem:s29+$0x9000]  }
0x82: {  	v14 =	vld [tilespmem:s29+$0x9010]  }
0x83: {  	v11 =	vld [tilespmem:s29+$0x9020]  }
0x84: {  	v10 =	vld [tilespmem:s29+$0x9030]  }
0x85: {  	v9 =	vld [tilespmem:s29+$0x9040]  }
0x86: {  	v8 =	vld [tilespmem:s29+$0x9050];
	v13 =	vadd.f32 v7, v13  }
0x87: {  	s30 =	simm.s32 $0x200;
	v12 =	vadd.f32 v12, v14;
	v7 =	vld [tilespmem:s29+$0x9060]  }
.LBB2_7:
0x88: {  	s31 =	sshra.s32 s30, $0x2;
	p0 =	sne.s32 s30, $0xFE00;
	[tilespmem:s29+$0x9000] =	vst v13;
	v6 =	vadd.f32 v6, v11;
	v11 =	vld [tilespmem:s29+$0x9070]  }
0x89: {  	v13 =	vld [tilespmem:s31+$0x11000];
	[tilespmem:s29+$0x9010] =	vst v12;
	v5 =	vadd.f32 v5, v10  }
0x8a: {  	v12 =	vld [tilespmem:s31+$0x11010];
	[tilespmem:s29+$0x9020] =	vst v6;
	v4 =	vadd.f32 v4, v9  }
0x8b: {  	v6 =	vld [tilespmem:s31+$0x11020];
	[tilespmem:s29+$0x9030] =	vst v5;
	v3 =	vadd.f32 v3, v8  }
0x8c: {  	v5 =	vld [tilespmem:s31+$0x11030];
	[tilespmem:s29+$0x9040] =	vst v4;
	v2 =	vadd.f32 v2, v7  }
0x8d: {  	v4 =	vld [tilespmem:s31+$0x11040];
	[tilespmem:s29+$0x9050] =	vst v3;
	v1 =	vadd.f32 v1, v11  }
0x8e: {  	v3 =	vld [tilespmem:s31+$0x11050];
	[tilespmem:s29+$0x9060] =	vst v2  }
0x8f: {  	v2 =	vld [tilespmem:s31+$0x11060];
	[tilespmem:s29+$0x9070] =	vst v1;
	s29 =	smov.u32 s31  }
0x90: {  	v1 =	vld [tilespmem:s29+$0x11070]  }
0x91: {  	v7 =	vld [tilespmem:s29+$0x9000]  }
0x92: {  	v14 =	vld [tilespmem:s29+$0x9010]  }
.Ltmp2:
0x93: {  	v11 =	vld [tilespmem:s29+$0x9020];
	(pc) =	sbr.rel @p0 .LBB2_7-.Ltmp2, $4  }
0x94: {  	v10 =	vld [tilespmem:s29+$0x9030]  }
0x95: {  	v9 =	vld [tilespmem:s29+$0x9040]  }
0x96: {  	v13 =	vadd.f32 v13, v7;
	v8 =	vld [tilespmem:s29+$0x9050]  }
0x97: {  	s30 =	sadd.s32 $0x200, s30;
	v12 =	vadd.f32 v12, v14;
	v7 =	vld [tilespmem:s29+$0x9060]  }
0x98: {  	[tilespmem:s29+$0x9000] =	vst v13;
	v6 =	vadd.f32 v6, v11;
	v63 =	vld [tilespmem:s29+$0x9070]  }
0x99: {  	[tilespmem:s29+$0x9010] =	vst v12;
	v5 =	vadd.f32 v5, v10  }
0x9a: {  	[tilespmem:s29+$0x9020] =	vst v6;
	v4 =	vadd.f32 v4, v9  }
0x9b: {  	s28 =	sadd.s32 s3, s28;
	[tilespmem:s29+$0x9030] =	vst v5;
	v3 =	vadd.f32 v3, v8  }
0x9c: {  	s28 =	sshll.u32 s28, $0x7;
	[tilespmem:s29+$0x9040] =	vst v4;
	v2 =	vadd.f32 v2, v7  }
0x9d: {  	s28 =	sadd.s32 s6, s28;
	[tilespmem:s29+$0x9050] =	vst v3;
	v1 =	vadd.f32 v1, v63  }
0x9e: {  	s28 =	sshrl.u32 s28, $0x3;
	[tilespmem:s29+$0x9060] =	vst v2  }
0x9f: {  	s26 =	sadd.s32 $0x1, s26;
	s28 =	sadd.s32 s7, s28;
	[tilespmem:s29+$0x9070] =	vst v1  }
0xa0: {  	[hbm4b:s28+s2] =	stream.linear.scatter [tilespmem:s17], [sflag:$0x6], $0x4000, $0x38;
	[tilespmem:$0x15000] =	vst v63  }
0xa1: {  	p0 =	sne.s32 s26, $0x28;
	_ =	swait.ge [sflag:s23], $0x4000  }
.Ltmp3:
0xa2: {  	[sflag:s23] =	ssyncset.done $0x0;
	(pc) =	sbr.rel @p0 .LBB2_4-.Ltmp3, $4  }
0xa3: {  	[sflag:s23] =	ssyncadd.s32 $0xFFFFC000  }
0xa4: {  	_ =	swait.ge [sflag:s24], $0x4000  }
0xa5: {  	[sflag:s24] =	ssyncset.done $0x0  }
0xa6: {  	[sflag:s24] =	ssyncadd.s32 $0xFFFFC000  }
0xa7: {  	s25 =	sadd.s32 $0x1, s25  }
0xa8: {  	p0 =	sne.s32 s25, s11  }
.Ltmp4:
0xa9: {  	_ = 	snop;
	(pc) =	sbr.rel @p0 .LBB2_1-.Ltmp4, $1  }
0xaa: {  	_ =	sdelay $0x3  }
0xab: {  	_ =	sfence.sel $0x180000  }
0xac: {  	[bflag:$0x0] =	sbarrier.arrive $0xFFFF  }
0xad: {  	p0 =	sne.s32 s1, $0x0;
	_ =	strace $0x90000053  }
0xae: {  	s0 =	sadd.s32 @!p0 $0x100000, s0;
	[bflag:$0x2] =	sbarrier.arrive $0xFFFF  }
0xaf: {  	[sflag:s0] =	ssyncadd.tile.s32 @!p0 $0x1;
	_ =	shalt  }
.Lfunc_end2:
_tile_overlayer_lowered:
.L_overlay_start_2:
0xb0: {  	(tag) =	ssettag $0x2  }
0xb1: {  	s0 =	rddreg [dreg:$0x0];
	s2 =	stileid.u32  }
0xb2: {  	s1 =	rddreg [dreg:$0x1];
	p0 =	sne.s32 s2, $0x0  }
0xb3: {  	s3 =	rddreg [dreg:$0x2];
	[bflag:$0x3] =	sbarrier.arrive $0xFFFF;
	s2 =	simm.s32 @!p0 $0x1C07  }
0xb4: {  	[timem:s3], [sflag:s2] =	dma.local @!p0 [hbm:s0], s1  }
0xb5: {  	s0 =	simm.s32 @!p0 $0x7  }
0xb6: {  	_ =	swait.ge @!p0 [sflag:s0], s1  }
0xb7: {  	s1 =	ssub.s32 @!p0 $0x0, s1;
	[sflag:s0] =	ssyncset.done @!p0 $0x0  }
0xb8: {  	[sflag:s0] =	ssyncadd.s32 @!p0 s1  }
0xb9: {  	[bflag:$0x3] =	sbarrier.arrive $0xFFFF  }
0xba: {  	_ =	shalt  }

</sc_bundles>
